<compile_context>
chip_gen: v7x
topology: tpu7x:2x2x1
jax: 0.10.2.dev20260603
libtpu: 0.0.44.dev20260713+nightly
codegen_flags: <defaults>
</compile_context>

<pallas_src>
import functools

import jax
import jax.numpy as jnp
from jax import lax
from jax.experimental import pallas as pl
from jax.experimental.pallas import tpu as pltpu
from jax.experimental.pallas import tpu_sc as plsc

NUM_MAPS = 4
KMAX = 20
KMIN = 20
ALPHA = 0.7

L = 16
NC = 2
NS = 16
NW = NC * NS

B = 64
CH = 768
HW = 24
N = NUM_MAPS * HW * HW
ROWS = B * (CH // NUM_MAPS)
ROWS_PER_W = ROWS // NW

RPC = 4
CPC = RPC * NUM_MAPS
NCH = ROWS_PER_W // RPC
CH_PER_BATCH = NCH // 2

IL = RPC
NB = 4
CAP = N + L
SMERGE = 4

NEG = -3.0e38


def _sort_desc(v):
  k, _ = plsc.sort_key_val(v, v, descending=True)
  return k


def _merge_halves(a_desc, b_desc):
  b_asc = lax.rev(b_desc, (0,))
  return jnp.maximum(a_desc, b_asc), jnp.minimum(a_desc, b_asc)


def _merge32(b1, b2, s_desc):
  t_hi, _ = _merge_halves(b2, s_desc)
  t_hi = _sort_desc(t_hi)
  u, w = _merge_halves(b1, t_hi)
  return _sort_desc(u), _sort_desc(w)


def _sc_body(x_hbm, out_hbm, bufs, cand, obuf, sem0, sem1):
  wid = lax.axis_index("s") * NC + lax.axis_index("c")
  lane = lax.iota(jnp.int32, L)
  upper = lane >= 8

  ch_base = wid * (ROWS_PER_W * NUM_MAPS)

  def start_chunk(c, sel_static, sem):
    pltpu.async_copy(
        x_hbm.at[pl.ds(ch_base + c * CPC, CPC)], bufs.at[sel_static], sem)

  def wait_chunk(sel_static, sem):
    pltpu.make_async_copy(
        x_hbm.at[pl.ds(0, CPC)], bufs.at[sel_static], sem).wait()

  def loads(sel, ch, h):
    a = bufs[sel, ch, h, pl.ds(0, L)]
    b = bufs[sel, ch, h, pl.ds(8, L)]
    return a, b

  def fold_row(sel, ch0):
    def fold_body(i, carry):
      amax = list(carry[:NB])
      amin = list(carry[NB:])
      for k in range(NUM_MAPS):
        a, b = loads(sel, ch0 + k, i)
        bmax = jnp.where(upper, b, NEG)
        bmin = jnp.where(upper, b, -NEG)
        amax[2 * (k % 2)] = jnp.maximum(amax[2 * (k % 2)], a)
        amax[2 * (k % 2) + 1] = jnp.maximum(amax[2 * (k % 2) + 1], bmax)
        amin[2 * (k % 2)] = jnp.minimum(amin[2 * (k % 2)], a)
        amin[2 * (k % 2) + 1] = jnp.minimum(amin[2 * (k % 2) + 1], bmin)
      return tuple(amax) + tuple(amin)

    init = tuple([jnp.full((L,), NEG, jnp.float32)] * NB) + tuple(
        [jnp.full((L,), -NEG, jnp.float32)] * NB)
    accs = lax.fori_loop(0, HW, fold_body, init)
    return accs[:NB], accs[NB:]

  def nth20(vregs):
    s = [_sort_desc(v) for v in vregs]
    hi, lo = _merge_halves(s[0], s[1])
    b1, b2 = _sort_desc(hi), _sort_desc(lo)
    for k in range(2, NB):
      b1, b2 = _merge32(b1, b2, s[k])
    return jnp.max(jnp.where(lane == (KMAX - L - 1), b2, NEG))

  def process_chunk(sel, lane0):
    th_splat = []
    tl_splat = []
    for r in range(IL):
      amax, amin = fold_row(sel, NUM_MAPS * r)
      t_hi = nth20(amax)
      t_lo = -nth20([-v for v in amin])
      th_splat.append(jnp.full((L,), t_hi, jnp.float32))
      tl_splat.append(jnp.full((L,), t_lo, jnp.float32))

    def filt_body(i, carry):
      cnt = list(carry)
      for r in range(IL):
        for k in range(NUM_MAPS):
          a, b = loads(sel, NUM_MAPS * r + k, i)
          ma = (a >= th_splat[r]) | (a <= tl_splat[r])
          mb = ((b >= th_splat[r]) | (b <= tl_splat[r])) & upper
          plsc.store_compressed(
              cand.at[pl.ds(r * CAP + cnt[r], L)], a, mask=ma)
          c2 = cnt[r] + jnp.sum(ma.astype(jnp.int32))
          plsc.store_compressed(cand.at[pl.ds(r * CAP + c2, L)], b, mask=mb)
          cnt[r] = c2 + jnp.sum(mb.astype(jnp.int32))
      return tuple(cnt)

    cnts = lax.fori_loop(0, HW, filt_body, (jnp.int32(0),) * IL)

    def masked_cand(r, i, negate):
      v = cand[pl.ds(r * CAP + i * L, L)]
      if negate:
        v = -v
      return jnp.where(lane < cnts[r] - i * L, v, NEG)

    def static_merges(negate):
      b1 = [jnp.full((L,), NEG, jnp.float32) for _ in range(IL)]
      b2 = [jnp.full((L,), NEG, jnp.float32) for _ in range(IL)]
      for i in range(SMERGE):
        for r in range(IL):
          b1[r], b2[r] = _merge32(
              b1[r], b2[r], _sort_desc(masked_cand(r, i, negate)))
      return b1, b2

    def dyn_tail(b1, b2, r, negate):
      nv = lax.shift_right_logical(cnts[r] + (L - 1), 4)

      def mbody(i, carry):
        return _merge32(*carry, _sort_desc(masked_cand(r, i, negate)))

      return lax.fori_loop(SMERGE, nv, mbody, (b1, b2))

    def sum20(b1, b2):
      return jnp.sum(b1) + jnp.sum(
          jnp.where(lane < KMAX - L, b2, jnp.float32(0.0)))

    h1, h2 = static_merges(False)
    l1, l2 = static_merges(True)
    acc = jnp.zeros((L,), jnp.float32)
    for r in range(IL):
      hb1, hb2 = dyn_tail(h1[r], h2[r], r, False)
      lb1, lb2 = dyn_tail(l1[r], l2[r], r, True)
      s_top = sum20(hb1, hb2)
      s_bot = -sum20(lb1, lb2)
      res = (s_top * (1.0 / KMAX) + s_bot * (ALPHA / KMIN)) * jnp.float32(0.5)
      acc = jnp.where(lane == lane0 + r, res, acc)
    return acc

  start_chunk(0, 0, sem0)
  start_chunk(1, 1, sem1)

  def chunk_body(c, acc):
    sel = jnp.bitwise_and(c, 1)

    @pl.when(sel == 0)
    def _():
      wait_chunk(0, sem0)

    @pl.when(sel == 1)
    def _():
      wait_chunk(1, sem1)

    quad = jnp.bitwise_and(c, 3)
    acc = acc + process_chunk(sel, quad * RPC)

    @pl.when(quad == 3)
    def _():
      obuf[pl.ds(lax.shift_left(lax.shift_right_logical(c, 2), 4), L)] = acc

    acc = jnp.where(quad == 3, jnp.zeros((L,), jnp.float32), acc)

    @pl.when(c + 2 < NCH)
    def _():
      @pl.when(sel == 0)
      def _():
        start_chunk(c + 2, 0, sem0)

      @pl.when(sel == 1)
      def _():
        start_chunk(c + 2, 1, sem1)

    return acc

  lax.fori_loop(0, NCH, chunk_body, jnp.zeros((L,), jnp.float32))

  pltpu.sync_copy(obuf, out_hbm.at[pl.ds(wid * ROWS_PER_W, ROWS_PER_W)])


@jax.jit
def kernel(input):
  batch, ch, h, w = input.shape
  num_outputs = ch // NUM_MAPS

  mesh = plsc.VectorSubcoreMesh(
      core_axis_name="c", subcore_axis_name="s",
      num_cores=NC, num_subcores=NS)
  run = functools.partial(
      pl.kernel,
      out_type=jax.ShapeDtypeStruct((ROWS,), jnp.float32),
      mesh=mesh,
      scratch_types=[
          pltpu.VMEM((2, CPC, HW, HW), jnp.float32),
          pltpu.VMEM((IL * CAP,), jnp.float32),
          pltpu.VMEM((ROWS_PER_W,), jnp.float32),
          pltpu.SemaphoreType.DMA,
          pltpu.SemaphoreType.DMA,
      ],
      compiler_params=pltpu.CompilerParams(
          needs_layout_passes=False, use_tc_tiling_on_sc=True),
  )(_sc_body)
  out = run(input.reshape(batch * ch, h, w))
  return out.reshape(batch, num_outputs)

# --- scband reference (transcript-rebuilt; emitter-appended) ---
"""Pipeline reference for scband-direct-max-plus-alpha-min-pool2d-51316269253232 (READ-ONLY COPY).

The authoritative reference and input builder live on the scoring server;
editing this copy changes nothing except your own understanding.
"""

import jax, jax.numpy as jnp
import numpy as np

NUM_MAPS = 4
KMAX = 20
KMIN = 20
ALPHA = 0.7


def _get_positive_k(k, n):
    if k <= 0:
        return 0
    elif k < 1:
        return int(round(k * n))
    elif k > n:
        return int(n)
    else:
        return int(k)


def setup_inputs(seed: int = 0) -> dict:
    key = jax.random.key(seed)
    x = jax.random.normal(key, (64, 768, 24, 24), dtype=jnp.float32)
    return {"input": x}


def reference(input):
    batch_size, num_channels, h, w = input.shape
    n = h * w * NUM_MAPS
    num_outputs = num_channels // NUM_MAPS
    kmax = _get_positive_k(KMAX, n)
    kmin = _get_positive_k(KMIN, n)
    # sort descending along the pooled dimension
    s = jnp.sort(input.reshape(batch_size, num_outputs, n), axis=2)[:, :, ::-1]
    output = s[:, :, :kmax].sum(axis=2) / kmax
    if kmin > 0 and ALPHA != 0:
        output = (output + s[:, :, n - kmin:].sum(axis=2) * (ALPHA / kmin)) / 2.0
    return output.reshape(batch_size, num_outputs)

if __name__ == "__main__":
    import jax
    _d = setup_inputs()
    print(jax.jit(kernel)(*tuple(_d.values())))

</pallas_src>

<mosaic_0001>
#map = affine_map<(d0, d1) -> (0, 0, 0)>
#map1 = affine_map<(d0, d1) -> (0)>
module attributes {stable_mosaic.version = 14 : i64} {
  func.func @_sc_body(%arg0: i32, %arg1: i32, %arg2: memref<49152x24x24xf32, #tpu.memory_space<hbm>>, %arg3: memref<12288xf32, #tpu.memory_space<hbm>>, %arg4: memref<2x16x24x24xf32, #tpu.memory_space<vmem>>, %arg5: memref<9280xf32, #tpu.memory_space<vmem>>, %arg6: memref<384xf32, #tpu.memory_space<vmem>>, %arg7: memref<!tpu.dma_semaphore, #tpu.memory_space<semaphore_mem>>, %arg8: memref<!tpu.dma_semaphore, #tpu.memory_space<semaphore_mem>>) attributes {dimension_semantics = [#tpu.dimension_semantics<core_parallel>, #tpu.dimension_semantics<subcore_parallel>], iteration_bounds = array<i64: 2, 16>, scalar_prefetch = 0 : i64, scratch_operands = 5 : i64, tpu.core_type = #tpu.core_type<sc_vector_subcore>, window_params = [{transform_indices = #map}, {transform_indices = #map1}]} {
    %mul3A = arith.constant 2 : i32
    %mul3A_0 = arith.muli %arg1, %mul3A : i32
    %add3A = arith.addi %mul3A_0, %arg0 : i32
    %iota3A = tpu.iota {dimensions = array<i32: 0>} : vector<16xi32>
    %ge3A = arith.constant 8 : i32
    %ge3A_1 = vector.broadcast %ge3A : i32 to vector<16xi32>
    %ge3A_2 = arith.cmpi sge, %iota3A, %ge3A_1 : vector<16xi32>
    %mul3A_3 = arith.constant 1536 : i32
    %mul3A_4 = arith.muli %add3A, %mul3A_3 : i32
    %add3A_5 = arith.constant 0 : i32
    %add3A_6 = arith.addi %mul3A_4, %add3A_5 : i32
    %dma_start3A = arith.constant 0 : i32
    %dma_start3A_7 = arith.constant 0 : i32
    %dma_start3A_8 = arith.constant 0 : i32
    %dma_start3A_9 = arith.constant 0 : i32
    %dma_start3A_10 = tpu.memref_slice %arg4[%dma_start3A, %dma_start3A_7, %dma_start3A_8, %dma_start3A_9] : memref<2x16x24x24xf32, #tpu.memory_space<vmem>> -> memref<1x16x24x24xf32, #tpu.memory_space<vmem>>
    %dma_start3A_11 = tpu.memref_squeeze %dma_start3A_10 : memref<1x16x24x24xf32, #tpu.memory_space<vmem>> -> memref<16x24x24xf32, #tpu.memory_space<vmem>>
    %dma_start3A_12 = arith.constant 0 : i32
    %dma_start3A_13 = arith.constant 0 : i32
    %dma_start3A_14 = tpu.memref_slice %arg2[%add3A_6, %dma_start3A_12, %dma_start3A_13] : memref<49152x24x24xf32, #tpu.memory_space<hbm>> -> memref<16x24x24xf32, #tpu.memory_space<hbm>>
    %dma_start3A_15 = arith.constant 0 : i32
    %dma_start3A_16 = arith.constant 0 : i32
    %dma_start3A_17 = arith.constant 0 : i32
    %dma_start3A_18 = tpu.memref_slice %arg4[%dma_start3A, %dma_start3A_15, %dma_start3A_16, %dma_start3A_17] : memref<2x16x24x24xf32, #tpu.memory_space<vmem>> -> memref<1x16x24x24xf32, #tpu.memory_space<vmem>>
    %dma_start3A_19 = tpu.memref_squeeze %dma_start3A_18 : memref<1x16x24x24xf32, #tpu.memory_space<vmem>> -> memref<16x24x24xf32, #tpu.memory_space<vmem>>
    %dma_start3A_20 = arith.constant 0 : i32
    %dma_start3A_21 = arith.constant 0 : i32
    %dma_start3A_22 = tpu.memref_slice %arg2[%add3A_6, %dma_start3A_20, %dma_start3A_21] : memref<49152x24x24xf32, #tpu.memory_space<hbm>> -> memref<16x24x24xf32, #tpu.memory_space<hbm>>
    tpu.enqueue_dma source(%dma_start3A_22 : memref<16x24x24xf32, #tpu.memory_space<hbm>>) target(%dma_start3A_19 : memref<16x24x24xf32, #tpu.memory_space<vmem>>) target_semaphore(%arg7 : memref<!tpu.dma_semaphore, #tpu.memory_space<semaphore_mem>>)
    %add3A_23 = arith.constant 16 : i32
    %add3A_24 = arith.addi %mul3A_4, %add3A_23 : i32
    %dma_start3A_25 = arith.constant 1 : i32
    %dma_start3A_26 = arith.constant 0 : i32
    %dma_start3A_27 = arith.constant 0 : i32
    %dma_start3A_28 = arith.constant 0 : i32
    %dma_start3A_29 = tpu.memref_slice %arg4[%dma_start3A_25, %dma_start3A_26, %dma_start3A_27, %dma_start3A_28] : memref<2x16x24x24xf32, #tpu.memory_space<vmem>> -> memref<1x16x24x24xf32, #tpu.memory_space<vmem>>
    %dma_start3A_30 = tpu.memref_squeeze %dma_start3A_29 : memref<1x16x24x24xf32, #tpu.memory_space<vmem>> -> memref<16x24x24xf32, #tpu.memory_space<vmem>>
    %dma_start3A_31 = arith.constant 0 : i32
    %dma_start3A_32 = arith.constant 0 : i32
    %dma_start3A_33 = tpu.memref_slice %arg2[%add3A_24, %dma_start3A_31, %dma_start3A_32] : memref<49152x24x24xf32, #tpu.memory_space<hbm>> -> memref<16x24x24xf32, #tpu.memory_space<hbm>>
    %dma_start3A_34 = arith.constant 0 : i32
    %dma_start3A_35 = arith.constant 0 : i32
    %dma_start3A_36 = arith.constant 0 : i32
    %dma_start3A_37 = tpu.memref_slice %arg4[%dma_start3A_25, %dma_start3A_34, %dma_start3A_35, %dma_start3A_36] : memref<2x16x24x24xf32, #tpu.memory_space<vmem>> -> memref<1x16x24x24xf32, #tpu.memory_space<vmem>>
    %dma_start3A_38 = tpu.memref_squeeze %dma_start3A_37 : memref<1x16x24x24xf32, #tpu.memory_space<vmem>> -> memref<16x24x24xf32, #tpu.memory_space<vmem>>
    %dma_start3A_39 = arith.constant 0 : i32
    %dma_start3A_40 = arith.constant 0 : i32
    %dma_start3A_41 = tpu.memref_slice %arg2[%add3A_24, %dma_start3A_39, %dma_start3A_40] : memref<49152x24x24xf32, #tpu.memory_space<hbm>> -> memref<16x24x24xf32, #tpu.memory_space<hbm>>
    tpu.enqueue_dma source(%dma_start3A_41 : memref<16x24x24xf32, #tpu.memory_space<hbm>>) target(%dma_start3A_38 : memref<16x24x24xf32, #tpu.memory_space<vmem>>) target_semaphore(%arg8 : memref<!tpu.dma_semaphore, #tpu.memory_space<semaphore_mem>>)
    %broadcast_in_dim3A = arith.constant 0.000000e+00 : f32
    %broadcast_in_dim3A_42 = vector.broadcast %broadcast_in_dim3A : f32 to vector<16xf32>
    %scan3A = arith.constant 0 : i32
    %scan3A_43 = arith.constant 96 : i32
    %scan3A_44 = arith.addi %scan3A, %scan3A_43 : i32
    %scan3A_45 = arith.constant 1 : i32
    %scan3A_46 = scf.for %scan3A_50 = %scan3A to %scan3A_44 step %scan3A_45 iter_args(%scan3A_51 = %broadcast_in_dim3A_42) -> (vector<16xf32>)  : i32 {
      %and3A = arith.constant 1 : i32
      %and3A_52 = arith.andi %scan3A_50, %and3A : i32
      %eq3A = arith.constant 0 : i32
      %eq3A_53 = arith.cmpi eq, %and3A_52, %eq3A : i32
      %convert_element_type3A = arith.extui %eq3A_53 : i1 to i32
      %cond3A = arith.constant 0 : i32
      %cond3A_54 = arith.cmpi ne, %convert_element_type3A, %cond3A : i32
      scf.if %cond3A_54 {
        %dma_wait3A = arith.constant 0 : i32
        %dma_wait3A_2556 = arith.constant 0 : i32
        %dma_wait3A_2557 = arith.constant 0 : i32
        %dma_wait3A_2558 = arith.constant 0 : i32
        %dma_wait3A_2559 = tpu.memref_slice %arg4[%dma_wait3A, %dma_wait3A_2556, %dma_wait3A_2557, %dma_wait3A_2558] : memref<2x16x24x24xf32, #tpu.memory_space<vmem>> -> memref<1x16x24x24xf32, #tpu.memory_space<vmem>>
        %dma_wait3A_2560 = tpu.memref_squeeze %dma_wait3A_2559 : memref<1x16x24x24xf32, #tpu.memory_space<vmem>> -> memref<16x24x24xf32, #tpu.memory_space<vmem>>
        %dma_wait3A_2561 = arith.constant 0 : i32
        %dma_wait3A_2562 = arith.constant 0 : i32
        %dma_wait3A_2563 = arith.constant 0 : i32
        %dma_wait3A_2564 = tpu.memref_slice %arg2[%dma_wait3A_2561, %dma_wait3A_2562, %dma_wait3A_2563] : memref<49152x24x24xf32, #tpu.memory_space<hbm>> -> memref<16x24x24xf32, #tpu.memory_space<hbm>>
        %dma_wait3A_2565 = arith.constant 0 : i32
        %dma_wait3A_2566 = arith.constant 0 : i32
        %dma_wait3A_2567 = arith.constant 0 : i32
        %dma_wait3A_2568 = tpu.memref_slice %arg4[%dma_wait3A, %dma_wait3A_2565, %dma_wait3A_2566, %dma_wait3A_2567] : memref<2x16x24x24xf32, #tpu.memory_space<vmem>> -> memref<1x16x24x24xf32, #tpu.memory_space<vmem>>
        %dma_wait3A_2569 = tpu.memref_squeeze %dma_wait3A_2568 : memref<1x16x24x24xf32, #tpu.memory_space<vmem>> -> memref<16x24x24xf32, #tpu.memory_space<vmem>>
        %dma_wait3A_2570 = arith.constant 0 : i32
        %dma_wait3A_2571 = arith.constant 0 : i32
        %dma_wait3A_2572 = arith.constant 0 : i32
        %dma_wait3A_2573 = tpu.memref_slice %arg2[%dma_wait3A_2570, %dma_wait3A_2571, %dma_wait3A_2572] : memref<49152x24x24xf32, #tpu.memory_space<hbm>> -> memref<16x24x24xf32, #tpu.memory_space<hbm>>
        tpu.wait_dma2 semaphore(%arg7 : memref<!tpu.dma_semaphore, #tpu.memory_space<semaphore_mem>>) src(%dma_wait3A_2573 : memref<16x24x24xf32, #tpu.memory_space<hbm>>) dst(%dma_wait3A_2569 : memref<16x24x24xf32, #tpu.memory_space<vmem>>)
      } else {
      }
      %eq3A_55 = arith.constant 1 : i32
      %eq3A_56 = arith.cmpi eq, %and3A_52, %eq3A_55 : i32
      %convert_element_type3A_57 = arith.extui %eq3A_56 : i1 to i32
      %cond3A_58 = arith.constant 0 : i32
      %cond3A_59 = arith.cmpi ne, %convert_element_type3A_57, %cond3A_58 : i32
      scf.if %cond3A_59 {
        %dma_wait3A = arith.constant 1 : i32
        %dma_wait3A_2556 = arith.constant 0 : i32
        %dma_wait3A_2557 = arith.constant 0 : i32
        %dma_wait3A_2558 = arith.constant 0 : i32
        %dma_wait3A_2559 = tpu.memref_slice %arg4[%dma_wait3A, %dma_wait3A_2556, %dma_wait3A_2557, %dma_wait3A_2558] : memref<2x16x24x24xf32, #tpu.memory_space<vmem>> -> memref<1x16x24x24xf32, #tpu.memory_space<vmem>>
        %dma_wait3A_2560 = tpu.memref_squeeze %dma_wait3A_2559 : memref<1x16x24x24xf32, #tpu.memory_space<vmem>> -> memref<16x24x24xf32, #tpu.memory_space<vmem>>
        %dma_wait3A_2561 = arith.constant 0 : i32
        %dma_wait3A_2562 = arith.constant 0 : i32
        %dma_wait3A_2563 = arith.constant 0 : i32
        %dma_wait3A_2564 = tpu.memref_slice %arg2[%dma_wait3A_2561, %dma_wait3A_2562, %dma_wait3A_2563] : memref<49152x24x24xf32, #tpu.memory_space<hbm>> -> memref<16x24x24xf32, #tpu.memory_space<hbm>>
        %dma_wait3A_2565 = arith.constant 0 : i32
        %dma_wait3A_2566 = arith.constant 0 : i32
        %dma_wait3A_2567 = arith.constant 0 : i32
        %dma_wait3A_2568 = tpu.memref_slice %arg4[%dma_wait3A, %dma_wait3A_2565, %dma_wait3A_2566, %dma_wait3A_2567] : memref<2x16x24x24xf32, #tpu.memory_space<vmem>> -> memref<1x16x24x24xf32, #tpu.memory_space<vmem>>
        %dma_wait3A_2569 = tpu.memref_squeeze %dma_wait3A_2568 : memref<1x16x24x24xf32, #tpu.memory_space<vmem>> -> memref<16x24x24xf32, #tpu.memory_space<vmem>>
        %dma_wait3A_2570 = arith.constant 0 : i32
        %dma_wait3A_2571 = arith.constant 0 : i32
        %dma_wait3A_2572 = arith.constant 0 : i32
        %dma_wait3A_2573 = tpu.memref_slice %arg2[%dma_wait3A_2570, %dma_wait3A_2571, %dma_wait3A_2572] : memref<49152x24x24xf32, #tpu.memory_space<hbm>> -> memref<16x24x24xf32, #tpu.memory_space<hbm>>
        tpu.wait_dma2 semaphore(%arg8 : memref<!tpu.dma_semaphore, #tpu.memory_space<semaphore_mem>>) src(%dma_wait3A_2573 : memref<16x24x24xf32, #tpu.memory_space<hbm>>) dst(%dma_wait3A_2569 : memref<16x24x24xf32, #tpu.memory_space<vmem>>)
      } else {
      }
      %and3A_60 = arith.constant 3 : i32
      %and3A_61 = arith.andi %scan3A_50, %and3A_60 : i32
      %mul3A_62 = arith.constant 4 : i32
      %mul3A_63 = arith.muli %and3A_61, %mul3A_62 : i32
      %broadcast_in_dim3A_64 = arith.constant -3.000000e+38 : f32
      %broadcast_in_dim3A_65 = vector.broadcast %broadcast_in_dim3A_64 : f32 to vector<16xf32>
      %broadcast_in_dim3A_66 = arith.constant 3.000000e+38 : f32
      %broadcast_in_dim3A_67 = vector.broadcast %broadcast_in_dim3A_66 : f32 to vector<16xf32>
      %scan3A_68 = arith.constant 0 : i32
      %scan3A_69 = arith.constant 24 : i32
      %scan3A_70 = arith.addi %scan3A_68, %scan3A_69 : i32
      %scan3A_71 = arith.constant 1 : i32
      %scan3A_72:8 = scf.for %scan3A_2556 = %scan3A_68 to %scan3A_70 step %scan3A_71 iter_args(%scan3A_2557 = %broadcast_in_dim3A_65, %scan3A_2558 = %broadcast_in_dim3A_65, %scan3A_2559 = %broadcast_in_dim3A_65, %scan3A_2560 = %broadcast_in_dim3A_65, %scan3A_2561 = %broadcast_in_dim3A_67, %scan3A_2562 = %broadcast_in_dim3A_67, %scan3A_2563 = %broadcast_in_dim3A_67, %scan3A_2564 = %broadcast_in_dim3A_67) -> (vector<16xf32>, vector<16xf32>, vector<16xf32>, vector<16xf32>, vector<16xf32>, vector<16xf32>, vector<16xf32>, vector<16xf32>)  : i32 {
        %get3A_2565 = arith.constant 0 : i32
        %get3A_2566 = arith.index_cast %and3A_52 : i32 to index
        %get3A_2567 = arith.index_cast %get3A_2565 : i32 to index
        %get3A_2568 = arith.index_cast %scan3A_2556 : i32 to index
        %get3A_2569 = arith.constant 0 : index
        %get3A_2570 = tpu.vector_load %arg4[%get3A_2566, %get3A_2567, %get3A_2568, %get3A_2569] {strides = array<i32>} : memref<2x16x24x24xf32, #tpu.memory_space<vmem>>, vector<16xf32>,
        %get3A_2571 = arith.constant 0 : i32
        %get3A_2572 = arith.index_cast %and3A_52 : i32 to index
        %get3A_2573 = arith.index_cast %get3A_2571 : i32 to index
        %get3A_2574 = arith.index_cast %scan3A_2556 : i32 to index
        %get3A_2575 = arith.constant 8 : index
        %get3A_2576 = tpu.vector_load %arg4[%get3A_2572, %get3A_2573, %get3A_2574, %get3A_2575] {strides = array<i32>} : memref<2x16x24x24xf32, #tpu.memory_space<vmem>>, vector<16xf32>,
        %jit3A_2577 = arith.constant -3.000000e+38 : f32
        %broadcast_in_dim3A_2578 = vector.broadcast %jit3A_2577 : f32 to vector<16xf32>
        %select_n3A_2579 = arith.select %ge3A_2, %get3A_2576, %broadcast_in_dim3A_2578 : vector<16xi1>, vector<16xf32>
        %jit3A_2580 = arith.constant 3.000000e+38 : f32
        %broadcast_in_dim3A_2581 = vector.broadcast %jit3A_2580 : f32 to vector<16xf32>
        %select_n3A_2582 = arith.select %ge3A_2, %get3A_2576, %broadcast_in_dim3A_2581 : vector<16xi1>, vector<16xf32>
        %max3A_2583 = arith.maximumf %scan3A_2557, %get3A_2570 : vector<16xf32>
        %max3A_2584 = arith.maximumf %scan3A_2558, %select_n3A_2579 : vector<16xf32>
        %min3A_2585 = arith.minimumf %scan3A_2561, %get3A_2570 : vector<16xf32>
        %min3A_2586 = arith.minimumf %scan3A_2562, %select_n3A_2582 : vector<16xf32>
        %get3A_2587 = arith.constant 1 : i32
        %get3A_2588 = arith.index_cast %and3A_52 : i32 to index
        %get3A_2589 = arith.index_cast %get3A_2587 : i32 to index
        %get3A_2590 = arith.index_cast %scan3A_2556 : i32 to index
        %get3A_2591 = arith.constant 0 : index
        %get3A_2592 = tpu.vector_load %arg4[%get3A_2588, %get3A_2589, %get3A_2590, %get3A_2591] {strides = array<i32>} : memref<2x16x24x24xf32, #tpu.memory_space<vmem>>, vector<16xf32>,
        %get3A_2593 = arith.constant 1 : i32
        %get3A_2594 = arith.index_cast %and3A_52 : i32 to index
        %get3A_2595 = arith.index_cast %get3A_2593 : i32 to index
        %get3A_2596 = arith.index_cast %scan3A_2556 : i32 to index
        %get3A_2597 = arith.constant 8 : index
        %get3A_2598 = tpu.vector_load %arg4[%get3A_2594, %get3A_2595, %get3A_2596, %get3A_2597] {strides = array<i32>} : memref<2x16x24x24xf32, #tpu.memory_space<vmem>>, vector<16xf32>,
        %jit3A_2599 = arith.constant -3.000000e+38 : f32
        %broadcast_in_dim3A_2600 = vector.broadcast %jit3A_2599 : f32 to vector<16xf32>
        %select_n3A_2601 = arith.select %ge3A_2, %get3A_2598, %broadcast_in_dim3A_2600 : vector<16xi1>, vector<16xf32>
        %jit3A_2602 = arith.constant 3.000000e+38 : f32
        %broadcast_in_dim3A_2603 = vector.broadcast %jit3A_2602 : f32 to vector<16xf32>
        %select_n3A_2604 = arith.select %ge3A_2, %get3A_2598, %broadcast_in_dim3A_2603 : vector<16xi1>, vector<16xf32>
        %max3A_2605 = arith.maximumf %scan3A_2559, %get3A_2592 : vector<16xf32>
        %max3A_2606 = arith.maximumf %scan3A_2560, %select_n3A_2601 : vector<16xf32>
        %min3A_2607 = arith.minimumf %scan3A_2563, %get3A_2592 : vector<16xf32>
        %min3A_2608 = arith.minimumf %scan3A_2564, %select_n3A_2604 : vector<16xf32>
        %get3A_2609 = arith.constant 2 : i32
        %get3A_2610 = arith.index_cast %and3A_52 : i32 to index
        %get3A_2611 = arith.index_cast %get3A_2609 : i32 to index
        %get3A_2612 = arith.index_cast %scan3A_2556 : i32 to index
        %get3A_2613 = arith.constant 0 : index
        %get3A_2614 = tpu.vector_load %arg4[%get3A_2610, %get3A_2611, %get3A_2612, %get3A_2613] {strides = array<i32>} : memref<2x16x24x24xf32, #tpu.memory_space<vmem>>, vector<16xf32>,
        %get3A_2615 = arith.constant 2 : i32
        %get3A_2616 = arith.index_cast %and3A_52 : i32 to index
        %get3A_2617 = arith.index_cast %get3A_2615 : i32 to index
        %get3A_2618 = arith.index_cast %scan3A_2556 : i32 to index
        %get3A_2619 = arith.constant 8 : index
        %get3A_2620 = tpu.vector_load %arg4[%get3A_2616, %get3A_2617, %get3A_2618, %get3A_2619] {strides = array<i32>} : memref<2x16x24x24xf32, #tpu.memory_space<vmem>>, vector<16xf32>,
        %jit3A_2621 = arith.constant -3.000000e+38 : f32
        %broadcast_in_dim3A_2622 = vector.broadcast %jit3A_2621 : f32 to vector<16xf32>
        %select_n3A_2623 = arith.select %ge3A_2, %get3A_2620, %broadcast_in_dim3A_2622 : vector<16xi1>, vector<16xf32>
        %jit3A_2624 = arith.constant 3.000000e+38 : f32
        %broadcast_in_dim3A_2625 = vector.broadcast %jit3A_2624 : f32 to vector<16xf32>
        %select_n3A_2626 = arith.select %ge3A_2, %get3A_2620, %broadcast_in_dim3A_2625 : vector<16xi1>, vector<16xf32>
        %max3A_2627 = arith.maximumf %max3A_2583, %get3A_2614 : vector<16xf32>
        %max3A_2628 = arith.maximumf %max3A_2584, %select_n3A_2623 : vector<16xf32>
        %min3A_2629 = arith.minimumf %min3A_2585, %get3A_2614 : vector<16xf32>
        %min3A_2630 = arith.minimumf %min3A_2586, %select_n3A_2626 : vector<16xf32>
        %get3A_2631 = arith.constant 3 : i32
        %get3A_2632 = arith.index_cast %and3A_52 : i32 to index
        %get3A_2633 = arith.index_cast %get3A_2631 : i32 to index
        %get3A_2634 = arith.index_cast %scan3A_2556 : i32 to index
        %get3A_2635 = arith.constant 0 : index
        %get3A_2636 = tpu.vector_load %arg4[%get3A_2632, %get3A_2633, %get3A_2634, %get3A_2635] {strides = array<i32>} : memref<2x16x24x24xf32, #tpu.memory_space<vmem>>, vector<16xf32>,
        %get3A_2637 = arith.constant 3 : i32
        %get3A_2638 = arith.index_cast %and3A_52 : i32 to index
        %get3A_2639 = arith.index_cast %get3A_2637 : i32 to index
        %get3A_2640 = arith.index_cast %scan3A_2556 : i32 to index
        %get3A_2641 = arith.constant 8 : index
        %get3A_2642 = tpu.vector_load %arg4[%get3A_2638, %get3A_2639, %get3A_2640, %get3A_2641] {strides = array<i32>} : memref<2x16x24x24xf32, #tpu.memory_space<vmem>>, vector<16xf32>,
        %jit3A_2643 = arith.constant -3.000000e+38 : f32
        %broadcast_in_dim3A_2644 = vector.broadcast %jit3A_2643 : f32 to vector<16xf32>
        %select_n3A_2645 = arith.select %ge3A_2, %get3A_2642, %broadcast_in_dim3A_2644 : vector<16xi1>, vector<16xf32>
        %jit3A_2646 = arith.constant 3.000000e+38 : f32
        %broadcast_in_dim3A_2647 = vector.broadcast %jit3A_2646 : f32 to vector<16xf32>
        %select_n3A_2648 = arith.select %ge3A_2, %get3A_2642, %broadcast_in_dim3A_2647 : vector<16xi1>, vector<16xf32>
        %max3A_2649 = arith.maximumf %max3A_2605, %get3A_2636 : vector<16xf32>
        %max3A_2650 = arith.maximumf %max3A_2606, %select_n3A_2645 : vector<16xf32>
        %min3A_2651 = arith.minimumf %min3A_2607, %get3A_2636 : vector<16xf32>
        %min3A_2652 = arith.minimumf %min3A_2608, %select_n3A_2648 : vector<16xf32>
        scf.yield %max3A_2627, %max3A_2628, %max3A_2649, %max3A_2650, %min3A_2629, %min3A_2630, %min3A_2651, %min3A_2652 : vector<16xf32>, vector<16xf32>, vector<16xf32>, vector<16xf32>, vector<16xf32>, vector<16xf32>, vector<16xf32>, vector<16xf32>
      }
      %scan3A_73 = arith.constant 24 : i32
      %masked_sort3A = arith.constant dense<true> : vector<16xi1>
      %masked_sort3A_74, %masked_sort3A_75, %masked_sort3A_76 = tpu.sort %scan3A_72#0, %scan3A_72#0 masked %masked_sort3A {descending = true} : (vector<16xf32>, vector<16xf32>, vector<16xi1>) -> (vector<16xi1>, vector<16xf32>, vector<16xf32>)
      %masked_sort3A_77 = arith.constant dense<true> : vector<16xi1>
      %masked_sort3A_78, %masked_sort3A_79, %masked_sort3A_80 = tpu.sort %scan3A_72#1, %scan3A_72#1 masked %masked_sort3A_77 {descending = true} : (vector<16xf32>, vector<16xf32>, vector<16xi1>) -> (vector<16xi1>, vector<16xf32>, vector<16xf32>)
      %masked_sort3A_81 = arith.constant dense<true> : vector<16xi1>
      %masked_sort3A_82, %masked_sort3A_83, %masked_sort3A_84 = tpu.sort %scan3A_72#2, %scan3A_72#2 masked %masked_sort3A_81 {descending = true} : (vector<16xf32>, vector<16xf32>, vector<16xi1>) -> (vector<16xi1>, vector<16xf32>, vector<16xf32>)
      %masked_sort3A_85 = arith.constant dense<true> : vector<16xi1>
      %masked_sort3A_86, %masked_sort3A_87, %masked_sort3A_88 = tpu.sort %scan3A_72#3, %scan3A_72#3 masked %masked_sort3A_85 {descending = true} : (vector<16xf32>, vector<16xf32>, vector<16xi1>) -> (vector<16xi1>, vector<16xf32>, vector<16xf32>)
      %rev3A = arith.constant 15 : i32
      %rev3A_89 = vector.broadcast %rev3A : i32 to vector<16xi32>
      %rev3A_90 = tpu.iota {dimensions = array<i32: 0>} : vector<16xi32>
      %rev3A_91 = arith.subi %rev3A_89, %rev3A_90 : vector<16xi32>
      %rev3A_92 = tpu.dynamic_gather %masked_sort3A_79[%rev3A_91] in [0] : vector<16xf32>, vector<16xi32> -> vector<16xf32>
      %max3A = arith.maximumf %masked_sort3A_75, %rev3A_92 : vector<16xf32>
      %min3A = arith.minimumf %masked_sort3A_75, %rev3A_92 : vector<16xf32>
      %masked_sort3A_93 = arith.constant dense<true> : vector<16xi1>
      %masked_sort3A_94, %masked_sort3A_95, %masked_sort3A_96 = tpu.sort %max3A, %max3A masked %masked_sort3A_93 {descending = true} : (vector<16xf32>, vector<16xf32>, vector<16xi1>) -> (vector<16xi1>, vector<16xf32>, vector<16xf32>)
      %masked_sort3A_97 = arith.constant dense<true> : vector<16xi1>
      %masked_sort3A_98, %masked_sort3A_99, %masked_sort3A_100 = tpu.sort %min3A, %min3A masked %masked_sort3A_97 {descending = true} : (vector<16xf32>, vector<16xf32>, vector<16xi1>) -> (vector<16xi1>, vector<16xf32>, vector<16xf32>)
      %rev3A_101 = arith.constant 15 : i32
      %rev3A_102 = vector.broadcast %rev3A_101 : i32 to vector<16xi32>
      %rev3A_103 = tpu.iota {dimensions = array<i32: 0>} : vector<16xi32>
      %rev3A_104 = arith.subi %rev3A_102, %rev3A_103 : vector<16xi32>
      %rev3A_105 = tpu.dynamic_gather %masked_sort3A_83[%rev3A_104] in [0] : vector<16xf32>, vector<16xi32> -> vector<16xf32>
      %max3A_106 = arith.maximumf %masked_sort3A_99, %rev3A_105 : vector<16xf32>
      %min3A_107 = arith.minimumf %masked_sort3A_99, %rev3A_105 : vector<16xf32>
      %masked_sort3A_108 = arith.constant dense<true> : vector<16xi1>
      %masked_sort3A_109, %masked_sort3A_110, %masked_sort3A_111 = tpu.sort %max3A_106, %max3A_106 masked %masked_sort3A_108 {descending = true} : (vector<16xf32>, vector<16xf32>, vector<16xi1>) -> (vector<16xi1>, vector<16xf32>, vector<16xf32>)
      %rev3A_112 = arith.constant 15 : i32
      %rev3A_113 = vector.broadcast %rev3A_112 : i32 to vector<16xi32>
      %rev3A_114 = tpu.iota {dimensions = array<i32: 0>} : vector<16xi32>
      %rev3A_115 = arith.subi %rev3A_113, %rev3A_114 : vector<16xi32>
      %rev3A_116 = tpu.dynamic_gather %masked_sort3A_110[%rev3A_115] in [0] : vector<16xf32>, vector<16xi32> -> vector<16xf32>
      %max3A_117 = arith.maximumf %masked_sort3A_95, %rev3A_116 : vector<16xf32>
      %min3A_118 = arith.minimumf %masked_sort3A_95, %rev3A_116 : vector<16xf32>
      %masked_sort3A_119 = arith.constant dense<true> : vector<16xi1>
      %masked_sort3A_120, %masked_sort3A_121, %masked_sort3A_122 = tpu.sort %max3A_117, %max3A_117 masked %masked_sort3A_119 {descending = true} : (vector<16xf32>, vector<16xf32>, vector<16xi1>) -> (vector<16xi1>, vector<16xf32>, vector<16xf32>)
      %masked_sort3A_123 = arith.constant dense<true> : vector<16xi1>
      %masked_sort3A_124, %masked_sort3A_125, %masked_sort3A_126 = tpu.sort %min3A_118, %min3A_118 masked %masked_sort3A_123 {descending = true} : (vector<16xf32>, vector<16xf32>, vector<16xi1>) -> (vector<16xi1>, vector<16xf32>, vector<16xf32>)
      %rev3A_127 = arith.constant 15 : i32
      %rev3A_128 = vector.broadcast %rev3A_127 : i32 to vector<16xi32>
      %rev3A_129 = tpu.iota {dimensions = array<i32: 0>} : vector<16xi32>
      %rev3A_130 = arith.subi %rev3A_128, %rev3A_129 : vector<16xi32>
      %rev3A_131 = tpu.dynamic_gather %masked_sort3A_87[%rev3A_130] in [0] : vector<16xf32>, vector<16xi32> -> vector<16xf32>
      %max3A_132 = arith.maximumf %masked_sort3A_125, %rev3A_131 : vector<16xf32>
      %min3A_133 = arith.minimumf %masked_sort3A_125, %rev3A_131 : vector<16xf32>
      %masked_sort3A_134 = arith.constant dense<true> : vector<16xi1>
      %masked_sort3A_135, %masked_sort3A_136, %masked_sort3A_137 = tpu.sort %max3A_132, %max3A_132 masked %masked_sort3A_134 {descending = true} : (vector<16xf32>, vector<16xf32>, vector<16xi1>) -> (vector<16xi1>, vector<16xf32>, vector<16xf32>)
      %rev3A_138 = arith.constant 15 : i32
      %rev3A_139 = vector.broadcast %rev3A_138 : i32 to vector<16xi32>
      %rev3A_140 = tpu.iota {dimensions = array<i32: 0>} : vector<16xi32>
      %rev3A_141 = arith.subi %rev3A_139, %rev3A_140 : vector<16xi32>
      %rev3A_142 = tpu.dynamic_gather %masked_sort3A_136[%rev3A_141] in [0] : vector<16xf32>, vector<16xi32> -> vector<16xf32>
      %max3A_143 = arith.maximumf %masked_sort3A_121, %rev3A_142 : vector<16xf32>
      %min3A_144 = arith.minimumf %masked_sort3A_121, %rev3A_142 : vector<16xf32>
      %masked_sort3A_145 = arith.constant dense<true> : vector<16xi1>
      %masked_sort3A_146, %masked_sort3A_147, %masked_sort3A_148 = tpu.sort %max3A_143, %max3A_143 masked %masked_sort3A_145 {descending = true} : (vector<16xf32>, vector<16xf32>, vector<16xi1>) -> (vector<16xi1>, vector<16xf32>, vector<16xf32>)
      %masked_sort3A_149 = arith.constant dense<true> : vector<16xi1>
      %masked_sort3A_150, %masked_sort3A_151, %masked_sort3A_152 = tpu.sort %min3A_144, %min3A_144 masked %masked_sort3A_149 {descending = true} : (vector<16xf32>, vector<16xf32>, vector<16xi1>) -> (vector<16xi1>, vector<16xf32>, vector<16xf32>)
      %eq3A_153 = arith.constant 3 : i32
      %eq3A_154 = vector.broadcast %eq3A_153 : i32 to vector<16xi32>
      %eq3A_155 = arith.cmpi eq, %iota3A, %eq3A_154 : vector<16xi32>
      %jit3A = arith.constant -3.000000e+38 : f32
      %broadcast_in_dim3A_156 = vector.broadcast %jit3A : f32 to vector<16xf32>
      %select_n3A = arith.select %eq3A_155, %masked_sort3A_151, %broadcast_in_dim3A_156 : vector<16xi1>, vector<16xf32>
      %reduce_max3A = arith.constant true
      %reduce_max3A_157 = vector.broadcast %reduce_max3A : i1 to vector<16xi1>
      %reduce_max3A_158 = tpu.scan <max>, %select_n3A masked %reduce_max3A_157 : vector<16xf32>, vector<16xi1> -> vector<16xf32>
      %reduce_max3A_159 = vector.extract %reduce_max3A_158[15] : f32 from vector<16xf32>
      %neg3A = arith.constant 0.000000e+00 : f32
      %neg3A_160 = vector.broadcast %neg3A : f32 to vector<16xf32>
      %neg3A_161 = arith.subf %neg3A_160, %scan3A_72#4 : vector<16xf32>
      %neg3A_162 = arith.constant 0.000000e+00 : f32
      %neg3A_163 = vector.broadcast %neg3A_162 : f32 to vector<16xf32>
      %neg3A_164 = arith.subf %neg3A_163, %scan3A_72#5 : vector<16xf32>
      %neg3A_165 = arith.constant 0.000000e+00 : f32
      %neg3A_166 = vector.broadcast %neg3A_165 : f32 to vector<16xf32>
      %neg3A_167 = arith.subf %neg3A_166, %scan3A_72#6 : vector<16xf32>
      %neg3A_168 = arith.constant 0.000000e+00 : f32
      %neg3A_169 = vector.broadcast %neg3A_168 : f32 to vector<16xf32>
      %neg3A_170 = arith.subf %neg3A_169, %scan3A_72#7 : vector<16xf32>
      %masked_sort3A_171 = arith.constant dense<true> : vector<16xi1>
      %masked_sort3A_172, %masked_sort3A_173, %masked_sort3A_174 = tpu.sort %neg3A_161, %neg3A_161 masked %masked_sort3A_171 {descending = true} : (vector<16xf32>, vector<16xf32>, vector<16xi1>) -> (vector<16xi1>, vector<16xf32>, vector<16xf32>)
      %masked_sort3A_175 = arith.constant dense<true> : vector<16xi1>
      %masked_sort3A_176, %masked_sort3A_177, %masked_sort3A_178 = tpu.sort %neg3A_164, %neg3A_164 masked %masked_sort3A_175 {descending = true} : (vector<16xf32>, vector<16xf32>, vector<16xi1>) -> (vector<16xi1>, vector<16xf32>, vector<16xf32>)
      %masked_sort3A_179 = arith.constant dense<true> : vector<16xi1>
      %masked_sort3A_180, %masked_sort3A_181, %masked_sort3A_182 = tpu.sort %neg3A_167, %neg3A_167 masked %masked_sort3A_179 {descending = true} : (vector<16xf32>, vector<16xf32>, vector<16xi1>) -> (vector<16xi1>, vector<16xf32>, vector<16xf32>)
      %masked_sort3A_183 = arith.constant dense<true> : vector<16xi1>
      %masked_sort3A_184, %masked_sort3A_185, %masked_sort3A_186 = tpu.sort %neg3A_170, %neg3A_170 masked %masked_sort3A_183 {descending = true} : (vector<16xf32>, vector<16xf32>, vector<16xi1>) -> (vector<16xi1>, vector<16xf32>, vector<16xf32>)
      %rev3A_187 = arith.constant 15 : i32
      %rev3A_188 = vector.broadcast %rev3A_187 : i32 to vector<16xi32>
      %rev3A_189 = tpu.iota {dimensions = array<i32: 0>} : vector<16xi32>
      %rev3A_190 = arith.subi %rev3A_188, %rev3A_189 : vector<16xi32>
      %rev3A_191 = tpu.dynamic_gather %masked_sort3A_177[%rev3A_190] in [0] : vector<16xf32>, vector<16xi32> -> vector<16xf32>
      %max3A_192 = arith.maximumf %masked_sort3A_173, %rev3A_191 : vector<16xf32>
      %min3A_193 = arith.minimumf %masked_sort3A_173, %rev3A_191 : vector<16xf32>
      %masked_sort3A_194 = arith.constant dense<true> : vector<16xi1>
      %masked_sort3A_195, %masked_sort3A_196, %masked_sort3A_197 = tpu.sort %max3A_192, %max3A_192 masked %masked_sort3A_194 {descending = true} : (vector<16xf32>, vector<16xf32>, vector<16xi1>) -> (vector<16xi1>, vector<16xf32>, vector<16xf32>)
      %masked_sort3A_198 = arith.constant dense<true> : vector<16xi1>
      %masked_sort3A_199, %masked_sort3A_200, %masked_sort3A_201 = tpu.sort %min3A_193, %min3A_193 masked %masked_sort3A_198 {descending = true} : (vector<16xf32>, vector<16xf32>, vector<16xi1>) -> (vector<16xi1>, vector<16xf32>, vector<16xf32>)
      %rev3A_202 = arith.constant 15 : i32
      %rev3A_203 = vector.broadcast %rev3A_202 : i32 to vector<16xi32>
      %rev3A_204 = tpu.iota {dimensions = array<i32: 0>} : vector<16xi32>
      %rev3A_205 = arith.subi %rev3A_203, %rev3A_204 : vector<16xi32>
      %rev3A_206 = tpu.dynamic_gather %masked_sort3A_181[%rev3A_205] in [0] : vector<16xf32>, vector<16xi32> -> vector<16xf32>
      %max3A_207 = arith.maximumf %masked_sort3A_200, %rev3A_206 : vector<16xf32>
      %min3A_208 = arith.minimumf %masked_sort3A_200, %rev3A_206 : vector<16xf32>
      %masked_sort3A_209 = arith.constant dense<true> : vector<16xi1>
      %masked_sort3A_210, %masked_sort3A_211, %masked_sort3A_212 = tpu.sort %max3A_207, %max3A_207 masked %masked_sort3A_209 {descending = true} : (vector<16xf32>, vector<16xf32>, vector<16xi1>) -> (vector<16xi1>, vector<16xf32>, vector<16xf32>)
      %rev3A_213 = arith.constant 15 : i32
      %rev3A_214 = vector.broadcast %rev3A_213 : i32 to vector<16xi32>
      %rev3A_215 = tpu.iota {dimensions = array<i32: 0>} : vector<16xi32>
      %rev3A_216 = arith.subi %rev3A_214, %rev3A_215 : vector<16xi32>
      %rev3A_217 = tpu.dynamic_gather %masked_sort3A_211[%rev3A_216] in [0] : vector<16xf32>, vector<16xi32> -> vector<16xf32>
      %max3A_218 = arith.maximumf %masked_sort3A_196, %rev3A_217 : vector<16xf32>
      %min3A_219 = arith.minimumf %masked_sort3A_196, %rev3A_217 : vector<16xf32>
      %masked_sort3A_220 = arith.constant dense<true> : vector<16xi1>
      %masked_sort3A_221, %masked_sort3A_222, %masked_sort3A_223 = tpu.sort %max3A_218, %max3A_218 masked %masked_sort3A_220 {descending = true} : (vector<16xf32>, vector<16xf32>, vector<16xi1>) -> (vector<16xi1>, vector<16xf32>, vector<16xf32>)
      %masked_sort3A_224 = arith.constant dense<true> : vector<16xi1>
      %masked_sort3A_225, %masked_sort3A_226, %masked_sort3A_227 = tpu.sort %min3A_219, %min3A_219 masked %masked_sort3A_224 {descending = true} : (vector<16xf32>, vector<16xf32>, vector<16xi1>) -> (vector<16xi1>, vector<16xf32>, vector<16xf32>)
      %rev3A_228 = arith.constant 15 : i32
      %rev3A_229 = vector.broadcast %rev3A_228 : i32 to vector<16xi32>
      %rev3A_230 = tpu.iota {dimensions = array<i32: 0>} : vector<16xi32>
      %rev3A_231 = arith.subi %rev3A_229, %rev3A_230 : vector<16xi32>
      %rev3A_232 = tpu.dynamic_gather %masked_sort3A_185[%rev3A_231] in [0] : vector<16xf32>, vector<16xi32> -> vector<16xf32>
      %max3A_233 = arith.maximumf %masked_sort3A_226, %rev3A_232 : vector<16xf32>
      %min3A_234 = arith.minimumf %masked_sort3A_226, %rev3A_232 : vector<16xf32>
      %masked_sort3A_235 = arith.constant dense<true> : vector<16xi1>
      %masked_sort3A_236, %masked_sort3A_237, %masked_sort3A_238 = tpu.sort %max3A_233, %max3A_233 masked %masked_sort3A_235 {descending = true} : (vector<16xf32>, vector<16xf32>, vector<16xi1>) -> (vector<16xi1>, vector<16xf32>, vector<16xf32>)
      %rev3A_239 = arith.constant 15 : i32
      %rev3A_240 = vector.broadcast %rev3A_239 : i32 to vector<16xi32>
      %rev3A_241 = tpu.iota {dimensions = array<i32: 0>} : vector<16xi32>
      %rev3A_242 = arith.subi %rev3A_240, %rev3A_241 : vector<16xi32>
      %rev3A_243 = tpu.dynamic_gather %masked_sort3A_237[%rev3A_242] in [0] : vector<16xf32>, vector<16xi32> -> vector<16xf32>
      %max3A_244 = arith.maximumf %masked_sort3A_222, %rev3A_243 : vector<16xf32>
      %min3A_245 = arith.minimumf %masked_sort3A_222, %rev3A_243 : vector<16xf32>
      %masked_sort3A_246 = arith.constant dense<true> : vector<16xi1>
      %masked_sort3A_247, %masked_sort3A_248, %masked_sort3A_249 = tpu.sort %max3A_244, %max3A_244 masked %masked_sort3A_246 {descending = true} : (vector<16xf32>, vector<16xf32>, vector<16xi1>) -> (vector<16xi1>, vector<16xf32>, vector<16xf32>)
      %masked_sort3A_250 = arith.constant dense<true> : vector<16xi1>
      %masked_sort3A_251, %masked_sort3A_252, %masked_sort3A_253 = tpu.sort %min3A_245, %min3A_245 masked %masked_sort3A_250 {descending = true} : (vector<16xf32>, vector<16xf32>, vector<16xi1>) -> (vector<16xi1>, vector<16xf32>, vector<16xf32>)
      %eq3A_254 = arith.constant 3 : i32
      %eq3A_255 = vector.broadcast %eq3A_254 : i32 to vector<16xi32>
      %eq3A_256 = arith.cmpi eq, %iota3A, %eq3A_255 : vector<16xi32>
      %jit3A_257 = arith.constant -3.000000e+38 : f32
      %broadcast_in_dim3A_258 = vector.broadcast %jit3A_257 : f32 to vector<16xf32>
      %select_n3A_259 = arith.select %eq3A_256, %masked_sort3A_252, %broadcast_in_dim3A_258 : vector<16xi1>, vector<16xf32>
      %reduce_max3A_260 = arith.constant true
      %reduce_max3A_261 = vector.broadcast %reduce_max3A_260 : i1 to vector<16xi1>
      %reduce_max3A_262 = tpu.scan <max>, %select_n3A_259 masked %reduce_max3A_261 : vector<16xf32>, vector<16xi1> -> vector<16xf32>
      %reduce_max3A_263 = vector.extract %reduce_max3A_262[15] : f32 from vector<16xf32>
      %neg3A_264 = arith.constant 0.000000e+00 : f32
      %neg3A_265 = arith.subf %neg3A_264, %reduce_max3A_263 : f32
      %broadcast_in_dim3A_266 = vector.broadcast %reduce_max3A_159 : f32 to vector<16xf32>
      %broadcast_in_dim3A_267 = vector.broadcast %neg3A_265 : f32 to vector<16xf32>
      %broadcast_in_dim3A_268 = arith.constant -3.000000e+38 : f32
      %broadcast_in_dim3A_269 = vector.broadcast %broadcast_in_dim3A_268 : f32 to vector<16xf32>
      %broadcast_in_dim3A_270 = arith.constant 3.000000e+38 : f32
      %broadcast_in_dim3A_271 = vector.broadcast %broadcast_in_dim3A_270 : f32 to vector<16xf32>
      %scan3A_272 = arith.constant 0 : i32
      %scan3A_273 = arith.constant 24 : i32
      %scan3A_274 = arith.addi %scan3A_272, %scan3A_273 : i32
      %scan3A_275 = arith.constant 1 : i32
      %scan3A_276:8 = scf.for %scan3A_2556 = %scan3A_272 to %scan3A_274 step %scan3A_275 iter_args(%scan3A_2557 = %broadcast_in_dim3A_269, %scan3A_2558 = %broadcast_in_dim3A_269, %scan3A_2559 = %broadcast_in_dim3A_269, %scan3A_2560 = %broadcast_in_dim3A_269, %scan3A_2561 = %broadcast_in_dim3A_271, %scan3A_2562 = %broadcast_in_dim3A_271, %scan3A_2563 = %broadcast_in_dim3A_271, %scan3A_2564 = %broadcast_in_dim3A_271) -> (vector<16xf32>, vector<16xf32>, vector<16xf32>, vector<16xf32>, vector<16xf32>, vector<16xf32>, vector<16xf32>, vector<16xf32>)  : i32 {
        %get3A_2565 = arith.constant 4 : i32
        %get3A_2566 = arith.index_cast %and3A_52 : i32 to index
        %get3A_2567 = arith.index_cast %get3A_2565 : i32 to index
        %get3A_2568 = arith.index_cast %scan3A_2556 : i32 to index
        %get3A_2569 = arith.constant 0 : index
        %get3A_2570 = tpu.vector_load %arg4[%get3A_2566, %get3A_2567, %get3A_2568, %get3A_2569] {strides = array<i32>} : memref<2x16x24x24xf32, #tpu.memory_space<vmem>>, vector<16xf32>,
        %get3A_2571 = arith.constant 4 : i32
        %get3A_2572 = arith.index_cast %and3A_52 : i32 to index
        %get3A_2573 = arith.index_cast %get3A_2571 : i32 to index
        %get3A_2574 = arith.index_cast %scan3A_2556 : i32 to index
        %get3A_2575 = arith.constant 8 : index
        %get3A_2576 = tpu.vector_load %arg4[%get3A_2572, %get3A_2573, %get3A_2574, %get3A_2575] {strides = array<i32>} : memref<2x16x24x24xf32, #tpu.memory_space<vmem>>, vector<16xf32>,
        %jit3A_2577 = arith.constant -3.000000e+38 : f32
        %broadcast_in_dim3A_2578 = vector.broadcast %jit3A_2577 : f32 to vector<16xf32>
        %select_n3A_2579 = arith.select %ge3A_2, %get3A_2576, %broadcast_in_dim3A_2578 : vector<16xi1>, vector<16xf32>
        %jit3A_2580 = arith.constant 3.000000e+38 : f32
        %broadcast_in_dim3A_2581 = vector.broadcast %jit3A_2580 : f32 to vector<16xf32>
        %select_n3A_2582 = arith.select %ge3A_2, %get3A_2576, %broadcast_in_dim3A_2581 : vector<16xi1>, vector<16xf32>
        %max3A_2583 = arith.maximumf %scan3A_2557, %get3A_2570 : vector<16xf32>
        %max3A_2584 = arith.maximumf %scan3A_2558, %select_n3A_2579 : vector<16xf32>
        %min3A_2585 = arith.minimumf %scan3A_2561, %get3A_2570 : vector<16xf32>
        %min3A_2586 = arith.minimumf %scan3A_2562, %select_n3A_2582 : vector<16xf32>
        %get3A_2587 = arith.constant 5 : i32
        %get3A_2588 = arith.index_cast %and3A_52 : i32 to index
        %get3A_2589 = arith.index_cast %get3A_2587 : i32 to index
        %get3A_2590 = arith.index_cast %scan3A_2556 : i32 to index
        %get3A_2591 = arith.constant 0 : index
        %get3A_2592 = tpu.vector_load %arg4[%get3A_2588, %get3A_2589, %get3A_2590, %get3A_2591] {strides = array<i32>} : memref<2x16x24x24xf32, #tpu.memory_space<vmem>>, vector<16xf32>,
        %get3A_2593 = arith.constant 5 : i32
        %get3A_2594 = arith.index_cast %and3A_52 : i32 to index
        %get3A_2595 = arith.index_cast %get3A_2593 : i32 to index
        %get3A_2596 = arith.index_cast %scan3A_2556 : i32 to index
        %get3A_2597 = arith.constant 8 : index
        %get3A_2598 = tpu.vector_load %arg4[%get3A_2594, %get3A_2595, %get3A_2596, %get3A_2597] {strides = array<i32>} : memref<2x16x24x24xf32, #tpu.memory_space<vmem>>, vector<16xf32>,
        %jit3A_2599 = arith.constant -3.000000e+38 : f32
        %broadcast_in_dim3A_2600 = vector.broadcast %jit3A_2599 : f32 to vector<16xf32>
        %select_n3A_2601 = arith.select %ge3A_2, %get3A_2598, %broadcast_in_dim3A_2600 : vector<16xi1>, vector<16xf32>
        %jit3A_2602 = arith.constant 3.000000e+38 : f32
        %broadcast_in_dim3A_2603 = vector.broadcast %jit3A_2602 : f32 to vector<16xf32>
        %select_n3A_2604 = arith.select %ge3A_2, %get3A_2598, %broadcast_in_dim3A_2603 : vector<16xi1>, vector<16xf32>
        %max3A_2605 = arith.maximumf %scan3A_2559, %get3A_2592 : vector<16xf32>
        %max3A_2606 = arith.maximumf %scan3A_2560, %select_n3A_2601 : vector<16xf32>
        %min3A_2607 = arith.minimumf %scan3A_2563, %get3A_2592 : vector<16xf32>
        %min3A_2608 = arith.minimumf %scan3A_2564, %select_n3A_2604 : vector<16xf32>
        %get3A_2609 = arith.constant 6 : i32
        %get3A_2610 = arith.index_cast %and3A_52 : i32 to index
        %get3A_2611 = arith.index_cast %get3A_2609 : i32 to index
        %get3A_2612 = arith.index_cast %scan3A_2556 : i32 to index
        %get3A_2613 = arith.constant 0 : index
        %get3A_2614 = tpu.vector_load %arg4[%get3A_2610, %get3A_2611, %get3A_2612, %get3A_2613] {strides = array<i32>} : memref<2x16x24x24xf32, #tpu.memory_space<vmem>>, vector<16xf32>,
        %get3A_2615 = arith.constant 6 : i32
        %get3A_2616 = arith.index_cast %and3A_52 : i32 to index
        %get3A_2617 = arith.index_cast %get3A_2615 : i32 to index
        %get3A_2618 = arith.index_cast %scan3A_2556 : i32 to index
        %get3A_2619 = arith.constant 8 : index
        %get3A_2620 = tpu.vector_load %arg4[%get3A_2616, %get3A_2617, %get3A_2618, %get3A_2619] {strides = array<i32>} : memref<2x16x24x24xf32, #tpu.memory_space<vmem>>, vector<16xf32>,
        %jit3A_2621 = arith.constant -3.000000e+38 : f32
        %broadcast_in_dim3A_2622 = vector.broadcast %jit3A_2621 : f32 to vector<16xf32>
        %select_n3A_2623 = arith.select %ge3A_2, %get3A_2620, %broadcast_in_dim3A_2622 : vector<16xi1>, vector<16xf32>
        %jit3A_2624 = arith.constant 3.000000e+38 : f32
        %broadcast_in_dim3A_2625 = vector.broadcast %jit3A_2624 : f32 to vector<16xf32>
        %select_n3A_2626 = arith.select %ge3A_2, %get3A_2620, %broadcast_in_dim3A_2625 : vector<16xi1>, vector<16xf32>
        %max3A_2627 = arith.maximumf %max3A_2583, %get3A_2614 : vector<16xf32>
        %max3A_2628 = arith.maximumf %max3A_2584, %select_n3A_2623 : vector<16xf32>
        %min3A_2629 = arith.minimumf %min3A_2585, %get3A_2614 : vector<16xf32>
        %min3A_2630 = arith.minimumf %min3A_2586, %select_n3A_2626 : vector<16xf32>
        %get3A_2631 = arith.constant 7 : i32
        %get3A_2632 = arith.index_cast %and3A_52 : i32 to index
        %get3A_2633 = arith.index_cast %get3A_2631 : i32 to index
        %get3A_2634 = arith.index_cast %scan3A_2556 : i32 to index
        %get3A_2635 = arith.constant 0 : index
        %get3A_2636 = tpu.vector_load %arg4[%get3A_2632, %get3A_2633, %get3A_2634, %get3A_2635] {strides = array<i32>} : memref<2x16x24x24xf32, #tpu.memory_space<vmem>>, vector<16xf32>,
        %get3A_2637 = arith.constant 7 : i32
        %get3A_2638 = arith.index_cast %and3A_52 : i32 to index
        %get3A_2639 = arith.index_cast %get3A_2637 : i32 to index
        %get3A_2640 = arith.index_cast %scan3A_2556 : i32 to index
        %get3A_2641 = arith.constant 8 : index
        %get3A_2642 = tpu.vector_load %arg4[%get3A_2638, %get3A_2639, %get3A_2640, %get3A_2641] {strides = array<i32>} : memref<2x16x24x24xf32, #tpu.memory_space<vmem>>, vector<16xf32>,
        %jit3A_2643 = arith.constant -3.000000e+38 : f32
        %broadcast_in_dim3A_2644 = vector.broadcast %jit3A_2643 : f32 to vector<16xf32>
        %select_n3A_2645 = arith.select %ge3A_2, %get3A_2642, %broadcast_in_dim3A_2644 : vector<16xi1>, vector<16xf32>
        %jit3A_2646 = arith.constant 3.000000e+38 : f32
        %broadcast_in_dim3A_2647 = vector.broadcast %jit3A_2646 : f32 to vector<16xf32>
        %select_n3A_2648 = arith.select %ge3A_2, %get3A_2642, %broadcast_in_dim3A_2647 : vector<16xi1>, vector<16xf32>
        %max3A_2649 = arith.maximumf %max3A_2605, %get3A_2636 : vector<16xf32>
        %max3A_2650 = arith.maximumf %max3A_2606, %select_n3A_2645 : vector<16xf32>
        %min3A_2651 = arith.minimumf %min3A_2607, %get3A_2636 : vector<16xf32>
        %min3A_2652 = arith.minimumf %min3A_2608, %select_n3A_2648 : vector<16xf32>
        scf.yield %max3A_2627, %max3A_2628, %max3A_2649, %max3A_2650, %min3A_2629, %min3A_2630, %min3A_2651, %min3A_2652 : vector<16xf32>, vector<16xf32>, vector<16xf32>, vector<16xf32>, vector<16xf32>, vector<16xf32>, vector<16xf32>, vector<16xf32>
      }
      %scan3A_277 = arith.constant 24 : i32
      %masked_sort3A_278 = arith.constant dense<true> : vector<16xi1>
      %masked_sort3A_279, %masked_sort3A_280, %masked_sort3A_281 = tpu.sort %scan3A_276#0, %scan3A_276#0 masked %masked_sort3A_278 {descending = true} : (vector<16xf32>, vector<16xf32>, vector<16xi1>) -> (vector<16xi1>, vector<16xf32>, vector<16xf32>)
      %masked_sort3A_282 = arith.constant dense<true> : vector<16xi1>
      %masked_sort3A_283, %masked_sort3A_284, %masked_sort3A_285 = tpu.sort %scan3A_276#1, %scan3A_276#1 masked %masked_sort3A_282 {descending = true} : (vector<16xf32>, vector<16xf32>, vector<16xi1>) -> (vector<16xi1>, vector<16xf32>, vector<16xf32>)
      %masked_sort3A_286 = arith.constant dense<true> : vector<16xi1>
      %masked_sort3A_287, %masked_sort3A_288, %masked_sort3A_289 = tpu.sort %scan3A_276#2, %scan3A_276#2 masked %masked_sort3A_286 {descending = true} : (vector<16xf32>, vector<16xf32>, vector<16xi1>) -> (vector<16xi1>, vector<16xf32>, vector<16xf32>)
      %masked_sort3A_290 = arith.constant dense<true> : vector<16xi1>
      %masked_sort3A_291, %masked_sort3A_292, %masked_sort3A_293 = tpu.sort %scan3A_276#3, %scan3A_276#3 masked %masked_sort3A_290 {descending = true} : (vector<16xf32>, vector<16xf32>, vector<16xi1>) -> (vector<16xi1>, vector<16xf32>, vector<16xf32>)
      %rev3A_294 = arith.constant 15 : i32
      %rev3A_295 = vector.broadcast %rev3A_294 : i32 to vector<16xi32>
      %rev3A_296 = tpu.iota {dimensions = array<i32: 0>} : vector<16xi32>
      %rev3A_297 = arith.subi %rev3A_295, %rev3A_296 : vector<16xi32>
      %rev3A_298 = tpu.dynamic_gather %masked_sort3A_284[%rev3A_297] in [0] : vector<16xf32>, vector<16xi32> -> vector<16xf32>
      %max3A_299 = arith.maximumf %masked_sort3A_280, %rev3A_298 : vector<16xf32>
      %min3A_300 = arith.minimumf %masked_sort3A_280, %rev3A_298 : vector<16xf32>
      %masked_sort3A_301 = arith.constant dense<true> : vector<16xi1>
      %masked_sort3A_302, %masked_sort3A_303, %masked_sort3A_304 = tpu.sort %max3A_299, %max3A_299 masked %masked_sort3A_301 {descending = true} : (vector<16xf32>, vector<16xf32>, vector<16xi1>) -> (vector<16xi1>, vector<16xf32>, vector<16xf32>)
      %masked_sort3A_305 = arith.constant dense<true> : vector<16xi1>
      %masked_sort3A_306, %masked_sort3A_307, %masked_sort3A_308 = tpu.sort %min3A_300, %min3A_300 masked %masked_sort3A_305 {descending = true} : (vector<16xf32>, vector<16xf32>, vector<16xi1>) -> (vector<16xi1>, vector<16xf32>, vector<16xf32>)
      %rev3A_309 = arith.constant 15 : i32
      %rev3A_310 = vector.broadcast %rev3A_309 : i32 to vector<16xi32>
      %rev3A_311 = tpu.iota {dimensions = array<i32: 0>} : vector<16xi32>
      %rev3A_312 = arith.subi %rev3A_310, %rev3A_311 : vector<16xi32>
      %rev3A_313 = tpu.dynamic_gather %masked_sort3A_288[%rev3A_312] in [0] : vector<16xf32>, vector<16xi32> -> vector<16xf32>
      %max3A_314 = arith.maximumf %masked_sort3A_307, %rev3A_313 : vector<16xf32>
      %min3A_315 = arith.minimumf %masked_sort3A_307, %rev3A_313 : vector<16xf32>
      %masked_sort3A_316 = arith.constant dense<true> : vector<16xi1>
      %masked_sort3A_317, %masked_sort3A_318, %masked_sort3A_319 = tpu.sort %max3A_314, %max3A_314 masked %masked_sort3A_316 {descending = true} : (vector<16xf32>, vector<16xf32>, vector<16xi1>) -> (vector<16xi1>, vector<16xf32>, vector<16xf32>)
      %rev3A_320 = arith.constant 15 : i32
      %rev3A_321 = vector.broadcast %rev3A_320 : i32 to vector<16xi32>
      %rev3A_322 = tpu.iota {dimensions = array<i32: 0>} : vector<16xi32>
      %rev3A_323 = arith.subi %rev3A_321, %rev3A_322 : vector<16xi32>
      %rev3A_324 = tpu.dynamic_gather %masked_sort3A_318[%rev3A_323] in [0] : vector<16xf32>, vector<16xi32> -> vector<16xf32>
      %max3A_325 = arith.maximumf %masked_sort3A_303, %rev3A_324 : vector<16xf32>
      %min3A_326 = arith.minimumf %masked_sort3A_303, %rev3A_324 : vector<16xf32>
      %masked_sort3A_327 = arith.constant dense<true> : vector<16xi1>
      %masked_sort3A_328, %masked_sort3A_329, %masked_sort3A_330 = tpu.sort %max3A_325, %max3A_325 masked %masked_sort3A_327 {descending = true} : (vector<16xf32>, vector<16xf32>, vector<16xi1>) -> (vector<16xi1>, vector<16xf32>, vector<16xf32>)
      %masked_sort3A_331 = arith.constant dense<true> : vector<16xi1>
      %masked_sort3A_332, %masked_sort3A_333, %masked_sort3A_334 = tpu.sort %min3A_326, %min3A_326 masked %masked_sort3A_331 {descending = true} : (vector<16xf32>, vector<16xf32>, vector<16xi1>) -> (vector<16xi1>, vector<16xf32>, vector<16xf32>)
      %rev3A_335 = arith.constant 15 : i32
      %rev3A_336 = vector.broadcast %rev3A_335 : i32 to vector<16xi32>
      %rev3A_337 = tpu.iota {dimensions = array<i32: 0>} : vector<16xi32>
      %rev3A_338 = arith.subi %rev3A_336, %rev3A_337 : vector<16xi32>
      %rev3A_339 = tpu.dynamic_gather %masked_sort3A_292[%rev3A_338] in [0] : vector<16xf32>, vector<16xi32> -> vector<16xf32>
      %max3A_340 = arith.maximumf %masked_sort3A_333, %rev3A_339 : vector<16xf32>
      %min3A_341 = arith.minimumf %masked_sort3A_333, %rev3A_339 : vector<16xf32>
      %masked_sort3A_342 = arith.constant dense<true> : vector<16xi1>
      %masked_sort3A_343, %masked_sort3A_344, %masked_sort3A_345 = tpu.sort %max3A_340, %max3A_340 masked %masked_sort3A_342 {descending = true} : (vector<16xf32>, vector<16xf32>, vector<16xi1>) -> (vector<16xi1>, vector<16xf32>, vector<16xf32>)
      %rev3A_346 = arith.constant 15 : i32
      %rev3A_347 = vector.broadcast %rev3A_346 : i32 to vector<16xi32>
      %rev3A_348 = tpu.iota {dimensions = array<i32: 0>} : vector<16xi32>
      %rev3A_349 = arith.subi %rev3A_347, %rev3A_348 : vector<16xi32>
      %rev3A_350 = tpu.dynamic_gather %masked_sort3A_344[%rev3A_349] in [0] : vector<16xf32>, vector<16xi32> -> vector<16xf32>
      %max3A_351 = arith.maximumf %masked_sort3A_329, %rev3A_350 : vector<16xf32>
      %min3A_352 = arith.minimumf %masked_sort3A_329, %rev3A_350 : vector<16xf32>
      %masked_sort3A_353 = arith.constant dense<true> : vector<16xi1>
      %masked_sort3A_354, %masked_sort3A_355, %masked_sort3A_356 = tpu.sort %max3A_351, %max3A_351 masked %masked_sort3A_353 {descending = true} : (vector<16xf32>, vector<16xf32>, vector<16xi1>) -> (vector<16xi1>, vector<16xf32>, vector<16xf32>)
      %masked_sort3A_357 = arith.constant dense<true> : vector<16xi1>
      %masked_sort3A_358, %masked_sort3A_359, %masked_sort3A_360 = tpu.sort %min3A_352, %min3A_352 masked %masked_sort3A_357 {descending = true} : (vector<16xf32>, vector<16xf32>, vector<16xi1>) -> (vector<16xi1>, vector<16xf32>, vector<16xf32>)
      %eq3A_361 = arith.constant 3 : i32
      %eq3A_362 = vector.broadcast %eq3A_361 : i32 to vector<16xi32>
      %eq3A_363 = arith.cmpi eq, %iota3A, %eq3A_362 : vector<16xi32>
      %jit3A_364 = arith.constant -3.000000e+38 : f32
      %broadcast_in_dim3A_365 = vector.broadcast %jit3A_364 : f32 to vector<16xf32>
      %select_n3A_366 = arith.select %eq3A_363, %masked_sort3A_359, %broadcast_in_dim3A_365 : vector<16xi1>, vector<16xf32>
      %reduce_max3A_367 = arith.constant true
      %reduce_max3A_368 = vector.broadcast %reduce_max3A_367 : i1 to vector<16xi1>
      %reduce_max3A_369 = tpu.scan <max>, %select_n3A_366 masked %reduce_max3A_368 : vector<16xf32>, vector<16xi1> -> vector<16xf32>
      %reduce_max3A_370 = vector.extract %reduce_max3A_369[15] : f32 from vector<16xf32>
      %neg3A_371 = arith.constant 0.000000e+00 : f32
      %neg3A_372 = vector.broadcast %neg3A_371 : f32 to vector<16xf32>
      %neg3A_373 = arith.subf %neg3A_372, %scan3A_276#4 : vector<16xf32>
      %neg3A_374 = arith.constant 0.000000e+00 : f32
      %neg3A_375 = vector.broadcast %neg3A_374 : f32 to vector<16xf32>
      %neg3A_376 = arith.subf %neg3A_375, %scan3A_276#5 : vector<16xf32>
      %neg3A_377 = arith.constant 0.000000e+00 : f32
      %neg3A_378 = vector.broadcast %neg3A_377 : f32 to vector<16xf32>
      %neg3A_379 = arith.subf %neg3A_378, %scan3A_276#6 : vector<16xf32>
      %neg3A_380 = arith.constant 0.000000e+00 : f32
      %neg3A_381 = vector.broadcast %neg3A_380 : f32 to vector<16xf32>
      %neg3A_382 = arith.subf %neg3A_381, %scan3A_276#7 : vector<16xf32>
      %masked_sort3A_383 = arith.constant dense<true> : vector<16xi1>
      %masked_sort3A_384, %masked_sort3A_385, %masked_sort3A_386 = tpu.sort %neg3A_373, %neg3A_373 masked %masked_sort3A_383 {descending = true} : (vector<16xf32>, vector<16xf32>, vector<16xi1>) -> (vector<16xi1>, vector<16xf32>, vector<16xf32>)
      %masked_sort3A_387 = arith.constant dense<true> : vector<16xi1>
      %masked_sort3A_388, %masked_sort3A_389, %masked_sort3A_390 = tpu.sort %neg3A_376, %neg3A_376 masked %masked_sort3A_387 {descending = true} : (vector<16xf32>, vector<16xf32>, vector<16xi1>) -> (vector<16xi1>, vector<16xf32>, vector<16xf32>)
      %masked_sort3A_391 = arith.constant dense<true> : vector<16xi1>
      %masked_sort3A_392, %masked_sort3A_393, %masked_sort3A_394 = tpu.sort %neg3A_379, %neg3A_379 masked %masked_sort3A_391 {descending = true} : (vector<16xf32>, vector<16xf32>, vector<16xi1>) -> (vector<16xi1>, vector<16xf32>, vector<16xf32>)
      %masked_sort3A_395 = arith.constant dense<true> : vector<16xi1>
      %masked_sort3A_396, %masked_sort3A_397, %masked_sort3A_398 = tpu.sort %neg3A_382, %neg3A_382 masked %masked_sort3A_395 {descending = true} : (vector<16xf32>, vector<16xf32>, vector<16xi1>) -> (vector<16xi1>, vector<16xf32>, vector<16xf32>)
      %rev3A_399 = arith.constant 15 : i32
      %rev3A_400 = vector.broadcast %rev3A_399 : i32 to vector<16xi32>
      %rev3A_401 = tpu.iota {dimensions = array<i32: 0>} : vector<16xi32>
      %rev3A_402 = arith.subi %rev3A_400, %rev3A_401 : vector<16xi32>
      %rev3A_403 = tpu.dynamic_gather %masked_sort3A_389[%rev3A_402] in [0] : vector<16xf32>, vector<16xi32> -> vector<16xf32>
      %max3A_404 = arith.maximumf %masked_sort3A_385, %rev3A_403 : vector<16xf32>
      %min3A_405 = arith.minimumf %masked_sort3A_385, %rev3A_403 : vector<16xf32>
      %masked_sort3A_406 = arith.constant dense<true> : vector<16xi1>
      %masked_sort3A_407, %masked_sort3A_408, %masked_sort3A_409 = tpu.sort %max3A_404, %max3A_404 masked %masked_sort3A_406 {descending = true} : (vector<16xf32>, vector<16xf32>, vector<16xi1>) -> (vector<16xi1>, vector<16xf32>, vector<16xf32>)
      %masked_sort3A_410 = arith.constant dense<true> : vector<16xi1>
      %masked_sort3A_411, %masked_sort3A_412, %masked_sort3A_413 = tpu.sort %min3A_405, %min3A_405 masked %masked_sort3A_410 {descending = true} : (vector<16xf32>, vector<16xf32>, vector<16xi1>) -> (vector<16xi1>, vector<16xf32>, vector<16xf32>)
      %rev3A_414 = arith.constant 15 : i32
      %rev3A_415 = vector.broadcast %rev3A_414 : i32 to vector<16xi32>
      %rev3A_416 = tpu.iota {dimensions = array<i32: 0>} : vector<16xi32>
      %rev3A_417 = arith.subi %rev3A_415, %rev3A_416 : vector<16xi32>
      %rev3A_418 = tpu.dynamic_gather %masked_sort3A_393[%rev3A_417] in [0] : vector<16xf32>, vector<16xi32> -> vector<16xf32>
      %max3A_419 = arith.maximumf %masked_sort3A_412, %rev3A_418 : vector<16xf32>
      %min3A_420 = arith.minimumf %masked_sort3A_412, %rev3A_418 : vector<16xf32>
      %masked_sort3A_421 = arith.constant dense<true> : vector<16xi1>
      %masked_sort3A_422, %masked_sort3A_423, %masked_sort3A_424 = tpu.sort %max3A_419, %max3A_419 masked %masked_sort3A_421 {descending = true} : (vector<16xf32>, vector<16xf32>, vector<16xi1>) -> (vector<16xi1>, vector<16xf32>, vector<16xf32>)
      %rev3A_425 = arith.constant 15 : i32
      %rev3A_426 = vector.broadcast %rev3A_425 : i32 to vector<16xi32>
      %rev3A_427 = tpu.iota {dimensions = array<i32: 0>} : vector<16xi32>
      %rev3A_428 = arith.subi %rev3A_426, %rev3A_427 : vector<16xi32>
      %rev3A_429 = tpu.dynamic_gather %masked_sort3A_423[%rev3A_428] in [0] : vector<16xf32>, vector<16xi32> -> vector<16xf32>
      %max3A_430 = arith.maximumf %masked_sort3A_408, %rev3A_429 : vector<16xf32>
      %min3A_431 = arith.minimumf %masked_sort3A_408, %rev3A_429 : vector<16xf32>
      %masked_sort3A_432 = arith.constant dense<true> : vector<16xi1>
      %masked_sort3A_433, %masked_sort3A_434, %masked_sort3A_435 = tpu.sort %max3A_430, %max3A_430 masked %masked_sort3A_432 {descending = true} : (vector<16xf32>, vector<16xf32>, vector<16xi1>) -> (vector<16xi1>, vector<16xf32>, vector<16xf32>)
      %masked_sort3A_436 = arith.constant dense<true> : vector<16xi1>
      %masked_sort3A_437, %masked_sort3A_438, %masked_sort3A_439 = tpu.sort %min3A_431, %min3A_431 masked %masked_sort3A_436 {descending = true} : (vector<16xf32>, vector<16xf32>, vector<16xi1>) -> (vector<16xi1>, vector<16xf32>, vector<16xf32>)
      %rev3A_440 = arith.constant 15 : i32
      %rev3A_441 = vector.broadcast %rev3A_440 : i32 to vector<16xi32>
      %rev3A_442 = tpu.iota {dimensions = array<i32: 0>} : vector<16xi32>
      %rev3A_443 = arith.subi %rev3A_441, %rev3A_442 : vector<16xi32>
      %rev3A_444 = tpu.dynamic_gather %masked_sort3A_397[%rev3A_443] in [0] : vector<16xf32>, vector<16xi32> -> vector<16xf32>
      %max3A_445 = arith.maximumf %masked_sort3A_438, %rev3A_444 : vector<16xf32>
      %min3A_446 = arith.minimumf %masked_sort3A_438, %rev3A_444 : vector<16xf32>
      %masked_sort3A_447 = arith.constant dense<true> : vector<16xi1>
      %masked_sort3A_448, %masked_sort3A_449, %masked_sort3A_450 = tpu.sort %max3A_445, %max3A_445 masked %masked_sort3A_447 {descending = true} : (vector<16xf32>, vector<16xf32>, vector<16xi1>) -> (vector<16xi1>, vector<16xf32>, vector<16xf32>)
      %rev3A_451 = arith.constant 15 : i32
      %rev3A_452 = vector.broadcast %rev3A_451 : i32 to vector<16xi32>
      %rev3A_453 = tpu.iota {dimensions = array<i32: 0>} : vector<16xi32>
      %rev3A_454 = arith.subi %rev3A_452, %rev3A_453 : vector<16xi32>
      %rev3A_455 = tpu.dynamic_gather %masked_sort3A_449[%rev3A_454] in [0] : vector<16xf32>, vector<16xi32> -> vector<16xf32>
      %max3A_456 = arith.maximumf %masked_sort3A_434, %rev3A_455 : vector<16xf32>
      %min3A_457 = arith.minimumf %masked_sort3A_434, %rev3A_455 : vector<16xf32>
      %masked_sort3A_458 = arith.constant dense<true> : vector<16xi1>
      %masked_sort3A_459, %masked_sort3A_460, %masked_sort3A_461 = tpu.sort %max3A_456, %max3A_456 masked %masked_sort3A_458 {descending = true} : (vector<16xf32>, vector<16xf32>, vector<16xi1>) -> (vector<16xi1>, vector<16xf32>, vector<16xf32>)
      %masked_sort3A_462 = arith.constant dense<true> : vector<16xi1>
      %masked_sort3A_463, %masked_sort3A_464, %masked_sort3A_465 = tpu.sort %min3A_457, %min3A_457 masked %masked_sort3A_462 {descending = true} : (vector<16xf32>, vector<16xf32>, vector<16xi1>) -> (vector<16xi1>, vector<16xf32>, vector<16xf32>)
      %eq3A_466 = arith.constant 3 : i32
      %eq3A_467 = vector.broadcast %eq3A_466 : i32 to vector<16xi32>
      %eq3A_468 = arith.cmpi eq, %iota3A, %eq3A_467 : vector<16xi32>
      %jit3A_469 = arith.constant -3.000000e+38 : f32
      %broadcast_in_dim3A_470 = vector.broadcast %jit3A_469 : f32 to vector<16xf32>
      %select_n3A_471 = arith.select %eq3A_468, %masked_sort3A_464, %broadcast_in_dim3A_470 : vector<16xi1>, vector<16xf32>
      %reduce_max3A_472 = arith.constant true
      %reduce_max3A_473 = vector.broadcast %reduce_max3A_472 : i1 to vector<16xi1>
      %reduce_max3A_474 = tpu.scan <max>, %select_n3A_471 masked %reduce_max3A_473 : vector<16xf32>, vector<16xi1> -> vector<16xf32>
      %reduce_max3A_475 = vector.extract %reduce_max3A_474[15] : f32 from vector<16xf32>
      %neg3A_476 = arith.constant 0.000000e+00 : f32
      %neg3A_477 = arith.subf %neg3A_476, %reduce_max3A_475 : f32
      %broadcast_in_dim3A_478 = vector.broadcast %reduce_max3A_370 : f32 to vector<16xf32>
      %broadcast_in_dim3A_479 = vector.broadcast %neg3A_477 : f32 to vector<16xf32>
      %broadcast_in_dim3A_480 = arith.constant -3.000000e+38 : f32
      %broadcast_in_dim3A_481 = vector.broadcast %broadcast_in_dim3A_480 : f32 to vector<16xf32>
      %broadcast_in_dim3A_482 = arith.constant 3.000000e+38 : f32
      %broadcast_in_dim3A_483 = vector.broadcast %broadcast_in_dim3A_482 : f32 to vector<16xf32>
      %scan3A_484 = arith.constant 0 : i32
      %scan3A_485 = arith.constant 24 : i32
      %scan3A_486 = arith.addi %scan3A_484, %scan3A_485 : i32
      %scan3A_487 = arith.constant 1 : i32
      %scan3A_488:8 = scf.for %scan3A_2556 = %scan3A_484 to %scan3A_486 step %scan3A_487 iter_args(%scan3A_2557 = %broadcast_in_dim3A_481, %scan3A_2558 = %broadcast_in_dim3A_481, %scan3A_2559 = %broadcast_in_dim3A_481, %scan3A_2560 = %broadcast_in_dim3A_481, %scan3A_2561 = %broadcast_in_dim3A_483, %scan3A_2562 = %broadcast_in_dim3A_483, %scan3A_2563 = %broadcast_in_dim3A_483, %scan3A_2564 = %broadcast_in_dim3A_483) -> (vector<16xf32>, vector<16xf32>, vector<16xf32>, vector<16xf32>, vector<16xf32>, vector<16xf32>, vector<16xf32>, vector<16xf32>)  : i32 {
        %get3A_2565 = arith.constant 8 : i32
        %get3A_2566 = arith.index_cast %and3A_52 : i32 to index
        %get3A_2567 = arith.index_cast %get3A_2565 : i32 to index
        %get3A_2568 = arith.index_cast %scan3A_2556 : i32 to index
        %get3A_2569 = arith.constant 0 : index
        %get3A_2570 = tpu.vector_load %arg4[%get3A_2566, %get3A_2567, %get3A_2568, %get3A_2569] {strides = array<i32>} : memref<2x16x24x24xf32, #tpu.memory_space<vmem>>, vector<16xf32>,
        %get3A_2571 = arith.constant 8 : i32
        %get3A_2572 = arith.index_cast %and3A_52 : i32 to index
        %get3A_2573 = arith.index_cast %get3A_2571 : i32 to index
        %get3A_2574 = arith.index_cast %scan3A_2556 : i32 to index
        %get3A_2575 = arith.constant 8 : index
        %get3A_2576 = tpu.vector_load %arg4[%get3A_2572, %get3A_2573, %get3A_2574, %get3A_2575] {strides = array<i32>} : memref<2x16x24x24xf32, #tpu.memory_space<vmem>>, vector<16xf32>,
        %jit3A_2577 = arith.constant -3.000000e+38 : f32
        %broadcast_in_dim3A_2578 = vector.broadcast %jit3A_2577 : f32 to vector<16xf32>
        %select_n3A_2579 = arith.select %ge3A_2, %get3A_2576, %broadcast_in_dim3A_2578 : vector<16xi1>, vector<16xf32>
        %jit3A_2580 = arith.constant 3.000000e+38 : f32
        %broadcast_in_dim3A_2581 = vector.broadcast %jit3A_2580 : f32 to vector<16xf32>
        %select_n3A_2582 = arith.select %ge3A_2, %get3A_2576, %broadcast_in_dim3A_2581 : vector<16xi1>, vector<16xf32>
        %max3A_2583 = arith.maximumf %scan3A_2557, %get3A_2570 : vector<16xf32>
        %max3A_2584 = arith.maximumf %scan3A_2558, %select_n3A_2579 : vector<16xf32>
        %min3A_2585 = arith.minimumf %scan3A_2561, %get3A_2570 : vector<16xf32>
        %min3A_2586 = arith.minimumf %scan3A_2562, %select_n3A_2582 : vector<16xf32>
        %get3A_2587 = arith.constant 9 : i32
        %get3A_2588 = arith.index_cast %and3A_52 : i32 to index
        %get3A_2589 = arith.index_cast %get3A_2587 : i32 to index
        %get3A_2590 = arith.index_cast %scan3A_2556 : i32 to index
        %get3A_2591 = arith.constant 0 : index
        %get3A_2592 = tpu.vector_load %arg4[%get3A_2588, %get3A_2589, %get3A_2590, %get3A_2591] {strides = array<i32>} : memref<2x16x24x24xf32, #tpu.memory_space<vmem>>, vector<16xf32>,
        %get3A_2593 = arith.constant 9 : i32
        %get3A_2594 = arith.index_cast %and3A_52 : i32 to index
        %get3A_2595 = arith.index_cast %get3A_2593 : i32 to index
        %get3A_2596 = arith.index_cast %scan3A_2556 : i32 to index
        %get3A_2597 = arith.constant 8 : index
        %get3A_2598 = tpu.vector_load %arg4[%get3A_2594, %get3A_2595, %get3A_2596, %get3A_2597] {strides = array<i32>} : memref<2x16x24x24xf32, #tpu.memory_space<vmem>>, vector<16xf32>,
        %jit3A_2599 = arith.constant -3.000000e+38 : f32
        %broadcast_in_dim3A_2600 = vector.broadcast %jit3A_2599 : f32 to vector<16xf32>
        %select_n3A_2601 = arith.select %ge3A_2, %get3A_2598, %broadcast_in_dim3A_2600 : vector<16xi1>, vector<16xf32>
        %jit3A_2602 = arith.constant 3.000000e+38 : f32
        %broadcast_in_dim3A_2603 = vector.broadcast %jit3A_2602 : f32 to vector<16xf32>
        %select_n3A_2604 = arith.select %ge3A_2, %get3A_2598, %broadcast_in_dim3A_2603 : vector<16xi1>, vector<16xf32>
        %max3A_2605 = arith.maximumf %scan3A_2559, %get3A_2592 : vector<16xf32>
        %max3A_2606 = arith.maximumf %scan3A_2560, %select_n3A_2601 : vector<16xf32>
        %min3A_2607 = arith.minimumf %scan3A_2563, %get3A_2592 : vector<16xf32>
        %min3A_2608 = arith.minimumf %scan3A_2564, %select_n3A_2604 : vector<16xf32>
        %get3A_2609 = arith.constant 10 : i32
        %get3A_2610 = arith.index_cast %and3A_52 : i32 to index
        %get3A_2611 = arith.index_cast %get3A_2609 : i32 to index
        %get3A_2612 = arith.index_cast %scan3A_2556 : i32 to index
        %get3A_2613 = arith.constant 0 : index
        %get3A_2614 = tpu.vector_load %arg4[%get3A_2610, %get3A_2611, %get3A_2612, %get3A_2613] {strides = array<i32>} : memref<2x16x24x24xf32, #tpu.memory_space<vmem>>, vector<16xf32>,
        %get3A_2615 = arith.constant 10 : i32
        %get3A_2616 = arith.index_cast %and3A_52 : i32 to index
        %get3A_2617 = arith.index_cast %get3A_2615 : i32 to index
        %get3A_2618 = arith.index_cast %scan3A_2556 : i32 to index
        %get3A_2619 = arith.constant 8 : index
        %get3A_2620 = tpu.vector_load %arg4[%get3A_2616, %get3A_2617, %get3A_2618, %get3A_2619] {strides = array<i32>} : memref<2x16x24x24xf32, #tpu.memory_space<vmem>>, vector<16xf32>,
        %jit3A_2621 = arith.constant -3.000000e+38 : f32
        %broadcast_in_dim3A_2622 = vector.broadcast %jit3A_2621 : f32 to vector<16xf32>
        %select_n3A_2623 = arith.select %ge3A_2, %get3A_2620, %broadcast_in_dim3A_2622 : vector<16xi1>, vector<16xf32>
        %jit3A_2624 = arith.constant 3.000000e+38 : f32
        %broadcast_in_dim3A_2625 = vector.broadcast %jit3A_2624 : f32 to vector<16xf32>
        %select_n3A_2626 = arith.select %ge3A_2, %get3A_2620, %broadcast_in_dim3A_2625 : vector<16xi1>, vector<16xf32>
        %max3A_2627 = arith.maximumf %max3A_2583, %get3A_2614 : vector<16xf32>
        %max3A_2628 = arith.maximumf %max3A_2584, %select_n3A_2623 : vector<16xf32>
        %min3A_2629 = arith.minimumf %min3A_2585, %get3A_2614 : vector<16xf32>
        %min3A_2630 = arith.minimumf %min3A_2586, %select_n3A_2626 : vector<16xf32>
        %get3A_2631 = arith.constant 11 : i32
        %get3A_2632 = arith.index_cast %and3A_52 : i32 to index
        %get3A_2633 = arith.index_cast %get3A_2631 : i32 to index
        %get3A_2634 = arith.index_cast %scan3A_2556 : i32 to index
        %get3A_2635 = arith.constant 0 : index
        %get3A_2636 = tpu.vector_load %arg4[%get3A_2632, %get3A_2633, %get3A_2634, %get3A_2635] {strides = array<i32>} : memref<2x16x24x24xf32, #tpu.memory_space<vmem>>, vector<16xf32>,
        %get3A_2637 = arith.constant 11 : i32
        %get3A_2638 = arith.index_cast %and3A_52 : i32 to index
        %get3A_2639 = arith.index_cast %get3A_2637 : i32 to index
        %get3A_2640 = arith.index_cast %scan3A_2556 : i32 to index
        %get3A_2641 = arith.constant 8 : index
        %get3A_2642 = tpu.vector_load %arg4[%get3A_2638, %get3A_2639, %get3A_2640, %get3A_2641] {strides = array<i32>} : memref<2x16x24x24xf32, #tpu.memory_space<vmem>>, vector<16xf32>,
        %jit3A_2643 = arith.constant -3.000000e+38 : f32
        %broadcast_in_dim3A_2644 = vector.broadcast %jit3A_2643 : f32 to vector<16xf32>
        %select_n3A_2645 = arith.select %ge3A_2, %get3A_2642, %broadcast_in_dim3A_2644 : vector<16xi1>, vector<16xf32>
        %jit3A_2646 = arith.constant 3.000000e+38 : f32
        %broadcast_in_dim3A_2647 = vector.broadcast %jit3A_2646 : f32 to vector<16xf32>
        %select_n3A_2648 = arith.select %ge3A_2, %get3A_2642, %broadcast_in_dim3A_2647 : vector<16xi1>, vector<16xf32>
        %max3A_2649 = arith.maximumf %max3A_2605, %get3A_2636 : vector<16xf32>
        %max3A_2650 = arith.maximumf %max3A_2606, %select_n3A_2645 : vector<16xf32>
        %min3A_2651 = arith.minimumf %min3A_2607, %get3A_2636 : vector<16xf32>
        %min3A_2652 = arith.minimumf %min3A_2608, %select_n3A_2648 : vector<16xf32>
        scf.yield %max3A_2627, %max3A_2628, %max3A_2649, %max3A_2650, %min3A_2629, %min3A_2630, %min3A_2651, %min3A_2652 : vector<16xf32>, vector<16xf32>, vector<16xf32>, vector<16xf32>, vector<16xf32>, vector<16xf32>, vector<16xf32>, vector<16xf32>
      }
      %scan3A_489 = arith.constant 24 : i32
      %masked_sort3A_490 = arith.constant dense<true> : vector<16xi1>
      %masked_sort3A_491, %masked_sort3A_492, %masked_sort3A_493 = tpu.sort %scan3A_488#0, %scan3A_488#0 masked %masked_sort3A_490 {descending = true} : (vector<16xf32>, vector<16xf32>, vector<16xi1>) -> (vector<16xi1>, vector<16xf32>, vector<16xf32>)
      %masked_sort3A_494 = arith.constant dense<true> : vector<16xi1>
      %masked_sort3A_495, %masked_sort3A_496, %masked_sort3A_497 = tpu.sort %scan3A_488#1, %scan3A_488#1 masked %masked_sort3A_494 {descending = true} : (vector<16xf32>, vector<16xf32>, vector<16xi1>) -> (vector<16xi1>, vector<16xf32>, vector<16xf32>)
      %masked_sort3A_498 = arith.constant dense<true> : vector<16xi1>
      %masked_sort3A_499, %masked_sort3A_500, %masked_sort3A_501 = tpu.sort %scan3A_488#2, %scan3A_488#2 masked %masked_sort3A_498 {descending = true} : (vector<16xf32>, vector<16xf32>, vector<16xi1>) -> (vector<16xi1>, vector<16xf32>, vector<16xf32>)
      %masked_sort3A_502 = arith.constant dense<true> : vector<16xi1>
      %masked_sort3A_503, %masked_sort3A_504, %masked_sort3A_505 = tpu.sort %scan3A_488#3, %scan3A_488#3 masked %masked_sort3A_502 {descending = true} : (vector<16xf32>, vector<16xf32>, vector<16xi1>) -> (vector<16xi1>, vector<16xf32>, vector<16xf32>)
      %rev3A_506 = arith.constant 15 : i32
      %rev3A_507 = vector.broadcast %rev3A_506 : i32 to vector<16xi32>
      %rev3A_508 = tpu.iota {dimensions = array<i32: 0>} : vector<16xi32>
      %rev3A_509 = arith.subi %rev3A_507, %rev3A_508 : vector<16xi32>
      %rev3A_510 = tpu.dynamic_gather %masked_sort3A_496[%rev3A_509] in [0] : vector<16xf32>, vector<16xi32> -> vector<16xf32>
      %max3A_511 = arith.maximumf %masked_sort3A_492, %rev3A_510 : vector<16xf32>
      %min3A_512 = arith.minimumf %masked_sort3A_492, %rev3A_510 : vector<16xf32>
      %masked_sort3A_513 = arith.constant dense<true> : vector<16xi1>
      %masked_sort3A_514, %masked_sort3A_515, %masked_sort3A_516 = tpu.sort %max3A_511, %max3A_511 masked %masked_sort3A_513 {descending = true} : (vector<16xf32>, vector<16xf32>, vector<16xi1>) -> (vector<16xi1>, vector<16xf32>, vector<16xf32>)
      %masked_sort3A_517 = arith.constant dense<true> : vector<16xi1>
      %masked_sort3A_518, %masked_sort3A_519, %masked_sort3A_520 = tpu.sort %min3A_512, %min3A_512 masked %masked_sort3A_517 {descending = true} : (vector<16xf32>, vector<16xf32>, vector<16xi1>) -> (vector<16xi1>, vector<16xf32>, vector<16xf32>)
      %rev3A_521 = arith.constant 15 : i32
      %rev3A_522 = vector.broadcast %rev3A_521 : i32 to vector<16xi32>
      %rev3A_523 = tpu.iota {dimensions = array<i32: 0>} : vector<16xi32>
      %rev3A_524 = arith.subi %rev3A_522, %rev3A_523 : vector<16xi32>
      %rev3A_525 = tpu.dynamic_gather %masked_sort3A_500[%rev3A_524] in [0] : vector<16xf32>, vector<16xi32> -> vector<16xf32>
      %max3A_526 = arith.maximumf %masked_sort3A_519, %rev3A_525 : vector<16xf32>
      %min3A_527 = arith.minimumf %masked_sort3A_519, %rev3A_525 : vector<16xf32>
      %masked_sort3A_528 = arith.constant dense<true> : vector<16xi1>
      %masked_sort3A_529, %masked_sort3A_530, %masked_sort3A_531 = tpu.sort %max3A_526, %max3A_526 masked %masked_sort3A_528 {descending = true} : (vector<16xf32>, vector<16xf32>, vector<16xi1>) -> (vector<16xi1>, vector<16xf32>, vector<16xf32>)
      %rev3A_532 = arith.constant 15 : i32
      %rev3A_533 = vector.broadcast %rev3A_532 : i32 to vector<16xi32>
      %rev3A_534 = tpu.iota {dimensions = array<i32: 0>} : vector<16xi32>
      %rev3A_535 = arith.subi %rev3A_533, %rev3A_534 : vector<16xi32>
      %rev3A_536 = tpu.dynamic_gather %masked_sort3A_530[%rev3A_535] in [0] : vector<16xf32>, vector<16xi32> -> vector<16xf32>
      %max3A_537 = arith.maximumf %masked_sort3A_515, %rev3A_536 : vector<16xf32>
      %min3A_538 = arith.minimumf %masked_sort3A_515, %rev3A_536 : vector<16xf32>
      %masked_sort3A_539 = arith.constant dense<true> : vector<16xi1>
      %masked_sort3A_540, %masked_sort3A_541, %masked_sort3A_542 = tpu.sort %max3A_537, %max3A_537 masked %masked_sort3A_539 {descending = true} : (vector<16xf32>, vector<16xf32>, vector<16xi1>) -> (vector<16xi1>, vector<16xf32>, vector<16xf32>)
      %masked_sort3A_543 = arith.constant dense<true> : vector<16xi1>
      %masked_sort3A_544, %masked_sort3A_545, %masked_sort3A_546 = tpu.sort %min3A_538, %min3A_538 masked %masked_sort3A_543 {descending = true} : (vector<16xf32>, vector<16xf32>, vector<16xi1>) -> (vector<16xi1>, vector<16xf32>, vector<16xf32>)
      %rev3A_547 = arith.constant 15 : i32
      %rev3A_548 = vector.broadcast %rev3A_547 : i32 to vector<16xi32>
      %rev3A_549 = tpu.iota {dimensions = array<i32: 0>} : vector<16xi32>
      %rev3A_550 = arith.subi %rev3A_548, %rev3A_549 : vector<16xi32>
      %rev3A_551 = tpu.dynamic_gather %masked_sort3A_504[%rev3A_550] in [0] : vector<16xf32>, vector<16xi32> -> vector<16xf32>
      %max3A_552 = arith.maximumf %masked_sort3A_545, %rev3A_551 : vector<16xf32>
      %min3A_553 = arith.minimumf %masked_sort3A_545, %rev3A_551 : vector<16xf32>
      %masked_sort3A_554 = arith.constant dense<true> : vector<16xi1>
      %masked_sort3A_555, %masked_sort3A_556, %masked_sort3A_557 = tpu.sort %max3A_552, %max3A_552 masked %masked_sort3A_554 {descending = true} : (vector<16xf32>, vector<16xf32>, vector<16xi1>) -> (vector<16xi1>, vector<16xf32>, vector<16xf32>)
      %rev3A_558 = arith.constant 15 : i32
      %rev3A_559 = vector.broadcast %rev3A_558 : i32 to vector<16xi32>
      %rev3A_560 = tpu.iota {dimensions = array<i32: 0>} : vector<16xi32>
      %rev3A_561 = arith.subi %rev3A_559, %rev3A_560 : vector<16xi32>
      %rev3A_562 = tpu.dynamic_gather %masked_sort3A_556[%rev3A_561] in [0] : vector<16xf32>, vector<16xi32> -> vector<16xf32>
      %max3A_563 = arith.maximumf %masked_sort3A_541, %rev3A_562 : vector<16xf32>
      %min3A_564 = arith.minimumf %masked_sort3A_541, %rev3A_562 : vector<16xf32>
      %masked_sort3A_565 = arith.constant dense<true> : vector<16xi1>
      %masked_sort3A_566, %masked_sort3A_567, %masked_sort3A_568 = tpu.sort %max3A_563, %max3A_563 masked %masked_sort3A_565 {descending = true} : (vector<16xf32>, vector<16xf32>, vector<16xi1>) -> (vector<16xi1>, vector<16xf32>, vector<16xf32>)
      %masked_sort3A_569 = arith.constant dense<true> : vector<16xi1>
      %masked_sort3A_570, %masked_sort3A_571, %masked_sort3A_572 = tpu.sort %min3A_564, %min3A_564 masked %masked_sort3A_569 {descending = true} : (vector<16xf32>, vector<16xf32>, vector<16xi1>) -> (vector<16xi1>, vector<16xf32>, vector<16xf32>)
      %eq3A_573 = arith.constant 3 : i32
      %eq3A_574 = vector.broadcast %eq3A_573 : i32 to vector<16xi32>
      %eq3A_575 = arith.cmpi eq, %iota3A, %eq3A_574 : vector<16xi32>
      %jit3A_576 = arith.constant -3.000000e+38 : f32
      %broadcast_in_dim3A_577 = vector.broadcast %jit3A_576 : f32 to vector<16xf32>
      %select_n3A_578 = arith.select %eq3A_575, %masked_sort3A_571, %broadcast_in_dim3A_577 : vector<16xi1>, vector<16xf32>
      %reduce_max3A_579 = arith.constant true
      %reduce_max3A_580 = vector.broadcast %reduce_max3A_579 : i1 to vector<16xi1>
      %reduce_max3A_581 = tpu.scan <max>, %select_n3A_578 masked %reduce_max3A_580 : vector<16xf32>, vector<16xi1> -> vector<16xf32>
      %reduce_max3A_582 = vector.extract %reduce_max3A_581[15] : f32 from vector<16xf32>
      %neg3A_583 = arith.constant 0.000000e+00 : f32
      %neg3A_584 = vector.broadcast %neg3A_583 : f32 to vector<16xf32>
      %neg3A_585 = arith.subf %neg3A_584, %scan3A_488#4 : vector<16xf32>
      %neg3A_586 = arith.constant 0.000000e+00 : f32
      %neg3A_587 = vector.broadcast %neg3A_586 : f32 to vector<16xf32>
      %neg3A_588 = arith.subf %neg3A_587, %scan3A_488#5 : vector<16xf32>
      %neg3A_589 = arith.constant 0.000000e+00 : f32
      %neg3A_590 = vector.broadcast %neg3A_589 : f32 to vector<16xf32>
      %neg3A_591 = arith.subf %neg3A_590, %scan3A_488#6 : vector<16xf32>
      %neg3A_592 = arith.constant 0.000000e+00 : f32
      %neg3A_593 = vector.broadcast %neg3A_592 : f32 to vector<16xf32>
      %neg3A_594 = arith.subf %neg3A_593, %scan3A_488#7 : vector<16xf32>
      %masked_sort3A_595 = arith.constant dense<true> : vector<16xi1>
      %masked_sort3A_596, %masked_sort3A_597, %masked_sort3A_598 = tpu.sort %neg3A_585, %neg3A_585 masked %masked_sort3A_595 {descending = true} : (vector<16xf32>, vector<16xf32>, vector<16xi1>) -> (vector<16xi1>, vector<16xf32>, vector<16xf32>)
      %masked_sort3A_599 = arith.constant dense<true> : vector<16xi1>
      %masked_sort3A_600, %masked_sort3A_601, %masked_sort3A_602 = tpu.sort %neg3A_588, %neg3A_588 masked %masked_sort3A_599 {descending = true} : (vector<16xf32>, vector<16xf32>, vector<16xi1>) -> (vector<16xi1>, vector<16xf32>, vector<16xf32>)
      %masked_sort3A_603 = arith.constant dense<true> : vector<16xi1>
      %masked_sort3A_604, %masked_sort3A_605, %masked_sort3A_606 = tpu.sort %neg3A_591, %neg3A_591 masked %masked_sort3A_603 {descending = true} : (vector<16xf32>, vector<16xf32>, vector<16xi1>) -> (vector<16xi1>, vector<16xf32>, vector<16xf32>)
      %masked_sort3A_607 = arith.constant dense<true> : vector<16xi1>
      %masked_sort3A_608, %masked_sort3A_609, %masked_sort3A_610 = tpu.sort %neg3A_594, %neg3A_594 masked %masked_sort3A_607 {descending = true} : (vector<16xf32>, vector<16xf32>, vector<16xi1>) -> (vector<16xi1>, vector<16xf32>, vector<16xf32>)
      %rev3A_611 = arith.constant 15 : i32
      %rev3A_612 = vector.broadcast %rev3A_611 : i32 to vector<16xi32>
      %rev3A_613 = tpu.iota {dimensions = array<i32: 0>} : vector<16xi32>
      %rev3A_614 = arith.subi %rev3A_612, %rev3A_613 : vector<16xi32>
      %rev3A_615 = tpu.dynamic_gather %masked_sort3A_601[%rev3A_614] in [0] : vector<16xf32>, vector<16xi32> -> vector<16xf32>
      %max3A_616 = arith.maximumf %masked_sort3A_597, %rev3A_615 : vector<16xf32>
      %min3A_617 = arith.minimumf %masked_sort3A_597, %rev3A_615 : vector<16xf32>
      %masked_sort3A_618 = arith.constant dense<true> : vector<16xi1>
      %masked_sort3A_619, %masked_sort3A_620, %masked_sort3A_621 = tpu.sort %max3A_616, %max3A_616 masked %masked_sort3A_618 {descending = true} : (vector<16xf32>, vector<16xf32>, vector<16xi1>) -> (vector<16xi1>, vector<16xf32>, vector<16xf32>)
      %masked_sort3A_622 = arith.constant dense<true> : vector<16xi1>
      %masked_sort3A_623, %masked_sort3A_624, %masked_sort3A_625 = tpu.sort %min3A_617, %min3A_617 masked %masked_sort3A_622 {descending = true} : (vector<16xf32>, vector<16xf32>, vector<16xi1>) -> (vector<16xi1>, vector<16xf32>, vector<16xf32>)
      %rev3A_626 = arith.constant 15 : i32
      %rev3A_627 = vector.broadcast %rev3A_626 : i32 to vector<16xi32>
      %rev3A_628 = tpu.iota {dimensions = array<i32: 0>} : vector<16xi32>
      %rev3A_629 = arith.subi %rev3A_627, %rev3A_628 : vector<16xi32>
      %rev3A_630 = tpu.dynamic_gather %masked_sort3A_605[%rev3A_629] in [0] : vector<16xf32>, vector<16xi32> -> vector<16xf32>
      %max3A_631 = arith.maximumf %masked_sort3A_624, %rev3A_630 : vector<16xf32>
      %min3A_632 = arith.minimumf %masked_sort3A_624, %rev3A_630 : vector<16xf32>
      %masked_sort3A_633 = arith.constant dense<true> : vector<16xi1>
      %masked_sort3A_634, %masked_sort3A_635, %masked_sort3A_636 = tpu.sort %max3A_631, %max3A_631 masked %masked_sort3A_633 {descending = true} : (vector<16xf32>, vector<16xf32>, vector<16xi1>) -> (vector<16xi1>, vector<16xf32>, vector<16xf32>)
      %rev3A_637 = arith.constant 15 : i32
      %rev3A_638 = vector.broadcast %rev3A_637 : i32 to vector<16xi32>
      %rev3A_639 = tpu.iota {dimensions = array<i32: 0>} : vector<16xi32>
      %rev3A_640 = arith.subi %rev3A_638, %rev3A_639 : vector<16xi32>
      %rev3A_641 = tpu.dynamic_gather %masked_sort3A_635[%rev3A_640] in [0] : vector<16xf32>, vector<16xi32> -> vector<16xf32>
      %max3A_642 = arith.maximumf %masked_sort3A_620, %rev3A_641 : vector<16xf32>
      %min3A_643 = arith.minimumf %masked_sort3A_620, %rev3A_641 : vector<16xf32>
      %masked_sort3A_644 = arith.constant dense<true> : vector<16xi1>
      %masked_sort3A_645, %masked_sort3A_646, %masked_sort3A_647 = tpu.sort %max3A_642, %max3A_642 masked %masked_sort3A_644 {descending = true} : (vector<16xf32>, vector<16xf32>, vector<16xi1>) -> (vector<16xi1>, vector<16xf32>, vector<16xf32>)
      %masked_sort3A_648 = arith.constant dense<true> : vector<16xi1>
      %masked_sort3A_649, %masked_sort3A_650, %masked_sort3A_651 = tpu.sort %min3A_643, %min3A_643 masked %masked_sort3A_648 {descending = true} : (vector<16xf32>, vector<16xf32>, vector<16xi1>) -> (vector<16xi1>, vector<16xf32>, vector<16xf32>)
      %rev3A_652 = arith.constant 15 : i32
      %rev3A_653 = vector.broadcast %rev3A_652 : i32 to vector<16xi32>
      %rev3A_654 = tpu.iota {dimensions = array<i32: 0>} : vector<16xi32>
      %rev3A_655 = arith.subi %rev3A_653, %rev3A_654 : vector<16xi32>
      %rev3A_656 = tpu.dynamic_gather %masked_sort3A_609[%rev3A_655] in [0] : vector<16xf32>, vector<16xi32> -> vector<16xf32>
      %max3A_657 = arith.maximumf %masked_sort3A_650, %rev3A_656 : vector<16xf32>
      %min3A_658 = arith.minimumf %masked_sort3A_650, %rev3A_656 : vector<16xf32>
      %masked_sort3A_659 = arith.constant dense<true> : vector<16xi1>
      %masked_sort3A_660, %masked_sort3A_661, %masked_sort3A_662 = tpu.sort %max3A_657, %max3A_657 masked %masked_sort3A_659 {descending = true} : (vector<16xf32>, vector<16xf32>, vector<16xi1>) -> (vector<16xi1>, vector<16xf32>, vector<16xf32>)
      %rev3A_663 = arith.constant 15 : i32
      %rev3A_664 = vector.broadcast %rev3A_663 : i32 to vector<16xi32>
      %rev3A_665 = tpu.iota {dimensions = array<i32: 0>} : vector<16xi32>
      %rev3A_666 = arith.subi %rev3A_664, %rev3A_665 : vector<16xi32>
      %rev3A_667 = tpu.dynamic_gather %masked_sort3A_661[%rev3A_666] in [0] : vector<16xf32>, vector<16xi32> -> vector<16xf32>
      %max3A_668 = arith.maximumf %masked_sort3A_646, %rev3A_667 : vector<16xf32>
      %min3A_669 = arith.minimumf %masked_sort3A_646, %rev3A_667 : vector<16xf32>
      %masked_sort3A_670 = arith.constant dense<true> : vector<16xi1>
      %masked_sort3A_671, %masked_sort3A_672, %masked_sort3A_673 = tpu.sort %max3A_668, %max3A_668 masked %masked_sort3A_670 {descending = true} : (vector<16xf32>, vector<16xf32>, vector<16xi1>) -> (vector<16xi1>, vector<16xf32>, vector<16xf32>)
      %masked_sort3A_674 = arith.constant dense<true> : vector<16xi1>
      %masked_sort3A_675, %masked_sort3A_676, %masked_sort3A_677 = tpu.sort %min3A_669, %min3A_669 masked %masked_sort3A_674 {descending = true} : (vector<16xf32>, vector<16xf32>, vector<16xi1>) -> (vector<16xi1>, vector<16xf32>, vector<16xf32>)
      %eq3A_678 = arith.constant 3 : i32
      %eq3A_679 = vector.broadcast %eq3A_678 : i32 to vector<16xi32>
      %eq3A_680 = arith.cmpi eq, %iota3A, %eq3A_679 : vector<16xi32>
      %jit3A_681 = arith.constant -3.000000e+38 : f32
      %broadcast_in_dim3A_682 = vector.broadcast %jit3A_681 : f32 to vector<16xf32>
      %select_n3A_683 = arith.select %eq3A_680, %masked_sort3A_676, %broadcast_in_dim3A_682 : vector<16xi1>, vector<16xf32>
      %reduce_max3A_684 = arith.constant true
      %reduce_max3A_685 = vector.broadcast %reduce_max3A_684 : i1 to vector<16xi1>
      %reduce_max3A_686 = tpu.scan <max>, %select_n3A_683 masked %reduce_max3A_685 : vector<16xf32>, vector<16xi1> -> vector<16xf32>
      %reduce_max3A_687 = vector.extract %reduce_max3A_686[15] : f32 from vector<16xf32>
      %neg3A_688 = arith.constant 0.000000e+00 : f32
      %neg3A_689 = arith.subf %neg3A_688, %reduce_max3A_687 : f32
      %broadcast_in_dim3A_690 = vector.broadcast %reduce_max3A_582 : f32 to vector<16xf32>
      %broadcast_in_dim3A_691 = vector.broadcast %neg3A_689 : f32 to vector<16xf32>
      %broadcast_in_dim3A_692 = arith.constant -3.000000e+38 : f32
      %broadcast_in_dim3A_693 = vector.broadcast %broadcast_in_dim3A_692 : f32 to vector<16xf32>
      %broadcast_in_dim3A_694 = arith.constant 3.000000e+38 : f32
      %broadcast_in_dim3A_695 = vector.broadcast %broadcast_in_dim3A_694 : f32 to vector<16xf32>
      %scan3A_696 = arith.constant 0 : i32
      %scan3A_697 = arith.constant 24 : i32
      %scan3A_698 = arith.addi %scan3A_696, %scan3A_697 : i32
      %scan3A_699 = arith.constant 1 : i32
      %scan3A_700:8 = scf.for %scan3A_2556 = %scan3A_696 to %scan3A_698 step %scan3A_699 iter_args(%scan3A_2557 = %broadcast_in_dim3A_693, %scan3A_2558 = %broadcast_in_dim3A_693, %scan3A_2559 = %broadcast_in_dim3A_693, %scan3A_2560 = %broadcast_in_dim3A_693, %scan3A_2561 = %broadcast_in_dim3A_695, %scan3A_2562 = %broadcast_in_dim3A_695, %scan3A_2563 = %broadcast_in_dim3A_695, %scan3A_2564 = %broadcast_in_dim3A_695) -> (vector<16xf32>, vector<16xf32>, vector<16xf32>, vector<16xf32>, vector<16xf32>, vector<16xf32>, vector<16xf32>, vector<16xf32>)  : i32 {
        %get3A_2565 = arith.constant 12 : i32
        %get3A_2566 = arith.index_cast %and3A_52 : i32 to index
        %get3A_2567 = arith.index_cast %get3A_2565 : i32 to index
        %get3A_2568 = arith.index_cast %scan3A_2556 : i32 to index
        %get3A_2569 = arith.constant 0 : index
        %get3A_2570 = tpu.vector_load %arg4[%get3A_2566, %get3A_2567, %get3A_2568, %get3A_2569] {strides = array<i32>} : memref<2x16x24x24xf32, #tpu.memory_space<vmem>>, vector<16xf32>,
        %get3A_2571 = arith.constant 12 : i32
        %get3A_2572 = arith.index_cast %and3A_52 : i32 to index
        %get3A_2573 = arith.index_cast %get3A_2571 : i32 to index
        %get3A_2574 = arith.index_cast %scan3A_2556 : i32 to index
        %get3A_2575 = arith.constant 8 : index
        %get3A_2576 = tpu.vector_load %arg4[%get3A_2572, %get3A_2573, %get3A_2574, %get3A_2575] {strides = array<i32>} : memref<2x16x24x24xf32, #tpu.memory_space<vmem>>, vector<16xf32>,
        %jit3A_2577 = arith.constant -3.000000e+38 : f32
        %broadcast_in_dim3A_2578 = vector.broadcast %jit3A_2577 : f32 to vector<16xf32>
        %select_n3A_2579 = arith.select %ge3A_2, %get3A_2576, %broadcast_in_dim3A_2578 : vector<16xi1>, vector<16xf32>
        %jit3A_2580 = arith.constant 3.000000e+38 : f32
        %broadcast_in_dim3A_2581 = vector.broadcast %jit3A_2580 : f32 to vector<16xf32>
        %select_n3A_2582 = arith.select %ge3A_2, %get3A_2576, %broadcast_in_dim3A_2581 : vector<16xi1>, vector<16xf32>
        %max3A_2583 = arith.maximumf %scan3A_2557, %get3A_2570 : vector<16xf32>
        %max3A_2584 = arith.maximumf %scan3A_2558, %select_n3A_2579 : vector<16xf32>
        %min3A_2585 = arith.minimumf %scan3A_2561, %get3A_2570 : vector<16xf32>
        %min3A_2586 = arith.minimumf %scan3A_2562, %select_n3A_2582 : vector<16xf32>
        %get3A_2587 = arith.constant 13 : i32
        %get3A_2588 = arith.index_cast %and3A_52 : i32 to index
        %get3A_2589 = arith.index_cast %get3A_2587 : i32 to index
        %get3A_2590 = arith.index_cast %scan3A_2556 : i32 to index
        %get3A_2591 = arith.constant 0 : index
        %get3A_2592 = tpu.vector_load %arg4[%get3A_2588, %get3A_2589, %get3A_2590, %get3A_2591] {strides = array<i32>} : memref<2x16x24x24xf32, #tpu.memory_space<vmem>>, vector<16xf32>,
        %get3A_2593 = arith.constant 13 : i32
        %get3A_2594 = arith.index_cast %and3A_52 : i32 to index
        %get3A_2595 = arith.index_cast %get3A_2593 : i32 to index
        %get3A_2596 = arith.index_cast %scan3A_2556 : i32 to index
        %get3A_2597 = arith.constant 8 : index
        %get3A_2598 = tpu.vector_load %arg4[%get3A_2594, %get3A_2595, %get3A_2596, %get3A_2597] {strides = array<i32>} : memref<2x16x24x24xf32, #tpu.memory_space<vmem>>, vector<16xf32>,
        %jit3A_2599 = arith.constant -3.000000e+38 : f32
        %broadcast_in_dim3A_2600 = vector.broadcast %jit3A_2599 : f32 to vector<16xf32>
        %select_n3A_2601 = arith.select %ge3A_2, %get3A_2598, %broadcast_in_dim3A_2600 : vector<16xi1>, vector<16xf32>
        %jit3A_2602 = arith.constant 3.000000e+38 : f32
        %broadcast_in_dim3A_2603 = vector.broadcast %jit3A_2602 : f32 to vector<16xf32>
        %select_n3A_2604 = arith.select %ge3A_2, %get3A_2598, %broadcast_in_dim3A_2603 : vector<16xi1>, vector<16xf32>
        %max3A_2605 = arith.maximumf %scan3A_2559, %get3A_2592 : vector<16xf32>
        %max3A_2606 = arith.maximumf %scan3A_2560, %select_n3A_2601 : vector<16xf32>
        %min3A_2607 = arith.minimumf %scan3A_2563, %get3A_2592 : vector<16xf32>
        %min3A_2608 = arith.minimumf %scan3A_2564, %select_n3A_2604 : vector<16xf32>
        %get3A_2609 = arith.constant 14 : i32
        %get3A_2610 = arith.index_cast %and3A_52 : i32 to index
        %get3A_2611 = arith.index_cast %get3A_2609 : i32 to index
        %get3A_2612 = arith.index_cast %scan3A_2556 : i32 to index
        %get3A_2613 = arith.constant 0 : index
        %get3A_2614 = tpu.vector_load %arg4[%get3A_2610, %get3A_2611, %get3A_2612, %get3A_2613] {strides = array<i32>} : memref<2x16x24x24xf32, #tpu.memory_space<vmem>>, vector<16xf32>,
        %get3A_2615 = arith.constant 14 : i32
        %get3A_2616 = arith.index_cast %and3A_52 : i32 to index
        %get3A_2617 = arith.index_cast %get3A_2615 : i32 to index
        %get3A_2618 = arith.index_cast %scan3A_2556 : i32 to index
        %get3A_2619 = arith.constant 8 : index
        %get3A_2620 = tpu.vector_load %arg4[%get3A_2616, %get3A_2617, %get3A_2618, %get3A_2619] {strides = array<i32>} : memref<2x16x24x24xf32, #tpu.memory_space<vmem>>, vector<16xf32>,
        %jit3A_2621 = arith.constant -3.000000e+38 : f32
        %broadcast_in_dim3A_2622 = vector.broadcast %jit3A_2621 : f32 to vector<16xf32>
        %select_n3A_2623 = arith.select %ge3A_2, %get3A_2620, %broadcast_in_dim3A_2622 : vector<16xi1>, vector<16xf32>
        %jit3A_2624 = arith.constant 3.000000e+38 : f32
        %broadcast_in_dim3A_2625 = vector.broadcast %jit3A_2624 : f32 to vector<16xf32>
        %select_n3A_2626 = arith.select %ge3A_2, %get3A_2620, %broadcast_in_dim3A_2625 : vector<16xi1>, vector<16xf32>
        %max3A_2627 = arith.maximumf %max3A_2583, %get3A_2614 : vector<16xf32>
        %max3A_2628 = arith.maximumf %max3A_2584, %select_n3A_2623 : vector<16xf32>
        %min3A_2629 = arith.minimumf %min3A_2585, %get3A_2614 : vector<16xf32>
        %min3A_2630 = arith.minimumf %min3A_2586, %select_n3A_2626 : vector<16xf32>
        %get3A_2631 = arith.constant 15 : i32
        %get3A_2632 = arith.index_cast %and3A_52 : i32 to index
        %get3A_2633 = arith.index_cast %get3A_2631 : i32 to index
        %get3A_2634 = arith.index_cast %scan3A_2556 : i32 to index
        %get3A_2635 = arith.constant 0 : index
        %get3A_2636 = tpu.vector_load %arg4[%get3A_2632, %get3A_2633, %get3A_2634, %get3A_2635] {strides = array<i32>} : memref<2x16x24x24xf32, #tpu.memory_space<vmem>>, vector<16xf32>,
        %get3A_2637 = arith.constant 15 : i32
        %get3A_2638 = arith.index_cast %and3A_52 : i32 to index
        %get3A_2639 = arith.index_cast %get3A_2637 : i32 to index
        %get3A_2640 = arith.index_cast %scan3A_2556 : i32 to index
        %get3A_2641 = arith.constant 8 : index
        %get3A_2642 = tpu.vector_load %arg4[%get3A_2638, %get3A_2639, %get3A_2640, %get3A_2641] {strides = array<i32>} : memref<2x16x24x24xf32, #tpu.memory_space<vmem>>, vector<16xf32>,
        %jit3A_2643 = arith.constant -3.000000e+38 : f32
        %broadcast_in_dim3A_2644 = vector.broadcast %jit3A_2643 : f32 to vector<16xf32>
        %select_n3A_2645 = arith.select %ge3A_2, %get3A_2642, %broadcast_in_dim3A_2644 : vector<16xi1>, vector<16xf32>
        %jit3A_2646 = arith.constant 3.000000e+38 : f32
        %broadcast_in_dim3A_2647 = vector.broadcast %jit3A_2646 : f32 to vector<16xf32>
        %select_n3A_2648 = arith.select %ge3A_2, %get3A_2642, %broadcast_in_dim3A_2647 : vector<16xi1>, vector<16xf32>
        %max3A_2649 = arith.maximumf %max3A_2605, %get3A_2636 : vector<16xf32>
        %max3A_2650 = arith.maximumf %max3A_2606, %select_n3A_2645 : vector<16xf32>
        %min3A_2651 = arith.minimumf %min3A_2607, %get3A_2636 : vector<16xf32>
        %min3A_2652 = arith.minimumf %min3A_2608, %select_n3A_2648 : vector<16xf32>
        scf.yield %max3A_2627, %max3A_2628, %max3A_2649, %max3A_2650, %min3A_2629, %min3A_2630, %min3A_2651, %min3A_2652 : vector<16xf32>, vector<16xf32>, vector<16xf32>, vector<16xf32>, vector<16xf32>, vector<16xf32>, vector<16xf32>, vector<16xf32>
      }
      %scan3A_701 = arith.constant 24 : i32
      %masked_sort3A_702 = arith.constant dense<true> : vector<16xi1>
      %masked_sort3A_703, %masked_sort3A_704, %masked_sort3A_705 = tpu.sort %scan3A_700#0, %scan3A_700#0 masked %masked_sort3A_702 {descending = true} : (vector<16xf32>, vector<16xf32>, vector<16xi1>) -> (vector<16xi1>, vector<16xf32>, vector<16xf32>)
      %masked_sort3A_706 = arith.constant dense<true> : vector<16xi1>
      %masked_sort3A_707, %masked_sort3A_708, %masked_sort3A_709 = tpu.sort %scan3A_700#1, %scan3A_700#1 masked %masked_sort3A_706 {descending = true} : (vector<16xf32>, vector<16xf32>, vector<16xi1>) -> (vector<16xi1>, vector<16xf32>, vector<16xf32>)
      %masked_sort3A_710 = arith.constant dense<true> : vector<16xi1>
      %masked_sort3A_711, %masked_sort3A_712, %masked_sort3A_713 = tpu.sort %scan3A_700#2, %scan3A_700#2 masked %masked_sort3A_710 {descending = true} : (vector<16xf32>, vector<16xf32>, vector<16xi1>) -> (vector<16xi1>, vector<16xf32>, vector<16xf32>)
      %masked_sort3A_714 = arith.constant dense<true> : vector<16xi1>
      %masked_sort3A_715, %masked_sort3A_716, %masked_sort3A_717 = tpu.sort %scan3A_700#3, %scan3A_700#3 masked %masked_sort3A_714 {descending = true} : (vector<16xf32>, vector<16xf32>, vector<16xi1>) -> (vector<16xi1>, vector<16xf32>, vector<16xf32>)
      %rev3A_718 = arith.constant 15 : i32
      %rev3A_719 = vector.broadcast %rev3A_718 : i32 to vector<16xi32>
      %rev3A_720 = tpu.iota {dimensions = array<i32: 0>} : vector<16xi32>
      %rev3A_721 = arith.subi %rev3A_719, %rev3A_720 : vector<16xi32>
      %rev3A_722 = tpu.dynamic_gather %masked_sort3A_708[%rev3A_721] in [0] : vector<16xf32>, vector<16xi32> -> vector<16xf32>
      %max3A_723 = arith.maximumf %masked_sort3A_704, %rev3A_722 : vector<16xf32>
      %min3A_724 = arith.minimumf %masked_sort3A_704, %rev3A_722 : vector<16xf32>
      %masked_sort3A_725 = arith.constant dense<true> : vector<16xi1>
      %masked_sort3A_726, %masked_sort3A_727, %masked_sort3A_728 = tpu.sort %max3A_723, %max3A_723 masked %masked_sort3A_725 {descending = true} : (vector<16xf32>, vector<16xf32>, vector<16xi1>) -> (vector<16xi1>, vector<16xf32>, vector<16xf32>)
      %masked_sort3A_729 = arith.constant dense<true> : vector<16xi1>
      %masked_sort3A_730, %masked_sort3A_731, %masked_sort3A_732 = tpu.sort %min3A_724, %min3A_724 masked %masked_sort3A_729 {descending = true} : (vector<16xf32>, vector<16xf32>, vector<16xi1>) -> (vector<16xi1>, vector<16xf32>, vector<16xf32>)
      %rev3A_733 = arith.constant 15 : i32
      %rev3A_734 = vector.broadcast %rev3A_733 : i32 to vector<16xi32>
      %rev3A_735 = tpu.iota {dimensions = array<i32: 0>} : vector<16xi32>
      %rev3A_736 = arith.subi %rev3A_734, %rev3A_735 : vector<16xi32>
      %rev3A_737 = tpu.dynamic_gather %masked_sort3A_712[%rev3A_736] in [0] : vector<16xf32>, vector<16xi32> -> vector<16xf32>
      %max3A_738 = arith.maximumf %masked_sort3A_731, %rev3A_737 : vector<16xf32>
      %min3A_739 = arith.minimumf %masked_sort3A_731, %rev3A_737 : vector<16xf32>
      %masked_sort3A_740 = arith.constant dense<true> : vector<16xi1>
      %masked_sort3A_741, %masked_sort3A_742, %masked_sort3A_743 = tpu.sort %max3A_738, %max3A_738 masked %masked_sort3A_740 {descending = true} : (vector<16xf32>, vector<16xf32>, vector<16xi1>) -> (vector<16xi1>, vector<16xf32>, vector<16xf32>)
      %rev3A_744 = arith.constant 15 : i32
      %rev3A_745 = vector.broadcast %rev3A_744 : i32 to vector<16xi32>
      %rev3A_746 = tpu.iota {dimensions = array<i32: 0>} : vector<16xi32>
      %rev3A_747 = arith.subi %rev3A_745, %rev3A_746 : vector<16xi32>
      %rev3A_748 = tpu.dynamic_gather %masked_sort3A_742[%rev3A_747] in [0] : vector<16xf32>, vector<16xi32> -> vector<16xf32>
      %max3A_749 = arith.maximumf %masked_sort3A_727, %rev3A_748 : vector<16xf32>
      %min3A_750 = arith.minimumf %masked_sort3A_727, %rev3A_748 : vector<16xf32>
      %masked_sort3A_751 = arith.constant dense<true> : vector<16xi1>
      %masked_sort3A_752, %masked_sort3A_753, %masked_sort3A_754 = tpu.sort %max3A_749, %max3A_749 masked %masked_sort3A_751 {descending = true} : (vector<16xf32>, vector<16xf32>, vector<16xi1>) -> (vector<16xi1>, vector<16xf32>, vector<16xf32>)
      %masked_sort3A_755 = arith.constant dense<true> : vector<16xi1>
      %masked_sort3A_756, %masked_sort3A_757, %masked_sort3A_758 = tpu.sort %min3A_750, %min3A_750 masked %masked_sort3A_755 {descending = true} : (vector<16xf32>, vector<16xf32>, vector<16xi1>) -> (vector<16xi1>, vector<16xf32>, vector<16xf32>)
      %rev3A_759 = arith.constant 15 : i32
      %rev3A_760 = vector.broadcast %rev3A_759 : i32 to vector<16xi32>
      %rev3A_761 = tpu.iota {dimensions = array<i32: 0>} : vector<16xi32>
      %rev3A_762 = arith.subi %rev3A_760, %rev3A_761 : vector<16xi32>
      %rev3A_763 = tpu.dynamic_gather %masked_sort3A_716[%rev3A_762] in [0] : vector<16xf32>, vector<16xi32> -> vector<16xf32>
      %max3A_764 = arith.maximumf %masked_sort3A_757, %rev3A_763 : vector<16xf32>
      %min3A_765 = arith.minimumf %masked_sort3A_757, %rev3A_763 : vector<16xf32>
      %masked_sort3A_766 = arith.constant dense<true> : vector<16xi1>
      %masked_sort3A_767, %masked_sort3A_768, %masked_sort3A_769 = tpu.sort %max3A_764, %max3A_764 masked %masked_sort3A_766 {descending = true} : (vector<16xf32>, vector<16xf32>, vector<16xi1>) -> (vector<16xi1>, vector<16xf32>, vector<16xf32>)
      %rev3A_770 = arith.constant 15 : i32
      %rev3A_771 = vector.broadcast %rev3A_770 : i32 to vector<16xi32>
      %rev3A_772 = tpu.iota {dimensions = array<i32: 0>} : vector<16xi32>
      %rev3A_773 = arith.subi %rev3A_771, %rev3A_772 : vector<16xi32>
      %rev3A_774 = tpu.dynamic_gather %masked_sort3A_768[%rev3A_773] in [0] : vector<16xf32>, vector<16xi32> -> vector<16xf32>
      %max3A_775 = arith.maximumf %masked_sort3A_753, %rev3A_774 : vector<16xf32>
      %min3A_776 = arith.minimumf %masked_sort3A_753, %rev3A_774 : vector<16xf32>
      %masked_sort3A_777 = arith.constant dense<true> : vector<16xi1>
      %masked_sort3A_778, %masked_sort3A_779, %masked_sort3A_780 = tpu.sort %max3A_775, %max3A_775 masked %masked_sort3A_777 {descending = true} : (vector<16xf32>, vector<16xf32>, vector<16xi1>) -> (vector<16xi1>, vector<16xf32>, vector<16xf32>)
      %masked_sort3A_781 = arith.constant dense<true> : vector<16xi1>
      %masked_sort3A_782, %masked_sort3A_783, %masked_sort3A_784 = tpu.sort %min3A_776, %min3A_776 masked %masked_sort3A_781 {descending = true} : (vector<16xf32>, vector<16xf32>, vector<16xi1>) -> (vector<16xi1>, vector<16xf32>, vector<16xf32>)
      %eq3A_785 = arith.constant 3 : i32
      %eq3A_786 = vector.broadcast %eq3A_785 : i32 to vector<16xi32>
      %eq3A_787 = arith.cmpi eq, %iota3A, %eq3A_786 : vector<16xi32>
      %jit3A_788 = arith.constant -3.000000e+38 : f32
      %broadcast_in_dim3A_789 = vector.broadcast %jit3A_788 : f32 to vector<16xf32>
      %select_n3A_790 = arith.select %eq3A_787, %masked_sort3A_783, %broadcast_in_dim3A_789 : vector<16xi1>, vector<16xf32>
      %reduce_max3A_791 = arith.constant true
      %reduce_max3A_792 = vector.broadcast %reduce_max3A_791 : i1 to vector<16xi1>
      %reduce_max3A_793 = tpu.scan <max>, %select_n3A_790 masked %reduce_max3A_792 : vector<16xf32>, vector<16xi1> -> vector<16xf32>
      %reduce_max3A_794 = vector.extract %reduce_max3A_793[15] : f32 from vector<16xf32>
      %neg3A_795 = arith.constant 0.000000e+00 : f32
      %neg3A_796 = vector.broadcast %neg3A_795 : f32 to vector<16xf32>
      %neg3A_797 = arith.subf %neg3A_796, %scan3A_700#4 : vector<16xf32>
      %neg3A_798 = arith.constant 0.000000e+00 : f32
      %neg3A_799 = vector.broadcast %neg3A_798 : f32 to vector<16xf32>
      %neg3A_800 = arith.subf %neg3A_799, %scan3A_700#5 : vector<16xf32>
      %neg3A_801 = arith.constant 0.000000e+00 : f32
      %neg3A_802 = vector.broadcast %neg3A_801 : f32 to vector<16xf32>
      %neg3A_803 = arith.subf %neg3A_802, %scan3A_700#6 : vector<16xf32>
      %neg3A_804 = arith.constant 0.000000e+00 : f32
      %neg3A_805 = vector.broadcast %neg3A_804 : f32 to vector<16xf32>
      %neg3A_806 = arith.subf %neg3A_805, %scan3A_700#7 : vector<16xf32>
      %masked_sort3A_807 = arith.constant dense<true> : vector<16xi1>
      %masked_sort3A_808, %masked_sort3A_809, %masked_sort3A_810 = tpu.sort %neg3A_797, %neg3A_797 masked %masked_sort3A_807 {descending = true} : (vector<16xf32>, vector<16xf32>, vector<16xi1>) -> (vector<16xi1>, vector<16xf32>, vector<16xf32>)
      %masked_sort3A_811 = arith.constant dense<true> : vector<16xi1>
      %masked_sort3A_812, %masked_sort3A_813, %masked_sort3A_814 = tpu.sort %neg3A_800, %neg3A_800 masked %masked_sort3A_811 {descending = true} : (vector<16xf32>, vector<16xf32>, vector<16xi1>) -> (vector<16xi1>, vector<16xf32>, vector<16xf32>)
      %masked_sort3A_815 = arith.constant dense<true> : vector<16xi1>
      %masked_sort3A_816, %masked_sort3A_817, %masked_sort3A_818 = tpu.sort %neg3A_803, %neg3A_803 masked %masked_sort3A_815 {descending = true} : (vector<16xf32>, vector<16xf32>, vector<16xi1>) -> (vector<16xi1>, vector<16xf32>, vector<16xf32>)
      %masked_sort3A_819 = arith.constant dense<true> : vector<16xi1>
      %masked_sort3A_820, %masked_sort3A_821, %masked_sort3A_822 = tpu.sort %neg3A_806, %neg3A_806 masked %masked_sort3A_819 {descending = true} : (vector<16xf32>, vector<16xf32>, vector<16xi1>) -> (vector<16xi1>, vector<16xf32>, vector<16xf32>)
      %rev3A_823 = arith.constant 15 : i32
      %rev3A_824 = vector.broadcast %rev3A_823 : i32 to vector<16xi32>
      %rev3A_825 = tpu.iota {dimensions = array<i32: 0>} : vector<16xi32>
      %rev3A_826 = arith.subi %rev3A_824, %rev3A_825 : vector<16xi32>
      %rev3A_827 = tpu.dynamic_gather %masked_sort3A_813[%rev3A_826] in [0] : vector<16xf32>, vector<16xi32> -> vector<16xf32>
      %max3A_828 = arith.maximumf %masked_sort3A_809, %rev3A_827 : vector<16xf32>
      %min3A_829 = arith.minimumf %masked_sort3A_809, %rev3A_827 : vector<16xf32>
      %masked_sort3A_830 = arith.constant dense<true> : vector<16xi1>
      %masked_sort3A_831, %masked_sort3A_832, %masked_sort3A_833 = tpu.sort %max3A_828, %max3A_828 masked %masked_sort3A_830 {descending = true} : (vector<16xf32>, vector<16xf32>, vector<16xi1>) -> (vector<16xi1>, vector<16xf32>, vector<16xf32>)
      %masked_sort3A_834 = arith.constant dense<true> : vector<16xi1>
      %masked_sort3A_835, %masked_sort3A_836, %masked_sort3A_837 = tpu.sort %min3A_829, %min3A_829 masked %masked_sort3A_834 {descending = true} : (vector<16xf32>, vector<16xf32>, vector<16xi1>) -> (vector<16xi1>, vector<16xf32>, vector<16xf32>)
      %rev3A_838 = arith.constant 15 : i32
      %rev3A_839 = vector.broadcast %rev3A_838 : i32 to vector<16xi32>
      %rev3A_840 = tpu.iota {dimensions = array<i32: 0>} : vector<16xi32>
      %rev3A_841 = arith.subi %rev3A_839, %rev3A_840 : vector<16xi32>
      %rev3A_842 = tpu.dynamic_gather %masked_sort3A_817[%rev3A_841] in [0] : vector<16xf32>, vector<16xi32> -> vector<16xf32>
      %max3A_843 = arith.maximumf %masked_sort3A_836, %rev3A_842 : vector<16xf32>
      %min3A_844 = arith.minimumf %masked_sort3A_836, %rev3A_842 : vector<16xf32>
      %masked_sort3A_845 = arith.constant dense<true> : vector<16xi1>
      %masked_sort3A_846, %masked_sort3A_847, %masked_sort3A_848 = tpu.sort %max3A_843, %max3A_843 masked %masked_sort3A_845 {descending = true} : (vector<16xf32>, vector<16xf32>, vector<16xi1>) -> (vector<16xi1>, vector<16xf32>, vector<16xf32>)
      %rev3A_849 = arith.constant 15 : i32
      %rev3A_850 = vector.broadcast %rev3A_849 : i32 to vector<16xi32>
      %rev3A_851 = tpu.iota {dimensions = array<i32: 0>} : vector<16xi32>
      %rev3A_852 = arith.subi %rev3A_850, %rev3A_851 : vector<16xi32>
      %rev3A_853 = tpu.dynamic_gather %masked_sort3A_847[%rev3A_852] in [0] : vector<16xf32>, vector<16xi32> -> vector<16xf32>
      %max3A_854 = arith.maximumf %masked_sort3A_832, %rev3A_853 : vector<16xf32>
      %min3A_855 = arith.minimumf %masked_sort3A_832, %rev3A_853 : vector<16xf32>
      %masked_sort3A_856 = arith.constant dense<true> : vector<16xi1>
      %masked_sort3A_857, %masked_sort3A_858, %masked_sort3A_859 = tpu.sort %max3A_854, %max3A_854 masked %masked_sort3A_856 {descending = true} : (vector<16xf32>, vector<16xf32>, vector<16xi1>) -> (vector<16xi1>, vector<16xf32>, vector<16xf32>)
      %masked_sort3A_860 = arith.constant dense<true> : vector<16xi1>
      %masked_sort3A_861, %masked_sort3A_862, %masked_sort3A_863 = tpu.sort %min3A_855, %min3A_855 masked %masked_sort3A_860 {descending = true} : (vector<16xf32>, vector<16xf32>, vector<16xi1>) -> (vector<16xi1>, vector<16xf32>, vector<16xf32>)
      %rev3A_864 = arith.constant 15 : i32
      %rev3A_865 = vector.broadcast %rev3A_864 : i32 to vector<16xi32>
      %rev3A_866 = tpu.iota {dimensions = array<i32: 0>} : vector<16xi32>
      %rev3A_867 = arith.subi %rev3A_865, %rev3A_866 : vector<16xi32>
      %rev3A_868 = tpu.dynamic_gather %masked_sort3A_821[%rev3A_867] in [0] : vector<16xf32>, vector<16xi32> -> vector<16xf32>
      %max3A_869 = arith.maximumf %masked_sort3A_862, %rev3A_868 : vector<16xf32>
      %min3A_870 = arith.minimumf %masked_sort3A_862, %rev3A_868 : vector<16xf32>
      %masked_sort3A_871 = arith.constant dense<true> : vector<16xi1>
      %masked_sort3A_872, %masked_sort3A_873, %masked_sort3A_874 = tpu.sort %max3A_869, %max3A_869 masked %masked_sort3A_871 {descending = true} : (vector<16xf32>, vector<16xf32>, vector<16xi1>) -> (vector<16xi1>, vector<16xf32>, vector<16xf32>)
      %rev3A_875 = arith.constant 15 : i32
      %rev3A_876 = vector.broadcast %rev3A_875 : i32 to vector<16xi32>
      %rev3A_877 = tpu.iota {dimensions = array<i32: 0>} : vector<16xi32>
      %rev3A_878 = arith.subi %rev3A_876, %rev3A_877 : vector<16xi32>
      %rev3A_879 = tpu.dynamic_gather %masked_sort3A_873[%rev3A_878] in [0] : vector<16xf32>, vector<16xi32> -> vector<16xf32>
      %max3A_880 = arith.maximumf %masked_sort3A_858, %rev3A_879 : vector<16xf32>
      %min3A_881 = arith.minimumf %masked_sort3A_858, %rev3A_879 : vector<16xf32>
      %masked_sort3A_882 = arith.constant dense<true> : vector<16xi1>
      %masked_sort3A_883, %masked_sort3A_884, %masked_sort3A_885 = tpu.sort %max3A_880, %max3A_880 masked %masked_sort3A_882 {descending = true} : (vector<16xf32>, vector<16xf32>, vector<16xi1>) -> (vector<16xi1>, vector<16xf32>, vector<16xf32>)
      %masked_sort3A_886 = arith.constant dense<true> : vector<16xi1>
      %masked_sort3A_887, %masked_sort3A_888, %masked_sort3A_889 = tpu.sort %min3A_881, %min3A_881 masked %masked_sort3A_886 {descending = true} : (vector<16xf32>, vector<16xf32>, vector<16xi1>) -> (vector<16xi1>, vector<16xf32>, vector<16xf32>)
      %eq3A_890 = arith.constant 3 : i32
      %eq3A_891 = vector.broadcast %eq3A_890 : i32 to vector<16xi32>
      %eq3A_892 = arith.cmpi eq, %iota3A, %eq3A_891 : vector<16xi32>
      %jit3A_893 = arith.constant -3.000000e+38 : f32
      %broadcast_in_dim3A_894 = vector.broadcast %jit3A_893 : f32 to vector<16xf32>
      %select_n3A_895 = arith.select %eq3A_892, %masked_sort3A_888, %broadcast_in_dim3A_894 : vector<16xi1>, vector<16xf32>
      %reduce_max3A_896 = arith.constant true
      %reduce_max3A_897 = vector.broadcast %reduce_max3A_896 : i1 to vector<16xi1>
      %reduce_max3A_898 = tpu.scan <max>, %select_n3A_895 masked %reduce_max3A_897 : vector<16xf32>, vector<16xi1> -> vector<16xf32>
      %reduce_max3A_899 = vector.extract %reduce_max3A_898[15] : f32 from vector<16xf32>
      %neg3A_900 = arith.constant 0.000000e+00 : f32
      %neg3A_901 = arith.subf %neg3A_900, %reduce_max3A_899 : f32
      %broadcast_in_dim3A_902 = vector.broadcast %reduce_max3A_794 : f32 to vector<16xf32>
      %broadcast_in_dim3A_903 = vector.broadcast %neg3A_901 : f32 to vector<16xf32>
      %scan3A_904 = arith.constant 0 : i32
      %scan3A_905 = arith.constant 0 : i32
      %scan3A_906 = arith.constant 0 : i32
      %scan3A_907 = arith.constant 0 : i32
      %scan3A_908 = arith.constant 0 : i32
      %scan3A_909 = arith.constant 24 : i32
      %scan3A_910 = arith.addi %scan3A_908, %scan3A_909 : i32
      %scan3A_911 = arith.constant 1 : i32
      %scan3A_912:4 = scf.for %scan3A_2556 = %scan3A_908 to %scan3A_910 step %scan3A_911 iter_args(%scan3A_2557 = %scan3A_904, %scan3A_2558 = %scan3A_905, %scan3A_2559 = %scan3A_906, %scan3A_2560 = %scan3A_907) -> (i32, i32, i32, i32)  : i32 {
        %get3A_2561 = arith.constant 0 : i32
        %get3A_2562 = arith.index_cast %and3A_52 : i32 to index
        %get3A_2563 = arith.index_cast %get3A_2561 : i32 to index
        %get3A_2564 = arith.index_cast %scan3A_2556 : i32 to index
        %get3A_2565 = arith.constant 0 : index
        %get3A_2566 = tpu.vector_load %arg4[%get3A_2562, %get3A_2563, %get3A_2564, %get3A_2565] {strides = array<i32>} : memref<2x16x24x24xf32, #tpu.memory_space<vmem>>, vector<16xf32>,
        %get3A_2567 = arith.constant 0 : i32
        %get3A_2568 = arith.index_cast %and3A_52 : i32 to index
        %get3A_2569 = arith.index_cast %get3A_2567 : i32 to index
        %get3A_2570 = arith.index_cast %scan3A_2556 : i32 to index
        %get3A_2571 = arith.constant 8 : index
        %get3A_2572 = tpu.vector_load %arg4[%get3A_2568, %get3A_2569, %get3A_2570, %get3A_2571] {strides = array<i32>} : memref<2x16x24x24xf32, #tpu.memory_space<vmem>>, vector<16xf32>,
        %ge3A_2573 = arith.cmpf oge, %get3A_2566, %broadcast_in_dim3A_266 : vector<16xf32>
        %le3A = arith.cmpf ole, %get3A_2566, %broadcast_in_dim3A_267 : vector<16xf32>
        %or3A = arith.ori %ge3A_2573, %le3A : vector<16xi1>
        %ge3A_2574 = arith.cmpf oge, %get3A_2572, %broadcast_in_dim3A_266 : vector<16xf32>
        %le3A_2575 = arith.cmpf ole, %get3A_2572, %broadcast_in_dim3A_267 : vector<16xf32>
        %or3A_2576 = arith.ori %ge3A_2574, %le3A_2575 : vector<16xi1>
        %and3A_2577 = arith.andi %or3A_2576, %ge3A_2 : vector<16xi1>
        %add3A_2578 = arith.constant 0 : i32
        %add3A_2579 = arith.addi %add3A_2578, %scan3A_2557 : i32
        %swap3A = arith.index_cast %add3A_2579 : i32 to index
        %swap3A_2580 = tpu.vector_load %arg5[%swap3A] masked %or3A {strides = array<i32>} : memref<9280xf32, #tpu.memory_space<vmem>>, vector<16xf32>, vector<16xi1>
        tpu.vector_store %arg5[%swap3A], %get3A_2566 masked %or3A {strides = array<i32>} : memref<9280xf32, #tpu.memory_space<vmem>>, vector<16xf32>, vector<16xi1>
        %convert_element_type3A_2581 = arith.extui %or3A : vector<16xi1> to vector<16xi32>
        %reduce_sum3A_2582 = arith.constant true
        %reduce_sum3A_2583 = vector.broadcast %reduce_sum3A_2582 : i1 to vector<16xi1>
        %reduce_sum3A_2584 = tpu.scan <sum>, %convert_element_type3A_2581 masked %reduce_sum3A_2583 : vector<16xi32>, vector<16xi1> -> vector<16xi32>
        %reduce_sum3A_2585 = vector.extract %reduce_sum3A_2584[15] : i32 from vector<16xi32>
        %add3A_2586 = arith.addi %scan3A_2557, %reduce_sum3A_2585 : i32
        %add3A_2587 = arith.constant 0 : i32
        %add3A_2588 = arith.addi %add3A_2587, %add3A_2586 : i32
        %swap3A_2589 = arith.index_cast %add3A_2588 : i32 to index
        %swap3A_2590 = tpu.vector_load %arg5[%swap3A_2589] masked %and3A_2577 {strides = array<i32>} : memref<9280xf32, #tpu.memory_space<vmem>>, vector<16xf32>, vector<16xi1>
        tpu.vector_store %arg5[%swap3A_2589], %get3A_2572 masked %and3A_2577 {strides = array<i32>} : memref<9280xf32, #tpu.memory_space<vmem>>, vector<16xf32>, vector<16xi1>
        %convert_element_type3A_2591 = arith.extui %and3A_2577 : vector<16xi1> to vector<16xi32>
        %reduce_sum3A_2592 = arith.constant true
        %reduce_sum3A_2593 = vector.broadcast %reduce_sum3A_2592 : i1 to vector<16xi1>
        %reduce_sum3A_2594 = tpu.scan <sum>, %convert_element_type3A_2591 masked %reduce_sum3A_2593 : vector<16xi32>, vector<16xi1> -> vector<16xi32>
        %reduce_sum3A_2595 = vector.extract %reduce_sum3A_2594[15] : i32 from vector<16xi32>
        %add3A_2596 = arith.addi %add3A_2586, %reduce_sum3A_2595 : i32
        %get3A_2597 = arith.constant 1 : i32
        %get3A_2598 = arith.index_cast %and3A_52 : i32 to index
        %get3A_2599 = arith.index_cast %get3A_2597 : i32 to index
        %get3A_2600 = arith.index_cast %scan3A_2556 : i32 to index
        %get3A_2601 = arith.constant 0 : index
        %get3A_2602 = tpu.vector_load %arg4[%get3A_2598, %get3A_2599, %get3A_2600, %get3A_2601] {strides = array<i32>} : memref<2x16x24x24xf32, #tpu.memory_space<vmem>>, vector<16xf32>,
        %get3A_2603 = arith.constant 1 : i32
        %get3A_2604 = arith.index_cast %and3A_52 : i32 to index
        %get3A_2605 = arith.index_cast %get3A_2603 : i32 to index
        %get3A_2606 = arith.index_cast %scan3A_2556 : i32 to index
        %get3A_2607 = arith.constant 8 : index
        %get3A_2608 = tpu.vector_load %arg4[%get3A_2604, %get3A_2605, %get3A_2606, %get3A_2607] {strides = array<i32>} : memref<2x16x24x24xf32, #tpu.memory_space<vmem>>, vector<16xf32>,
        %ge3A_2609 = arith.cmpf oge, %get3A_2602, %broadcast_in_dim3A_266 : vector<16xf32>
        %le3A_2610 = arith.cmpf ole, %get3A_2602, %broadcast_in_dim3A_267 : vector<16xf32>
        %or3A_2611 = arith.ori %ge3A_2609, %le3A_2610 : vector<16xi1>
        %ge3A_2612 = arith.cmpf oge, %get3A_2608, %broadcast_in_dim3A_266 : vector<16xf32>
        %le3A_2613 = arith.cmpf ole, %get3A_2608, %broadcast_in_dim3A_267 : vector<16xf32>
        %or3A_2614 = arith.ori %ge3A_2612, %le3A_2613 : vector<16xi1>
        %and3A_2615 = arith.andi %or3A_2614, %ge3A_2 : vector<16xi1>
        %add3A_2616 = arith.constant 0 : i32
        %add3A_2617 = arith.addi %add3A_2616, %add3A_2596 : i32
        %swap3A_2618 = arith.index_cast %add3A_2617 : i32 to index
        %swap3A_2619 = tpu.vector_load %arg5[%swap3A_2618] masked %or3A_2611 {strides = array<i32>} : memref<9280xf32, #tpu.memory_space<vmem>>, vector<16xf32>, vector<16xi1>
        tpu.vector_store %arg5[%swap3A_2618], %get3A_2602 masked %or3A_2611 {strides = array<i32>} : memref<9280xf32, #tpu.memory_space<vmem>>, vector<16xf32>, vector<16xi1>
        %convert_element_type3A_2620 = arith.extui %or3A_2611 : vector<16xi1> to vector<16xi32>
        %reduce_sum3A_2621 = arith.constant true
        %reduce_sum3A_2622 = vector.broadcast %reduce_sum3A_2621 : i1 to vector<16xi1>
        %reduce_sum3A_2623 = tpu.scan <sum>, %convert_element_type3A_2620 masked %reduce_sum3A_2622 : vector<16xi32>, vector<16xi1> -> vector<16xi32>
        %reduce_sum3A_2624 = vector.extract %reduce_sum3A_2623[15] : i32 from vector<16xi32>
        %add3A_2625 = arith.addi %add3A_2596, %reduce_sum3A_2624 : i32
        %add3A_2626 = arith.constant 0 : i32
        %add3A_2627 = arith.addi %add3A_2626, %add3A_2625 : i32
        %swap3A_2628 = arith.index_cast %add3A_2627 : i32 to index
        %swap3A_2629 = tpu.vector_load %arg5[%swap3A_2628] masked %and3A_2615 {strides = array<i32>} : memref<9280xf32, #tpu.memory_space<vmem>>, vector<16xf32>, vector<16xi1>
        tpu.vector_store %arg5[%swap3A_2628], %get3A_2608 masked %and3A_2615 {strides = array<i32>} : memref<9280xf32, #tpu.memory_space<vmem>>, vector<16xf32>, vector<16xi1>
        %convert_element_type3A_2630 = arith.extui %and3A_2615 : vector<16xi1> to vector<16xi32>
        %reduce_sum3A_2631 = arith.constant true
        %reduce_sum3A_2632 = vector.broadcast %reduce_sum3A_2631 : i1 to vector<16xi1>
        %reduce_sum3A_2633 = tpu.scan <sum>, %convert_element_type3A_2630 masked %reduce_sum3A_2632 : vector<16xi32>, vector<16xi1> -> vector<16xi32>
        %reduce_sum3A_2634 = vector.extract %reduce_sum3A_2633[15] : i32 from vector<16xi32>
        %add3A_2635 = arith.addi %add3A_2625, %reduce_sum3A_2634 : i32
        %get3A_2636 = arith.constant 2 : i32
        %get3A_2637 = arith.index_cast %and3A_52 : i32 to index
        %get3A_2638 = arith.index_cast %get3A_2636 : i32 to index
        %get3A_2639 = arith.index_cast %scan3A_2556 : i32 to index
        %get3A_2640 = arith.constant 0 : index
        %get3A_2641 = tpu.vector_load %arg4[%get3A_2637, %get3A_2638, %get3A_2639, %get3A_2640] {strides = array<i32>} : memref<2x16x24x24xf32, #tpu.memory_space<vmem>>, vector<16xf32>,
        %get3A_2642 = arith.constant 2 : i32
        %get3A_2643 = arith.index_cast %and3A_52 : i32 to index
        %get3A_2644 = arith.index_cast %get3A_2642 : i32 to index
        %get3A_2645 = arith.index_cast %scan3A_2556 : i32 to index
        %get3A_2646 = arith.constant 8 : index
        %get3A_2647 = tpu.vector_load %arg4[%get3A_2643, %get3A_2644, %get3A_2645, %get3A_2646] {strides = array<i32>} : memref<2x16x24x24xf32, #tpu.memory_space<vmem>>, vector<16xf32>,
        %ge3A_2648 = arith.cmpf oge, %get3A_2641, %broadcast_in_dim3A_266 : vector<16xf32>
        %le3A_2649 = arith.cmpf ole, %get3A_2641, %broadcast_in_dim3A_267 : vector<16xf32>
        %or3A_2650 = arith.ori %ge3A_2648, %le3A_2649 : vector<16xi1>
        %ge3A_2651 = arith.cmpf oge, %get3A_2647, %broadcast_in_dim3A_266 : vector<16xf32>
        %le3A_2652 = arith.cmpf ole, %get3A_2647, %broadcast_in_dim3A_267 : vector<16xf32>
        %or3A_2653 = arith.ori %ge3A_2651, %le3A_2652 : vector<16xi1>
        %and3A_2654 = arith.andi %or3A_2653, %ge3A_2 : vector<16xi1>
        %add3A_2655 = arith.constant 0 : i32
        %add3A_2656 = arith.addi %add3A_2655, %add3A_2635 : i32
        %swap3A_2657 = arith.index_cast %add3A_2656 : i32 to index
        %swap3A_2658 = tpu.vector_load %arg5[%swap3A_2657] masked %or3A_2650 {strides = array<i32>} : memref<9280xf32, #tpu.memory_space<vmem>>, vector<16xf32>, vector<16xi1>
        tpu.vector_store %arg5[%swap3A_2657], %get3A_2641 masked %or3A_2650 {strides = array<i32>} : memref<9280xf32, #tpu.memory_space<vmem>>, vector<16xf32>, vector<16xi1>
        %convert_element_type3A_2659 = arith.extui %or3A_2650 : vector<16xi1> to vector<16xi32>
        %reduce_sum3A_2660 = arith.constant true
        %reduce_sum3A_2661 = vector.broadcast %reduce_sum3A_2660 : i1 to vector<16xi1>
        %reduce_sum3A_2662 = tpu.scan <sum>, %convert_element_type3A_2659 masked %reduce_sum3A_2661 : vector<16xi32>, vector<16xi1> -> vector<16xi32>
        %reduce_sum3A_2663 = vector.extract %reduce_sum3A_2662[15] : i32 from vector<16xi32>
        %add3A_2664 = arith.addi %add3A_2635, %reduce_sum3A_2663 : i32
        %add3A_2665 = arith.constant 0 : i32
        %add3A_2666 = arith.addi %add3A_2665, %add3A_2664 : i32
        %swap3A_2667 = arith.index_cast %add3A_2666 : i32 to index
        %swap3A_2668 = tpu.vector_load %arg5[%swap3A_2667] masked %and3A_2654 {strides = array<i32>} : memref<9280xf32, #tpu.memory_space<vmem>>, vector<16xf32>, vector<16xi1>
        tpu.vector_store %arg5[%swap3A_2667], %get3A_2647 masked %and3A_2654 {strides = array<i32>} : memref<9280xf32, #tpu.memory_space<vmem>>, vector<16xf32>, vector<16xi1>
        %convert_element_type3A_2669 = arith.extui %and3A_2654 : vector<16xi1> to vector<16xi32>
        %reduce_sum3A_2670 = arith.constant true
        %reduce_sum3A_2671 = vector.broadcast %reduce_sum3A_2670 : i1 to vector<16xi1>
        %reduce_sum3A_2672 = tpu.scan <sum>, %convert_element_type3A_2669 masked %reduce_sum3A_2671 : vector<16xi32>, vector<16xi1> -> vector<16xi32>
        %reduce_sum3A_2673 = vector.extract %reduce_sum3A_2672[15] : i32 from vector<16xi32>
        %add3A_2674 = arith.addi %add3A_2664, %reduce_sum3A_2673 : i32
        %get3A_2675 = arith.constant 3 : i32
        %get3A_2676 = arith.index_cast %and3A_52 : i32 to index
        %get3A_2677 = arith.index_cast %get3A_2675 : i32 to index
        %get3A_2678 = arith.index_cast %scan3A_2556 : i32 to index
        %get3A_2679 = arith.constant 0 : index
        %get3A_2680 = tpu.vector_load %arg4[%get3A_2676, %get3A_2677, %get3A_2678, %get3A_2679] {strides = array<i32>} : memref<2x16x24x24xf32, #tpu.memory_space<vmem>>, vector<16xf32>,
        %get3A_2681 = arith.constant 3 : i32
        %get3A_2682 = arith.index_cast %and3A_52 : i32 to index
        %get3A_2683 = arith.index_cast %get3A_2681 : i32 to index
        %get3A_2684 = arith.index_cast %scan3A_2556 : i32 to index
        %get3A_2685 = arith.constant 8 : index
        %get3A_2686 = tpu.vector_load %arg4[%get3A_2682, %get3A_2683, %get3A_2684, %get3A_2685] {strides = array<i32>} : memref<2x16x24x24xf32, #tpu.memory_space<vmem>>, vector<16xf32>,
        %ge3A_2687 = arith.cmpf oge, %get3A_2680, %broadcast_in_dim3A_266 : vector<16xf32>
        %le3A_2688 = arith.cmpf ole, %get3A_2680, %broadcast_in_dim3A_267 : vector<16xf32>
        %or3A_2689 = arith.ori %ge3A_2687, %le3A_2688 : vector<16xi1>
        %ge3A_2690 = arith.cmpf oge, %get3A_2686, %broadcast_in_dim3A_266 : vector<16xf32>
        %le3A_2691 = arith.cmpf ole, %get3A_2686, %broadcast_in_dim3A_267 : vector<16xf32>
        %or3A_2692 = arith.ori %ge3A_2690, %le3A_2691 : vector<16xi1>
        %and3A_2693 = arith.andi %or3A_2692, %ge3A_2 : vector<16xi1>
        %add3A_2694 = arith.constant 0 : i32
        %add3A_2695 = arith.addi %add3A_2694, %add3A_2674 : i32
        %swap3A_2696 = arith.index_cast %add3A_2695 : i32 to index
        %swap3A_2697 = tpu.vector_load %arg5[%swap3A_2696] masked %or3A_2689 {strides = array<i32>} : memref<9280xf32, #tpu.memory_space<vmem>>, vector<16xf32>, vector<16xi1>
        tpu.vector_store %arg5[%swap3A_2696], %get3A_2680 masked %or3A_2689 {strides = array<i32>} : memref<9280xf32, #tpu.memory_space<vmem>>, vector<16xf32>, vector<16xi1>
        %convert_element_type3A_2698 = arith.extui %or3A_2689 : vector<16xi1> to vector<16xi32>
        %reduce_sum3A_2699 = arith.constant true
        %reduce_sum3A_2700 = vector.broadcast %reduce_sum3A_2699 : i1 to vector<16xi1>
        %reduce_sum3A_2701 = tpu.scan <sum>, %convert_element_type3A_2698 masked %reduce_sum3A_2700 : vector<16xi32>, vector<16xi1> -> vector<16xi32>
        %reduce_sum3A_2702 = vector.extract %reduce_sum3A_2701[15] : i32 from vector<16xi32>
        %add3A_2703 = arith.addi %add3A_2674, %reduce_sum3A_2702 : i32
        %add3A_2704 = arith.constant 0 : i32
        %add3A_2705 = arith.addi %add3A_2704, %add3A_2703 : i32
        %swap3A_2706 = arith.index_cast %add3A_2705 : i32 to index
        %swap3A_2707 = tpu.vector_load %arg5[%swap3A_2706] masked %and3A_2693 {strides = array<i32>} : memref<9280xf32, #tpu.memory_space<vmem>>, vector<16xf32>, vector<16xi1>
        tpu.vector_store %arg5[%swap3A_2706], %get3A_2686 masked %and3A_2693 {strides = array<i32>} : memref<9280xf32, #tpu.memory_space<vmem>>, vector<16xf32>, vector<16xi1>
        %convert_element_type3A_2708 = arith.extui %and3A_2693 : vector<16xi1> to vector<16xi32>
        %reduce_sum3A_2709 = arith.constant true
        %reduce_sum3A_2710 = vector.broadcast %reduce_sum3A_2709 : i1 to vector<16xi1>
        %reduce_sum3A_2711 = tpu.scan <sum>, %convert_element_type3A_2708 masked %reduce_sum3A_2710 : vector<16xi32>, vector<16xi1> -> vector<16xi32>
        %reduce_sum3A_2712 = vector.extract %reduce_sum3A_2711[15] : i32 from vector<16xi32>
        %add3A_2713 = arith.addi %add3A_2703, %reduce_sum3A_2712 : i32
        %get3A_2714 = arith.constant 4 : i32
        %get3A_2715 = arith.index_cast %and3A_52 : i32 to index
        %get3A_2716 = arith.index_cast %get3A_2714 : i32 to index
        %get3A_2717 = arith.index_cast %scan3A_2556 : i32 to index
        %get3A_2718 = arith.constant 0 : index
        %get3A_2719 = tpu.vector_load %arg4[%get3A_2715, %get3A_2716, %get3A_2717, %get3A_2718] {strides = array<i32>} : memref<2x16x24x24xf32, #tpu.memory_space<vmem>>, vector<16xf32>,
        %get3A_2720 = arith.constant 4 : i32
        %get3A_2721 = arith.index_cast %and3A_52 : i32 to index
        %get3A_2722 = arith.index_cast %get3A_2720 : i32 to index
        %get3A_2723 = arith.index_cast %scan3A_2556 : i32 to index
        %get3A_2724 = arith.constant 8 : index
        %get3A_2725 = tpu.vector_load %arg4[%get3A_2721, %get3A_2722, %get3A_2723, %get3A_2724] {strides = array<i32>} : memref<2x16x24x24xf32, #tpu.memory_space<vmem>>, vector<16xf32>,
        %ge3A_2726 = arith.cmpf oge, %get3A_2719, %broadcast_in_dim3A_478 : vector<16xf32>
        %le3A_2727 = arith.cmpf ole, %get3A_2719, %broadcast_in_dim3A_479 : vector<16xf32>
        %or3A_2728 = arith.ori %ge3A_2726, %le3A_2727 : vector<16xi1>
        %ge3A_2729 = arith.cmpf oge, %get3A_2725, %broadcast_in_dim3A_478 : vector<16xf32>
        %le3A_2730 = arith.cmpf ole, %get3A_2725, %broadcast_in_dim3A_479 : vector<16xf32>
        %or3A_2731 = arith.ori %ge3A_2729, %le3A_2730 : vector<16xi1>
        %and3A_2732 = arith.andi %or3A_2731, %ge3A_2 : vector<16xi1>
        %add3A_2733 = arith.constant 2320 : i32
        %add3A_2734 = arith.addi %add3A_2733, %scan3A_2558 : i32
        %swap3A_2735 = arith.index_cast %add3A_2734 : i32 to index
        %swap3A_2736 = tpu.vector_load %arg5[%swap3A_2735] masked %or3A_2728 {strides = array<i32>} : memref<9280xf32, #tpu.memory_space<vmem>>, vector<16xf32>, vector<16xi1>
        tpu.vector_store %arg5[%swap3A_2735], %get3A_2719 masked %or3A_2728 {strides = array<i32>} : memref<9280xf32, #tpu.memory_space<vmem>>, vector<16xf32>, vector<16xi1>
        %convert_element_type3A_2737 = arith.extui %or3A_2728 : vector<16xi1> to vector<16xi32>
        %reduce_sum3A_2738 = arith.constant true
        %reduce_sum3A_2739 = vector.broadcast %reduce_sum3A_2738 : i1 to vector<16xi1>
        %reduce_sum3A_2740 = tpu.scan <sum>, %convert_element_type3A_2737 masked %reduce_sum3A_2739 : vector<16xi32>, vector<16xi1> -> vector<16xi32>
        %reduce_sum3A_2741 = vector.extract %reduce_sum3A_2740[15] : i32 from vector<16xi32>
        %add3A_2742 = arith.addi %scan3A_2558, %reduce_sum3A_2741 : i32
        %add3A_2743 = arith.constant 2320 : i32
        %add3A_2744 = arith.addi %add3A_2743, %add3A_2742 : i32
        %swap3A_2745 = arith.index_cast %add3A_2744 : i32 to index
        %swap3A_2746 = tpu.vector_load %arg5[%swap3A_2745] masked %and3A_2732 {strides = array<i32>} : memref<9280xf32, #tpu.memory_space<vmem>>, vector<16xf32>, vector<16xi1>
        tpu.vector_store %arg5[%swap3A_2745], %get3A_2725 masked %and3A_2732 {strides = array<i32>} : memref<9280xf32, #tpu.memory_space<vmem>>, vector<16xf32>, vector<16xi1>
        %convert_element_type3A_2747 = arith.extui %and3A_2732 : vector<16xi1> to vector<16xi32>
        %reduce_sum3A_2748 = arith.constant true
        %reduce_sum3A_2749 = vector.broadcast %reduce_sum3A_2748 : i1 to vector<16xi1>
        %reduce_sum3A_2750 = tpu.scan <sum>, %convert_element_type3A_2747 masked %reduce_sum3A_2749 : vector<16xi32>, vector<16xi1> -> vector<16xi32>
        %reduce_sum3A_2751 = vector.extract %reduce_sum3A_2750[15] : i32 from vector<16xi32>
        %add3A_2752 = arith.addi %add3A_2742, %reduce_sum3A_2751 : i32
        %get3A_2753 = arith.constant 5 : i32
        %get3A_2754 = arith.index_cast %and3A_52 : i32 to index
        %get3A_2755 = arith.index_cast %get3A_2753 : i32 to index
        %get3A_2756 = arith.index_cast %scan3A_2556 : i32 to index
        %get3A_2757 = arith.constant 0 : index
        %get3A_2758 = tpu.vector_load %arg4[%get3A_2754, %get3A_2755, %get3A_2756, %get3A_2757] {strides = array<i32>} : memref<2x16x24x24xf32, #tpu.memory_space<vmem>>, vector<16xf32>,
        %get3A_2759 = arith.constant 5 : i32
        %get3A_2760 = arith.index_cast %and3A_52 : i32 to index
        %get3A_2761 = arith.index_cast %get3A_2759 : i32 to index
        %get3A_2762 = arith.index_cast %scan3A_2556 : i32 to index
        %get3A_2763 = arith.constant 8 : index
        %get3A_2764 = tpu.vector_load %arg4[%get3A_2760, %get3A_2761, %get3A_2762, %get3A_2763] {strides = array<i32>} : memref<2x16x24x24xf32, #tpu.memory_space<vmem>>, vector<16xf32>,
        %ge3A_2765 = arith.cmpf oge, %get3A_2758, %broadcast_in_dim3A_478 : vector<16xf32>
        %le3A_2766 = arith.cmpf ole, %get3A_2758, %broadcast_in_dim3A_479 : vector<16xf32>
        %or3A_2767 = arith.ori %ge3A_2765, %le3A_2766 : vector<16xi1>
        %ge3A_2768 = arith.cmpf oge, %get3A_2764, %broadcast_in_dim3A_478 : vector<16xf32>
        %le3A_2769 = arith.cmpf ole, %get3A_2764, %broadcast_in_dim3A_479 : vector<16xf32>
        %or3A_2770 = arith.ori %ge3A_2768, %le3A_2769 : vector<16xi1>
        %and3A_2771 = arith.andi %or3A_2770, %ge3A_2 : vector<16xi1>
        %add3A_2772 = arith.constant 2320 : i32
        %add3A_2773 = arith.addi %add3A_2772, %add3A_2752 : i32
        %swap3A_2774 = arith.index_cast %add3A_2773 : i32 to index
        %swap3A_2775 = tpu.vector_load %arg5[%swap3A_2774] masked %or3A_2767 {strides = array<i32>} : memref<9280xf32, #tpu.memory_space<vmem>>, vector<16xf32>, vector<16xi1>
        tpu.vector_store %arg5[%swap3A_2774], %get3A_2758 masked %or3A_2767 {strides = array<i32>} : memref<9280xf32, #tpu.memory_space<vmem>>, vector<16xf32>, vector<16xi1>
        %convert_element_type3A_2776 = arith.extui %or3A_2767 : vector<16xi1> to vector<16xi32>
        %reduce_sum3A_2777 = arith.constant true
        %reduce_sum3A_2778 = vector.broadcast %reduce_sum3A_2777 : i1 to vector<16xi1>
        %reduce_sum3A_2779 = tpu.scan <sum>, %convert_element_type3A_2776 masked %reduce_sum3A_2778 : vector<16xi32>, vector<16xi1> -> vector<16xi32>
        %reduce_sum3A_2780 = vector.extract %reduce_sum3A_2779[15] : i32 from vector<16xi32>
        %add3A_2781 = arith.addi %add3A_2752, %reduce_sum3A_2780 : i32
        %add3A_2782 = arith.constant 2320 : i32
        %add3A_2783 = arith.addi %add3A_2782, %add3A_2781 : i32
        %swap3A_2784 = arith.index_cast %add3A_2783 : i32 to index
        %swap3A_2785 = tpu.vector_load %arg5[%swap3A_2784] masked %and3A_2771 {strides = array<i32>} : memref<9280xf32, #tpu.memory_space<vmem>>, vector<16xf32>, vector<16xi1>
        tpu.vector_store %arg5[%swap3A_2784], %get3A_2764 masked %and3A_2771 {strides = array<i32>} : memref<9280xf32, #tpu.memory_space<vmem>>, vector<16xf32>, vector<16xi1>
        %convert_element_type3A_2786 = arith.extui %and3A_2771 : vector<16xi1> to vector<16xi32>
        %reduce_sum3A_2787 = arith.constant true
        %reduce_sum3A_2788 = vector.broadcast %reduce_sum3A_2787 : i1 to vector<16xi1>
        %reduce_sum3A_2789 = tpu.scan <sum>, %convert_element_type3A_2786 masked %reduce_sum3A_2788 : vector<16xi32>, vector<16xi1> -> vector<16xi32>
        %reduce_sum3A_2790 = vector.extract %reduce_sum3A_2789[15] : i32 from vector<16xi32>
        %add3A_2791 = arith.addi %add3A_2781, %reduce_sum3A_2790 : i32
        %get3A_2792 = arith.constant 6 : i32
        %get3A_2793 = arith.index_cast %and3A_52 : i32 to index
        %get3A_2794 = arith.index_cast %get3A_2792 : i32 to index
        %get3A_2795 = arith.index_cast %scan3A_2556 : i32 to index
        %get3A_2796 = arith.constant 0 : index
        %get3A_2797 = tpu.vector_load %arg4[%get3A_2793, %get3A_2794, %get3A_2795, %get3A_2796] {strides = array<i32>} : memref<2x16x24x24xf32, #tpu.memory_space<vmem>>, vector<16xf32>,
        %get3A_2798 = arith.constant 6 : i32
        %get3A_2799 = arith.index_cast %and3A_52 : i32 to index
        %get3A_2800 = arith.index_cast %get3A_2798 : i32 to index
        %get3A_2801 = arith.index_cast %scan3A_2556 : i32 to index
        %get3A_2802 = arith.constant 8 : index
        %get3A_2803 = tpu.vector_load %arg4[%get3A_2799, %get3A_2800, %get3A_2801, %get3A_2802] {strides = array<i32>} : memref<2x16x24x24xf32, #tpu.memory_space<vmem>>, vector<16xf32>,
        %ge3A_2804 = arith.cmpf oge, %get3A_2797, %broadcast_in_dim3A_478 : vector<16xf32>
        %le3A_2805 = arith.cmpf ole, %get3A_2797, %broadcast_in_dim3A_479 : vector<16xf32>
        %or3A_2806 = arith.ori %ge3A_2804, %le3A_2805 : vector<16xi1>
        %ge3A_2807 = arith.cmpf oge, %get3A_2803, %broadcast_in_dim3A_478 : vector<16xf32>
        %le3A_2808 = arith.cmpf ole, %get3A_2803, %broadcast_in_dim3A_479 : vector<16xf32>
        %or3A_2809 = arith.ori %ge3A_2807, %le3A_2808 : vector<16xi1>
        %and3A_2810 = arith.andi %or3A_2809, %ge3A_2 : vector<16xi1>
        %add3A_2811 = arith.constant 2320 : i32
        %add3A_2812 = arith.addi %add3A_2811, %add3A_2791 : i32
        %swap3A_2813 = arith.index_cast %add3A_2812 : i32 to index
        %swap3A_2814 = tpu.vector_load %arg5[%swap3A_2813] masked %or3A_2806 {strides = array<i32>} : memref<9280xf32, #tpu.memory_space<vmem>>, vector<16xf32>, vector<16xi1>
        tpu.vector_store %arg5[%swap3A_2813], %get3A_2797 masked %or3A_2806 {strides = array<i32>} : memref<9280xf32, #tpu.memory_space<vmem>>, vector<16xf32>, vector<16xi1>
        %convert_element_type3A_2815 = arith.extui %or3A_2806 : vector<16xi1> to vector<16xi32>
        %reduce_sum3A_2816 = arith.constant true
        %reduce_sum3A_2817 = vector.broadcast %reduce_sum3A_2816 : i1 to vector<16xi1>
        %reduce_sum3A_2818 = tpu.scan <sum>, %convert_element_type3A_2815 masked %reduce_sum3A_2817 : vector<16xi32>, vector<16xi1> -> vector<16xi32>
        %reduce_sum3A_2819 = vector.extract %reduce_sum3A_2818[15] : i32 from vector<16xi32>
        %add3A_2820 = arith.addi %add3A_2791, %reduce_sum3A_2819 : i32
        %add3A_2821 = arith.constant 2320 : i32
        %add3A_2822 = arith.addi %add3A_2821, %add3A_2820 : i32
        %swap3A_2823 = arith.index_cast %add3A_2822 : i32 to index
        %swap3A_2824 = tpu.vector_load %arg5[%swap3A_2823] masked %and3A_2810 {strides = array<i32>} : memref<9280xf32, #tpu.memory_space<vmem>>, vector<16xf32>, vector<16xi1>
        tpu.vector_store %arg5[%swap3A_2823], %get3A_2803 masked %and3A_2810 {strides = array<i32>} : memref<9280xf32, #tpu.memory_space<vmem>>, vector<16xf32>, vector<16xi1>
        %convert_element_type3A_2825 = arith.extui %and3A_2810 : vector<16xi1> to vector<16xi32>
        %reduce_sum3A_2826 = arith.constant true
        %reduce_sum3A_2827 = vector.broadcast %reduce_sum3A_2826 : i1 to vector<16xi1>
        %reduce_sum3A_2828 = tpu.scan <sum>, %convert_element_type3A_2825 masked %reduce_sum3A_2827 : vector<16xi32>, vector<16xi1> -> vector<16xi32>
        %reduce_sum3A_2829 = vector.extract %reduce_sum3A_2828[15] : i32 from vector<16xi32>
        %add3A_2830 = arith.addi %add3A_2820, %reduce_sum3A_2829 : i32
        %get3A_2831 = arith.constant 7 : i32
        %get3A_2832 = arith.index_cast %and3A_52 : i32 to index
        %get3A_2833 = arith.index_cast %get3A_2831 : i32 to index
        %get3A_2834 = arith.index_cast %scan3A_2556 : i32 to index
        %get3A_2835 = arith.constant 0 : index
        %get3A_2836 = tpu.vector_load %arg4[%get3A_2832, %get3A_2833, %get3A_2834, %get3A_2835] {strides = array<i32>} : memref<2x16x24x24xf32, #tpu.memory_space<vmem>>, vector<16xf32>,
        %get3A_2837 = arith.constant 7 : i32
        %get3A_2838 = arith.index_cast %and3A_52 : i32 to index
        %get3A_2839 = arith.index_cast %get3A_2837 : i32 to index
        %get3A_2840 = arith.index_cast %scan3A_2556 : i32 to index
        %get3A_2841 = arith.constant 8 : index
        %get3A_2842 = tpu.vector_load %arg4[%get3A_2838, %get3A_2839, %get3A_2840, %get3A_2841] {strides = array<i32>} : memref<2x16x24x24xf32, #tpu.memory_space<vmem>>, vector<16xf32>,
        %ge3A_2843 = arith.cmpf oge, %get3A_2836, %broadcast_in_dim3A_478 : vector<16xf32>
        %le3A_2844 = arith.cmpf ole, %get3A_2836, %broadcast_in_dim3A_479 : vector<16xf32>
        %or3A_2845 = arith.ori %ge3A_2843, %le3A_2844 : vector<16xi1>
        %ge3A_2846 = arith.cmpf oge, %get3A_2842, %broadcast_in_dim3A_478 : vector<16xf32>
        %le3A_2847 = arith.cmpf ole, %get3A_2842, %broadcast_in_dim3A_479 : vector<16xf32>
        %or3A_2848 = arith.ori %ge3A_2846, %le3A_2847 : vector<16xi1>
        %and3A_2849 = arith.andi %or3A_2848, %ge3A_2 : vector<16xi1>
        %add3A_2850 = arith.constant 2320 : i32
        %add3A_2851 = arith.addi %add3A_2850, %add3A_2830 : i32
        %swap3A_2852 = arith.index_cast %add3A_2851 : i32 to index
        %swap3A_2853 = tpu.vector_load %arg5[%swap3A_2852] masked %or3A_2845 {strides = array<i32>} : memref<9280xf32, #tpu.memory_space<vmem>>, vector<16xf32>, vector<16xi1>
        tpu.vector_store %arg5[%swap3A_2852], %get3A_2836 masked %or3A_2845 {strides = array<i32>} : memref<9280xf32, #tpu.memory_space<vmem>>, vector<16xf32>, vector<16xi1>
        %convert_element_type3A_2854 = arith.extui %or3A_2845 : vector<16xi1> to vector<16xi32>
        %reduce_sum3A_2855 = arith.constant true
        %reduce_sum3A_2856 = vector.broadcast %reduce_sum3A_2855 : i1 to vector<16xi1>
        %reduce_sum3A_2857 = tpu.scan <sum>, %convert_element_type3A_2854 masked %reduce_sum3A_2856 : vector<16xi32>, vector<16xi1> -> vector<16xi32>
        %reduce_sum3A_2858 = vector.extract %reduce_sum3A_2857[15] : i32 from vector<16xi32>
        %add3A_2859 = arith.addi %add3A_2830, %reduce_sum3A_2858 : i32
        %add3A_2860 = arith.constant 2320 : i32
        %add3A_2861 = arith.addi %add3A_2860, %add3A_2859 : i32
        %swap3A_2862 = arith.index_cast %add3A_2861 : i32 to index
        %swap3A_2863 = tpu.vector_load %arg5[%swap3A_2862] masked %and3A_2849 {strides = array<i32>} : memref<9280xf32, #tpu.memory_space<vmem>>, vector<16xf32>, vector<16xi1>
        tpu.vector_store %arg5[%swap3A_2862], %get3A_2842 masked %and3A_2849 {strides = array<i32>} : memref<9280xf32, #tpu.memory_space<vmem>>, vector<16xf32>, vector<16xi1>
        %convert_element_type3A_2864 = arith.extui %and3A_2849 : vector<16xi1> to vector<16xi32>
        %reduce_sum3A_2865 = arith.constant true
        %reduce_sum3A_2866 = vector.broadcast %reduce_sum3A_2865 : i1 to vector<16xi1>
        %reduce_sum3A_2867 = tpu.scan <sum>, %convert_element_type3A_2864 masked %reduce_sum3A_2866 : vector<16xi32>, vector<16xi1> -> vector<16xi32>
        %reduce_sum3A_2868 = vector.extract %reduce_sum3A_2867[15] : i32 from vector<16xi32>
        %add3A_2869 = arith.addi %add3A_2859, %reduce_sum3A_2868 : i32
        %get3A_2870 = arith.constant 8 : i32
        %get3A_2871 = arith.index_cast %and3A_52 : i32 to index
        %get3A_2872 = arith.index_cast %get3A_2870 : i32 to index
        %get3A_2873 = arith.index_cast %scan3A_2556 : i32 to index
        %get3A_2874 = arith.constant 0 : index
        %get3A_2875 = tpu.vector_load %arg4[%get3A_2871, %get3A_2872, %get3A_2873, %get3A_2874] {strides = array<i32>} : memref<2x16x24x24xf32, #tpu.memory_space<vmem>>, vector<16xf32>,
        %get3A_2876 = arith.constant 8 : i32
        %get3A_2877 = arith.index_cast %and3A_52 : i32 to index
        %get3A_2878 = arith.index_cast %get3A_2876 : i32 to index
        %get3A_2879 = arith.index_cast %scan3A_2556 : i32 to index
        %get3A_2880 = arith.constant 8 : index
        %get3A_2881 = tpu.vector_load %arg4[%get3A_2877, %get3A_2878, %get3A_2879, %get3A_2880] {strides = array<i32>} : memref<2x16x24x24xf32, #tpu.memory_space<vmem>>, vector<16xf32>,
        %ge3A_2882 = arith.cmpf oge, %get3A_2875, %broadcast_in_dim3A_690 : vector<16xf32>
        %le3A_2883 = arith.cmpf ole, %get3A_2875, %broadcast_in_dim3A_691 : vector<16xf32>
        %or3A_2884 = arith.ori %ge3A_2882, %le3A_2883 : vector<16xi1>
        %ge3A_2885 = arith.cmpf oge, %get3A_2881, %broadcast_in_dim3A_690 : vector<16xf32>
        %le3A_2886 = arith.cmpf ole, %get3A_2881, %broadcast_in_dim3A_691 : vector<16xf32>
        %or3A_2887 = arith.ori %ge3A_2885, %le3A_2886 : vector<16xi1>
        %and3A_2888 = arith.andi %or3A_2887, %ge3A_2 : vector<16xi1>
        %add3A_2889 = arith.constant 4640 : i32
        %add3A_2890 = arith.addi %add3A_2889, %scan3A_2559 : i32
        %swap3A_2891 = arith.index_cast %add3A_2890 : i32 to index
        %swap3A_2892 = tpu.vector_load %arg5[%swap3A_2891] masked %or3A_2884 {strides = array<i32>} : memref<9280xf32, #tpu.memory_space<vmem>>, vector<16xf32>, vector<16xi1>
        tpu.vector_store %arg5[%swap3A_2891], %get3A_2875 masked %or3A_2884 {strides = array<i32>} : memref<9280xf32, #tpu.memory_space<vmem>>, vector<16xf32>, vector<16xi1>
        %convert_element_type3A_2893 = arith.extui %or3A_2884 : vector<16xi1> to vector<16xi32>
        %reduce_sum3A_2894 = arith.constant true
        %reduce_sum3A_2895 = vector.broadcast %reduce_sum3A_2894 : i1 to vector<16xi1>
        %reduce_sum3A_2896 = tpu.scan <sum>, %convert_element_type3A_2893 masked %reduce_sum3A_2895 : vector<16xi32>, vector<16xi1> -> vector<16xi32>
        %reduce_sum3A_2897 = vector.extract %reduce_sum3A_2896[15] : i32 from vector<16xi32>
        %add3A_2898 = arith.addi %scan3A_2559, %reduce_sum3A_2897 : i32
        %add3A_2899 = arith.constant 4640 : i32
        %add3A_2900 = arith.addi %add3A_2899, %add3A_2898 : i32
        %swap3A_2901 = arith.index_cast %add3A_2900 : i32 to index
        %swap3A_2902 = tpu.vector_load %arg5[%swap3A_2901] masked %and3A_2888 {strides = array<i32>} : memref<9280xf32, #tpu.memory_space<vmem>>, vector<16xf32>, vector<16xi1>
        tpu.vector_store %arg5[%swap3A_2901], %get3A_2881 masked %and3A_2888 {strides = array<i32>} : memref<9280xf32, #tpu.memory_space<vmem>>, vector<16xf32>, vector<16xi1>
        %convert_element_type3A_2903 = arith.extui %and3A_2888 : vector<16xi1> to vector<16xi32>
        %reduce_sum3A_2904 = arith.constant true
        %reduce_sum3A_2905 = vector.broadcast %reduce_sum3A_2904 : i1 to vector<16xi1>
        %reduce_sum3A_2906 = tpu.scan <sum>, %convert_element_type3A_2903 masked %reduce_sum3A_2905 : vector<16xi32>, vector<16xi1> -> vector<16xi32>
        %reduce_sum3A_2907 = vector.extract %reduce_sum3A_2906[15] : i32 from vector<16xi32>
        %add3A_2908 = arith.addi %add3A_2898, %reduce_sum3A_2907 : i32
        %get3A_2909 = arith.constant 9 : i32
        %get3A_2910 = arith.index_cast %and3A_52 : i32 to index
        %get3A_2911 = arith.index_cast %get3A_2909 : i32 to index
        %get3A_2912 = arith.index_cast %scan3A_2556 : i32 to index
        %get3A_2913 = arith.constant 0 : index
        %get3A_2914 = tpu.vector_load %arg4[%get3A_2910, %get3A_2911, %get3A_2912, %get3A_2913] {strides = array<i32>} : memref<2x16x24x24xf32, #tpu.memory_space<vmem>>, vector<16xf32>,
        %get3A_2915 = arith.constant 9 : i32
        %get3A_2916 = arith.index_cast %and3A_52 : i32 to index
        %get3A_2917 = arith.index_cast %get3A_2915 : i32 to index
        %get3A_2918 = arith.index_cast %scan3A_2556 : i32 to index
        %get3A_2919 = arith.constant 8 : index
        %get3A_2920 = tpu.vector_load %arg4[%get3A_2916, %get3A_2917, %get3A_2918, %get3A_2919] {strides = array<i32>} : memref<2x16x24x24xf32, #tpu.memory_space<vmem>>, vector<16xf32>,
        %ge3A_2921 = arith.cmpf oge, %get3A_2914, %broadcast_in_dim3A_690 : vector<16xf32>
        %le3A_2922 = arith.cmpf ole, %get3A_2914, %broadcast_in_dim3A_691 : vector<16xf32>
        %or3A_2923 = arith.ori %ge3A_2921, %le3A_2922 : vector<16xi1>
        %ge3A_2924 = arith.cmpf oge, %get3A_2920, %broadcast_in_dim3A_690 : vector<16xf32>
        %le3A_2925 = arith.cmpf ole, %get3A_2920, %broadcast_in_dim3A_691 : vector<16xf32>
        %or3A_2926 = arith.ori %ge3A_2924, %le3A_2925 : vector<16xi1>
        %and3A_2927 = arith.andi %or3A_2926, %ge3A_2 : vector<16xi1>
        %add3A_2928 = arith.constant 4640 : i32
        %add3A_2929 = arith.addi %add3A_2928, %add3A_2908 : i32
        %swap3A_2930 = arith.index_cast %add3A_2929 : i32 to index
        %swap3A_2931 = tpu.vector_load %arg5[%swap3A_2930] masked %or3A_2923 {strides = array<i32>} : memref<9280xf32, #tpu.memory_space<vmem>>, vector<16xf32>, vector<16xi1>
        tpu.vector_store %arg5[%swap3A_2930], %get3A_2914 masked %or3A_2923 {strides = array<i32>} : memref<9280xf32, #tpu.memory_space<vmem>>, vector<16xf32>, vector<16xi1>
        %convert_element_type3A_2932 = arith.extui %or3A_2923 : vector<16xi1> to vector<16xi32>
        %reduce_sum3A_2933 = arith.constant true
        %reduce_sum3A_2934 = vector.broadcast %reduce_sum3A_2933 : i1 to vector<16xi1>
        %reduce_sum3A_2935 = tpu.scan <sum>, %convert_element_type3A_2932 masked %reduce_sum3A_2934 : vector<16xi32>, vector<16xi1> -> vector<16xi32>
        %reduce_sum3A_2936 = vector.extract %reduce_sum3A_2935[15] : i32 from vector<16xi32>
        %add3A_2937 = arith.addi %add3A_2908, %reduce_sum3A_2936 : i32
        %add3A_2938 = arith.constant 4640 : i32
        %add3A_2939 = arith.addi %add3A_2938, %add3A_2937 : i32
        %swap3A_2940 = arith.index_cast %add3A_2939 : i32 to index
        %swap3A_2941 = tpu.vector_load %arg5[%swap3A_2940] masked %and3A_2927 {strides = array<i32>} : memref<9280xf32, #tpu.memory_space<vmem>>, vector<16xf32>, vector<16xi1>
        tpu.vector_store %arg5[%swap3A_2940], %get3A_2920 masked %and3A_2927 {strides = array<i32>} : memref<9280xf32, #tpu.memory_space<vmem>>, vector<16xf32>, vector<16xi1>
        %convert_element_type3A_2942 = arith.extui %and3A_2927 : vector<16xi1> to vector<16xi32>
        %reduce_sum3A_2943 = arith.constant true
        %reduce_sum3A_2944 = vector.broadcast %reduce_sum3A_2943 : i1 to vector<16xi1>
        %reduce_sum3A_2945 = tpu.scan <sum>, %convert_element_type3A_2942 masked %reduce_sum3A_2944 : vector<16xi32>, vector<16xi1> -> vector<16xi32>
        %reduce_sum3A_2946 = vector.extract %reduce_sum3A_2945[15] : i32 from vector<16xi32>
        %add3A_2947 = arith.addi %add3A_2937, %reduce_sum3A_2946 : i32
        %get3A_2948 = arith.constant 10 : i32
        %get3A_2949 = arith.index_cast %and3A_52 : i32 to index
        %get3A_2950 = arith.index_cast %get3A_2948 : i32 to index
        %get3A_2951 = arith.index_cast %scan3A_2556 : i32 to index
        %get3A_2952 = arith.constant 0 : index
        %get3A_2953 = tpu.vector_load %arg4[%get3A_2949, %get3A_2950, %get3A_2951, %get3A_2952] {strides = array<i32>} : memref<2x16x24x24xf32, #tpu.memory_space<vmem>>, vector<16xf32>,
        %get3A_2954 = arith.constant 10 : i32
        %get3A_2955 = arith.index_cast %and3A_52 : i32 to index
        %get3A_2956 = arith.index_cast %get3A_2954 : i32 to index
        %get3A_2957 = arith.index_cast %scan3A_2556 : i32 to index
        %get3A_2958 = arith.constant 8 : index
        %get3A_2959 = tpu.vector_load %arg4[%get3A_2955, %get3A_2956, %get3A_2957, %get3A_2958] {strides = array<i32>} : memref<2x16x24x24xf32, #tpu.memory_space<vmem>>, vector<16xf32>,
        %ge3A_2960 = arith.cmpf oge, %get3A_2953, %broadcast_in_dim3A_690 : vector<16xf32>
        %le3A_2961 = arith.cmpf ole, %get3A_2953, %broadcast_in_dim3A_691 : vector<16xf32>
        %or3A_2962 = arith.ori %ge3A_2960, %le3A_2961 : vector<16xi1>
        %ge3A_2963 = arith.cmpf oge, %get3A_2959, %broadcast_in_dim3A_690 : vector<16xf32>
        %le3A_2964 = arith.cmpf ole, %get3A_2959, %broadcast_in_dim3A_691 : vector<16xf32>
        %or3A_2965 = arith.ori %ge3A_2963, %le3A_2964 : vector<16xi1>
        %and3A_2966 = arith.andi %or3A_2965, %ge3A_2 : vector<16xi1>
        %add3A_2967 = arith.constant 4640 : i32
        %add3A_2968 = arith.addi %add3A_2967, %add3A_2947 : i32
        %swap3A_2969 = arith.index_cast %add3A_2968 : i32 to index
        %swap3A_2970 = tpu.vector_load %arg5[%swap3A_2969] masked %or3A_2962 {strides = array<i32>} : memref<9280xf32, #tpu.memory_space<vmem>>, vector<16xf32>, vector<16xi1>
        tpu.vector_store %arg5[%swap3A_2969], %get3A_2953 masked %or3A_2962 {strides = array<i32>} : memref<9280xf32, #tpu.memory_space<vmem>>, vector<16xf32>, vector<16xi1>
        %convert_element_type3A_2971 = arith.extui %or3A_2962 : vector<16xi1> to vector<16xi32>
        %reduce_sum3A_2972 = arith.constant true
        %reduce_sum3A_2973 = vector.broadcast %reduce_sum3A_2972 : i1 to vector<16xi1>
        %reduce_sum3A_2974 = tpu.scan <sum>, %convert_element_type3A_2971 masked %reduce_sum3A_2973 : vector<16xi32>, vector<16xi1> -> vector<16xi32>
        %reduce_sum3A_2975 = vector.extract %reduce_sum3A_2974[15] : i32 from vector<16xi32>
        %add3A_2976 = arith.addi %add3A_2947, %reduce_sum3A_2975 : i32
        %add3A_2977 = arith.constant 4640 : i32
        %add3A_2978 = arith.addi %add3A_2977, %add3A_2976 : i32
        %swap3A_2979 = arith.index_cast %add3A_2978 : i32 to index
        %swap3A_2980 = tpu.vector_load %arg5[%swap3A_2979] masked %and3A_2966 {strides = array<i32>} : memref<9280xf32, #tpu.memory_space<vmem>>, vector<16xf32>, vector<16xi1>
        tpu.vector_store %arg5[%swap3A_2979], %get3A_2959 masked %and3A_2966 {strides = array<i32>} : memref<9280xf32, #tpu.memory_space<vmem>>, vector<16xf32>, vector<16xi1>
        %convert_element_type3A_2981 = arith.extui %and3A_2966 : vector<16xi1> to vector<16xi32>
        %reduce_sum3A_2982 = arith.constant true
        %reduce_sum3A_2983 = vector.broadcast %reduce_sum3A_2982 : i1 to vector<16xi1>
        %reduce_sum3A_2984 = tpu.scan <sum>, %convert_element_type3A_2981 masked %reduce_sum3A_2983 : vector<16xi32>, vector<16xi1> -> vector<16xi32>
        %reduce_sum3A_2985 = vector.extract %reduce_sum3A_2984[15] : i32 from vector<16xi32>
        %add3A_2986 = arith.addi %add3A_2976, %reduce_sum3A_2985 : i32
        %get3A_2987 = arith.constant 11 : i32
        %get3A_2988 = arith.index_cast %and3A_52 : i32 to index
        %get3A_2989 = arith.index_cast %get3A_2987 : i32 to index
        %get3A_2990 = arith.index_cast %scan3A_2556 : i32 to index
        %get3A_2991 = arith.constant 0 : index
        %get3A_2992 = tpu.vector_load %arg4[%get3A_2988, %get3A_2989, %get3A_2990, %get3A_2991] {strides = array<i32>} : memref<2x16x24x24xf32, #tpu.memory_space<vmem>>, vector<16xf32>,
        %get3A_2993 = arith.constant 11 : i32
        %get3A_2994 = arith.index_cast %and3A_52 : i32 to index
        %get3A_2995 = arith.index_cast %get3A_2993 : i32 to index
        %get3A_2996 = arith.index_cast %scan3A_2556 : i32 to index
        %get3A_2997 = arith.constant 8 : index
        %get3A_2998 = tpu.vector_load %arg4[%get3A_2994, %get3A_2995, %get3A_2996, %get3A_2997] {strides = array<i32>} : memref<2x16x24x24xf32, #tpu.memory_space<vmem>>, vector<16xf32>,
        %ge3A_2999 = arith.cmpf oge, %get3A_2992, %broadcast_in_dim3A_690 : vector<16xf32>
        %le3A_3000 = arith.cmpf ole, %get3A_2992, %broadcast_in_dim3A_691 : vector<16xf32>
        %or3A_3001 = arith.ori %ge3A_2999, %le3A_3000 : vector<16xi1>
        %ge3A_3002 = arith.cmpf oge, %get3A_2998, %broadcast_in_dim3A_690 : vector<16xf32>
        %le3A_3003 = arith.cmpf ole, %get3A_2998, %broadcast_in_dim3A_691 : vector<16xf32>
        %or3A_3004 = arith.ori %ge3A_3002, %le3A_3003 : vector<16xi1>
        %and3A_3005 = arith.andi %or3A_3004, %ge3A_2 : vector<16xi1>
        %add3A_3006 = arith.constant 4640 : i32
        %add3A_3007 = arith.addi %add3A_3006, %add3A_2986 : i32
        %swap3A_3008 = arith.index_cast %add3A_3007 : i32 to index
        %swap3A_3009 = tpu.vector_load %arg5[%swap3A_3008] masked %or3A_3001 {strides = array<i32>} : memref<9280xf32, #tpu.memory_space<vmem>>, vector<16xf32>, vector<16xi1>
        tpu.vector_store %arg5[%swap3A_3008], %get3A_2992 masked %or3A_3001 {strides = array<i32>} : memref<9280xf32, #tpu.memory_space<vmem>>, vector<16xf32>, vector<16xi1>
        %convert_element_type3A_3010 = arith.extui %or3A_3001 : vector<16xi1> to vector<16xi32>
        %reduce_sum3A_3011 = arith.constant true
        %reduce_sum3A_3012 = vector.broadcast %reduce_sum3A_3011 : i1 to vector<16xi1>
        %reduce_sum3A_3013 = tpu.scan <sum>, %convert_element_type3A_3010 masked %reduce_sum3A_3012 : vector<16xi32>, vector<16xi1> -> vector<16xi32>
        %reduce_sum3A_3014 = vector.extract %reduce_sum3A_3013[15] : i32 from vector<16xi32>
        %add3A_3015 = arith.addi %add3A_2986, %reduce_sum3A_3014 : i32
        %add3A_3016 = arith.constant 4640 : i32
        %add3A_3017 = arith.addi %add3A_3016, %add3A_3015 : i32
        %swap3A_3018 = arith.index_cast %add3A_3017 : i32 to index
        %swap3A_3019 = tpu.vector_load %arg5[%swap3A_3018] masked %and3A_3005 {strides = array<i32>} : memref<9280xf32, #tpu.memory_space<vmem>>, vector<16xf32>, vector<16xi1>
        tpu.vector_store %arg5[%swap3A_3018], %get3A_2998 masked %and3A_3005 {strides = array<i32>} : memref<9280xf32, #tpu.memory_space<vmem>>, vector<16xf32>, vector<16xi1>
        %convert_element_type3A_3020 = arith.extui %and3A_3005 : vector<16xi1> to vector<16xi32>
        %reduce_sum3A_3021 = arith.constant true
        %reduce_sum3A_3022 = vector.broadcast %reduce_sum3A_3021 : i1 to vector<16xi1>
        %reduce_sum3A_3023 = tpu.scan <sum>, %convert_element_type3A_3020 masked %reduce_sum3A_3022 : vector<16xi32>, vector<16xi1> -> vector<16xi32>
        %reduce_sum3A_3024 = vector.extract %reduce_sum3A_3023[15] : i32 from vector<16xi32>
        %add3A_3025 = arith.addi %add3A_3015, %reduce_sum3A_3024 : i32
        %get3A_3026 = arith.constant 12 : i32
        %get3A_3027 = arith.index_cast %and3A_52 : i32 to index
        %get3A_3028 = arith.index_cast %get3A_3026 : i32 to index
        %get3A_3029 = arith.index_cast %scan3A_2556 : i32 to index
        %get3A_3030 = arith.constant 0 : index
        %get3A_3031 = tpu.vector_load %arg4[%get3A_3027, %get3A_3028, %get3A_3029, %get3A_3030] {strides = array<i32>} : memref<2x16x24x24xf32, #tpu.memory_space<vmem>>, vector<16xf32>,
        %get3A_3032 = arith.constant 12 : i32
        %get3A_3033 = arith.index_cast %and3A_52 : i32 to index
        %get3A_3034 = arith.index_cast %get3A_3032 : i32 to index
        %get3A_3035 = arith.index_cast %scan3A_2556 : i32 to index
        %get3A_3036 = arith.constant 8 : index
        %get3A_3037 = tpu.vector_load %arg4[%get3A_3033, %get3A_3034, %get3A_3035, %get3A_3036] {strides = array<i32>} : memref<2x16x24x24xf32, #tpu.memory_space<vmem>>, vector<16xf32>,
        %ge3A_3038 = arith.cmpf oge, %get3A_3031, %broadcast_in_dim3A_902 : vector<16xf32>
        %le3A_3039 = arith.cmpf ole, %get3A_3031, %broadcast_in_dim3A_903 : vector<16xf32>
        %or3A_3040 = arith.ori %ge3A_3038, %le3A_3039 : vector<16xi1>
        %ge3A_3041 = arith.cmpf oge, %get3A_3037, %broadcast_in_dim3A_902 : vector<16xf32>
        %le3A_3042 = arith.cmpf ole, %get3A_3037, %broadcast_in_dim3A_903 : vector<16xf32>
        %or3A_3043 = arith.ori %ge3A_3041, %le3A_3042 : vector<16xi1>
        %and3A_3044 = arith.andi %or3A_3043, %ge3A_2 : vector<16xi1>
        %add3A_3045 = arith.constant 6960 : i32
        %add3A_3046 = arith.addi %add3A_3045, %scan3A_2560 : i32
        %swap3A_3047 = arith.index_cast %add3A_3046 : i32 to index
        %swap3A_3048 = tpu.vector_load %arg5[%swap3A_3047] masked %or3A_3040 {strides = array<i32>} : memref<9280xf32, #tpu.memory_space<vmem>>, vector<16xf32>, vector<16xi1>
        tpu.vector_store %arg5[%swap3A_3047], %get3A_3031 masked %or3A_3040 {strides = array<i32>} : memref<9280xf32, #tpu.memory_space<vmem>>, vector<16xf32>, vector<16xi1>
        %convert_element_type3A_3049 = arith.extui %or3A_3040 : vector<16xi1> to vector<16xi32>
        %reduce_sum3A_3050 = arith.constant true
        %reduce_sum3A_3051 = vector.broadcast %reduce_sum3A_3050 : i1 to vector<16xi1>
        %reduce_sum3A_3052 = tpu.scan <sum>, %convert_element_type3A_3049 masked %reduce_sum3A_3051 : vector<16xi32>, vector<16xi1> -> vector<16xi32>
        %reduce_sum3A_3053 = vector.extract %reduce_sum3A_3052[15] : i32 from vector<16xi32>
        %add3A_3054 = arith.addi %scan3A_2560, %reduce_sum3A_3053 : i32
        %add3A_3055 = arith.constant 6960 : i32
        %add3A_3056 = arith.addi %add3A_3055, %add3A_3054 : i32
        %swap3A_3057 = arith.index_cast %add3A_3056 : i32 to index
        %swap3A_3058 = tpu.vector_load %arg5[%swap3A_3057] masked %and3A_3044 {strides = array<i32>} : memref<9280xf32, #tpu.memory_space<vmem>>, vector<16xf32>, vector<16xi1>
        tpu.vector_store %arg5[%swap3A_3057], %get3A_3037 masked %and3A_3044 {strides = array<i32>} : memref<9280xf32, #tpu.memory_space<vmem>>, vector<16xf32>, vector<16xi1>
        %convert_element_type3A_3059 = arith.extui %and3A_3044 : vector<16xi1> to vector<16xi32>
        %reduce_sum3A_3060 = arith.constant true
        %reduce_sum3A_3061 = vector.broadcast %reduce_sum3A_3060 : i1 to vector<16xi1>
        %reduce_sum3A_3062 = tpu.scan <sum>, %convert_element_type3A_3059 masked %reduce_sum3A_3061 : vector<16xi32>, vector<16xi1> -> vector<16xi32>
        %reduce_sum3A_3063 = vector.extract %reduce_sum3A_3062[15] : i32 from vector<16xi32>
        %add3A_3064 = arith.addi %add3A_3054, %reduce_sum3A_3063 : i32
        %get3A_3065 = arith.constant 13 : i32
        %get3A_3066 = arith.index_cast %and3A_52 : i32 to index
        %get3A_3067 = arith.index_cast %get3A_3065 : i32 to index
        %get3A_3068 = arith.index_cast %scan3A_2556 : i32 to index
        %get3A_3069 = arith.constant 0 : index
        %get3A_3070 = tpu.vector_load %arg4[%get3A_3066, %get3A_3067, %get3A_3068, %get3A_3069] {strides = array<i32>} : memref<2x16x24x24xf32, #tpu.memory_space<vmem>>, vector<16xf32>,
        %get3A_3071 = arith.constant 13 : i32
        %get3A_3072 = arith.index_cast %and3A_52 : i32 to index
        %get3A_3073 = arith.index_cast %get3A_3071 : i32 to index
        %get3A_3074 = arith.index_cast %scan3A_2556 : i32 to index
        %get3A_3075 = arith.constant 8 : index
        %get3A_3076 = tpu.vector_load %arg4[%get3A_3072, %get3A_3073, %get3A_3074, %get3A_3075] {strides = array<i32>} : memref<2x16x24x24xf32, #tpu.memory_space<vmem>>, vector<16xf32>,
        %ge3A_3077 = arith.cmpf oge, %get3A_3070, %broadcast_in_dim3A_902 : vector<16xf32>
        %le3A_3078 = arith.cmpf ole, %get3A_3070, %broadcast_in_dim3A_903 : vector<16xf32>
        %or3A_3079 = arith.ori %ge3A_3077, %le3A_3078 : vector<16xi1>
        %ge3A_3080 = arith.cmpf oge, %get3A_3076, %broadcast_in_dim3A_902 : vector<16xf32>
        %le3A_3081 = arith.cmpf ole, %get3A_3076, %broadcast_in_dim3A_903 : vector<16xf32>
        %or3A_3082 = arith.ori %ge3A_3080, %le3A_3081 : vector<16xi1>
        %and3A_3083 = arith.andi %or3A_3082, %ge3A_2 : vector<16xi1>
        %add3A_3084 = arith.constant 6960 : i32
        %add3A_3085 = arith.addi %add3A_3084, %add3A_3064 : i32
        %swap3A_3086 = arith.index_cast %add3A_3085 : i32 to index
        %swap3A_3087 = tpu.vector_load %arg5[%swap3A_3086] masked %or3A_3079 {strides = array<i32>} : memref<9280xf32, #tpu.memory_space<vmem>>, vector<16xf32>, vector<16xi1>
        tpu.vector_store %arg5[%swap3A_3086], %get3A_3070 masked %or3A_3079 {strides = array<i32>} : memref<9280xf32, #tpu.memory_space<vmem>>, vector<16xf32>, vector<16xi1>
        %convert_element_type3A_3088 = arith.extui %or3A_3079 : vector<16xi1> to vector<16xi32>
        %reduce_sum3A_3089 = arith.constant true
        %reduce_sum3A_3090 = vector.broadcast %reduce_sum3A_3089 : i1 to vector<16xi1>
        %reduce_sum3A_3091 = tpu.scan <sum>, %convert_element_type3A_3088 masked %reduce_sum3A_3090 : vector<16xi32>, vector<16xi1> -> vector<16xi32>
        %reduce_sum3A_3092 = vector.extract %reduce_sum3A_3091[15] : i32 from vector<16xi32>
        %add3A_3093 = arith.addi %add3A_3064, %reduce_sum3A_3092 : i32
        %add3A_3094 = arith.constant 6960 : i32
        %add3A_3095 = arith.addi %add3A_3094, %add3A_3093 : i32
        %swap3A_3096 = arith.index_cast %add3A_3095 : i32 to index
        %swap3A_3097 = tpu.vector_load %arg5[%swap3A_3096] masked %and3A_3083 {strides = array<i32>} : memref<9280xf32, #tpu.memory_space<vmem>>, vector<16xf32>, vector<16xi1>
        tpu.vector_store %arg5[%swap3A_3096], %get3A_3076 masked %and3A_3083 {strides = array<i32>} : memref<9280xf32, #tpu.memory_space<vmem>>, vector<16xf32>, vector<16xi1>
        %convert_element_type3A_3098 = arith.extui %and3A_3083 : vector<16xi1> to vector<16xi32>
        %reduce_sum3A_3099 = arith.constant true
        %reduce_sum3A_3100 = vector.broadcast %reduce_sum3A_3099 : i1 to vector<16xi1>
        %reduce_sum3A_3101 = tpu.scan <sum>, %convert_element_type3A_3098 masked %reduce_sum3A_3100 : vector<16xi32>, vector<16xi1> -> vector<16xi32>
        %reduce_sum3A_3102 = vector.extract %reduce_sum3A_3101[15] : i32 from vector<16xi32>
        %add3A_3103 = arith.addi %add3A_3093, %reduce_sum3A_3102 : i32
        %get3A_3104 = arith.constant 14 : i32
        %get3A_3105 = arith.index_cast %and3A_52 : i32 to index
        %get3A_3106 = arith.index_cast %get3A_3104 : i32 to index
        %get3A_3107 = arith.index_cast %scan3A_2556 : i32 to index
        %get3A_3108 = arith.constant 0 : index
        %get3A_3109 = tpu.vector_load %arg4[%get3A_3105, %get3A_3106, %get3A_3107, %get3A_3108] {strides = array<i32>} : memref<2x16x24x24xf32, #tpu.memory_space<vmem>>, vector<16xf32>,
        %get3A_3110 = arith.constant 14 : i32
        %get3A_3111 = arith.index_cast %and3A_52 : i32 to index
        %get3A_3112 = arith.index_cast %get3A_3110 : i32 to index
        %get3A_3113 = arith.index_cast %scan3A_2556 : i32 to index
        %get3A_3114 = arith.constant 8 : index
        %get3A_3115 = tpu.vector_load %arg4[%get3A_3111, %get3A_3112, %get3A_3113, %get3A_3114] {strides = array<i32>} : memref<2x16x24x24xf32, #tpu.memory_space<vmem>>, vector<16xf32>,
        %ge3A_3116 = arith.cmpf oge, %get3A_3109, %broadcast_in_dim3A_902 : vector<16xf32>
        %le3A_3117 = arith.cmpf ole, %get3A_3109, %broadcast_in_dim3A_903 : vector<16xf32>
        %or3A_3118 = arith.ori %ge3A_3116, %le3A_3117 : vector<16xi1>
        %ge3A_3119 = arith.cmpf oge, %get3A_3115, %broadcast_in_dim3A_902 : vector<16xf32>
        %le3A_3120 = arith.cmpf ole, %get3A_3115, %broadcast_in_dim3A_903 : vector<16xf32>
        %or3A_3121 = arith.ori %ge3A_3119, %le3A_3120 : vector<16xi1>
        %and3A_3122 = arith.andi %or3A_3121, %ge3A_2 : vector<16xi1>
        %add3A_3123 = arith.constant 6960 : i32
        %add3A_3124 = arith.addi %add3A_3123, %add3A_3103 : i32
        %swap3A_3125 = arith.index_cast %add3A_3124 : i32 to index
        %swap3A_3126 = tpu.vector_load %arg5[%swap3A_3125] masked %or3A_3118 {strides = array<i32>} : memref<9280xf32, #tpu.memory_space<vmem>>, vector<16xf32>, vector<16xi1>
        tpu.vector_store %arg5[%swap3A_3125], %get3A_3109 masked %or3A_3118 {strides = array<i32>} : memref<9280xf32, #tpu.memory_space<vmem>>, vector<16xf32>, vector<16xi1>
        %convert_element_type3A_3127 = arith.extui %or3A_3118 : vector<16xi1> to vector<16xi32>
        %reduce_sum3A_3128 = arith.constant true
        %reduce_sum3A_3129 = vector.broadcast %reduce_sum3A_3128 : i1 to vector<16xi1>
        %reduce_sum3A_3130 = tpu.scan <sum>, %convert_element_type3A_3127 masked %reduce_sum3A_3129 : vector<16xi32>, vector<16xi1> -> vector<16xi32>
        %reduce_sum3A_3131 = vector.extract %reduce_sum3A_3130[15] : i32 from vector<16xi32>
        %add3A_3132 = arith.addi %add3A_3103, %reduce_sum3A_3131 : i32
        %add3A_3133 = arith.constant 6960 : i32
        %add3A_3134 = arith.addi %add3A_3133, %add3A_3132 : i32
        %swap3A_3135 = arith.index_cast %add3A_3134 : i32 to index
        %swap3A_3136 = tpu.vector_load %arg5[%swap3A_3135] masked %and3A_3122 {strides = array<i32>} : memref<9280xf32, #tpu.memory_space<vmem>>, vector<16xf32>, vector<16xi1>
        tpu.vector_store %arg5[%swap3A_3135], %get3A_3115 masked %and3A_3122 {strides = array<i32>} : memref<9280xf32, #tpu.memory_space<vmem>>, vector<16xf32>, vector<16xi1>
        %convert_element_type3A_3137 = arith.extui %and3A_3122 : vector<16xi1> to vector<16xi32>
        %reduce_sum3A_3138 = arith.constant true
        %reduce_sum3A_3139 = vector.broadcast %reduce_sum3A_3138 : i1 to vector<16xi1>
        %reduce_sum3A_3140 = tpu.scan <sum>, %convert_element_type3A_3137 masked %reduce_sum3A_3139 : vector<16xi32>, vector<16xi1> -> vector<16xi32>
        %reduce_sum3A_3141 = vector.extract %reduce_sum3A_3140[15] : i32 from vector<16xi32>
        %add3A_3142 = arith.addi %add3A_3132, %reduce_sum3A_3141 : i32
        %get3A_3143 = arith.constant 15 : i32
        %get3A_3144 = arith.index_cast %and3A_52 : i32 to index
        %get3A_3145 = arith.index_cast %get3A_3143 : i32 to index
        %get3A_3146 = arith.index_cast %scan3A_2556 : i32 to index
        %get3A_3147 = arith.constant 0 : index
        %get3A_3148 = tpu.vector_load %arg4[%get3A_3144, %get3A_3145, %get3A_3146, %get3A_3147] {strides = array<i32>} : memref<2x16x24x24xf32, #tpu.memory_space<vmem>>, vector<16xf32>,
        %get3A_3149 = arith.constant 15 : i32
        %get3A_3150 = arith.index_cast %and3A_52 : i32 to index
        %get3A_3151 = arith.index_cast %get3A_3149 : i32 to index
        %get3A_3152 = arith.index_cast %scan3A_2556 : i32 to index
        %get3A_3153 = arith.constant 8 : index
        %get3A_3154 = tpu.vector_load %arg4[%get3A_3150, %get3A_3151, %get3A_3152, %get3A_3153] {strides = array<i32>} : memref<2x16x24x24xf32, #tpu.memory_space<vmem>>, vector<16xf32>,
        %ge3A_3155 = arith.cmpf oge, %get3A_3148, %broadcast_in_dim3A_902 : vector<16xf32>
        %le3A_3156 = arith.cmpf ole, %get3A_3148, %broadcast_in_dim3A_903 : vector<16xf32>
        %or3A_3157 = arith.ori %ge3A_3155, %le3A_3156 : vector<16xi1>
        %ge3A_3158 = arith.cmpf oge, %get3A_3154, %broadcast_in_dim3A_902 : vector<16xf32>
        %le3A_3159 = arith.cmpf ole, %get3A_3154, %broadcast_in_dim3A_903 : vector<16xf32>
        %or3A_3160 = arith.ori %ge3A_3158, %le3A_3159 : vector<16xi1>
        %and3A_3161 = arith.andi %or3A_3160, %ge3A_2 : vector<16xi1>
        %add3A_3162 = arith.constant 6960 : i32
        %add3A_3163 = arith.addi %add3A_3162, %add3A_3142 : i32
        %swap3A_3164 = arith.index_cast %add3A_3163 : i32 to index
        %swap3A_3165 = tpu.vector_load %arg5[%swap3A_3164] masked %or3A_3157 {strides = array<i32>} : memref<9280xf32, #tpu.memory_space<vmem>>, vector<16xf32>, vector<16xi1>
        tpu.vector_store %arg5[%swap3A_3164], %get3A_3148 masked %or3A_3157 {strides = array<i32>} : memref<9280xf32, #tpu.memory_space<vmem>>, vector<16xf32>, vector<16xi1>
        %convert_element_type3A_3166 = arith.extui %or3A_3157 : vector<16xi1> to vector<16xi32>
        %reduce_sum3A_3167 = arith.constant true
        %reduce_sum3A_3168 = vector.broadcast %reduce_sum3A_3167 : i1 to vector<16xi1>
        %reduce_sum3A_3169 = tpu.scan <sum>, %convert_element_type3A_3166 masked %reduce_sum3A_3168 : vector<16xi32>, vector<16xi1> -> vector<16xi32>
        %reduce_sum3A_3170 = vector.extract %reduce_sum3A_3169[15] : i32 from vector<16xi32>
        %add3A_3171 = arith.addi %add3A_3142, %reduce_sum3A_3170 : i32
        %add3A_3172 = arith.constant 6960 : i32
        %add3A_3173 = arith.addi %add3A_3172, %add3A_3171 : i32
        %swap3A_3174 = arith.index_cast %add3A_3173 : i32 to index
        %swap3A_3175 = tpu.vector_load %arg5[%swap3A_3174] masked %and3A_3161 {strides = array<i32>} : memref<9280xf32, #tpu.memory_space<vmem>>, vector<16xf32>, vector<16xi1>
        tpu.vector_store %arg5[%swap3A_3174], %get3A_3154 masked %and3A_3161 {strides = array<i32>} : memref<9280xf32, #tpu.memory_space<vmem>>, vector<16xf32>, vector<16xi1>
        %convert_element_type3A_3176 = arith.extui %and3A_3161 : vector<16xi1> to vector<16xi32>
        %reduce_sum3A_3177 = arith.constant true
        %reduce_sum3A_3178 = vector.broadcast %reduce_sum3A_3177 : i1 to vector<16xi1>
        %reduce_sum3A_3179 = tpu.scan <sum>, %convert_element_type3A_3176 masked %reduce_sum3A_3178 : vector<16xi32>, vector<16xi1> -> vector<16xi32>
        %reduce_sum3A_3180 = vector.extract %reduce_sum3A_3179[15] : i32 from vector<16xi32>
        %add3A_3181 = arith.addi %add3A_3171, %reduce_sum3A_3180 : i32
        scf.yield %add3A_2713, %add3A_2869, %add3A_3025, %add3A_3181 : i32, i32, i32, i32
      }
      %scan3A_913 = arith.constant 24 : i32
      %broadcast_in_dim3A_914 = arith.constant -3.000000e+38 : f32
      %broadcast_in_dim3A_915 = vector.broadcast %broadcast_in_dim3A_914 : f32 to vector<16xf32>
      %broadcast_in_dim3A_916 = arith.constant -3.000000e+38 : f32
      %broadcast_in_dim3A_917 = vector.broadcast %broadcast_in_dim3A_916 : f32 to vector<16xf32>
      %broadcast_in_dim3A_918 = arith.constant -3.000000e+38 : f32
      %broadcast_in_dim3A_919 = vector.broadcast %broadcast_in_dim3A_918 : f32 to vector<16xf32>
      %broadcast_in_dim3A_920 = arith.constant -3.000000e+38 : f32
      %broadcast_in_dim3A_921 = vector.broadcast %broadcast_in_dim3A_920 : f32 to vector<16xf32>
      %broadcast_in_dim3A_922 = arith.constant -3.000000e+38 : f32
      %broadcast_in_dim3A_923 = vector.broadcast %broadcast_in_dim3A_922 : f32 to vector<16xf32>
      %broadcast_in_dim3A_924 = arith.constant -3.000000e+38 : f32
      %broadcast_in_dim3A_925 = vector.broadcast %broadcast_in_dim3A_924 : f32 to vector<16xf32>
      %broadcast_in_dim3A_926 = arith.constant -3.000000e+38 : f32
      %broadcast_in_dim3A_927 = vector.broadcast %broadcast_in_dim3A_926 : f32 to vector<16xf32>
      %broadcast_in_dim3A_928 = arith.constant -3.000000e+38 : f32
      %broadcast_in_dim3A_929 = vector.broadcast %broadcast_in_dim3A_928 : f32 to vector<16xf32>
      %get3A = arith.constant 0 : index
      %get3A_930 = tpu.vector_load %arg5[%get3A] {strides = array<i32>} : memref<9280xf32, #tpu.memory_space<vmem>>, vector<16xf32>,
      %sub3A = arith.constant 0 : i32
      %sub3A_931 = arith.subi %scan3A_912#0, %sub3A : i32
      %lt3A = vector.broadcast %sub3A_931 : i32 to vector<16xi32>
      %lt3A_932 = arith.cmpi slt, %iota3A, %lt3A : vector<16xi32>
      %jit3A_933 = arith.constant -3.000000e+38 : f32
      %broadcast_in_dim3A_934 = vector.broadcast %jit3A_933 : f32 to vector<16xf32>
      %select_n3A_935 = arith.select %lt3A_932, %get3A_930, %broadcast_in_dim3A_934 : vector<16xi1>, vector<16xf32>
      %masked_sort3A_936 = arith.constant dense<true> : vector<16xi1>
      %masked_sort3A_937, %masked_sort3A_938, %masked_sort3A_939 = tpu.sort %select_n3A_935, %select_n3A_935 masked %masked_sort3A_936 {descending = true} : (vector<16xf32>, vector<16xf32>, vector<16xi1>) -> (vector<16xi1>, vector<16xf32>, vector<16xf32>)
      %rev3A_940 = arith.constant 15 : i32
      %rev3A_941 = vector.broadcast %rev3A_940 : i32 to vector<16xi32>
      %rev3A_942 = tpu.iota {dimensions = array<i32: 0>} : vector<16xi32>
      %rev3A_943 = arith.subi %rev3A_941, %rev3A_942 : vector<16xi32>
      %rev3A_944 = tpu.dynamic_gather %masked_sort3A_938[%rev3A_943] in [0] : vector<16xf32>, vector<16xi32> -> vector<16xf32>
      %max3A_945 = arith.maximumf %broadcast_in_dim3A_923, %rev3A_944 : vector<16xf32>
      %min3A_946 = arith.minimumf %broadcast_in_dim3A_923, %rev3A_944 : vector<16xf32>
      %masked_sort3A_947 = arith.constant dense<true> : vector<16xi1>
      %masked_sort3A_948, %masked_sort3A_949, %masked_sort3A_950 = tpu.sort %max3A_945, %max3A_945 masked %masked_sort3A_947 {descending = true} : (vector<16xf32>, vector<16xf32>, vector<16xi1>) -> (vector<16xi1>, vector<16xf32>, vector<16xf32>)
      %rev3A_951 = arith.constant 15 : i32
      %rev3A_952 = vector.broadcast %rev3A_951 : i32 to vector<16xi32>
      %rev3A_953 = tpu.iota {dimensions = array<i32: 0>} : vector<16xi32>
      %rev3A_954 = arith.subi %rev3A_952, %rev3A_953 : vector<16xi32>
      %rev3A_955 = tpu.dynamic_gather %masked_sort3A_949[%rev3A_954] in [0] : vector<16xf32>, vector<16xi32> -> vector<16xf32>
      %max3A_956 = arith.maximumf %broadcast_in_dim3A_915, %rev3A_955 : vector<16xf32>
      %min3A_957 = arith.minimumf %broadcast_in_dim3A_915, %rev3A_955 : vector<16xf32>
      %masked_sort3A_958 = arith.constant dense<true> : vector<16xi1>
      %masked_sort3A_959, %masked_sort3A_960, %masked_sort3A_961 = tpu.sort %max3A_956, %max3A_956 masked %masked_sort3A_958 {descending = true} : (vector<16xf32>, vector<16xf32>, vector<16xi1>) -> (vector<16xi1>, vector<16xf32>, vector<16xf32>)
      %masked_sort3A_962 = arith.constant dense<true> : vector<16xi1>
      %masked_sort3A_963, %masked_sort3A_964, %masked_sort3A_965 = tpu.sort %min3A_957, %min3A_957 masked %masked_sort3A_962 {descending = true} : (vector<16xf32>, vector<16xf32>, vector<16xi1>) -> (vector<16xi1>, vector<16xf32>, vector<16xf32>)
      %get3A_966 = arith.constant 2320 : index
      %get3A_967 = tpu.vector_load %arg5[%get3A_966] {strides = array<i32>} : memref<9280xf32, #tpu.memory_space<vmem>>, vector<16xf32>,
      %sub3A_968 = arith.constant 0 : i32
      %sub3A_969 = arith.subi %scan3A_912#1, %sub3A_968 : i32
      %lt3A_970 = vector.broadcast %sub3A_969 : i32 to vector<16xi32>
      %lt3A_971 = arith.cmpi slt, %iota3A, %lt3A_970 : vector<16xi32>
      %jit3A_972 = arith.constant -3.000000e+38 : f32
      %broadcast_in_dim3A_973 = vector.broadcast %jit3A_972 : f32 to vector<16xf32>
      %select_n3A_974 = arith.select %lt3A_971, %get3A_967, %broadcast_in_dim3A_973 : vector<16xi1>, vector<16xf32>
      %masked_sort3A_975 = arith.constant dense<true> : vector<16xi1>
      %masked_sort3A_976, %masked_sort3A_977, %masked_sort3A_978 = tpu.sort %select_n3A_974, %select_n3A_974 masked %masked_sort3A_975 {descending = true} : (vector<16xf32>, vector<16xf32>, vector<16xi1>) -> (vector<16xi1>, vector<16xf32>, vector<16xf32>)
      %rev3A_979 = arith.constant 15 : i32
      %rev3A_980 = vector.broadcast %rev3A_979 : i32 to vector<16xi32>
      %rev3A_981 = tpu.iota {dimensions = array<i32: 0>} : vector<16xi32>
      %rev3A_982 = arith.subi %rev3A_980, %rev3A_981 : vector<16xi32>
      %rev3A_983 = tpu.dynamic_gather %masked_sort3A_977[%rev3A_982] in [0] : vector<16xf32>, vector<16xi32> -> vector<16xf32>
      %max3A_984 = arith.maximumf %broadcast_in_dim3A_925, %rev3A_983 : vector<16xf32>
      %min3A_985 = arith.minimumf %broadcast_in_dim3A_925, %rev3A_983 : vector<16xf32>
      %masked_sort3A_986 = arith.constant dense<true> : vector<16xi1>
      %masked_sort3A_987, %masked_sort3A_988, %masked_sort3A_989 = tpu.sort %max3A_984, %max3A_984 masked %masked_sort3A_986 {descending = true} : (vector<16xf32>, vector<16xf32>, vector<16xi1>) -> (vector<16xi1>, vector<16xf32>, vector<16xf32>)
      %rev3A_990 = arith.constant 15 : i32
      %rev3A_991 = vector.broadcast %rev3A_990 : i32 to vector<16xi32>
      %rev3A_992 = tpu.iota {dimensions = array<i32: 0>} : vector<16xi32>
      %rev3A_993 = arith.subi %rev3A_991, %rev3A_992 : vector<16xi32>
      %rev3A_994 = tpu.dynamic_gather %masked_sort3A_988[%rev3A_993] in [0] : vector<16xf32>, vector<16xi32> -> vector<16xf32>
      %max3A_995 = arith.maximumf %broadcast_in_dim3A_917, %rev3A_994 : vector<16xf32>
      %min3A_996 = arith.minimumf %broadcast_in_dim3A_917, %rev3A_994 : vector<16xf32>
      %masked_sort3A_997 = arith.constant dense<true> : vector<16xi1>
      %masked_sort3A_998, %masked_sort3A_999, %masked_sort3A_1000 = tpu.sort %max3A_995, %max3A_995 masked %masked_sort3A_997 {descending = true} : (vector<16xf32>, vector<16xf32>, vector<16xi1>) -> (vector<16xi1>, vector<16xf32>, vector<16xf32>)
      %masked_sort3A_1001 = arith.constant dense<true> : vector<16xi1>
      %masked_sort3A_1002, %masked_sort3A_1003, %masked_sort3A_1004 = tpu.sort %min3A_996, %min3A_996 masked %masked_sort3A_1001 {descending = true} : (vector<16xf32>, vector<16xf32>, vector<16xi1>) -> (vector<16xi1>, vector<16xf32>, vector<16xf32>)
      %get3A_1005 = arith.constant 4640 : index
      %get3A_1006 = tpu.vector_load %arg5[%get3A_1005] {strides = array<i32>} : memref<9280xf32, #tpu.memory_space<vmem>>, vector<16xf32>,
      %sub3A_1007 = arith.constant 0 : i32
      %sub3A_1008 = arith.subi %scan3A_912#2, %sub3A_1007 : i32
      %lt3A_1009 = vector.broadcast %sub3A_1008 : i32 to vector<16xi32>
      %lt3A_1010 = arith.cmpi slt, %iota3A, %lt3A_1009 : vector<16xi32>
      %jit3A_1011 = arith.constant -3.000000e+38 : f32
      %broadcast_in_dim3A_1012 = vector.broadcast %jit3A_1011 : f32 to vector<16xf32>
      %select_n3A_1013 = arith.select %lt3A_1010, %get3A_1006, %broadcast_in_dim3A_1012 : vector<16xi1>, vector<16xf32>
      %masked_sort3A_1014 = arith.constant dense<true> : vector<16xi1>
      %masked_sort3A_1015, %masked_sort3A_1016, %masked_sort3A_1017 = tpu.sort %select_n3A_1013, %select_n3A_1013 masked %masked_sort3A_1014 {descending = true} : (vector<16xf32>, vector<16xf32>, vector<16xi1>) -> (vector<16xi1>, vector<16xf32>, vector<16xf32>)
      %rev3A_1018 = arith.constant 15 : i32
      %rev3A_1019 = vector.broadcast %rev3A_1018 : i32 to vector<16xi32>
      %rev3A_1020 = tpu.iota {dimensions = array<i32: 0>} : vector<16xi32>
      %rev3A_1021 = arith.subi %rev3A_1019, %rev3A_1020 : vector<16xi32>
      %rev3A_1022 = tpu.dynamic_gather %masked_sort3A_1016[%rev3A_1021] in [0] : vector<16xf32>, vector<16xi32> -> vector<16xf32>
      %max3A_1023 = arith.maximumf %broadcast_in_dim3A_927, %rev3A_1022 : vector<16xf32>
      %min3A_1024 = arith.minimumf %broadcast_in_dim3A_927, %rev3A_1022 : vector<16xf32>
      %masked_sort3A_1025 = arith.constant dense<true> : vector<16xi1>
      %masked_sort3A_1026, %masked_sort3A_1027, %masked_sort3A_1028 = tpu.sort %max3A_1023, %max3A_1023 masked %masked_sort3A_1025 {descending = true} : (vector<16xf32>, vector<16xf32>, vector<16xi1>) -> (vector<16xi1>, vector<16xf32>, vector<16xf32>)
      %rev3A_1029 = arith.constant 15 : i32
      %rev3A_1030 = vector.broadcast %rev3A_1029 : i32 to vector<16xi32>
      %rev3A_1031 = tpu.iota {dimensions = array<i32: 0>} : vector<16xi32>
      %rev3A_1032 = arith.subi %rev3A_1030, %rev3A_1031 : vector<16xi32>
      %rev3A_1033 = tpu.dynamic_gather %masked_sort3A_1027[%rev3A_1032] in [0] : vector<16xf32>, vector<16xi32> -> vector<16xf32>
      %max3A_1034 = arith.maximumf %broadcast_in_dim3A_919, %rev3A_1033 : vector<16xf32>
      %min3A_1035 = arith.minimumf %broadcast_in_dim3A_919, %rev3A_1033 : vector<16xf32>
      %masked_sort3A_1036 = arith.constant dense<true> : vector<16xi1>
      %masked_sort3A_1037, %masked_sort3A_1038, %masked_sort3A_1039 = tpu.sort %max3A_1034, %max3A_1034 masked %masked_sort3A_1036 {descending = true} : (vector<16xf32>, vector<16xf32>, vector<16xi1>) -> (vector<16xi1>, vector<16xf32>, vector<16xf32>)
      %masked_sort3A_1040 = arith.constant dense<true> : vector<16xi1>
      %masked_sort3A_1041, %masked_sort3A_1042, %masked_sort3A_1043 = tpu.sort %min3A_1035, %min3A_1035 masked %masked_sort3A_1040 {descending = true} : (vector<16xf32>, vector<16xf32>, vector<16xi1>) -> (vector<16xi1>, vector<16xf32>, vector<16xf32>)
      %get3A_1044 = arith.constant 6960 : index
      %get3A_1045 = tpu.vector_load %arg5[%get3A_1044] {strides = array<i32>} : memref<9280xf32, #tpu.memory_space<vmem>>, vector<16xf32>,
      %sub3A_1046 = arith.constant 0 : i32
      %sub3A_1047 = arith.subi %scan3A_912#3, %sub3A_1046 : i32
      %lt3A_1048 = vector.broadcast %sub3A_1047 : i32 to vector<16xi32>
      %lt3A_1049 = arith.cmpi slt, %iota3A, %lt3A_1048 : vector<16xi32>
      %jit3A_1050 = arith.constant -3.000000e+38 : f32
      %broadcast_in_dim3A_1051 = vector.broadcast %jit3A_1050 : f32 to vector<16xf32>
      %select_n3A_1052 = arith.select %lt3A_1049, %get3A_1045, %broadcast_in_dim3A_1051 : vector<16xi1>, vector<16xf32>
      %masked_sort3A_1053 = arith.constant dense<true> : vector<16xi1>
      %masked_sort3A_1054, %masked_sort3A_1055, %masked_sort3A_1056 = tpu.sort %select_n3A_1052, %select_n3A_1052 masked %masked_sort3A_1053 {descending = true} : (vector<16xf32>, vector<16xf32>, vector<16xi1>) -> (vector<16xi1>, vector<16xf32>, vector<16xf32>)
      %rev3A_1057 = arith.constant 15 : i32
      %rev3A_1058 = vector.broadcast %rev3A_1057 : i32 to vector<16xi32>
      %rev3A_1059 = tpu.iota {dimensions = array<i32: 0>} : vector<16xi32>
      %rev3A_1060 = arith.subi %rev3A_1058, %rev3A_1059 : vector<16xi32>
      %rev3A_1061 = tpu.dynamic_gather %masked_sort3A_1055[%rev3A_1060] in [0] : vector<16xf32>, vector<16xi32> -> vector<16xf32>
      %max3A_1062 = arith.maximumf %broadcast_in_dim3A_929, %rev3A_1061 : vector<16xf32>
      %min3A_1063 = arith.minimumf %broadcast_in_dim3A_929, %rev3A_1061 : vector<16xf32>
      %masked_sort3A_1064 = arith.constant dense<true> : vector<16xi1>
      %masked_sort3A_1065, %masked_sort3A_1066, %masked_sort3A_1067 = tpu.sort %max3A_1062, %max3A_1062 masked %masked_sort3A_1064 {descending = true} : (vector<16xf32>, vector<16xf32>, vector<16xi1>) -> (vector<16xi1>, vector<16xf32>, vector<16xf32>)
      %rev3A_1068 = arith.constant 15 : i32
      %rev3A_1069 = vector.broadcast %rev3A_1068 : i32 to vector<16xi32>
      %rev3A_1070 = tpu.iota {dimensions = array<i32: 0>} : vector<16xi32>
      %rev3A_1071 = arith.subi %rev3A_1069, %rev3A_1070 : vector<16xi32>
      %rev3A_1072 = tpu.dynamic_gather %masked_sort3A_1066[%rev3A_1071] in [0] : vector<16xf32>, vector<16xi32> -> vector<16xf32>
      %max3A_1073 = arith.maximumf %broadcast_in_dim3A_921, %rev3A_1072 : vector<16xf32>
      %min3A_1074 = arith.minimumf %broadcast_in_dim3A_921, %rev3A_1072 : vector<16xf32>
      %masked_sort3A_1075 = arith.constant dense<true> : vector<16xi1>
      %masked_sort3A_1076, %masked_sort3A_1077, %masked_sort3A_1078 = tpu.sort %max3A_1073, %max3A_1073 masked %masked_sort3A_1075 {descending = true} : (vector<16xf32>, vector<16xf32>, vector<16xi1>) -> (vector<16xi1>, vector<16xf32>, vector<16xf32>)
      %masked_sort3A_1079 = arith.constant dense<true> : vector<16xi1>
      %masked_sort3A_1080, %masked_sort3A_1081, %masked_sort3A_1082 = tpu.sort %min3A_1074, %min3A_1074 masked %masked_sort3A_1079 {descending = true} : (vector<16xf32>, vector<16xf32>, vector<16xi1>) -> (vector<16xi1>, vector<16xf32>, vector<16xf32>)
      %get3A_1083 = arith.constant 16 : index
      %get3A_1084 = tpu.vector_load %arg5[%get3A_1083] {strides = array<i32>} : memref<9280xf32, #tpu.memory_space<vmem>>, vector<16xf32>,
      %sub3A_1085 = arith.constant 16 : i32
      %sub3A_1086 = arith.subi %scan3A_912#0, %sub3A_1085 : i32
      %lt3A_1087 = vector.broadcast %sub3A_1086 : i32 to vector<16xi32>
      %lt3A_1088 = arith.cmpi slt, %iota3A, %lt3A_1087 : vector<16xi32>
      %jit3A_1089 = arith.constant -3.000000e+38 : f32
      %broadcast_in_dim3A_1090 = vector.broadcast %jit3A_1089 : f32 to vector<16xf32>
      %select_n3A_1091 = arith.select %lt3A_1088, %get3A_1084, %broadcast_in_dim3A_1090 : vector<16xi1>, vector<16xf32>
      %masked_sort3A_1092 = arith.constant dense<true> : vector<16xi1>
      %masked_sort3A_1093, %masked_sort3A_1094, %masked_sort3A_1095 = tpu.sort %select_n3A_1091, %select_n3A_1091 masked %masked_sort3A_1092 {descending = true} : (vector<16xf32>, vector<16xf32>, vector<16xi1>) -> (vector<16xi1>, vector<16xf32>, vector<16xf32>)
      %rev3A_1096 = arith.constant 15 : i32
      %rev3A_1097 = vector.broadcast %rev3A_1096 : i32 to vector<16xi32>
      %rev3A_1098 = tpu.iota {dimensions = array<i32: 0>} : vector<16xi32>
      %rev3A_1099 = arith.subi %rev3A_1097, %rev3A_1098 : vector<16xi32>
      %rev3A_1100 = tpu.dynamic_gather %masked_sort3A_1094[%rev3A_1099] in [0] : vector<16xf32>, vector<16xi32> -> vector<16xf32>
      %max3A_1101 = arith.maximumf %masked_sort3A_964, %rev3A_1100 : vector<16xf32>
      %min3A_1102 = arith.minimumf %masked_sort3A_964, %rev3A_1100 : vector<16xf32>
      %masked_sort3A_1103 = arith.constant dense<true> : vector<16xi1>
      %masked_sort3A_1104, %masked_sort3A_1105, %masked_sort3A_1106 = tpu.sort %max3A_1101, %max3A_1101 masked %masked_sort3A_1103 {descending = true} : (vector<16xf32>, vector<16xf32>, vector<16xi1>) -> (vector<16xi1>, vector<16xf32>, vector<16xf32>)
      %rev3A_1107 = arith.constant 15 : i32
      %rev3A_1108 = vector.broadcast %rev3A_1107 : i32 to vector<16xi32>
      %rev3A_1109 = tpu.iota {dimensions = array<i32: 0>} : vector<16xi32>
      %rev3A_1110 = arith.subi %rev3A_1108, %rev3A_1109 : vector<16xi32>
      %rev3A_1111 = tpu.dynamic_gather %masked_sort3A_1105[%rev3A_1110] in [0] : vector<16xf32>, vector<16xi32> -> vector<16xf32>
      %max3A_1112 = arith.maximumf %masked_sort3A_960, %rev3A_1111 : vector<16xf32>
      %min3A_1113 = arith.minimumf %masked_sort3A_960, %rev3A_1111 : vector<16xf32>
      %masked_sort3A_1114 = arith.constant dense<true> : vector<16xi1>
      %masked_sort3A_1115, %masked_sort3A_1116, %masked_sort3A_1117 = tpu.sort %max3A_1112, %max3A_1112 masked %masked_sort3A_1114 {descending = true} : (vector<16xf32>, vector<16xf32>, vector<16xi1>) -> (vector<16xi1>, vector<16xf32>, vector<16xf32>)
      %masked_sort3A_1118 = arith.constant dense<true> : vector<16xi1>
      %masked_sort3A_1119, %masked_sort3A_1120, %masked_sort3A_1121 = tpu.sort %min3A_1113, %min3A_1113 masked %masked_sort3A_1118 {descending = true} : (vector<16xf32>, vector<16xf32>, vector<16xi1>) -> (vector<16xi1>, vector<16xf32>, vector<16xf32>)
      %get3A_1122 = arith.constant 2336 : index
      %get3A_1123 = tpu.vector_load %arg5[%get3A_1122] {strides = array<i32>} : memref<9280xf32, #tpu.memory_space<vmem>>, vector<16xf32>,
      %sub3A_1124 = arith.constant 16 : i32
      %sub3A_1125 = arith.subi %scan3A_912#1, %sub3A_1124 : i32
      %lt3A_1126 = vector.broadcast %sub3A_1125 : i32 to vector<16xi32>
      %lt3A_1127 = arith.cmpi slt, %iota3A, %lt3A_1126 : vector<16xi32>
      %jit3A_1128 = arith.constant -3.000000e+38 : f32
      %broadcast_in_dim3A_1129 = vector.broadcast %jit3A_1128 : f32 to vector<16xf32>
      %select_n3A_1130 = arith.select %lt3A_1127, %get3A_1123, %broadcast_in_dim3A_1129 : vector<16xi1>, vector<16xf32>
      %masked_sort3A_1131 = arith.constant dense<true> : vector<16xi1>
      %masked_sort3A_1132, %masked_sort3A_1133, %masked_sort3A_1134 = tpu.sort %select_n3A_1130, %select_n3A_1130 masked %masked_sort3A_1131 {descending = true} : (vector<16xf32>, vector<16xf32>, vector<16xi1>) -> (vector<16xi1>, vector<16xf32>, vector<16xf32>)
      %rev3A_1135 = arith.constant 15 : i32
      %rev3A_1136 = vector.broadcast %rev3A_1135 : i32 to vector<16xi32>
      %rev3A_1137 = tpu.iota {dimensions = array<i32: 0>} : vector<16xi32>
      %rev3A_1138 = arith.subi %rev3A_1136, %rev3A_1137 : vector<16xi32>
      %rev3A_1139 = tpu.dynamic_gather %masked_sort3A_1133[%rev3A_1138] in [0] : vector<16xf32>, vector<16xi32> -> vector<16xf32>
      %max3A_1140 = arith.maximumf %masked_sort3A_1003, %rev3A_1139 : vector<16xf32>
      %min3A_1141 = arith.minimumf %masked_sort3A_1003, %rev3A_1139 : vector<16xf32>
      %masked_sort3A_1142 = arith.constant dense<true> : vector<16xi1>
      %masked_sort3A_1143, %masked_sort3A_1144, %masked_sort3A_1145 = tpu.sort %max3A_1140, %max3A_1140 masked %masked_sort3A_1142 {descending = true} : (vector<16xf32>, vector<16xf32>, vector<16xi1>) -> (vector<16xi1>, vector<16xf32>, vector<16xf32>)
      %rev3A_1146 = arith.constant 15 : i32
      %rev3A_1147 = vector.broadcast %rev3A_1146 : i32 to vector<16xi32>
      %rev3A_1148 = tpu.iota {dimensions = array<i32: 0>} : vector<16xi32>
      %rev3A_1149 = arith.subi %rev3A_1147, %rev3A_1148 : vector<16xi32>
      %rev3A_1150 = tpu.dynamic_gather %masked_sort3A_1144[%rev3A_1149] in [0] : vector<16xf32>, vector<16xi32> -> vector<16xf32>
      %max3A_1151 = arith.maximumf %masked_sort3A_999, %rev3A_1150 : vector<16xf32>
      %min3A_1152 = arith.minimumf %masked_sort3A_999, %rev3A_1150 : vector<16xf32>
      %masked_sort3A_1153 = arith.constant dense<true> : vector<16xi1>
      %masked_sort3A_1154, %masked_sort3A_1155, %masked_sort3A_1156 = tpu.sort %max3A_1151, %max3A_1151 masked %masked_sort3A_1153 {descending = true} : (vector<16xf32>, vector<16xf32>, vector<16xi1>) -> (vector<16xi1>, vector<16xf32>, vector<16xf32>)
      %masked_sort3A_1157 = arith.constant dense<true> : vector<16xi1>
      %masked_sort3A_1158, %masked_sort3A_1159, %masked_sort3A_1160 = tpu.sort %min3A_1152, %min3A_1152 masked %masked_sort3A_1157 {descending = true} : (vector<16xf32>, vector<16xf32>, vector<16xi1>) -> (vector<16xi1>, vector<16xf32>, vector<16xf32>)
      %get3A_1161 = arith.constant 4656 : index
      %get3A_1162 = tpu.vector_load %arg5[%get3A_1161] {strides = array<i32>} : memref<9280xf32, #tpu.memory_space<vmem>>, vector<16xf32>,
      %sub3A_1163 = arith.constant 16 : i32
      %sub3A_1164 = arith.subi %scan3A_912#2, %sub3A_1163 : i32
      %lt3A_1165 = vector.broadcast %sub3A_1164 : i32 to vector<16xi32>
      %lt3A_1166 = arith.cmpi slt, %iota3A, %lt3A_1165 : vector<16xi32>
      %jit3A_1167 = arith.constant -3.000000e+38 : f32
      %broadcast_in_dim3A_1168 = vector.broadcast %jit3A_1167 : f32 to vector<16xf32>
      %select_n3A_1169 = arith.select %lt3A_1166, %get3A_1162, %broadcast_in_dim3A_1168 : vector<16xi1>, vector<16xf32>
      %masked_sort3A_1170 = arith.constant dense<true> : vector<16xi1>
      %masked_sort3A_1171, %masked_sort3A_1172, %masked_sort3A_1173 = tpu.sort %select_n3A_1169, %select_n3A_1169 masked %masked_sort3A_1170 {descending = true} : (vector<16xf32>, vector<16xf32>, vector<16xi1>) -> (vector<16xi1>, vector<16xf32>, vector<16xf32>)
      %rev3A_1174 = arith.constant 15 : i32
      %rev3A_1175 = vector.broadcast %rev3A_1174 : i32 to vector<16xi32>
      %rev3A_1176 = tpu.iota {dimensions = array<i32: 0>} : vector<16xi32>
      %rev3A_1177 = arith.subi %rev3A_1175, %rev3A_1176 : vector<16xi32>
      %rev3A_1178 = tpu.dynamic_gather %masked_sort3A_1172[%rev3A_1177] in [0] : vector<16xf32>, vector<16xi32> -> vector<16xf32>
      %max3A_1179 = arith.maximumf %masked_sort3A_1042, %rev3A_1178 : vector<16xf32>
      %min3A_1180 = arith.minimumf %masked_sort3A_1042, %rev3A_1178 : vector<16xf32>
      %masked_sort3A_1181 = arith.constant dense<true> : vector<16xi1>
      %masked_sort3A_1182, %masked_sort3A_1183, %masked_sort3A_1184 = tpu.sort %max3A_1179, %max3A_1179 masked %masked_sort3A_1181 {descending = true} : (vector<16xf32>, vector<16xf32>, vector<16xi1>) -> (vector<16xi1>, vector<16xf32>, vector<16xf32>)
      %rev3A_1185 = arith.constant 15 : i32
      %rev3A_1186 = vector.broadcast %rev3A_1185 : i32 to vector<16xi32>
      %rev3A_1187 = tpu.iota {dimensions = array<i32: 0>} : vector<16xi32>
      %rev3A_1188 = arith.subi %rev3A_1186, %rev3A_1187 : vector<16xi32>
      %rev3A_1189 = tpu.dynamic_gather %masked_sort3A_1183[%rev3A_1188] in [0] : vector<16xf32>, vector<16xi32> -> vector<16xf32>
      %max3A_1190 = arith.maximumf %masked_sort3A_1038, %rev3A_1189 : vector<16xf32>
      %min3A_1191 = arith.minimumf %masked_sort3A_1038, %rev3A_1189 : vector<16xf32>
      %masked_sort3A_1192 = arith.constant dense<true> : vector<16xi1>
      %masked_sort3A_1193, %masked_sort3A_1194, %masked_sort3A_1195 = tpu.sort %max3A_1190, %max3A_1190 masked %masked_sort3A_1192 {descending = true} : (vector<16xf32>, vector<16xf32>, vector<16xi1>) -> (vector<16xi1>, vector<16xf32>, vector<16xf32>)
      %masked_sort3A_1196 = arith.constant dense<true> : vector<16xi1>
      %masked_sort3A_1197, %masked_sort3A_1198, %masked_sort3A_1199 = tpu.sort %min3A_1191, %min3A_1191 masked %masked_sort3A_1196 {descending = true} : (vector<16xf32>, vector<16xf32>, vector<16xi1>) -> (vector<16xi1>, vector<16xf32>, vector<16xf32>)
      %get3A_1200 = arith.constant 6976 : index
      %get3A_1201 = tpu.vector_load %arg5[%get3A_1200] {strides = array<i32>} : memref<9280xf32, #tpu.memory_space<vmem>>, vector<16xf32>,
      %sub3A_1202 = arith.constant 16 : i32
      %sub3A_1203 = arith.subi %scan3A_912#3, %sub3A_1202 : i32
      %lt3A_1204 = vector.broadcast %sub3A_1203 : i32 to vector<16xi32>
      %lt3A_1205 = arith.cmpi slt, %iota3A, %lt3A_1204 : vector<16xi32>
      %jit3A_1206 = arith.constant -3.000000e+38 : f32
      %broadcast_in_dim3A_1207 = vector.broadcast %jit3A_1206 : f32 to vector<16xf32>
      %select_n3A_1208 = arith.select %lt3A_1205, %get3A_1201, %broadcast_in_dim3A_1207 : vector<16xi1>, vector<16xf32>
      %masked_sort3A_1209 = arith.constant dense<true> : vector<16xi1>
      %masked_sort3A_1210, %masked_sort3A_1211, %masked_sort3A_1212 = tpu.sort %select_n3A_1208, %select_n3A_1208 masked %masked_sort3A_1209 {descending = true} : (vector<16xf32>, vector<16xf32>, vector<16xi1>) -> (vector<16xi1>, vector<16xf32>, vector<16xf32>)
      %rev3A_1213 = arith.constant 15 : i32
      %rev3A_1214 = vector.broadcast %rev3A_1213 : i32 to vector<16xi32>
      %rev3A_1215 = tpu.iota {dimensions = array<i32: 0>} : vector<16xi32>
      %rev3A_1216 = arith.subi %rev3A_1214, %rev3A_1215 : vector<16xi32>
      %rev3A_1217 = tpu.dynamic_gather %masked_sort3A_1211[%rev3A_1216] in [0] : vector<16xf32>, vector<16xi32> -> vector<16xf32>
      %max3A_1218 = arith.maximumf %masked_sort3A_1081, %rev3A_1217 : vector<16xf32>
      %min3A_1219 = arith.minimumf %masked_sort3A_1081, %rev3A_1217 : vector<16xf32>
      %masked_sort3A_1220 = arith.constant dense<true> : vector<16xi1>
      %masked_sort3A_1221, %masked_sort3A_1222, %masked_sort3A_1223 = tpu.sort %max3A_1218, %max3A_1218 masked %masked_sort3A_1220 {descending = true} : (vector<16xf32>, vector<16xf32>, vector<16xi1>) -> (vector<16xi1>, vector<16xf32>, vector<16xf32>)
      %rev3A_1224 = arith.constant 15 : i32
      %rev3A_1225 = vector.broadcast %rev3A_1224 : i32 to vector<16xi32>
      %rev3A_1226 = tpu.iota {dimensions = array<i32: 0>} : vector<16xi32>
      %rev3A_1227 = arith.subi %rev3A_1225, %rev3A_1226 : vector<16xi32>
      %rev3A_1228 = tpu.dynamic_gather %masked_sort3A_1222[%rev3A_1227] in [0] : vector<16xf32>, vector<16xi32> -> vector<16xf32>
      %max3A_1229 = arith.maximumf %masked_sort3A_1077, %rev3A_1228 : vector<16xf32>
      %min3A_1230 = arith.minimumf %masked_sort3A_1077, %rev3A_1228 : vector<16xf32>
      %masked_sort3A_1231 = arith.constant dense<true> : vector<16xi1>
      %masked_sort3A_1232, %masked_sort3A_1233, %masked_sort3A_1234 = tpu.sort %max3A_1229, %max3A_1229 masked %masked_sort3A_1231 {descending = true} : (vector<16xf32>, vector<16xf32>, vector<16xi1>) -> (vector<16xi1>, vector<16xf32>, vector<16xf32>)
      %masked_sort3A_1235 = arith.constant dense<true> : vector<16xi1>
      %masked_sort3A_1236, %masked_sort3A_1237, %masked_sort3A_1238 = tpu.sort %min3A_1230, %min3A_1230 masked %masked_sort3A_1235 {descending = true} : (vector<16xf32>, vector<16xf32>, vector<16xi1>) -> (vector<16xi1>, vector<16xf32>, vector<16xf32>)
      %get3A_1239 = arith.constant 32 : index
      %get3A_1240 = tpu.vector_load %arg5[%get3A_1239] {strides = array<i32>} : memref<9280xf32, #tpu.memory_space<vmem>>, vector<16xf32>,
      %sub3A_1241 = arith.constant 32 : i32
      %sub3A_1242 = arith.subi %scan3A_912#0, %sub3A_1241 : i32
      %lt3A_1243 = vector.broadcast %sub3A_1242 : i32 to vector<16xi32>
      %lt3A_1244 = arith.cmpi slt, %iota3A, %lt3A_1243 : vector<16xi32>
      %jit3A_1245 = arith.constant -3.000000e+38 : f32
      %broadcast_in_dim3A_1246 = vector.broadcast %jit3A_1245 : f32 to vector<16xf32>
      %select_n3A_1247 = arith.select %lt3A_1244, %get3A_1240, %broadcast_in_dim3A_1246 : vector<16xi1>, vector<16xf32>
      %masked_sort3A_1248 = arith.constant dense<true> : vector<16xi1>
      %masked_sort3A_1249, %masked_sort3A_1250, %masked_sort3A_1251 = tpu.sort %select_n3A_1247, %select_n3A_1247 masked %masked_sort3A_1248 {descending = true} : (vector<16xf32>, vector<16xf32>, vector<16xi1>) -> (vector<16xi1>, vector<16xf32>, vector<16xf32>)
      %rev3A_1252 = arith.constant 15 : i32
      %rev3A_1253 = vector.broadcast %rev3A_1252 : i32 to vector<16xi32>
      %rev3A_1254 = tpu.iota {dimensions = array<i32: 0>} : vector<16xi32>
      %rev3A_1255 = arith.subi %rev3A_1253, %rev3A_1254 : vector<16xi32>
      %rev3A_1256 = tpu.dynamic_gather %masked_sort3A_1250[%rev3A_1255] in [0] : vector<16xf32>, vector<16xi32> -> vector<16xf32>
      %max3A_1257 = arith.maximumf %masked_sort3A_1120, %rev3A_1256 : vector<16xf32>
      %min3A_1258 = arith.minimumf %masked_sort3A_1120, %rev3A_1256 : vector<16xf32>
      %masked_sort3A_1259 = arith.constant dense<true> : vector<16xi1>
      %masked_sort3A_1260, %masked_sort3A_1261, %masked_sort3A_1262 = tpu.sort %max3A_1257, %max3A_1257 masked %masked_sort3A_1259 {descending = true} : (vector<16xf32>, vector<16xf32>, vector<16xi1>) -> (vector<16xi1>, vector<16xf32>, vector<16xf32>)
      %rev3A_1263 = arith.constant 15 : i32
      %rev3A_1264 = vector.broadcast %rev3A_1263 : i32 to vector<16xi32>
      %rev3A_1265 = tpu.iota {dimensions = array<i32: 0>} : vector<16xi32>
      %rev3A_1266 = arith.subi %rev3A_1264, %rev3A_1265 : vector<16xi32>
      %rev3A_1267 = tpu.dynamic_gather %masked_sort3A_1261[%rev3A_1266] in [0] : vector<16xf32>, vector<16xi32> -> vector<16xf32>
      %max3A_1268 = arith.maximumf %masked_sort3A_1116, %rev3A_1267 : vector<16xf32>
      %min3A_1269 = arith.minimumf %masked_sort3A_1116, %rev3A_1267 : vector<16xf32>
      %masked_sort3A_1270 = arith.constant dense<true> : vector<16xi1>
      %masked_sort3A_1271, %masked_sort3A_1272, %masked_sort3A_1273 = tpu.sort %max3A_1268, %max3A_1268 masked %masked_sort3A_1270 {descending = true} : (vector<16xf32>, vector<16xf32>, vector<16xi1>) -> (vector<16xi1>, vector<16xf32>, vector<16xf32>)
      %masked_sort3A_1274 = arith.constant dense<true> : vector<16xi1>
      %masked_sort3A_1275, %masked_sort3A_1276, %masked_sort3A_1277 = tpu.sort %min3A_1269, %min3A_1269 masked %masked_sort3A_1274 {descending = true} : (vector<16xf32>, vector<16xf32>, vector<16xi1>) -> (vector<16xi1>, vector<16xf32>, vector<16xf32>)
      %get3A_1278 = arith.constant 2352 : index
      %get3A_1279 = tpu.vector_load %arg5[%get3A_1278] {strides = array<i32>} : memref<9280xf32, #tpu.memory_space<vmem>>, vector<16xf32>,
      %sub3A_1280 = arith.constant 32 : i32
      %sub3A_1281 = arith.subi %scan3A_912#1, %sub3A_1280 : i32
      %lt3A_1282 = vector.broadcast %sub3A_1281 : i32 to vector<16xi32>
      %lt3A_1283 = arith.cmpi slt, %iota3A, %lt3A_1282 : vector<16xi32>
      %jit3A_1284 = arith.constant -3.000000e+38 : f32
      %broadcast_in_dim3A_1285 = vector.broadcast %jit3A_1284 : f32 to vector<16xf32>
      %select_n3A_1286 = arith.select %lt3A_1283, %get3A_1279, %broadcast_in_dim3A_1285 : vector<16xi1>, vector<16xf32>
      %masked_sort3A_1287 = arith.constant dense<true> : vector<16xi1>
      %masked_sort3A_1288, %masked_sort3A_1289, %masked_sort3A_1290 = tpu.sort %select_n3A_1286, %select_n3A_1286 masked %masked_sort3A_1287 {descending = true} : (vector<16xf32>, vector<16xf32>, vector<16xi1>) -> (vector<16xi1>, vector<16xf32>, vector<16xf32>)
      %rev3A_1291 = arith.constant 15 : i32
      %rev3A_1292 = vector.broadcast %rev3A_1291 : i32 to vector<16xi32>
      %rev3A_1293 = tpu.iota {dimensions = array<i32: 0>} : vector<16xi32>
      %rev3A_1294 = arith.subi %rev3A_1292, %rev3A_1293 : vector<16xi32>
      %rev3A_1295 = tpu.dynamic_gather %masked_sort3A_1289[%rev3A_1294] in [0] : vector<16xf32>, vector<16xi32> -> vector<16xf32>
      %max3A_1296 = arith.maximumf %masked_sort3A_1159, %rev3A_1295 : vector<16xf32>
      %min3A_1297 = arith.minimumf %masked_sort3A_1159, %rev3A_1295 : vector<16xf32>
      %masked_sort3A_1298 = arith.constant dense<true> : vector<16xi1>
      %masked_sort3A_1299, %masked_sort3A_1300, %masked_sort3A_1301 = tpu.sort %max3A_1296, %max3A_1296 masked %masked_sort3A_1298 {descending = true} : (vector<16xf32>, vector<16xf32>, vector<16xi1>) -> (vector<16xi1>, vector<16xf32>, vector<16xf32>)
      %rev3A_1302 = arith.constant 15 : i32
      %rev3A_1303 = vector.broadcast %rev3A_1302 : i32 to vector<16xi32>
      %rev3A_1304 = tpu.iota {dimensions = array<i32: 0>} : vector<16xi32>
      %rev3A_1305 = arith.subi %rev3A_1303, %rev3A_1304 : vector<16xi32>
      %rev3A_1306 = tpu.dynamic_gather %masked_sort3A_1300[%rev3A_1305] in [0] : vector<16xf32>, vector<16xi32> -> vector<16xf32>
      %max3A_1307 = arith.maximumf %masked_sort3A_1155, %rev3A_1306 : vector<16xf32>
      %min3A_1308 = arith.minimumf %masked_sort3A_1155, %rev3A_1306 : vector<16xf32>
      %masked_sort3A_1309 = arith.constant dense<true> : vector<16xi1>
      %masked_sort3A_1310, %masked_sort3A_1311, %masked_sort3A_1312 = tpu.sort %max3A_1307, %max3A_1307 masked %masked_sort3A_1309 {descending = true} : (vector<16xf32>, vector<16xf32>, vector<16xi1>) -> (vector<16xi1>, vector<16xf32>, vector<16xf32>)
      %masked_sort3A_1313 = arith.constant dense<true> : vector<16xi1>
      %masked_sort3A_1314, %masked_sort3A_1315, %masked_sort3A_1316 = tpu.sort %min3A_1308, %min3A_1308 masked %masked_sort3A_1313 {descending = true} : (vector<16xf32>, vector<16xf32>, vector<16xi1>) -> (vector<16xi1>, vector<16xf32>, vector<16xf32>)
      %get3A_1317 = arith.constant 4672 : index
      %get3A_1318 = tpu.vector_load %arg5[%get3A_1317] {strides = array<i32>} : memref<9280xf32, #tpu.memory_space<vmem>>, vector<16xf32>,
      %sub3A_1319 = arith.constant 32 : i32
      %sub3A_1320 = arith.subi %scan3A_912#2, %sub3A_1319 : i32
      %lt3A_1321 = vector.broadcast %sub3A_1320 : i32 to vector<16xi32>
      %lt3A_1322 = arith.cmpi slt, %iota3A, %lt3A_1321 : vector<16xi32>
      %jit3A_1323 = arith.constant -3.000000e+38 : f32
      %broadcast_in_dim3A_1324 = vector.broadcast %jit3A_1323 : f32 to vector<16xf32>
      %select_n3A_1325 = arith.select %lt3A_1322, %get3A_1318, %broadcast_in_dim3A_1324 : vector<16xi1>, vector<16xf32>
      %masked_sort3A_1326 = arith.constant dense<true> : vector<16xi1>
      %masked_sort3A_1327, %masked_sort3A_1328, %masked_sort3A_1329 = tpu.sort %select_n3A_1325, %select_n3A_1325 masked %masked_sort3A_1326 {descending = true} : (vector<16xf32>, vector<16xf32>, vector<16xi1>) -> (vector<16xi1>, vector<16xf32>, vector<16xf32>)
      %rev3A_1330 = arith.constant 15 : i32
      %rev3A_1331 = vector.broadcast %rev3A_1330 : i32 to vector<16xi32>
      %rev3A_1332 = tpu.iota {dimensions = array<i32: 0>} : vector<16xi32>
      %rev3A_1333 = arith.subi %rev3A_1331, %rev3A_1332 : vector<16xi32>
      %rev3A_1334 = tpu.dynamic_gather %masked_sort3A_1328[%rev3A_1333] in [0] : vector<16xf32>, vector<16xi32> -> vector<16xf32>
      %max3A_1335 = arith.maximumf %masked_sort3A_1198, %rev3A_1334 : vector<16xf32>
      %min3A_1336 = arith.minimumf %masked_sort3A_1198, %rev3A_1334 : vector<16xf32>
      %masked_sort3A_1337 = arith.constant dense<true> : vector<16xi1>
      %masked_sort3A_1338, %masked_sort3A_1339, %masked_sort3A_1340 = tpu.sort %max3A_1335, %max3A_1335 masked %masked_sort3A_1337 {descending = true} : (vector<16xf32>, vector<16xf32>, vector<16xi1>) -> (vector<16xi1>, vector<16xf32>, vector<16xf32>)
      %rev3A_1341 = arith.constant 15 : i32
      %rev3A_1342 = vector.broadcast %rev3A_1341 : i32 to vector<16xi32>
      %rev3A_1343 = tpu.iota {dimensions = array<i32: 0>} : vector<16xi32>
      %rev3A_1344 = arith.subi %rev3A_1342, %rev3A_1343 : vector<16xi32>
      %rev3A_1345 = tpu.dynamic_gather %masked_sort3A_1339[%rev3A_1344] in [0] : vector<16xf32>, vector<16xi32> -> vector<16xf32>
      %max3A_1346 = arith.maximumf %masked_sort3A_1194, %rev3A_1345 : vector<16xf32>
      %min3A_1347 = arith.minimumf %masked_sort3A_1194, %rev3A_1345 : vector<16xf32>
      %masked_sort3A_1348 = arith.constant dense<true> : vector<16xi1>
      %masked_sort3A_1349, %masked_sort3A_1350, %masked_sort3A_1351 = tpu.sort %max3A_1346, %max3A_1346 masked %masked_sort3A_1348 {descending = true} : (vector<16xf32>, vector<16xf32>, vector<16xi1>) -> (vector<16xi1>, vector<16xf32>, vector<16xf32>)
      %masked_sort3A_1352 = arith.constant dense<true> : vector<16xi1>
      %masked_sort3A_1353, %masked_sort3A_1354, %masked_sort3A_1355 = tpu.sort %min3A_1347, %min3A_1347 masked %masked_sort3A_1352 {descending = true} : (vector<16xf32>, vector<16xf32>, vector<16xi1>) -> (vector<16xi1>, vector<16xf32>, vector<16xf32>)
      %get3A_1356 = arith.constant 6992 : index
      %get3A_1357 = tpu.vector_load %arg5[%get3A_1356] {strides = array<i32>} : memref<9280xf32, #tpu.memory_space<vmem>>, vector<16xf32>,
      %sub3A_1358 = arith.constant 32 : i32
      %sub3A_1359 = arith.subi %scan3A_912#3, %sub3A_1358 : i32
      %lt3A_1360 = vector.broadcast %sub3A_1359 : i32 to vector<16xi32>
      %lt3A_1361 = arith.cmpi slt, %iota3A, %lt3A_1360 : vector<16xi32>
      %jit3A_1362 = arith.constant -3.000000e+38 : f32
      %broadcast_in_dim3A_1363 = vector.broadcast %jit3A_1362 : f32 to vector<16xf32>
      %select_n3A_1364 = arith.select %lt3A_1361, %get3A_1357, %broadcast_in_dim3A_1363 : vector<16xi1>, vector<16xf32>
      %masked_sort3A_1365 = arith.constant dense<true> : vector<16xi1>
      %masked_sort3A_1366, %masked_sort3A_1367, %masked_sort3A_1368 = tpu.sort %select_n3A_1364, %select_n3A_1364 masked %masked_sort3A_1365 {descending = true} : (vector<16xf32>, vector<16xf32>, vector<16xi1>) -> (vector<16xi1>, vector<16xf32>, vector<16xf32>)
      %rev3A_1369 = arith.constant 15 : i32
      %rev3A_1370 = vector.broadcast %rev3A_1369 : i32 to vector<16xi32>
      %rev3A_1371 = tpu.iota {dimensions = array<i32: 0>} : vector<16xi32>
      %rev3A_1372 = arith.subi %rev3A_1370, %rev3A_1371 : vector<16xi32>
      %rev3A_1373 = tpu.dynamic_gather %masked_sort3A_1367[%rev3A_1372] in [0] : vector<16xf32>, vector<16xi32> -> vector<16xf32>
      %max3A_1374 = arith.maximumf %masked_sort3A_1237, %rev3A_1373 : vector<16xf32>
      %min3A_1375 = arith.minimumf %masked_sort3A_1237, %rev3A_1373 : vector<16xf32>
      %masked_sort3A_1376 = arith.constant dense<true> : vector<16xi1>
      %masked_sort3A_1377, %masked_sort3A_1378, %masked_sort3A_1379 = tpu.sort %max3A_1374, %max3A_1374 masked %masked_sort3A_1376 {descending = true} : (vector<16xf32>, vector<16xf32>, vector<16xi1>) -> (vector<16xi1>, vector<16xf32>, vector<16xf32>)
      %rev3A_1380 = arith.constant 15 : i32
      %rev3A_1381 = vector.broadcast %rev3A_1380 : i32 to vector<16xi32>
      %rev3A_1382 = tpu.iota {dimensions = array<i32: 0>} : vector<16xi32>
      %rev3A_1383 = arith.subi %rev3A_1381, %rev3A_1382 : vector<16xi32>
      %rev3A_1384 = tpu.dynamic_gather %masked_sort3A_1378[%rev3A_1383] in [0] : vector<16xf32>, vector<16xi32> -> vector<16xf32>
      %max3A_1385 = arith.maximumf %masked_sort3A_1233, %rev3A_1384 : vector<16xf32>
      %min3A_1386 = arith.minimumf %masked_sort3A_1233, %rev3A_1384 : vector<16xf32>
      %masked_sort3A_1387 = arith.constant dense<true> : vector<16xi1>
      %masked_sort3A_1388, %masked_sort3A_1389, %masked_sort3A_1390 = tpu.sort %max3A_1385, %max3A_1385 masked %masked_sort3A_1387 {descending = true} : (vector<16xf32>, vector<16xf32>, vector<16xi1>) -> (vector<16xi1>, vector<16xf32>, vector<16xf32>)
      %masked_sort3A_1391 = arith.constant dense<true> : vector<16xi1>
      %masked_sort3A_1392, %masked_sort3A_1393, %masked_sort3A_1394 = tpu.sort %min3A_1386, %min3A_1386 masked %masked_sort3A_1391 {descending = true} : (vector<16xf32>, vector<16xf32>, vector<16xi1>) -> (vector<16xi1>, vector<16xf32>, vector<16xf32>)
      %get3A_1395 = arith.constant 48 : index
      %get3A_1396 = tpu.vector_load %arg5[%get3A_1395] {strides = array<i32>} : memref<9280xf32, #tpu.memory_space<vmem>>, vector<16xf32>,
      %sub3A_1397 = arith.constant 48 : i32
      %sub3A_1398 = arith.subi %scan3A_912#0, %sub3A_1397 : i32
      %lt3A_1399 = vector.broadcast %sub3A_1398 : i32 to vector<16xi32>
      %lt3A_1400 = arith.cmpi slt, %iota3A, %lt3A_1399 : vector<16xi32>
      %jit3A_1401 = arith.constant -3.000000e+38 : f32
      %broadcast_in_dim3A_1402 = vector.broadcast %jit3A_1401 : f32 to vector<16xf32>
      %select_n3A_1403 = arith.select %lt3A_1400, %get3A_1396, %broadcast_in_dim3A_1402 : vector<16xi1>, vector<16xf32>
      %masked_sort3A_1404 = arith.constant dense<true> : vector<16xi1>
      %masked_sort3A_1405, %masked_sort3A_1406, %masked_sort3A_1407 = tpu.sort %select_n3A_1403, %select_n3A_1403 masked %masked_sort3A_1404 {descending = true} : (vector<16xf32>, vector<16xf32>, vector<16xi1>) -> (vector<16xi1>, vector<16xf32>, vector<16xf32>)
      %rev3A_1408 = arith.constant 15 : i32
      %rev3A_1409 = vector.broadcast %rev3A_1408 : i32 to vector<16xi32>
      %rev3A_1410 = tpu.iota {dimensions = array<i32: 0>} : vector<16xi32>
      %rev3A_1411 = arith.subi %rev3A_1409, %rev3A_1410 : vector<16xi32>
      %rev3A_1412 = tpu.dynamic_gather %masked_sort3A_1406[%rev3A_1411] in [0] : vector<16xf32>, vector<16xi32> -> vector<16xf32>
      %max3A_1413 = arith.maximumf %masked_sort3A_1276, %rev3A_1412 : vector<16xf32>
      %min3A_1414 = arith.minimumf %masked_sort3A_1276, %rev3A_1412 : vector<16xf32>
      %masked_sort3A_1415 = arith.constant dense<true> : vector<16xi1>
      %masked_sort3A_1416, %masked_sort3A_1417, %masked_sort3A_1418 = tpu.sort %max3A_1413, %max3A_1413 masked %masked_sort3A_1415 {descending = true} : (vector<16xf32>, vector<16xf32>, vector<16xi1>) -> (vector<16xi1>, vector<16xf32>, vector<16xf32>)
      %rev3A_1419 = arith.constant 15 : i32
      %rev3A_1420 = vector.broadcast %rev3A_1419 : i32 to vector<16xi32>
      %rev3A_1421 = tpu.iota {dimensions = array<i32: 0>} : vector<16xi32>
      %rev3A_1422 = arith.subi %rev3A_1420, %rev3A_1421 : vector<16xi32>
      %rev3A_1423 = tpu.dynamic_gather %masked_sort3A_1417[%rev3A_1422] in [0] : vector<16xf32>, vector<16xi32> -> vector<16xf32>
      %max3A_1424 = arith.maximumf %masked_sort3A_1272, %rev3A_1423 : vector<16xf32>
      %min3A_1425 = arith.minimumf %masked_sort3A_1272, %rev3A_1423 : vector<16xf32>
      %masked_sort3A_1426 = arith.constant dense<true> : vector<16xi1>
      %masked_sort3A_1427, %masked_sort3A_1428, %masked_sort3A_1429 = tpu.sort %max3A_1424, %max3A_1424 masked %masked_sort3A_1426 {descending = true} : (vector<16xf32>, vector<16xf32>, vector<16xi1>) -> (vector<16xi1>, vector<16xf32>, vector<16xf32>)
      %masked_sort3A_1430 = arith.constant dense<true> : vector<16xi1>
      %masked_sort3A_1431, %masked_sort3A_1432, %masked_sort3A_1433 = tpu.sort %min3A_1425, %min3A_1425 masked %masked_sort3A_1430 {descending = true} : (vector<16xf32>, vector<16xf32>, vector<16xi1>) -> (vector<16xi1>, vector<16xf32>, vector<16xf32>)
      %get3A_1434 = arith.constant 2368 : index
      %get3A_1435 = tpu.vector_load %arg5[%get3A_1434] {strides = array<i32>} : memref<9280xf32, #tpu.memory_space<vmem>>, vector<16xf32>,
      %sub3A_1436 = arith.constant 48 : i32
      %sub3A_1437 = arith.subi %scan3A_912#1, %sub3A_1436 : i32
      %lt3A_1438 = vector.broadcast %sub3A_1437 : i32 to vector<16xi32>
      %lt3A_1439 = arith.cmpi slt, %iota3A, %lt3A_1438 : vector<16xi32>
      %jit3A_1440 = arith.constant -3.000000e+38 : f32
      %broadcast_in_dim3A_1441 = vector.broadcast %jit3A_1440 : f32 to vector<16xf32>
      %select_n3A_1442 = arith.select %lt3A_1439, %get3A_1435, %broadcast_in_dim3A_1441 : vector<16xi1>, vector<16xf32>
      %masked_sort3A_1443 = arith.constant dense<true> : vector<16xi1>
      %masked_sort3A_1444, %masked_sort3A_1445, %masked_sort3A_1446 = tpu.sort %select_n3A_1442, %select_n3A_1442 masked %masked_sort3A_1443 {descending = true} : (vector<16xf32>, vector<16xf32>, vector<16xi1>) -> (vector<16xi1>, vector<16xf32>, vector<16xf32>)
      %rev3A_1447 = arith.constant 15 : i32
      %rev3A_1448 = vector.broadcast %rev3A_1447 : i32 to vector<16xi32>
      %rev3A_1449 = tpu.iota {dimensions = array<i32: 0>} : vector<16xi32>
      %rev3A_1450 = arith.subi %rev3A_1448, %rev3A_1449 : vector<16xi32>
      %rev3A_1451 = tpu.dynamic_gather %masked_sort3A_1445[%rev3A_1450] in [0] : vector<16xf32>, vector<16xi32> -> vector<16xf32>
      %max3A_1452 = arith.maximumf %masked_sort3A_1315, %rev3A_1451 : vector<16xf32>
      %min3A_1453 = arith.minimumf %masked_sort3A_1315, %rev3A_1451 : vector<16xf32>
      %masked_sort3A_1454 = arith.constant dense<true> : vector<16xi1>
      %masked_sort3A_1455, %masked_sort3A_1456, %masked_sort3A_1457 = tpu.sort %max3A_1452, %max3A_1452 masked %masked_sort3A_1454 {descending = true} : (vector<16xf32>, vector<16xf32>, vector<16xi1>) -> (vector<16xi1>, vector<16xf32>, vector<16xf32>)
      %rev3A_1458 = arith.constant 15 : i32
      %rev3A_1459 = vector.broadcast %rev3A_1458 : i32 to vector<16xi32>
      %rev3A_1460 = tpu.iota {dimensions = array<i32: 0>} : vector<16xi32>
      %rev3A_1461 = arith.subi %rev3A_1459, %rev3A_1460 : vector<16xi32>
      %rev3A_1462 = tpu.dynamic_gather %masked_sort3A_1456[%rev3A_1461] in [0] : vector<16xf32>, vector<16xi32> -> vector<16xf32>
      %max3A_1463 = arith.maximumf %masked_sort3A_1311, %rev3A_1462 : vector<16xf32>
      %min3A_1464 = arith.minimumf %masked_sort3A_1311, %rev3A_1462 : vector<16xf32>
      %masked_sort3A_1465 = arith.constant dense<true> : vector<16xi1>
      %masked_sort3A_1466, %masked_sort3A_1467, %masked_sort3A_1468 = tpu.sort %max3A_1463, %max3A_1463 masked %masked_sort3A_1465 {descending = true} : (vector<16xf32>, vector<16xf32>, vector<16xi1>) -> (vector<16xi1>, vector<16xf32>, vector<16xf32>)
      %masked_sort3A_1469 = arith.constant dense<true> : vector<16xi1>
      %masked_sort3A_1470, %masked_sort3A_1471, %masked_sort3A_1472 = tpu.sort %min3A_1464, %min3A_1464 masked %masked_sort3A_1469 {descending = true} : (vector<16xf32>, vector<16xf32>, vector<16xi1>) -> (vector<16xi1>, vector<16xf32>, vector<16xf32>)
      %get3A_1473 = arith.constant 4688 : index
      %get3A_1474 = tpu.vector_load %arg5[%get3A_1473] {strides = array<i32>} : memref<9280xf32, #tpu.memory_space<vmem>>, vector<16xf32>,
      %sub3A_1475 = arith.constant 48 : i32
      %sub3A_1476 = arith.subi %scan3A_912#2, %sub3A_1475 : i32
      %lt3A_1477 = vector.broadcast %sub3A_1476 : i32 to vector<16xi32>
      %lt3A_1478 = arith.cmpi slt, %iota3A, %lt3A_1477 : vector<16xi32>
      %jit3A_1479 = arith.constant -3.000000e+38 : f32
      %broadcast_in_dim3A_1480 = vector.broadcast %jit3A_1479 : f32 to vector<16xf32>
      %select_n3A_1481 = arith.select %lt3A_1478, %get3A_1474, %broadcast_in_dim3A_1480 : vector<16xi1>, vector<16xf32>
      %masked_sort3A_1482 = arith.constant dense<true> : vector<16xi1>
      %masked_sort3A_1483, %masked_sort3A_1484, %masked_sort3A_1485 = tpu.sort %select_n3A_1481, %select_n3A_1481 masked %masked_sort3A_1482 {descending = true} : (vector<16xf32>, vector<16xf32>, vector<16xi1>) -> (vector<16xi1>, vector<16xf32>, vector<16xf32>)
      %rev3A_1486 = arith.constant 15 : i32
      %rev3A_1487 = vector.broadcast %rev3A_1486 : i32 to vector<16xi32>
      %rev3A_1488 = tpu.iota {dimensions = array<i32: 0>} : vector<16xi32>
      %rev3A_1489 = arith.subi %rev3A_1487, %rev3A_1488 : vector<16xi32>
      %rev3A_1490 = tpu.dynamic_gather %masked_sort3A_1484[%rev3A_1489] in [0] : vector<16xf32>, vector<16xi32> -> vector<16xf32>
      %max3A_1491 = arith.maximumf %masked_sort3A_1354, %rev3A_1490 : vector<16xf32>
      %min3A_1492 = arith.minimumf %masked_sort3A_1354, %rev3A_1490 : vector<16xf32>
      %masked_sort3A_1493 = arith.constant dense<true> : vector<16xi1>
      %masked_sort3A_1494, %masked_sort3A_1495, %masked_sort3A_1496 = tpu.sort %max3A_1491, %max3A_1491 masked %masked_sort3A_1493 {descending = true} : (vector<16xf32>, vector<16xf32>, vector<16xi1>) -> (vector<16xi1>, vector<16xf32>, vector<16xf32>)
      %rev3A_1497 = arith.constant 15 : i32
      %rev3A_1498 = vector.broadcast %rev3A_1497 : i32 to vector<16xi32>
      %rev3A_1499 = tpu.iota {dimensions = array<i32: 0>} : vector<16xi32>
      %rev3A_1500 = arith.subi %rev3A_1498, %rev3A_1499 : vector<16xi32>
      %rev3A_1501 = tpu.dynamic_gather %masked_sort3A_1495[%rev3A_1500] in [0] : vector<16xf32>, vector<16xi32> -> vector<16xf32>
      %max3A_1502 = arith.maximumf %masked_sort3A_1350, %rev3A_1501 : vector<16xf32>
      %min3A_1503 = arith.minimumf %masked_sort3A_1350, %rev3A_1501 : vector<16xf32>
      %masked_sort3A_1504 = arith.constant dense<true> : vector<16xi1>
      %masked_sort3A_1505, %masked_sort3A_1506, %masked_sort3A_1507 = tpu.sort %max3A_1502, %max3A_1502 masked %masked_sort3A_1504 {descending = true} : (vector<16xf32>, vector<16xf32>, vector<16xi1>) -> (vector<16xi1>, vector<16xf32>, vector<16xf32>)
      %masked_sort3A_1508 = arith.constant dense<true> : vector<16xi1>
      %masked_sort3A_1509, %masked_sort3A_1510, %masked_sort3A_1511 = tpu.sort %min3A_1503, %min3A_1503 masked %masked_sort3A_1508 {descending = true} : (vector<16xf32>, vector<16xf32>, vector<16xi1>) -> (vector<16xi1>, vector<16xf32>, vector<16xf32>)
      %get3A_1512 = arith.constant 7008 : index
      %get3A_1513 = tpu.vector_load %arg5[%get3A_1512] {strides = array<i32>} : memref<9280xf32, #tpu.memory_space<vmem>>, vector<16xf32>,
      %sub3A_1514 = arith.constant 48 : i32
      %sub3A_1515 = arith.subi %scan3A_912#3, %sub3A_1514 : i32
      %lt3A_1516 = vector.broadcast %sub3A_1515 : i32 to vector<16xi32>
      %lt3A_1517 = arith.cmpi slt, %iota3A, %lt3A_1516 : vector<16xi32>
      %jit3A_1518 = arith.constant -3.000000e+38 : f32
      %broadcast_in_dim3A_1519 = vector.broadcast %jit3A_1518 : f32 to vector<16xf32>
      %select_n3A_1520 = arith.select %lt3A_1517, %get3A_1513, %broadcast_in_dim3A_1519 : vector<16xi1>, vector<16xf32>
      %masked_sort3A_1521 = arith.constant dense<true> : vector<16xi1>
      %masked_sort3A_1522, %masked_sort3A_1523, %masked_sort3A_1524 = tpu.sort %select_n3A_1520, %select_n3A_1520 masked %masked_sort3A_1521 {descending = true} : (vector<16xf32>, vector<16xf32>, vector<16xi1>) -> (vector<16xi1>, vector<16xf32>, vector<16xf32>)
      %rev3A_1525 = arith.constant 15 : i32
      %rev3A_1526 = vector.broadcast %rev3A_1525 : i32 to vector<16xi32>
      %rev3A_1527 = tpu.iota {dimensions = array<i32: 0>} : vector<16xi32>
      %rev3A_1528 = arith.subi %rev3A_1526, %rev3A_1527 : vector<16xi32>
      %rev3A_1529 = tpu.dynamic_gather %masked_sort3A_1523[%rev3A_1528] in [0] : vector<16xf32>, vector<16xi32> -> vector<16xf32>
      %max3A_1530 = arith.maximumf %masked_sort3A_1393, %rev3A_1529 : vector<16xf32>
      %min3A_1531 = arith.minimumf %masked_sort3A_1393, %rev3A_1529 : vector<16xf32>
      %masked_sort3A_1532 = arith.constant dense<true> : vector<16xi1>
      %masked_sort3A_1533, %masked_sort3A_1534, %masked_sort3A_1535 = tpu.sort %max3A_1530, %max3A_1530 masked %masked_sort3A_1532 {descending = true} : (vector<16xf32>, vector<16xf32>, vector<16xi1>) -> (vector<16xi1>, vector<16xf32>, vector<16xf32>)
      %rev3A_1536 = arith.constant 15 : i32
      %rev3A_1537 = vector.broadcast %rev3A_1536 : i32 to vector<16xi32>
      %rev3A_1538 = tpu.iota {dimensions = array<i32: 0>} : vector<16xi32>
      %rev3A_1539 = arith.subi %rev3A_1537, %rev3A_1538 : vector<16xi32>
      %rev3A_1540 = tpu.dynamic_gather %masked_sort3A_1534[%rev3A_1539] in [0] : vector<16xf32>, vector<16xi32> -> vector<16xf32>
      %max3A_1541 = arith.maximumf %masked_sort3A_1389, %rev3A_1540 : vector<16xf32>
      %min3A_1542 = arith.minimumf %masked_sort3A_1389, %rev3A_1540 : vector<16xf32>
      %masked_sort3A_1543 = arith.constant dense<true> : vector<16xi1>
      %masked_sort3A_1544, %masked_sort3A_1545, %masked_sort3A_1546 = tpu.sort %max3A_1541, %max3A_1541 masked %masked_sort3A_1543 {descending = true} : (vector<16xf32>, vector<16xf32>, vector<16xi1>) -> (vector<16xi1>, vector<16xf32>, vector<16xf32>)
      %masked_sort3A_1547 = arith.constant dense<true> : vector<16xi1>
      %masked_sort3A_1548, %masked_sort3A_1549, %masked_sort3A_1550 = tpu.sort %min3A_1542, %min3A_1542 masked %masked_sort3A_1547 {descending = true} : (vector<16xf32>, vector<16xf32>, vector<16xi1>) -> (vector<16xi1>, vector<16xf32>, vector<16xf32>)
      %broadcast_in_dim3A_1551 = arith.constant -3.000000e+38 : f32
      %broadcast_in_dim3A_1552 = vector.broadcast %broadcast_in_dim3A_1551 : f32 to vector<16xf32>
      %broadcast_in_dim3A_1553 = arith.constant -3.000000e+38 : f32
      %broadcast_in_dim3A_1554 = vector.broadcast %broadcast_in_dim3A_1553 : f32 to vector<16xf32>
      %broadcast_in_dim3A_1555 = arith.constant -3.000000e+38 : f32
      %broadcast_in_dim3A_1556 = vector.broadcast %broadcast_in_dim3A_1555 : f32 to vector<16xf32>
      %broadcast_in_dim3A_1557 = arith.constant -3.000000e+38 : f32
      %broadcast_in_dim3A_1558 = vector.broadcast %broadcast_in_dim3A_1557 : f32 to vector<16xf32>
      %broadcast_in_dim3A_1559 = arith.constant -3.000000e+38 : f32
      %broadcast_in_dim3A_1560 = vector.broadcast %broadcast_in_dim3A_1559 : f32 to vector<16xf32>
      %broadcast_in_dim3A_1561 = arith.constant -3.000000e+38 : f32
      %broadcast_in_dim3A_1562 = vector.broadcast %broadcast_in_dim3A_1561 : f32 to vector<16xf32>
      %broadcast_in_dim3A_1563 = arith.constant -3.000000e+38 : f32
      %broadcast_in_dim3A_1564 = vector.broadcast %broadcast_in_dim3A_1563 : f32 to vector<16xf32>
      %broadcast_in_dim3A_1565 = arith.constant -3.000000e+38 : f32
      %broadcast_in_dim3A_1566 = vector.broadcast %broadcast_in_dim3A_1565 : f32 to vector<16xf32>
      %get3A_1567 = arith.constant 0 : index
      %get3A_1568 = tpu.vector_load %arg5[%get3A_1567] {strides = array<i32>} : memref<9280xf32, #tpu.memory_space<vmem>>, vector<16xf32>,
      %neg3A_1569 = arith.constant 0.000000e+00 : f32
      %neg3A_1570 = vector.broadcast %neg3A_1569 : f32 to vector<16xf32>
      %neg3A_1571 = arith.subf %neg3A_1570, %get3A_1568 : vector<16xf32>
      %sub3A_1572 = arith.constant 0 : i32
      %sub3A_1573 = arith.subi %scan3A_912#0, %sub3A_1572 : i32
      %lt3A_1574 = vector.broadcast %sub3A_1573 : i32 to vector<16xi32>
      %lt3A_1575 = arith.cmpi slt, %iota3A, %lt3A_1574 : vector<16xi32>
      %jit3A_1576 = arith.constant -3.000000e+38 : f32
      %broadcast_in_dim3A_1577 = vector.broadcast %jit3A_1576 : f32 to vector<16xf32>
      %select_n3A_1578 = arith.select %lt3A_1575, %neg3A_1571, %broadcast_in_dim3A_1577 : vector<16xi1>, vector<16xf32>
      %masked_sort3A_1579 = arith.constant dense<true> : vector<16xi1>
      %masked_sort3A_1580, %masked_sort3A_1581, %masked_sort3A_1582 = tpu.sort %select_n3A_1578, %select_n3A_1578 masked %masked_sort3A_1579 {descending = true} : (vector<16xf32>, vector<16xf32>, vector<16xi1>) -> (vector<16xi1>, vector<16xf32>, vector<16xf32>)
      %rev3A_1583 = arith.constant 15 : i32
      %rev3A_1584 = vector.broadcast %rev3A_1583 : i32 to vector<16xi32>
      %rev3A_1585 = tpu.iota {dimensions = array<i32: 0>} : vector<16xi32>
      %rev3A_1586 = arith.subi %rev3A_1584, %rev3A_1585 : vector<16xi32>
      %rev3A_1587 = tpu.dynamic_gather %masked_sort3A_1581[%rev3A_1586] in [0] : vector<16xf32>, vector<16xi32> -> vector<16xf32>
      %max3A_1588 = arith.maximumf %broadcast_in_dim3A_1560, %rev3A_1587 : vector<16xf32>
      %min3A_1589 = arith.minimumf %broadcast_in_dim3A_1560, %rev3A_1587 : vector<16xf32>
      %masked_sort3A_1590 = arith.constant dense<true> : vector<16xi1>
      %masked_sort3A_1591, %masked_sort3A_1592, %masked_sort3A_1593 = tpu.sort %max3A_1588, %max3A_1588 masked %masked_sort3A_1590 {descending = true} : (vector<16xf32>, vector<16xf32>, vector<16xi1>) -> (vector<16xi1>, vector<16xf32>, vector<16xf32>)
      %rev3A_1594 = arith.constant 15 : i32
      %rev3A_1595 = vector.broadcast %rev3A_1594 : i32 to vector<16xi32>
      %rev3A_1596 = tpu.iota {dimensions = array<i32: 0>} : vector<16xi32>
      %rev3A_1597 = arith.subi %rev3A_1595, %rev3A_1596 : vector<16xi32>
      %rev3A_1598 = tpu.dynamic_gather %masked_sort3A_1592[%rev3A_1597] in [0] : vector<16xf32>, vector<16xi32> -> vector<16xf32>
      %max3A_1599 = arith.maximumf %broadcast_in_dim3A_1552, %rev3A_1598 : vector<16xf32>
      %min3A_1600 = arith.minimumf %broadcast_in_dim3A_1552, %rev3A_1598 : vector<16xf32>
      %masked_sort3A_1601 = arith.constant dense<true> : vector<16xi1>
      %masked_sort3A_1602, %masked_sort3A_1603, %masked_sort3A_1604 = tpu.sort %max3A_1599, %max3A_1599 masked %masked_sort3A_1601 {descending = true} : (vector<16xf32>, vector<16xf32>, vector<16xi1>) -> (vector<16xi1>, vector<16xf32>, vector<16xf32>)
      %masked_sort3A_1605 = arith.constant dense<true> : vector<16xi1>
      %masked_sort3A_1606, %masked_sort3A_1607, %masked_sort3A_1608 = tpu.sort %min3A_1600, %min3A_1600 masked %masked_sort3A_1605 {descending = true} : (vector<16xf32>, vector<16xf32>, vector<16xi1>) -> (vector<16xi1>, vector<16xf32>, vector<16xf32>)
      %get3A_1609 = arith.constant 2320 : index
      %get3A_1610 = tpu.vector_load %arg5[%get3A_1609] {strides = array<i32>} : memref<9280xf32, #tpu.memory_space<vmem>>, vector<16xf32>,
      %neg3A_1611 = arith.constant 0.000000e+00 : f32
      %neg3A_1612 = vector.broadcast %neg3A_1611 : f32 to vector<16xf32>
      %neg3A_1613 = arith.subf %neg3A_1612, %get3A_1610 : vector<16xf32>
      %sub3A_1614 = arith.constant 0 : i32
      %sub3A_1615 = arith.subi %scan3A_912#1, %sub3A_1614 : i32
      %lt3A_1616 = vector.broadcast %sub3A_1615 : i32 to vector<16xi32>
      %lt3A_1617 = arith.cmpi slt, %iota3A, %lt3A_1616 : vector<16xi32>
      %jit3A_1618 = arith.constant -3.000000e+38 : f32
      %broadcast_in_dim3A_1619 = vector.broadcast %jit3A_1618 : f32 to vector<16xf32>
      %select_n3A_1620 = arith.select %lt3A_1617, %neg3A_1613, %broadcast_in_dim3A_1619 : vector<16xi1>, vector<16xf32>
      %masked_sort3A_1621 = arith.constant dense<true> : vector<16xi1>
      %masked_sort3A_1622, %masked_sort3A_1623, %masked_sort3A_1624 = tpu.sort %select_n3A_1620, %select_n3A_1620 masked %masked_sort3A_1621 {descending = true} : (vector<16xf32>, vector<16xf32>, vector<16xi1>) -> (vector<16xi1>, vector<16xf32>, vector<16xf32>)
      %rev3A_1625 = arith.constant 15 : i32
      %rev3A_1626 = vector.broadcast %rev3A_1625 : i32 to vector<16xi32>
      %rev3A_1627 = tpu.iota {dimensions = array<i32: 0>} : vector<16xi32>
      %rev3A_1628 = arith.subi %rev3A_1626, %rev3A_1627 : vector<16xi32>
      %rev3A_1629 = tpu.dynamic_gather %masked_sort3A_1623[%rev3A_1628] in [0] : vector<16xf32>, vector<16xi32> -> vector<16xf32>
      %max3A_1630 = arith.maximumf %broadcast_in_dim3A_1562, %rev3A_1629 : vector<16xf32>
      %min3A_1631 = arith.minimumf %broadcast_in_dim3A_1562, %rev3A_1629 : vector<16xf32>
      %masked_sort3A_1632 = arith.constant dense<true> : vector<16xi1>
      %masked_sort3A_1633, %masked_sort3A_1634, %masked_sort3A_1635 = tpu.sort %max3A_1630, %max3A_1630 masked %masked_sort3A_1632 {descending = true} : (vector<16xf32>, vector<16xf32>, vector<16xi1>) -> (vector<16xi1>, vector<16xf32>, vector<16xf32>)
      %rev3A_1636 = arith.constant 15 : i32
      %rev3A_1637 = vector.broadcast %rev3A_1636 : i32 to vector<16xi32>
      %rev3A_1638 = tpu.iota {dimensions = array<i32: 0>} : vector<16xi32>
      %rev3A_1639 = arith.subi %rev3A_1637, %rev3A_1638 : vector<16xi32>
      %rev3A_1640 = tpu.dynamic_gather %masked_sort3A_1634[%rev3A_1639] in [0] : vector<16xf32>, vector<16xi32> -> vector<16xf32>
      %max3A_1641 = arith.maximumf %broadcast_in_dim3A_1554, %rev3A_1640 : vector<16xf32>
      %min3A_1642 = arith.minimumf %broadcast_in_dim3A_1554, %rev3A_1640 : vector<16xf32>
      %masked_sort3A_1643 = arith.constant dense<true> : vector<16xi1>
      %masked_sort3A_1644, %masked_sort3A_1645, %masked_sort3A_1646 = tpu.sort %max3A_1641, %max3A_1641 masked %masked_sort3A_1643 {descending = true} : (vector<16xf32>, vector<16xf32>, vector<16xi1>) -> (vector<16xi1>, vector<16xf32>, vector<16xf32>)
      %masked_sort3A_1647 = arith.constant dense<true> : vector<16xi1>
      %masked_sort3A_1648, %masked_sort3A_1649, %masked_sort3A_1650 = tpu.sort %min3A_1642, %min3A_1642 masked %masked_sort3A_1647 {descending = true} : (vector<16xf32>, vector<16xf32>, vector<16xi1>) -> (vector<16xi1>, vector<16xf32>, vector<16xf32>)
      %get3A_1651 = arith.constant 4640 : index
      %get3A_1652 = tpu.vector_load %arg5[%get3A_1651] {strides = array<i32>} : memref<9280xf32, #tpu.memory_space<vmem>>, vector<16xf32>,
      %neg3A_1653 = arith.constant 0.000000e+00 : f32
      %neg3A_1654 = vector.broadcast %neg3A_1653 : f32 to vector<16xf32>
      %neg3A_1655 = arith.subf %neg3A_1654, %get3A_1652 : vector<16xf32>
      %sub3A_1656 = arith.constant 0 : i32
      %sub3A_1657 = arith.subi %scan3A_912#2, %sub3A_1656 : i32
      %lt3A_1658 = vector.broadcast %sub3A_1657 : i32 to vector<16xi32>
      %lt3A_1659 = arith.cmpi slt, %iota3A, %lt3A_1658 : vector<16xi32>
      %jit3A_1660 = arith.constant -3.000000e+38 : f32
      %broadcast_in_dim3A_1661 = vector.broadcast %jit3A_1660 : f32 to vector<16xf32>
      %select_n3A_1662 = arith.select %lt3A_1659, %neg3A_1655, %broadcast_in_dim3A_1661 : vector<16xi1>, vector<16xf32>
      %masked_sort3A_1663 = arith.constant dense<true> : vector<16xi1>
      %masked_sort3A_1664, %masked_sort3A_1665, %masked_sort3A_1666 = tpu.sort %select_n3A_1662, %select_n3A_1662 masked %masked_sort3A_1663 {descending = true} : (vector<16xf32>, vector<16xf32>, vector<16xi1>) -> (vector<16xi1>, vector<16xf32>, vector<16xf32>)
      %rev3A_1667 = arith.constant 15 : i32
      %rev3A_1668 = vector.broadcast %rev3A_1667 : i32 to vector<16xi32>
      %rev3A_1669 = tpu.iota {dimensions = array<i32: 0>} : vector<16xi32>
      %rev3A_1670 = arith.subi %rev3A_1668, %rev3A_1669 : vector<16xi32>
      %rev3A_1671 = tpu.dynamic_gather %masked_sort3A_1665[%rev3A_1670] in [0] : vector<16xf32>, vector<16xi32> -> vector<16xf32>
      %max3A_1672 = arith.maximumf %broadcast_in_dim3A_1564, %rev3A_1671 : vector<16xf32>
      %min3A_1673 = arith.minimumf %broadcast_in_dim3A_1564, %rev3A_1671 : vector<16xf32>
      %masked_sort3A_1674 = arith.constant dense<true> : vector<16xi1>
      %masked_sort3A_1675, %masked_sort3A_1676, %masked_sort3A_1677 = tpu.sort %max3A_1672, %max3A_1672 masked %masked_sort3A_1674 {descending = true} : (vector<16xf32>, vector<16xf32>, vector<16xi1>) -> (vector<16xi1>, vector<16xf32>, vector<16xf32>)
      %rev3A_1678 = arith.constant 15 : i32
      %rev3A_1679 = vector.broadcast %rev3A_1678 : i32 to vector<16xi32>
      %rev3A_1680 = tpu.iota {dimensions = array<i32: 0>} : vector<16xi32>
      %rev3A_1681 = arith.subi %rev3A_1679, %rev3A_1680 : vector<16xi32>
      %rev3A_1682 = tpu.dynamic_gather %masked_sort3A_1676[%rev3A_1681] in [0] : vector<16xf32>, vector<16xi32> -> vector<16xf32>
      %max3A_1683 = arith.maximumf %broadcast_in_dim3A_1556, %rev3A_1682 : vector<16xf32>
      %min3A_1684 = arith.minimumf %broadcast_in_dim3A_1556, %rev3A_1682 : vector<16xf32>
      %masked_sort3A_1685 = arith.constant dense<true> : vector<16xi1>
      %masked_sort3A_1686, %masked_sort3A_1687, %masked_sort3A_1688 = tpu.sort %max3A_1683, %max3A_1683 masked %masked_sort3A_1685 {descending = true} : (vector<16xf32>, vector<16xf32>, vector<16xi1>) -> (vector<16xi1>, vector<16xf32>, vector<16xf32>)
      %masked_sort3A_1689 = arith.constant dense<true> : vector<16xi1>
      %masked_sort3A_1690, %masked_sort3A_1691, %masked_sort3A_1692 = tpu.sort %min3A_1684, %min3A_1684 masked %masked_sort3A_1689 {descending = true} : (vector<16xf32>, vector<16xf32>, vector<16xi1>) -> (vector<16xi1>, vector<16xf32>, vector<16xf32>)
      %get3A_1693 = arith.constant 6960 : index
      %get3A_1694 = tpu.vector_load %arg5[%get3A_1693] {strides = array<i32>} : memref<9280xf32, #tpu.memory_space<vmem>>, vector<16xf32>,
      %neg3A_1695 = arith.constant 0.000000e+00 : f32
      %neg3A_1696 = vector.broadcast %neg3A_1695 : f32 to vector<16xf32>
      %neg3A_1697 = arith.subf %neg3A_1696, %get3A_1694 : vector<16xf32>
      %sub3A_1698 = arith.constant 0 : i32
      %sub3A_1699 = arith.subi %scan3A_912#3, %sub3A_1698 : i32
      %lt3A_1700 = vector.broadcast %sub3A_1699 : i32 to vector<16xi32>
      %lt3A_1701 = arith.cmpi slt, %iota3A, %lt3A_1700 : vector<16xi32>
      %jit3A_1702 = arith.constant -3.000000e+38 : f32
      %broadcast_in_dim3A_1703 = vector.broadcast %jit3A_1702 : f32 to vector<16xf32>
      %select_n3A_1704 = arith.select %lt3A_1701, %neg3A_1697, %broadcast_in_dim3A_1703 : vector<16xi1>, vector<16xf32>
      %masked_sort3A_1705 = arith.constant dense<true> : vector<16xi1>
      %masked_sort3A_1706, %masked_sort3A_1707, %masked_sort3A_1708 = tpu.sort %select_n3A_1704, %select_n3A_1704 masked %masked_sort3A_1705 {descending = true} : (vector<16xf32>, vector<16xf32>, vector<16xi1>) -> (vector<16xi1>, vector<16xf32>, vector<16xf32>)
      %rev3A_1709 = arith.constant 15 : i32
      %rev3A_1710 = vector.broadcast %rev3A_1709 : i32 to vector<16xi32>
      %rev3A_1711 = tpu.iota {dimensions = array<i32: 0>} : vector<16xi32>
      %rev3A_1712 = arith.subi %rev3A_1710, %rev3A_1711 : vector<16xi32>
      %rev3A_1713 = tpu.dynamic_gather %masked_sort3A_1707[%rev3A_1712] in [0] : vector<16xf32>, vector<16xi32> -> vector<16xf32>
      %max3A_1714 = arith.maximumf %broadcast_in_dim3A_1566, %rev3A_1713 : vector<16xf32>
      %min3A_1715 = arith.minimumf %broadcast_in_dim3A_1566, %rev3A_1713 : vector<16xf32>
      %masked_sort3A_1716 = arith.constant dense<true> : vector<16xi1>
      %masked_sort3A_1717, %masked_sort3A_1718, %masked_sort3A_1719 = tpu.sort %max3A_1714, %max3A_1714 masked %masked_sort3A_1716 {descending = true} : (vector<16xf32>, vector<16xf32>, vector<16xi1>) -> (vector<16xi1>, vector<16xf32>, vector<16xf32>)
      %rev3A_1720 = arith.constant 15 : i32
      %rev3A_1721 = vector.broadcast %rev3A_1720 : i32 to vector<16xi32>
      %rev3A_1722 = tpu.iota {dimensions = array<i32: 0>} : vector<16xi32>
      %rev3A_1723 = arith.subi %rev3A_1721, %rev3A_1722 : vector<16xi32>
      %rev3A_1724 = tpu.dynamic_gather %masked_sort3A_1718[%rev3A_1723] in [0] : vector<16xf32>, vector<16xi32> -> vector<16xf32>
      %max3A_1725 = arith.maximumf %broadcast_in_dim3A_1558, %rev3A_1724 : vector<16xf32>
      %min3A_1726 = arith.minimumf %broadcast_in_dim3A_1558, %rev3A_1724 : vector<16xf32>
      %masked_sort3A_1727 = arith.constant dense<true> : vector<16xi1>
      %masked_sort3A_1728, %masked_sort3A_1729, %masked_sort3A_1730 = tpu.sort %max3A_1725, %max3A_1725 masked %masked_sort3A_1727 {descending = true} : (vector<16xf32>, vector<16xf32>, vector<16xi1>) -> (vector<16xi1>, vector<16xf32>, vector<16xf32>)
      %masked_sort3A_1731 = arith.constant dense<true> : vector<16xi1>
      %masked_sort3A_1732, %masked_sort3A_1733, %masked_sort3A_1734 = tpu.sort %min3A_1726, %min3A_1726 masked %masked_sort3A_1731 {descending = true} : (vector<16xf32>, vector<16xf32>, vector<16xi1>) -> (vector<16xi1>, vector<16xf32>, vector<16xf32>)
      %get3A_1735 = arith.constant 16 : index
      %get3A_1736 = tpu.vector_load %arg5[%get3A_1735] {strides = array<i32>} : memref<9280xf32, #tpu.memory_space<vmem>>, vector<16xf32>,
      %neg3A_1737 = arith.constant 0.000000e+00 : f32
      %neg3A_1738 = vector.broadcast %neg3A_1737 : f32 to vector<16xf32>
      %neg3A_1739 = arith.subf %neg3A_1738, %get3A_1736 : vector<16xf32>
      %sub3A_1740 = arith.constant 16 : i32
      %sub3A_1741 = arith.subi %scan3A_912#0, %sub3A_1740 : i32
      %lt3A_1742 = vector.broadcast %sub3A_1741 : i32 to vector<16xi32>
      %lt3A_1743 = arith.cmpi slt, %iota3A, %lt3A_1742 : vector<16xi32>
      %jit3A_1744 = arith.constant -3.000000e+38 : f32
      %broadcast_in_dim3A_1745 = vector.broadcast %jit3A_1744 : f32 to vector<16xf32>
      %select_n3A_1746 = arith.select %lt3A_1743, %neg3A_1739, %broadcast_in_dim3A_1745 : vector<16xi1>, vector<16xf32>
      %masked_sort3A_1747 = arith.constant dense<true> : vector<16xi1>
      %masked_sort3A_1748, %masked_sort3A_1749, %masked_sort3A_1750 = tpu.sort %select_n3A_1746, %select_n3A_1746 masked %masked_sort3A_1747 {descending = true} : (vector<16xf32>, vector<16xf32>, vector<16xi1>) -> (vector<16xi1>, vector<16xf32>, vector<16xf32>)
      %rev3A_1751 = arith.constant 15 : i32
      %rev3A_1752 = vector.broadcast %rev3A_1751 : i32 to vector<16xi32>
      %rev3A_1753 = tpu.iota {dimensions = array<i32: 0>} : vector<16xi32>
      %rev3A_1754 = arith.subi %rev3A_1752, %rev3A_1753 : vector<16xi32>
      %rev3A_1755 = tpu.dynamic_gather %masked_sort3A_1749[%rev3A_1754] in [0] : vector<16xf32>, vector<16xi32> -> vector<16xf32>
      %max3A_1756 = arith.maximumf %masked_sort3A_1607, %rev3A_1755 : vector<16xf32>
      %min3A_1757 = arith.minimumf %masked_sort3A_1607, %rev3A_1755 : vector<16xf32>
      %masked_sort3A_1758 = arith.constant dense<true> : vector<16xi1>
      %masked_sort3A_1759, %masked_sort3A_1760, %masked_sort3A_1761 = tpu.sort %max3A_1756, %max3A_1756 masked %masked_sort3A_1758 {descending = true} : (vector<16xf32>, vector<16xf32>, vector<16xi1>) -> (vector<16xi1>, vector<16xf32>, vector<16xf32>)
      %rev3A_1762 = arith.constant 15 : i32
      %rev3A_1763 = vector.broadcast %rev3A_1762 : i32 to vector<16xi32>
      %rev3A_1764 = tpu.iota {dimensions = array<i32: 0>} : vector<16xi32>
      %rev3A_1765 = arith.subi %rev3A_1763, %rev3A_1764 : vector<16xi32>
      %rev3A_1766 = tpu.dynamic_gather %masked_sort3A_1760[%rev3A_1765] in [0] : vector<16xf32>, vector<16xi32> -> vector<16xf32>
      %max3A_1767 = arith.maximumf %masked_sort3A_1603, %rev3A_1766 : vector<16xf32>
      %min3A_1768 = arith.minimumf %masked_sort3A_1603, %rev3A_1766 : vector<16xf32>
      %masked_sort3A_1769 = arith.constant dense<true> : vector<16xi1>
      %masked_sort3A_1770, %masked_sort3A_1771, %masked_sort3A_1772 = tpu.sort %max3A_1767, %max3A_1767 masked %masked_sort3A_1769 {descending = true} : (vector<16xf32>, vector<16xf32>, vector<16xi1>) -> (vector<16xi1>, vector<16xf32>, vector<16xf32>)
      %masked_sort3A_1773 = arith.constant dense<true> : vector<16xi1>
      %masked_sort3A_1774, %masked_sort3A_1775, %masked_sort3A_1776 = tpu.sort %min3A_1768, %min3A_1768 masked %masked_sort3A_1773 {descending = true} : (vector<16xf32>, vector<16xf32>, vector<16xi1>) -> (vector<16xi1>, vector<16xf32>, vector<16xf32>)
      %get3A_1777 = arith.constant 2336 : index
      %get3A_1778 = tpu.vector_load %arg5[%get3A_1777] {strides = array<i32>} : memref<9280xf32, #tpu.memory_space<vmem>>, vector<16xf32>,
      %neg3A_1779 = arith.constant 0.000000e+00 : f32
      %neg3A_1780 = vector.broadcast %neg3A_1779 : f32 to vector<16xf32>
      %neg3A_1781 = arith.subf %neg3A_1780, %get3A_1778 : vector<16xf32>
      %sub3A_1782 = arith.constant 16 : i32
      %sub3A_1783 = arith.subi %scan3A_912#1, %sub3A_1782 : i32
      %lt3A_1784 = vector.broadcast %sub3A_1783 : i32 to vector<16xi32>
      %lt3A_1785 = arith.cmpi slt, %iota3A, %lt3A_1784 : vector<16xi32>
      %jit3A_1786 = arith.constant -3.000000e+38 : f32
      %broadcast_in_dim3A_1787 = vector.broadcast %jit3A_1786 : f32 to vector<16xf32>
      %select_n3A_1788 = arith.select %lt3A_1785, %neg3A_1781, %broadcast_in_dim3A_1787 : vector<16xi1>, vector<16xf32>
      %masked_sort3A_1789 = arith.constant dense<true> : vector<16xi1>
      %masked_sort3A_1790, %masked_sort3A_1791, %masked_sort3A_1792 = tpu.sort %select_n3A_1788, %select_n3A_1788 masked %masked_sort3A_1789 {descending = true} : (vector<16xf32>, vector<16xf32>, vector<16xi1>) -> (vector<16xi1>, vector<16xf32>, vector<16xf32>)
      %rev3A_1793 = arith.constant 15 : i32
      %rev3A_1794 = vector.broadcast %rev3A_1793 : i32 to vector<16xi32>
      %rev3A_1795 = tpu.iota {dimensions = array<i32: 0>} : vector<16xi32>
      %rev3A_1796 = arith.subi %rev3A_1794, %rev3A_1795 : vector<16xi32>
      %rev3A_1797 = tpu.dynamic_gather %masked_sort3A_1791[%rev3A_1796] in [0] : vector<16xf32>, vector<16xi32> -> vector<16xf32>
      %max3A_1798 = arith.maximumf %masked_sort3A_1649, %rev3A_1797 : vector<16xf32>
      %min3A_1799 = arith.minimumf %masked_sort3A_1649, %rev3A_1797 : vector<16xf32>
      %masked_sort3A_1800 = arith.constant dense<true> : vector<16xi1>
      %masked_sort3A_1801, %masked_sort3A_1802, %masked_sort3A_1803 = tpu.sort %max3A_1798, %max3A_1798 masked %masked_sort3A_1800 {descending = true} : (vector<16xf32>, vector<16xf32>, vector<16xi1>) -> (vector<16xi1>, vector<16xf32>, vector<16xf32>)
      %rev3A_1804 = arith.constant 15 : i32
      %rev3A_1805 = vector.broadcast %rev3A_1804 : i32 to vector<16xi32>
      %rev3A_1806 = tpu.iota {dimensions = array<i32: 0>} : vector<16xi32>
      %rev3A_1807 = arith.subi %rev3A_1805, %rev3A_1806 : vector<16xi32>
      %rev3A_1808 = tpu.dynamic_gather %masked_sort3A_1802[%rev3A_1807] in [0] : vector<16xf32>, vector<16xi32> -> vector<16xf32>
      %max3A_1809 = arith.maximumf %masked_sort3A_1645, %rev3A_1808 : vector<16xf32>
      %min3A_1810 = arith.minimumf %masked_sort3A_1645, %rev3A_1808 : vector<16xf32>
      %masked_sort3A_1811 = arith.constant dense<true> : vector<16xi1>
      %masked_sort3A_1812, %masked_sort3A_1813, %masked_sort3A_1814 = tpu.sort %max3A_1809, %max3A_1809 masked %masked_sort3A_1811 {descending = true} : (vector<16xf32>, vector<16xf32>, vector<16xi1>) -> (vector<16xi1>, vector<16xf32>, vector<16xf32>)
      %masked_sort3A_1815 = arith.constant dense<true> : vector<16xi1>
      %masked_sort3A_1816, %masked_sort3A_1817, %masked_sort3A_1818 = tpu.sort %min3A_1810, %min3A_1810 masked %masked_sort3A_1815 {descending = true} : (vector<16xf32>, vector<16xf32>, vector<16xi1>) -> (vector<16xi1>, vector<16xf32>, vector<16xf32>)
      %get3A_1819 = arith.constant 4656 : index
      %get3A_1820 = tpu.vector_load %arg5[%get3A_1819] {strides = array<i32>} : memref<9280xf32, #tpu.memory_space<vmem>>, vector<16xf32>,
      %neg3A_1821 = arith.constant 0.000000e+00 : f32
      %neg3A_1822 = vector.broadcast %neg3A_1821 : f32 to vector<16xf32>
      %neg3A_1823 = arith.subf %neg3A_1822, %get3A_1820 : vector<16xf32>
      %sub3A_1824 = arith.constant 16 : i32
      %sub3A_1825 = arith.subi %scan3A_912#2, %sub3A_1824 : i32
      %lt3A_1826 = vector.broadcast %sub3A_1825 : i32 to vector<16xi32>
      %lt3A_1827 = arith.cmpi slt, %iota3A, %lt3A_1826 : vector<16xi32>
      %jit3A_1828 = arith.constant -3.000000e+38 : f32
      %broadcast_in_dim3A_1829 = vector.broadcast %jit3A_1828 : f32 to vector<16xf32>
      %select_n3A_1830 = arith.select %lt3A_1827, %neg3A_1823, %broadcast_in_dim3A_1829 : vector<16xi1>, vector<16xf32>
      %masked_sort3A_1831 = arith.constant dense<true> : vector<16xi1>
      %masked_sort3A_1832, %masked_sort3A_1833, %masked_sort3A_1834 = tpu.sort %select_n3A_1830, %select_n3A_1830 masked %masked_sort3A_1831 {descending = true} : (vector<16xf32>, vector<16xf32>, vector<16xi1>) -> (vector<16xi1>, vector<16xf32>, vector<16xf32>)
      %rev3A_1835 = arith.constant 15 : i32
      %rev3A_1836 = vector.broadcast %rev3A_1835 : i32 to vector<16xi32>
      %rev3A_1837 = tpu.iota {dimensions = array<i32: 0>} : vector<16xi32>
      %rev3A_1838 = arith.subi %rev3A_1836, %rev3A_1837 : vector<16xi32>
      %rev3A_1839 = tpu.dynamic_gather %masked_sort3A_1833[%rev3A_1838] in [0] : vector<16xf32>, vector<16xi32> -> vector<16xf32>
      %max3A_1840 = arith.maximumf %masked_sort3A_1691, %rev3A_1839 : vector<16xf32>
      %min3A_1841 = arith.minimumf %masked_sort3A_1691, %rev3A_1839 : vector<16xf32>
      %masked_sort3A_1842 = arith.constant dense<true> : vector<16xi1>
      %masked_sort3A_1843, %masked_sort3A_1844, %masked_sort3A_1845 = tpu.sort %max3A_1840, %max3A_1840 masked %masked_sort3A_1842 {descending = true} : (vector<16xf32>, vector<16xf32>, vector<16xi1>) -> (vector<16xi1>, vector<16xf32>, vector<16xf32>)
      %rev3A_1846 = arith.constant 15 : i32
      %rev3A_1847 = vector.broadcast %rev3A_1846 : i32 to vector<16xi32>
      %rev3A_1848 = tpu.iota {dimensions = array<i32: 0>} : vector<16xi32>
      %rev3A_1849 = arith.subi %rev3A_1847, %rev3A_1848 : vector<16xi32>
      %rev3A_1850 = tpu.dynamic_gather %masked_sort3A_1844[%rev3A_1849] in [0] : vector<16xf32>, vector<16xi32> -> vector<16xf32>
      %max3A_1851 = arith.maximumf %masked_sort3A_1687, %rev3A_1850 : vector<16xf32>
      %min3A_1852 = arith.minimumf %masked_sort3A_1687, %rev3A_1850 : vector<16xf32>
      %masked_sort3A_1853 = arith.constant dense<true> : vector<16xi1>
      %masked_sort3A_1854, %masked_sort3A_1855, %masked_sort3A_1856 = tpu.sort %max3A_1851, %max3A_1851 masked %masked_sort3A_1853 {descending = true} : (vector<16xf32>, vector<16xf32>, vector<16xi1>) -> (vector<16xi1>, vector<16xf32>, vector<16xf32>)
      %masked_sort3A_1857 = arith.constant dense<true> : vector<16xi1>
      %masked_sort3A_1858, %masked_sort3A_1859, %masked_sort3A_1860 = tpu.sort %min3A_1852, %min3A_1852 masked %masked_sort3A_1857 {descending = true} : (vector<16xf32>, vector<16xf32>, vector<16xi1>) -> (vector<16xi1>, vector<16xf32>, vector<16xf32>)
      %get3A_1861 = arith.constant 6976 : index
      %get3A_1862 = tpu.vector_load %arg5[%get3A_1861] {strides = array<i32>} : memref<9280xf32, #tpu.memory_space<vmem>>, vector<16xf32>,
      %neg3A_1863 = arith.constant 0.000000e+00 : f32
      %neg3A_1864 = vector.broadcast %neg3A_1863 : f32 to vector<16xf32>
      %neg3A_1865 = arith.subf %neg3A_1864, %get3A_1862 : vector<16xf32>
      %sub3A_1866 = arith.constant 16 : i32
      %sub3A_1867 = arith.subi %scan3A_912#3, %sub3A_1866 : i32
      %lt3A_1868 = vector.broadcast %sub3A_1867 : i32 to vector<16xi32>
      %lt3A_1869 = arith.cmpi slt, %iota3A, %lt3A_1868 : vector<16xi32>
      %jit3A_1870 = arith.constant -3.000000e+38 : f32
      %broadcast_in_dim3A_1871 = vector.broadcast %jit3A_1870 : f32 to vector<16xf32>
      %select_n3A_1872 = arith.select %lt3A_1869, %neg3A_1865, %broadcast_in_dim3A_1871 : vector<16xi1>, vector<16xf32>
      %masked_sort3A_1873 = arith.constant dense<true> : vector<16xi1>
      %masked_sort3A_1874, %masked_sort3A_1875, %masked_sort3A_1876 = tpu.sort %select_n3A_1872, %select_n3A_1872 masked %masked_sort3A_1873 {descending = true} : (vector<16xf32>, vector<16xf32>, vector<16xi1>) -> (vector<16xi1>, vector<16xf32>, vector<16xf32>)
      %rev3A_1877 = arith.constant 15 : i32
      %rev3A_1878 = vector.broadcast %rev3A_1877 : i32 to vector<16xi32>
      %rev3A_1879 = tpu.iota {dimensions = array<i32: 0>} : vector<16xi32>
      %rev3A_1880 = arith.subi %rev3A_1878, %rev3A_1879 : vector<16xi32>
      %rev3A_1881 = tpu.dynamic_gather %masked_sort3A_1875[%rev3A_1880] in [0] : vector<16xf32>, vector<16xi32> -> vector<16xf32>
      %max3A_1882 = arith.maximumf %masked_sort3A_1733, %rev3A_1881 : vector<16xf32>
      %min3A_1883 = arith.minimumf %masked_sort3A_1733, %rev3A_1881 : vector<16xf32>
      %masked_sort3A_1884 = arith.constant dense<true> : vector<16xi1>
      %masked_sort3A_1885, %masked_sort3A_1886, %masked_sort3A_1887 = tpu.sort %max3A_1882, %max3A_1882 masked %masked_sort3A_1884 {descending = true} : (vector<16xf32>, vector<16xf32>, vector<16xi1>) -> (vector<16xi1>, vector<16xf32>, vector<16xf32>)
      %rev3A_1888 = arith.constant 15 : i32
      %rev3A_1889 = vector.broadcast %rev3A_1888 : i32 to vector<16xi32>
      %rev3A_1890 = tpu.iota {dimensions = array<i32: 0>} : vector<16xi32>
      %rev3A_1891 = arith.subi %rev3A_1889, %rev3A_1890 : vector<16xi32>
      %rev3A_1892 = tpu.dynamic_gather %masked_sort3A_1886[%rev3A_1891] in [0] : vector<16xf32>, vector<16xi32> -> vector<16xf32>
      %max3A_1893 = arith.maximumf %masked_sort3A_1729, %rev3A_1892 : vector<16xf32>
      %min3A_1894 = arith.minimumf %masked_sort3A_1729, %rev3A_1892 : vector<16xf32>
      %masked_sort3A_1895 = arith.constant dense<true> : vector<16xi1>
      %masked_sort3A_1896, %masked_sort3A_1897, %masked_sort3A_1898 = tpu.sort %max3A_1893, %max3A_1893 masked %masked_sort3A_1895 {descending = true} : (vector<16xf32>, vector<16xf32>, vector<16xi1>) -> (vector<16xi1>, vector<16xf32>, vector<16xf32>)
      %masked_sort3A_1899 = arith.constant dense<true> : vector<16xi1>
      %masked_sort3A_1900, %masked_sort3A_1901, %masked_sort3A_1902 = tpu.sort %min3A_1894, %min3A_1894 masked %masked_sort3A_1899 {descending = true} : (vector<16xf32>, vector<16xf32>, vector<16xi1>) -> (vector<16xi1>, vector<16xf32>, vector<16xf32>)
      %get3A_1903 = arith.constant 32 : index
      %get3A_1904 = tpu.vector_load %arg5[%get3A_1903] {strides = array<i32>} : memref<9280xf32, #tpu.memory_space<vmem>>, vector<16xf32>,
      %neg3A_1905 = arith.constant 0.000000e+00 : f32
      %neg3A_1906 = vector.broadcast %neg3A_1905 : f32 to vector<16xf32>
      %neg3A_1907 = arith.subf %neg3A_1906, %get3A_1904 : vector<16xf32>
      %sub3A_1908 = arith.constant 32 : i32
      %sub3A_1909 = arith.subi %scan3A_912#0, %sub3A_1908 : i32
      %lt3A_1910 = vector.broadcast %sub3A_1909 : i32 to vector<16xi32>
      %lt3A_1911 = arith.cmpi slt, %iota3A, %lt3A_1910 : vector<16xi32>
      %jit3A_1912 = arith.constant -3.000000e+38 : f32
      %broadcast_in_dim3A_1913 = vector.broadcast %jit3A_1912 : f32 to vector<16xf32>
      %select_n3A_1914 = arith.select %lt3A_1911, %neg3A_1907, %broadcast_in_dim3A_1913 : vector<16xi1>, vector<16xf32>
      %masked_sort3A_1915 = arith.constant dense<true> : vector<16xi1>
      %masked_sort3A_1916, %masked_sort3A_1917, %masked_sort3A_1918 = tpu.sort %select_n3A_1914, %select_n3A_1914 masked %masked_sort3A_1915 {descending = true} : (vector<16xf32>, vector<16xf32>, vector<16xi1>) -> (vector<16xi1>, vector<16xf32>, vector<16xf32>)
      %rev3A_1919 = arith.constant 15 : i32
      %rev3A_1920 = vector.broadcast %rev3A_1919 : i32 to vector<16xi32>
      %rev3A_1921 = tpu.iota {dimensions = array<i32: 0>} : vector<16xi32>
      %rev3A_1922 = arith.subi %rev3A_1920, %rev3A_1921 : vector<16xi32>
      %rev3A_1923 = tpu.dynamic_gather %masked_sort3A_1917[%rev3A_1922] in [0] : vector<16xf32>, vector<16xi32> -> vector<16xf32>
      %max3A_1924 = arith.maximumf %masked_sort3A_1775, %rev3A_1923 : vector<16xf32>
      %min3A_1925 = arith.minimumf %masked_sort3A_1775, %rev3A_1923 : vector<16xf32>
      %masked_sort3A_1926 = arith.constant dense<true> : vector<16xi1>
      %masked_sort3A_1927, %masked_sort3A_1928, %masked_sort3A_1929 = tpu.sort %max3A_1924, %max3A_1924 masked %masked_sort3A_1926 {descending = true} : (vector<16xf32>, vector<16xf32>, vector<16xi1>) -> (vector<16xi1>, vector<16xf32>, vector<16xf32>)
      %rev3A_1930 = arith.constant 15 : i32
      %rev3A_1931 = vector.broadcast %rev3A_1930 : i32 to vector<16xi32>
      %rev3A_1932 = tpu.iota {dimensions = array<i32: 0>} : vector<16xi32>
      %rev3A_1933 = arith.subi %rev3A_1931, %rev3A_1932 : vector<16xi32>
      %rev3A_1934 = tpu.dynamic_gather %masked_sort3A_1928[%rev3A_1933] in [0] : vector<16xf32>, vector<16xi32> -> vector<16xf32>
      %max3A_1935 = arith.maximumf %masked_sort3A_1771, %rev3A_1934 : vector<16xf32>
      %min3A_1936 = arith.minimumf %masked_sort3A_1771, %rev3A_1934 : vector<16xf32>
      %masked_sort3A_1937 = arith.constant dense<true> : vector<16xi1>
      %masked_sort3A_1938, %masked_sort3A_1939, %masked_sort3A_1940 = tpu.sort %max3A_1935, %max3A_1935 masked %masked_sort3A_1937 {descending = true} : (vector<16xf32>, vector<16xf32>, vector<16xi1>) -> (vector<16xi1>, vector<16xf32>, vector<16xf32>)
      %masked_sort3A_1941 = arith.constant dense<true> : vector<16xi1>
      %masked_sort3A_1942, %masked_sort3A_1943, %masked_sort3A_1944 = tpu.sort %min3A_1936, %min3A_1936 masked %masked_sort3A_1941 {descending = true} : (vector<16xf32>, vector<16xf32>, vector<16xi1>) -> (vector<16xi1>, vector<16xf32>, vector<16xf32>)
      %get3A_1945 = arith.constant 2352 : index
      %get3A_1946 = tpu.vector_load %arg5[%get3A_1945] {strides = array<i32>} : memref<9280xf32, #tpu.memory_space<vmem>>, vector<16xf32>,
      %neg3A_1947 = arith.constant 0.000000e+00 : f32
      %neg3A_1948 = vector.broadcast %neg3A_1947 : f32 to vector<16xf32>
      %neg3A_1949 = arith.subf %neg3A_1948, %get3A_1946 : vector<16xf32>
      %sub3A_1950 = arith.constant 32 : i32
      %sub3A_1951 = arith.subi %scan3A_912#1, %sub3A_1950 : i32
      %lt3A_1952 = vector.broadcast %sub3A_1951 : i32 to vector<16xi32>
      %lt3A_1953 = arith.cmpi slt, %iota3A, %lt3A_1952 : vector<16xi32>
      %jit3A_1954 = arith.constant -3.000000e+38 : f32
      %broadcast_in_dim3A_1955 = vector.broadcast %jit3A_1954 : f32 to vector<16xf32>
      %select_n3A_1956 = arith.select %lt3A_1953, %neg3A_1949, %broadcast_in_dim3A_1955 : vector<16xi1>, vector<16xf32>
      %masked_sort3A_1957 = arith.constant dense<true> : vector<16xi1>
      %masked_sort3A_1958, %masked_sort3A_1959, %masked_sort3A_1960 = tpu.sort %select_n3A_1956, %select_n3A_1956 masked %masked_sort3A_1957 {descending = true} : (vector<16xf32>, vector<16xf32>, vector<16xi1>) -> (vector<16xi1>, vector<16xf32>, vector<16xf32>)
      %rev3A_1961 = arith.constant 15 : i32
      %rev3A_1962 = vector.broadcast %rev3A_1961 : i32 to vector<16xi32>
      %rev3A_1963 = tpu.iota {dimensions = array<i32: 0>} : vector<16xi32>
      %rev3A_1964 = arith.subi %rev3A_1962, %rev3A_1963 : vector<16xi32>
      %rev3A_1965 = tpu.dynamic_gather %masked_sort3A_1959[%rev3A_1964] in [0] : vector<16xf32>, vector<16xi32> -> vector<16xf32>
      %max3A_1966 = arith.maximumf %masked_sort3A_1817, %rev3A_1965 : vector<16xf32>
      %min3A_1967 = arith.minimumf %masked_sort3A_1817, %rev3A_1965 : vector<16xf32>
      %masked_sort3A_1968 = arith.constant dense<true> : vector<16xi1>
      %masked_sort3A_1969, %masked_sort3A_1970, %masked_sort3A_1971 = tpu.sort %max3A_1966, %max3A_1966 masked %masked_sort3A_1968 {descending = true} : (vector<16xf32>, vector<16xf32>, vector<16xi1>) -> (vector<16xi1>, vector<16xf32>, vector<16xf32>)
      %rev3A_1972 = arith.constant 15 : i32
      %rev3A_1973 = vector.broadcast %rev3A_1972 : i32 to vector<16xi32>
      %rev3A_1974 = tpu.iota {dimensions = array<i32: 0>} : vector<16xi32>
      %rev3A_1975 = arith.subi %rev3A_1973, %rev3A_1974 : vector<16xi32>
      %rev3A_1976 = tpu.dynamic_gather %masked_sort3A_1970[%rev3A_1975] in [0] : vector<16xf32>, vector<16xi32> -> vector<16xf32>
      %max3A_1977 = arith.maximumf %masked_sort3A_1813, %rev3A_1976 : vector<16xf32>
      %min3A_1978 = arith.minimumf %masked_sort3A_1813, %rev3A_1976 : vector<16xf32>
      %masked_sort3A_1979 = arith.constant dense<true> : vector<16xi1>
      %masked_sort3A_1980, %masked_sort3A_1981, %masked_sort3A_1982 = tpu.sort %max3A_1977, %max3A_1977 masked %masked_sort3A_1979 {descending = true} : (vector<16xf32>, vector<16xf32>, vector<16xi1>) -> (vector<16xi1>, vector<16xf32>, vector<16xf32>)
      %masked_sort3A_1983 = arith.constant dense<true> : vector<16xi1>
      %masked_sort3A_1984, %masked_sort3A_1985, %masked_sort3A_1986 = tpu.sort %min3A_1978, %min3A_1978 masked %masked_sort3A_1983 {descending = true} : (vector<16xf32>, vector<16xf32>, vector<16xi1>) -> (vector<16xi1>, vector<16xf32>, vector<16xf32>)
      %get3A_1987 = arith.constant 4672 : index
      %get3A_1988 = tpu.vector_load %arg5[%get3A_1987] {strides = array<i32>} : memref<9280xf32, #tpu.memory_space<vmem>>, vector<16xf32>,
      %neg3A_1989 = arith.constant 0.000000e+00 : f32
      %neg3A_1990 = vector.broadcast %neg3A_1989 : f32 to vector<16xf32>
      %neg3A_1991 = arith.subf %neg3A_1990, %get3A_1988 : vector<16xf32>
      %sub3A_1992 = arith.constant 32 : i32
      %sub3A_1993 = arith.subi %scan3A_912#2, %sub3A_1992 : i32
      %lt3A_1994 = vector.broadcast %sub3A_1993 : i32 to vector<16xi32>
      %lt3A_1995 = arith.cmpi slt, %iota3A, %lt3A_1994 : vector<16xi32>
      %jit3A_1996 = arith.constant -3.000000e+38 : f32
      %broadcast_in_dim3A_1997 = vector.broadcast %jit3A_1996 : f32 to vector<16xf32>
      %select_n3A_1998 = arith.select %lt3A_1995, %neg3A_1991, %broadcast_in_dim3A_1997 : vector<16xi1>, vector<16xf32>
      %masked_sort3A_1999 = arith.constant dense<true> : vector<16xi1>
      %masked_sort3A_2000, %masked_sort3A_2001, %masked_sort3A_2002 = tpu.sort %select_n3A_1998, %select_n3A_1998 masked %masked_sort3A_1999 {descending = true} : (vector<16xf32>, vector<16xf32>, vector<16xi1>) -> (vector<16xi1>, vector<16xf32>, vector<16xf32>)
      %rev3A_2003 = arith.constant 15 : i32
      %rev3A_2004 = vector.broadcast %rev3A_2003 : i32 to vector<16xi32>
      %rev3A_2005 = tpu.iota {dimensions = array<i32: 0>} : vector<16xi32>
      %rev3A_2006 = arith.subi %rev3A_2004, %rev3A_2005 : vector<16xi32>
      %rev3A_2007 = tpu.dynamic_gather %masked_sort3A_2001[%rev3A_2006] in [0] : vector<16xf32>, vector<16xi32> -> vector<16xf32>
      %max3A_2008 = arith.maximumf %masked_sort3A_1859, %rev3A_2007 : vector<16xf32>
      %min3A_2009 = arith.minimumf %masked_sort3A_1859, %rev3A_2007 : vector<16xf32>
      %masked_sort3A_2010 = arith.constant dense<true> : vector<16xi1>
      %masked_sort3A_2011, %masked_sort3A_2012, %masked_sort3A_2013 = tpu.sort %max3A_2008, %max3A_2008 masked %masked_sort3A_2010 {descending = true} : (vector<16xf32>, vector<16xf32>, vector<16xi1>) -> (vector<16xi1>, vector<16xf32>, vector<16xf32>)
      %rev3A_2014 = arith.constant 15 : i32
      %rev3A_2015 = vector.broadcast %rev3A_2014 : i32 to vector<16xi32>
      %rev3A_2016 = tpu.iota {dimensions = array<i32: 0>} : vector<16xi32>
      %rev3A_2017 = arith.subi %rev3A_2015, %rev3A_2016 : vector<16xi32>
      %rev3A_2018 = tpu.dynamic_gather %masked_sort3A_2012[%rev3A_2017] in [0] : vector<16xf32>, vector<16xi32> -> vector<16xf32>
      %max3A_2019 = arith.maximumf %masked_sort3A_1855, %rev3A_2018 : vector<16xf32>
      %min3A_2020 = arith.minimumf %masked_sort3A_1855, %rev3A_2018 : vector<16xf32>
      %masked_sort3A_2021 = arith.constant dense<true> : vector<16xi1>
      %masked_sort3A_2022, %masked_sort3A_2023, %masked_sort3A_2024 = tpu.sort %max3A_2019, %max3A_2019 masked %masked_sort3A_2021 {descending = true} : (vector<16xf32>, vector<16xf32>, vector<16xi1>) -> (vector<16xi1>, vector<16xf32>, vector<16xf32>)
      %masked_sort3A_2025 = arith.constant dense<true> : vector<16xi1>
      %masked_sort3A_2026, %masked_sort3A_2027, %masked_sort3A_2028 = tpu.sort %min3A_2020, %min3A_2020 masked %masked_sort3A_2025 {descending = true} : (vector<16xf32>, vector<16xf32>, vector<16xi1>) -> (vector<16xi1>, vector<16xf32>, vector<16xf32>)
      %get3A_2029 = arith.constant 6992 : index
      %get3A_2030 = tpu.vector_load %arg5[%get3A_2029] {strides = array<i32>} : memref<9280xf32, #tpu.memory_space<vmem>>, vector<16xf32>,
      %neg3A_2031 = arith.constant 0.000000e+00 : f32
      %neg3A_2032 = vector.broadcast %neg3A_2031 : f32 to vector<16xf32>
      %neg3A_2033 = arith.subf %neg3A_2032, %get3A_2030 : vector<16xf32>
      %sub3A_2034 = arith.constant 32 : i32
      %sub3A_2035 = arith.subi %scan3A_912#3, %sub3A_2034 : i32
      %lt3A_2036 = vector.broadcast %sub3A_2035 : i32 to vector<16xi32>
      %lt3A_2037 = arith.cmpi slt, %iota3A, %lt3A_2036 : vector<16xi32>
      %jit3A_2038 = arith.constant -3.000000e+38 : f32
      %broadcast_in_dim3A_2039 = vector.broadcast %jit3A_2038 : f32 to vector<16xf32>
      %select_n3A_2040 = arith.select %lt3A_2037, %neg3A_2033, %broadcast_in_dim3A_2039 : vector<16xi1>, vector<16xf32>
      %masked_sort3A_2041 = arith.constant dense<true> : vector<16xi1>
      %masked_sort3A_2042, %masked_sort3A_2043, %masked_sort3A_2044 = tpu.sort %select_n3A_2040, %select_n3A_2040 masked %masked_sort3A_2041 {descending = true} : (vector<16xf32>, vector<16xf32>, vector<16xi1>) -> (vector<16xi1>, vector<16xf32>, vector<16xf32>)
      %rev3A_2045 = arith.constant 15 : i32
      %rev3A_2046 = vector.broadcast %rev3A_2045 : i32 to vector<16xi32>
      %rev3A_2047 = tpu.iota {dimensions = array<i32: 0>} : vector<16xi32>
      %rev3A_2048 = arith.subi %rev3A_2046, %rev3A_2047 : vector<16xi32>
      %rev3A_2049 = tpu.dynamic_gather %masked_sort3A_2043[%rev3A_2048] in [0] : vector<16xf32>, vector<16xi32> -> vector<16xf32>
      %max3A_2050 = arith.maximumf %masked_sort3A_1901, %rev3A_2049 : vector<16xf32>
      %min3A_2051 = arith.minimumf %masked_sort3A_1901, %rev3A_2049 : vector<16xf32>
      %masked_sort3A_2052 = arith.constant dense<true> : vector<16xi1>
      %masked_sort3A_2053, %masked_sort3A_2054, %masked_sort3A_2055 = tpu.sort %max3A_2050, %max3A_2050 masked %masked_sort3A_2052 {descending = true} : (vector<16xf32>, vector<16xf32>, vector<16xi1>) -> (vector<16xi1>, vector<16xf32>, vector<16xf32>)
      %rev3A_2056 = arith.constant 15 : i32
      %rev3A_2057 = vector.broadcast %rev3A_2056 : i32 to vector<16xi32>
      %rev3A_2058 = tpu.iota {dimensions = array<i32: 0>} : vector<16xi32>
      %rev3A_2059 = arith.subi %rev3A_2057, %rev3A_2058 : vector<16xi32>
      %rev3A_2060 = tpu.dynamic_gather %masked_sort3A_2054[%rev3A_2059] in [0] : vector<16xf32>, vector<16xi32> -> vector<16xf32>
      %max3A_2061 = arith.maximumf %masked_sort3A_1897, %rev3A_2060 : vector<16xf32>
      %min3A_2062 = arith.minimumf %masked_sort3A_1897, %rev3A_2060 : vector<16xf32>
      %masked_sort3A_2063 = arith.constant dense<true> : vector<16xi1>
      %masked_sort3A_2064, %masked_sort3A_2065, %masked_sort3A_2066 = tpu.sort %max3A_2061, %max3A_2061 masked %masked_sort3A_2063 {descending = true} : (vector<16xf32>, vector<16xf32>, vector<16xi1>) -> (vector<16xi1>, vector<16xf32>, vector<16xf32>)
      %masked_sort3A_2067 = arith.constant dense<true> : vector<16xi1>
      %masked_sort3A_2068, %masked_sort3A_2069, %masked_sort3A_2070 = tpu.sort %min3A_2062, %min3A_2062 masked %masked_sort3A_2067 {descending = true} : (vector<16xf32>, vector<16xf32>, vector<16xi1>) -> (vector<16xi1>, vector<16xf32>, vector<16xf32>)
      %get3A_2071 = arith.constant 48 : index
      %get3A_2072 = tpu.vector_load %arg5[%get3A_2071] {strides = array<i32>} : memref<9280xf32, #tpu.memory_space<vmem>>, vector<16xf32>,
      %neg3A_2073 = arith.constant 0.000000e+00 : f32
      %neg3A_2074 = vector.broadcast %neg3A_2073 : f32 to vector<16xf32>
      %neg3A_2075 = arith.subf %neg3A_2074, %get3A_2072 : vector<16xf32>
      %sub3A_2076 = arith.constant 48 : i32
      %sub3A_2077 = arith.subi %scan3A_912#0, %sub3A_2076 : i32
      %lt3A_2078 = vector.broadcast %sub3A_2077 : i32 to vector<16xi32>
      %lt3A_2079 = arith.cmpi slt, %iota3A, %lt3A_2078 : vector<16xi32>
      %jit3A_2080 = arith.constant -3.000000e+38 : f32
      %broadcast_in_dim3A_2081 = vector.broadcast %jit3A_2080 : f32 to vector<16xf32>
      %select_n3A_2082 = arith.select %lt3A_2079, %neg3A_2075, %broadcast_in_dim3A_2081 : vector<16xi1>, vector<16xf32>
      %masked_sort3A_2083 = arith.constant dense<true> : vector<16xi1>
      %masked_sort3A_2084, %masked_sort3A_2085, %masked_sort3A_2086 = tpu.sort %select_n3A_2082, %select_n3A_2082 masked %masked_sort3A_2083 {descending = true} : (vector<16xf32>, vector<16xf32>, vector<16xi1>) -> (vector<16xi1>, vector<16xf32>, vector<16xf32>)
      %rev3A_2087 = arith.constant 15 : i32
      %rev3A_2088 = vector.broadcast %rev3A_2087 : i32 to vector<16xi32>
      %rev3A_2089 = tpu.iota {dimensions = array<i32: 0>} : vector<16xi32>
      %rev3A_2090 = arith.subi %rev3A_2088, %rev3A_2089 : vector<16xi32>
      %rev3A_2091 = tpu.dynamic_gather %masked_sort3A_2085[%rev3A_2090] in [0] : vector<16xf32>, vector<16xi32> -> vector<16xf32>
      %max3A_2092 = arith.maximumf %masked_sort3A_1943, %rev3A_2091 : vector<16xf32>
      %min3A_2093 = arith.minimumf %masked_sort3A_1943, %rev3A_2091 : vector<16xf32>
      %masked_sort3A_2094 = arith.constant dense<true> : vector<16xi1>
      %masked_sort3A_2095, %masked_sort3A_2096, %masked_sort3A_2097 = tpu.sort %max3A_2092, %max3A_2092 masked %masked_sort3A_2094 {descending = true} : (vector<16xf32>, vector<16xf32>, vector<16xi1>) -> (vector<16xi1>, vector<16xf32>, vector<16xf32>)
      %rev3A_2098 = arith.constant 15 : i32
      %rev3A_2099 = vector.broadcast %rev3A_2098 : i32 to vector<16xi32>
      %rev3A_2100 = tpu.iota {dimensions = array<i32: 0>} : vector<16xi32>
      %rev3A_2101 = arith.subi %rev3A_2099, %rev3A_2100 : vector<16xi32>
      %rev3A_2102 = tpu.dynamic_gather %masked_sort3A_2096[%rev3A_2101] in [0] : vector<16xf32>, vector<16xi32> -> vector<16xf32>
      %max3A_2103 = arith.maximumf %masked_sort3A_1939, %rev3A_2102 : vector<16xf32>
      %min3A_2104 = arith.minimumf %masked_sort3A_1939, %rev3A_2102 : vector<16xf32>
      %masked_sort3A_2105 = arith.constant dense<true> : vector<16xi1>
      %masked_sort3A_2106, %masked_sort3A_2107, %masked_sort3A_2108 = tpu.sort %max3A_2103, %max3A_2103 masked %masked_sort3A_2105 {descending = true} : (vector<16xf32>, vector<16xf32>, vector<16xi1>) -> (vector<16xi1>, vector<16xf32>, vector<16xf32>)
      %masked_sort3A_2109 = arith.constant dense<true> : vector<16xi1>
      %masked_sort3A_2110, %masked_sort3A_2111, %masked_sort3A_2112 = tpu.sort %min3A_2104, %min3A_2104 masked %masked_sort3A_2109 {descending = true} : (vector<16xf32>, vector<16xf32>, vector<16xi1>) -> (vector<16xi1>, vector<16xf32>, vector<16xf32>)
      %get3A_2113 = arith.constant 2368 : index
      %get3A_2114 = tpu.vector_load %arg5[%get3A_2113] {strides = array<i32>} : memref<9280xf32, #tpu.memory_space<vmem>>, vector<16xf32>,
      %neg3A_2115 = arith.constant 0.000000e+00 : f32
      %neg3A_2116 = vector.broadcast %neg3A_2115 : f32 to vector<16xf32>
      %neg3A_2117 = arith.subf %neg3A_2116, %get3A_2114 : vector<16xf32>
      %sub3A_2118 = arith.constant 48 : i32
      %sub3A_2119 = arith.subi %scan3A_912#1, %sub3A_2118 : i32
      %lt3A_2120 = vector.broadcast %sub3A_2119 : i32 to vector<16xi32>
      %lt3A_2121 = arith.cmpi slt, %iota3A, %lt3A_2120 : vector<16xi32>
      %jit3A_2122 = arith.constant -3.000000e+38 : f32
      %broadcast_in_dim3A_2123 = vector.broadcast %jit3A_2122 : f32 to vector<16xf32>
      %select_n3A_2124 = arith.select %lt3A_2121, %neg3A_2117, %broadcast_in_dim3A_2123 : vector<16xi1>, vector<16xf32>
      %masked_sort3A_2125 = arith.constant dense<true> : vector<16xi1>
      %masked_sort3A_2126, %masked_sort3A_2127, %masked_sort3A_2128 = tpu.sort %select_n3A_2124, %select_n3A_2124 masked %masked_sort3A_2125 {descending = true} : (vector<16xf32>, vector<16xf32>, vector<16xi1>) -> (vector<16xi1>, vector<16xf32>, vector<16xf32>)
      %rev3A_2129 = arith.constant 15 : i32
      %rev3A_2130 = vector.broadcast %rev3A_2129 : i32 to vector<16xi32>
      %rev3A_2131 = tpu.iota {dimensions = array<i32: 0>} : vector<16xi32>
      %rev3A_2132 = arith.subi %rev3A_2130, %rev3A_2131 : vector<16xi32>
      %rev3A_2133 = tpu.dynamic_gather %masked_sort3A_2127[%rev3A_2132] in [0] : vector<16xf32>, vector<16xi32> -> vector<16xf32>
      %max3A_2134 = arith.maximumf %masked_sort3A_1985, %rev3A_2133 : vector<16xf32>
      %min3A_2135 = arith.minimumf %masked_sort3A_1985, %rev3A_2133 : vector<16xf32>
      %masked_sort3A_2136 = arith.constant dense<true> : vector<16xi1>
      %masked_sort3A_2137, %masked_sort3A_2138, %masked_sort3A_2139 = tpu.sort %max3A_2134, %max3A_2134 masked %masked_sort3A_2136 {descending = true} : (vector<16xf32>, vector<16xf32>, vector<16xi1>) -> (vector<16xi1>, vector<16xf32>, vector<16xf32>)
      %rev3A_2140 = arith.constant 15 : i32
      %rev3A_2141 = vector.broadcast %rev3A_2140 : i32 to vector<16xi32>
      %rev3A_2142 = tpu.iota {dimensions = array<i32: 0>} : vector<16xi32>
      %rev3A_2143 = arith.subi %rev3A_2141, %rev3A_2142 : vector<16xi32>
      %rev3A_2144 = tpu.dynamic_gather %masked_sort3A_2138[%rev3A_2143] in [0] : vector<16xf32>, vector<16xi32> -> vector<16xf32>
      %max3A_2145 = arith.maximumf %masked_sort3A_1981, %rev3A_2144 : vector<16xf32>
      %min3A_2146 = arith.minimumf %masked_sort3A_1981, %rev3A_2144 : vector<16xf32>
      %masked_sort3A_2147 = arith.constant dense<true> : vector<16xi1>
      %masked_sort3A_2148, %masked_sort3A_2149, %masked_sort3A_2150 = tpu.sort %max3A_2145, %max3A_2145 masked %masked_sort3A_2147 {descending = true} : (vector<16xf32>, vector<16xf32>, vector<16xi1>) -> (vector<16xi1>, vector<16xf32>, vector<16xf32>)
      %masked_sort3A_2151 = arith.constant dense<true> : vector<16xi1>
      %masked_sort3A_2152, %masked_sort3A_2153, %masked_sort3A_2154 = tpu.sort %min3A_2146, %min3A_2146 masked %masked_sort3A_2151 {descending = true} : (vector<16xf32>, vector<16xf32>, vector<16xi1>) -> (vector<16xi1>, vector<16xf32>, vector<16xf32>)
      %get3A_2155 = arith.constant 4688 : index
      %get3A_2156 = tpu.vector_load %arg5[%get3A_2155] {strides = array<i32>} : memref<9280xf32, #tpu.memory_space<vmem>>, vector<16xf32>,
      %neg3A_2157 = arith.constant 0.000000e+00 : f32
      %neg3A_2158 = vector.broadcast %neg3A_2157 : f32 to vector<16xf32>
      %neg3A_2159 = arith.subf %neg3A_2158, %get3A_2156 : vector<16xf32>
      %sub3A_2160 = arith.constant 48 : i32
      %sub3A_2161 = arith.subi %scan3A_912#2, %sub3A_2160 : i32
      %lt3A_2162 = vector.broadcast %sub3A_2161 : i32 to vector<16xi32>
      %lt3A_2163 = arith.cmpi slt, %iota3A, %lt3A_2162 : vector<16xi32>
      %jit3A_2164 = arith.constant -3.000000e+38 : f32
      %broadcast_in_dim3A_2165 = vector.broadcast %jit3A_2164 : f32 to vector<16xf32>
      %select_n3A_2166 = arith.select %lt3A_2163, %neg3A_2159, %broadcast_in_dim3A_2165 : vector<16xi1>, vector<16xf32>
      %masked_sort3A_2167 = arith.constant dense<true> : vector<16xi1>
      %masked_sort3A_2168, %masked_sort3A_2169, %masked_sort3A_2170 = tpu.sort %select_n3A_2166, %select_n3A_2166 masked %masked_sort3A_2167 {descending = true} : (vector<16xf32>, vector<16xf32>, vector<16xi1>) -> (vector<16xi1>, vector<16xf32>, vector<16xf32>)
      %rev3A_2171 = arith.constant 15 : i32
      %rev3A_2172 = vector.broadcast %rev3A_2171 : i32 to vector<16xi32>
      %rev3A_2173 = tpu.iota {dimensions = array<i32: 0>} : vector<16xi32>
      %rev3A_2174 = arith.subi %rev3A_2172, %rev3A_2173 : vector<16xi32>
      %rev3A_2175 = tpu.dynamic_gather %masked_sort3A_2169[%rev3A_2174] in [0] : vector<16xf32>, vector<16xi32> -> vector<16xf32>
      %max3A_2176 = arith.maximumf %masked_sort3A_2027, %rev3A_2175 : vector<16xf32>
      %min3A_2177 = arith.minimumf %masked_sort3A_2027, %rev3A_2175 : vector<16xf32>
      %masked_sort3A_2178 = arith.constant dense<true> : vector<16xi1>
      %masked_sort3A_2179, %masked_sort3A_2180, %masked_sort3A_2181 = tpu.sort %max3A_2176, %max3A_2176 masked %masked_sort3A_2178 {descending = true} : (vector<16xf32>, vector<16xf32>, vector<16xi1>) -> (vector<16xi1>, vector<16xf32>, vector<16xf32>)
      %rev3A_2182 = arith.constant 15 : i32
      %rev3A_2183 = vector.broadcast %rev3A_2182 : i32 to vector<16xi32>
      %rev3A_2184 = tpu.iota {dimensions = array<i32: 0>} : vector<16xi32>
      %rev3A_2185 = arith.subi %rev3A_2183, %rev3A_2184 : vector<16xi32>
      %rev3A_2186 = tpu.dynamic_gather %masked_sort3A_2180[%rev3A_2185] in [0] : vector<16xf32>, vector<16xi32> -> vector<16xf32>
      %max3A_2187 = arith.maximumf %masked_sort3A_2023, %rev3A_2186 : vector<16xf32>
      %min3A_2188 = arith.minimumf %masked_sort3A_2023, %rev3A_2186 : vector<16xf32>
      %masked_sort3A_2189 = arith.constant dense<true> : vector<16xi1>
      %masked_sort3A_2190, %masked_sort3A_2191, %masked_sort3A_2192 = tpu.sort %max3A_2187, %max3A_2187 masked %masked_sort3A_2189 {descending = true} : (vector<16xf32>, vector<16xf32>, vector<16xi1>) -> (vector<16xi1>, vector<16xf32>, vector<16xf32>)
      %masked_sort3A_2193 = arith.constant dense<true> : vector<16xi1>
      %masked_sort3A_2194, %masked_sort3A_2195, %masked_sort3A_2196 = tpu.sort %min3A_2188, %min3A_2188 masked %masked_sort3A_2193 {descending = true} : (vector<16xf32>, vector<16xf32>, vector<16xi1>) -> (vector<16xi1>, vector<16xf32>, vector<16xf32>)
      %get3A_2197 = arith.constant 7008 : index
      %get3A_2198 = tpu.vector_load %arg5[%get3A_2197] {strides = array<i32>} : memref<9280xf32, #tpu.memory_space<vmem>>, vector<16xf32>,
      %neg3A_2199 = arith.constant 0.000000e+00 : f32
      %neg3A_2200 = vector.broadcast %neg3A_2199 : f32 to vector<16xf32>
      %neg3A_2201 = arith.subf %neg3A_2200, %get3A_2198 : vector<16xf32>
      %sub3A_2202 = arith.constant 48 : i32
      %sub3A_2203 = arith.subi %scan3A_912#3, %sub3A_2202 : i32
      %lt3A_2204 = vector.broadcast %sub3A_2203 : i32 to vector<16xi32>
      %lt3A_2205 = arith.cmpi slt, %iota3A, %lt3A_2204 : vector<16xi32>
      %jit3A_2206 = arith.constant -3.000000e+38 : f32
      %broadcast_in_dim3A_2207 = vector.broadcast %jit3A_2206 : f32 to vector<16xf32>
      %select_n3A_2208 = arith.select %lt3A_2205, %neg3A_2201, %broadcast_in_dim3A_2207 : vector<16xi1>, vector<16xf32>
      %masked_sort3A_2209 = arith.constant dense<true> : vector<16xi1>
      %masked_sort3A_2210, %masked_sort3A_2211, %masked_sort3A_2212 = tpu.sort %select_n3A_2208, %select_n3A_2208 masked %masked_sort3A_2209 {descending = true} : (vector<16xf32>, vector<16xf32>, vector<16xi1>) -> (vector<16xi1>, vector<16xf32>, vector<16xf32>)
      %rev3A_2213 = arith.constant 15 : i32
      %rev3A_2214 = vector.broadcast %rev3A_2213 : i32 to vector<16xi32>
      %rev3A_2215 = tpu.iota {dimensions = array<i32: 0>} : vector<16xi32>
      %rev3A_2216 = arith.subi %rev3A_2214, %rev3A_2215 : vector<16xi32>
      %rev3A_2217 = tpu.dynamic_gather %masked_sort3A_2211[%rev3A_2216] in [0] : vector<16xf32>, vector<16xi32> -> vector<16xf32>
      %max3A_2218 = arith.maximumf %masked_sort3A_2069, %rev3A_2217 : vector<16xf32>
      %min3A_2219 = arith.minimumf %masked_sort3A_2069, %rev3A_2217 : vector<16xf32>
      %masked_sort3A_2220 = arith.constant dense<true> : vector<16xi1>
      %masked_sort3A_2221, %masked_sort3A_2222, %masked_sort3A_2223 = tpu.sort %max3A_2218, %max3A_2218 masked %masked_sort3A_2220 {descending = true} : (vector<16xf32>, vector<16xf32>, vector<16xi1>) -> (vector<16xi1>, vector<16xf32>, vector<16xf32>)
      %rev3A_2224 = arith.constant 15 : i32
      %rev3A_2225 = vector.broadcast %rev3A_2224 : i32 to vector<16xi32>
      %rev3A_2226 = tpu.iota {dimensions = array<i32: 0>} : vector<16xi32>
      %rev3A_2227 = arith.subi %rev3A_2225, %rev3A_2226 : vector<16xi32>
      %rev3A_2228 = tpu.dynamic_gather %masked_sort3A_2222[%rev3A_2227] in [0] : vector<16xf32>, vector<16xi32> -> vector<16xf32>
      %max3A_2229 = arith.maximumf %masked_sort3A_2065, %rev3A_2228 : vector<16xf32>
      %min3A_2230 = arith.minimumf %masked_sort3A_2065, %rev3A_2228 : vector<16xf32>
      %masked_sort3A_2231 = arith.constant dense<true> : vector<16xi1>
      %masked_sort3A_2232, %masked_sort3A_2233, %masked_sort3A_2234 = tpu.sort %max3A_2229, %max3A_2229 masked %masked_sort3A_2231 {descending = true} : (vector<16xf32>, vector<16xf32>, vector<16xi1>) -> (vector<16xi1>, vector<16xf32>, vector<16xf32>)
      %masked_sort3A_2235 = arith.constant dense<true> : vector<16xi1>
      %masked_sort3A_2236, %masked_sort3A_2237, %masked_sort3A_2238 = tpu.sort %min3A_2230, %min3A_2230 masked %masked_sort3A_2235 {descending = true} : (vector<16xf32>, vector<16xf32>, vector<16xi1>) -> (vector<16xi1>, vector<16xf32>, vector<16xf32>)
      %broadcast_in_dim3A_2239 = arith.constant 0.000000e+00 : f32
      %broadcast_in_dim3A_2240 = vector.broadcast %broadcast_in_dim3A_2239 : f32 to vector<16xf32>
      %add3A_2241 = arith.constant 15 : i32
      %add3A_2242 = arith.addi %scan3A_912#0, %add3A_2241 : i32
      %shift_right_logical3A = arith.constant 4 : i32
      %shift_right_logical3A_2243 = arith.shrui %add3A_2242, %shift_right_logical3A : i32
      %while3A = arith.constant 4 : i32
      %while3A_2244 = arith.subi %shift_right_logical3A_2243, %while3A : i32
      %while3A_2245 = arith.addi %while3A, %while3A_2244 : i32
      %while3A_2246 = arith.constant 1 : i32
      %while3A_2247 = arith.divsi %while3A_2244, %while3A_2246 : i32
      %while3A_2248 = arith.muli %while3A_2247, %while3A_2246 : i32
      %while3A_2249 = arith.addi %while3A, %while3A_2248 : i32
      %while3A_2250 = arith.constant 1 : i32
      %while3A_2251:2 = scf.for %while3A_2556 = %while3A to %while3A_2249 step %while3A_2250 iter_args(%while3A_2557 = %masked_sort3A_1428, %while3A_2558 = %masked_sort3A_1432) -> (vector<16xf32>, vector<16xf32>)  : i32 {
        %mul3A_2559 = arith.constant 16 : i32
        %mul3A_2560 = arith.muli %while3A_2556, %mul3A_2559 : i32
        %add3A_2561 = arith.constant 0 : i32
        %add3A_2562 = arith.addi %add3A_2561, %mul3A_2560 : i32
        %get3A_2563 = arith.index_cast %add3A_2562 : i32 to index
        %get3A_2564 = tpu.vector_load %arg5[%get3A_2563] {strides = array<i32>} : memref<9280xf32, #tpu.memory_space<vmem>>, vector<16xf32>,
        %mul3A_2565 = arith.constant 16 : i32
        %mul3A_2566 = arith.muli %while3A_2556, %mul3A_2565 : i32
        %sub3A_2567 = arith.subi %scan3A_912#0, %mul3A_2566 : i32
        %lt3A_2568 = vector.broadcast %sub3A_2567 : i32 to vector<16xi32>
        %lt3A_2569 = arith.cmpi slt, %iota3A, %lt3A_2568 : vector<16xi32>
        %jit3A_2570 = arith.constant -3.000000e+38 : f32
        %broadcast_in_dim3A_2571 = vector.broadcast %jit3A_2570 : f32 to vector<16xf32>
        %select_n3A_2572 = arith.select %lt3A_2569, %get3A_2564, %broadcast_in_dim3A_2571 : vector<16xi1>, vector<16xf32>
        %masked_sort3A_2573 = arith.constant dense<true> : vector<16xi1>
        %masked_sort3A_2574, %masked_sort3A_2575, %masked_sort3A_2576 = tpu.sort %select_n3A_2572, %select_n3A_2572 masked %masked_sort3A_2573 {descending = true} : (vector<16xf32>, vector<16xf32>, vector<16xi1>) -> (vector<16xi1>, vector<16xf32>, vector<16xf32>)
        %rev3A_2577 = arith.constant 15 : i32
        %rev3A_2578 = vector.broadcast %rev3A_2577 : i32 to vector<16xi32>
        %rev3A_2579 = tpu.iota {dimensions = array<i32: 0>} : vector<16xi32>
        %rev3A_2580 = arith.subi %rev3A_2578, %rev3A_2579 : vector<16xi32>
        %rev3A_2581 = tpu.dynamic_gather %masked_sort3A_2575[%rev3A_2580] in [0] : vector<16xf32>, vector<16xi32> -> vector<16xf32>
        %max3A_2582 = arith.maximumf %while3A_2558, %rev3A_2581 : vector<16xf32>
        %min3A_2583 = arith.minimumf %while3A_2558, %rev3A_2581 : vector<16xf32>
        %masked_sort3A_2584 = arith.constant dense<true> : vector<16xi1>
        %masked_sort3A_2585, %masked_sort3A_2586, %masked_sort3A_2587 = tpu.sort %max3A_2582, %max3A_2582 masked %masked_sort3A_2584 {descending = true} : (vector<16xf32>, vector<16xf32>, vector<16xi1>) -> (vector<16xi1>, vector<16xf32>, vector<16xf32>)
        %rev3A_2588 = arith.constant 15 : i32
        %rev3A_2589 = vector.broadcast %rev3A_2588 : i32 to vector<16xi32>
        %rev3A_2590 = tpu.iota {dimensions = array<i32: 0>} : vector<16xi32>
        %rev3A_2591 = arith.subi %rev3A_2589, %rev3A_2590 : vector<16xi32>
        %rev3A_2592 = tpu.dynamic_gather %masked_sort3A_2586[%rev3A_2591] in [0] : vector<16xf32>, vector<16xi32> -> vector<16xf32>
        %max3A_2593 = arith.maximumf %while3A_2557, %rev3A_2592 : vector<16xf32>
        %min3A_2594 = arith.minimumf %while3A_2557, %rev3A_2592 : vector<16xf32>
        %masked_sort3A_2595 = arith.constant dense<true> : vector<16xi1>
        %masked_sort3A_2596, %masked_sort3A_2597, %masked_sort3A_2598 = tpu.sort %max3A_2593, %max3A_2593 masked %masked_sort3A_2595 {descending = true} : (vector<16xf32>, vector<16xf32>, vector<16xi1>) -> (vector<16xi1>, vector<16xf32>, vector<16xf32>)
        %masked_sort3A_2599 = arith.constant dense<true> : vector<16xi1>
        %masked_sort3A_2600, %masked_sort3A_2601, %masked_sort3A_2602 = tpu.sort %min3A_2594, %min3A_2594 masked %masked_sort3A_2599 {descending = true} : (vector<16xf32>, vector<16xf32>, vector<16xi1>) -> (vector<16xi1>, vector<16xf32>, vector<16xf32>)
        scf.yield %masked_sort3A_2597, %masked_sort3A_2601 : vector<16xf32>, vector<16xf32>
      }
      %while3A_2252 = arith.constant 1 : i32
      %while3A_2253:2 = scf.for %while3A_2556 = %while3A_2249 to %while3A_2245 step %while3A_2252 iter_args(%while3A_2557 = %while3A_2251#0, %while3A_2558 = %while3A_2251#1) -> (vector<16xf32>, vector<16xf32>)  : i32 {
        %mul3A_2559 = arith.constant 16 : i32
        %mul3A_2560 = arith.muli %while3A_2556, %mul3A_2559 : i32
        %add3A_2561 = arith.constant 0 : i32
        %add3A_2562 = arith.addi %add3A_2561, %mul3A_2560 : i32
        %get3A_2563 = arith.index_cast %add3A_2562 : i32 to index
        %get3A_2564 = tpu.vector_load %arg5[%get3A_2563] {strides = array<i32>} : memref<9280xf32, #tpu.memory_space<vmem>>, vector<16xf32>,
        %mul3A_2565 = arith.constant 16 : i32
        %mul3A_2566 = arith.muli %while3A_2556, %mul3A_2565 : i32
        %sub3A_2567 = arith.subi %scan3A_912#0, %mul3A_2566 : i32
        %lt3A_2568 = vector.broadcast %sub3A_2567 : i32 to vector<16xi32>
        %lt3A_2569 = arith.cmpi slt, %iota3A, %lt3A_2568 : vector<16xi32>
        %jit3A_2570 = arith.constant -3.000000e+38 : f32
        %broadcast_in_dim3A_2571 = vector.broadcast %jit3A_2570 : f32 to vector<16xf32>
        %select_n3A_2572 = arith.select %lt3A_2569, %get3A_2564, %broadcast_in_dim3A_2571 : vector<16xi1>, vector<16xf32>
        %masked_sort3A_2573 = arith.constant dense<true> : vector<16xi1>
        %masked_sort3A_2574, %masked_sort3A_2575, %masked_sort3A_2576 = tpu.sort %select_n3A_2572, %select_n3A_2572 masked %masked_sort3A_2573 {descending = true} : (vector<16xf32>, vector<16xf32>, vector<16xi1>) -> (vector<16xi1>, vector<16xf32>, vector<16xf32>)
        %rev3A_2577 = arith.constant 15 : i32
        %rev3A_2578 = vector.broadcast %rev3A_2577 : i32 to vector<16xi32>
        %rev3A_2579 = tpu.iota {dimensions = array<i32: 0>} : vector<16xi32>
        %rev3A_2580 = arith.subi %rev3A_2578, %rev3A_2579 : vector<16xi32>
        %rev3A_2581 = tpu.dynamic_gather %masked_sort3A_2575[%rev3A_2580] in [0] : vector<16xf32>, vector<16xi32> -> vector<16xf32>
        %max3A_2582 = arith.maximumf %while3A_2558, %rev3A_2581 : vector<16xf32>
        %min3A_2583 = arith.minimumf %while3A_2558, %rev3A_2581 : vector<16xf32>
        %masked_sort3A_2584 = arith.constant dense<true> : vector<16xi1>
        %masked_sort3A_2585, %masked_sort3A_2586, %masked_sort3A_2587 = tpu.sort %max3A_2582, %max3A_2582 masked %masked_sort3A_2584 {descending = true} : (vector<16xf32>, vector<16xf32>, vector<16xi1>) -> (vector<16xi1>, vector<16xf32>, vector<16xf32>)
        %rev3A_2588 = arith.constant 15 : i32
        %rev3A_2589 = vector.broadcast %rev3A_2588 : i32 to vector<16xi32>
        %rev3A_2590 = tpu.iota {dimensions = array<i32: 0>} : vector<16xi32>
        %rev3A_2591 = arith.subi %rev3A_2589, %rev3A_2590 : vector<16xi32>
        %rev3A_2592 = tpu.dynamic_gather %masked_sort3A_2586[%rev3A_2591] in [0] : vector<16xf32>, vector<16xi32> -> vector<16xf32>
        %max3A_2593 = arith.maximumf %while3A_2557, %rev3A_2592 : vector<16xf32>
        %min3A_2594 = arith.minimumf %while3A_2557, %rev3A_2592 : vector<16xf32>
        %masked_sort3A_2595 = arith.constant dense<true> : vector<16xi1>
        %masked_sort3A_2596, %masked_sort3A_2597, %masked_sort3A_2598 = tpu.sort %max3A_2593, %max3A_2593 masked %masked_sort3A_2595 {descending = true} : (vector<16xf32>, vector<16xf32>, vector<16xi1>) -> (vector<16xi1>, vector<16xf32>, vector<16xf32>)
        %masked_sort3A_2599 = arith.constant dense<true> : vector<16xi1>
        %masked_sort3A_2600, %masked_sort3A_2601, %masked_sort3A_2602 = tpu.sort %min3A_2594, %min3A_2594 masked %masked_sort3A_2599 {descending = true} : (vector<16xf32>, vector<16xf32>, vector<16xi1>) -> (vector<16xi1>, vector<16xf32>, vector<16xf32>)
        scf.yield %masked_sort3A_2597, %masked_sort3A_2601 : vector<16xf32>, vector<16xf32>
      }
      %add3A_2254 = arith.constant 15 : i32
      %add3A_2255 = arith.addi %scan3A_912#0, %add3A_2254 : i32
      %shift_right_logical3A_2256 = arith.constant 4 : i32
      %shift_right_logical3A_2257 = arith.shrui %add3A_2255, %shift_right_logical3A_2256 : i32
      %while3A_2258 = arith.constant 4 : i32
      %while3A_2259 = arith.subi %shift_right_logical3A_2257, %while3A_2258 : i32
      %while3A_2260 = arith.addi %while3A_2258, %while3A_2259 : i32
      %while3A_2261 = arith.constant 1 : i32
      %while3A_2262 = arith.divsi %while3A_2259, %while3A_2261 : i32
      %while3A_2263 = arith.muli %while3A_2262, %while3A_2261 : i32
      %while3A_2264 = arith.addi %while3A_2258, %while3A_2263 : i32
      %while3A_2265 = arith.constant 1 : i32
      %while3A_2266:2 = scf.for %while3A_2556 = %while3A_2258 to %while3A_2264 step %while3A_2265 iter_args(%while3A_2557 = %masked_sort3A_2107, %while3A_2558 = %masked_sort3A_2111) -> (vector<16xf32>, vector<16xf32>)  : i32 {
        %mul3A_2559 = arith.constant 16 : i32
        %mul3A_2560 = arith.muli %while3A_2556, %mul3A_2559 : i32
        %add3A_2561 = arith.constant 0 : i32
        %add3A_2562 = arith.addi %add3A_2561, %mul3A_2560 : i32
        %get3A_2563 = arith.index_cast %add3A_2562 : i32 to index
        %get3A_2564 = tpu.vector_load %arg5[%get3A_2563] {strides = array<i32>} : memref<9280xf32, #tpu.memory_space<vmem>>, vector<16xf32>,
        %neg3A_2565 = arith.constant 0.000000e+00 : f32
        %neg3A_2566 = vector.broadcast %neg3A_2565 : f32 to vector<16xf32>
        %neg3A_2567 = arith.subf %neg3A_2566, %get3A_2564 : vector<16xf32>
        %mul3A_2568 = arith.constant 16 : i32
        %mul3A_2569 = arith.muli %while3A_2556, %mul3A_2568 : i32
        %sub3A_2570 = arith.subi %scan3A_912#0, %mul3A_2569 : i32
        %lt3A_2571 = vector.broadcast %sub3A_2570 : i32 to vector<16xi32>
        %lt3A_2572 = arith.cmpi slt, %iota3A, %lt3A_2571 : vector<16xi32>
        %jit3A_2573 = arith.constant -3.000000e+38 : f32
        %broadcast_in_dim3A_2574 = vector.broadcast %jit3A_2573 : f32 to vector<16xf32>
        %select_n3A_2575 = arith.select %lt3A_2572, %neg3A_2567, %broadcast_in_dim3A_2574 : vector<16xi1>, vector<16xf32>
        %masked_sort3A_2576 = arith.constant dense<true> : vector<16xi1>
        %masked_sort3A_2577, %masked_sort3A_2578, %masked_sort3A_2579 = tpu.sort %select_n3A_2575, %select_n3A_2575 masked %masked_sort3A_2576 {descending = true} : (vector<16xf32>, vector<16xf32>, vector<16xi1>) -> (vector<16xi1>, vector<16xf32>, vector<16xf32>)
        %rev3A_2580 = arith.constant 15 : i32
        %rev3A_2581 = vector.broadcast %rev3A_2580 : i32 to vector<16xi32>
        %rev3A_2582 = tpu.iota {dimensions = array<i32: 0>} : vector<16xi32>
        %rev3A_2583 = arith.subi %rev3A_2581, %rev3A_2582 : vector<16xi32>
        %rev3A_2584 = tpu.dynamic_gather %masked_sort3A_2578[%rev3A_2583] in [0] : vector<16xf32>, vector<16xi32> -> vector<16xf32>
        %max3A_2585 = arith.maximumf %while3A_2558, %rev3A_2584 : vector<16xf32>
        %min3A_2586 = arith.minimumf %while3A_2558, %rev3A_2584 : vector<16xf32>
        %masked_sort3A_2587 = arith.constant dense<true> : vector<16xi1>
        %masked_sort3A_2588, %masked_sort3A_2589, %masked_sort3A_2590 = tpu.sort %max3A_2585, %max3A_2585 masked %masked_sort3A_2587 {descending = true} : (vector<16xf32>, vector<16xf32>, vector<16xi1>) -> (vector<16xi1>, vector<16xf32>, vector<16xf32>)
        %rev3A_2591 = arith.constant 15 : i32
        %rev3A_2592 = vector.broadcast %rev3A_2591 : i32 to vector<16xi32>
        %rev3A_2593 = tpu.iota {dimensions = array<i32: 0>} : vector<16xi32>
        %rev3A_2594 = arith.subi %rev3A_2592, %rev3A_2593 : vector<16xi32>
        %rev3A_2595 = tpu.dynamic_gather %masked_sort3A_2589[%rev3A_2594] in [0] : vector<16xf32>, vector<16xi32> -> vector<16xf32>
        %max3A_2596 = arith.maximumf %while3A_2557, %rev3A_2595 : vector<16xf32>
        %min3A_2597 = arith.minimumf %while3A_2557, %rev3A_2595 : vector<16xf32>
        %masked_sort3A_2598 = arith.constant dense<true> : vector<16xi1>
        %masked_sort3A_2599, %masked_sort3A_2600, %masked_sort3A_2601 = tpu.sort %max3A_2596, %max3A_2596 masked %masked_sort3A_2598 {descending = true} : (vector<16xf32>, vector<16xf32>, vector<16xi1>) -> (vector<16xi1>, vector<16xf32>, vector<16xf32>)
        %masked_sort3A_2602 = arith.constant dense<true> : vector<16xi1>
        %masked_sort3A_2603, %masked_sort3A_2604, %masked_sort3A_2605 = tpu.sort %min3A_2597, %min3A_2597 masked %masked_sort3A_2602 {descending = true} : (vector<16xf32>, vector<16xf32>, vector<16xi1>) -> (vector<16xi1>, vector<16xf32>, vector<16xf32>)
        scf.yield %masked_sort3A_2600, %masked_sort3A_2604 : vector<16xf32>, vector<16xf32>
      }
      %while3A_2267 = arith.constant 1 : i32
      %while3A_2268:2 = scf.for %while3A_2556 = %while3A_2264 to %while3A_2260 step %while3A_2267 iter_args(%while3A_2557 = %while3A_2266#0, %while3A_2558 = %while3A_2266#1) -> (vector<16xf32>, vector<16xf32>)  : i32 {
        %mul3A_2559 = arith.constant 16 : i32
        %mul3A_2560 = arith.muli %while3A_2556, %mul3A_2559 : i32
        %add3A_2561 = arith.constant 0 : i32
        %add3A_2562 = arith.addi %add3A_2561, %mul3A_2560 : i32
        %get3A_2563 = arith.index_cast %add3A_2562 : i32 to index
        %get3A_2564 = tpu.vector_load %arg5[%get3A_2563] {strides = array<i32>} : memref<9280xf32, #tpu.memory_space<vmem>>, vector<16xf32>,
        %neg3A_2565 = arith.constant 0.000000e+00 : f32
        %neg3A_2566 = vector.broadcast %neg3A_2565 : f32 to vector<16xf32>
        %neg3A_2567 = arith.subf %neg3A_2566, %get3A_2564 : vector<16xf32>
        %mul3A_2568 = arith.constant 16 : i32
        %mul3A_2569 = arith.muli %while3A_2556, %mul3A_2568 : i32
        %sub3A_2570 = arith.subi %scan3A_912#0, %mul3A_2569 : i32
        %lt3A_2571 = vector.broadcast %sub3A_2570 : i32 to vector<16xi32>
        %lt3A_2572 = arith.cmpi slt, %iota3A, %lt3A_2571 : vector<16xi32>
        %jit3A_2573 = arith.constant -3.000000e+38 : f32
        %broadcast_in_dim3A_2574 = vector.broadcast %jit3A_2573 : f32 to vector<16xf32>
        %select_n3A_2575 = arith.select %lt3A_2572, %neg3A_2567, %broadcast_in_dim3A_2574 : vector<16xi1>, vector<16xf32>
        %masked_sort3A_2576 = arith.constant dense<true> : vector<16xi1>
        %masked_sort3A_2577, %masked_sort3A_2578, %masked_sort3A_2579 = tpu.sort %select_n3A_2575, %select_n3A_2575 masked %masked_sort3A_2576 {descending = true} : (vector<16xf32>, vector<16xf32>, vector<16xi1>) -> (vector<16xi1>, vector<16xf32>, vector<16xf32>)
        %rev3A_2580 = arith.constant 15 : i32
        %rev3A_2581 = vector.broadcast %rev3A_2580 : i32 to vector<16xi32>
        %rev3A_2582 = tpu.iota {dimensions = array<i32: 0>} : vector<16xi32>
        %rev3A_2583 = arith.subi %rev3A_2581, %rev3A_2582 : vector<16xi32>
        %rev3A_2584 = tpu.dynamic_gather %masked_sort3A_2578[%rev3A_2583] in [0] : vector<16xf32>, vector<16xi32> -> vector<16xf32>
        %max3A_2585 = arith.maximumf %while3A_2558, %rev3A_2584 : vector<16xf32>
        %min3A_2586 = arith.minimumf %while3A_2558, %rev3A_2584 : vector<16xf32>
        %masked_sort3A_2587 = arith.constant dense<true> : vector<16xi1>
        %masked_sort3A_2588, %masked_sort3A_2589, %masked_sort3A_2590 = tpu.sort %max3A_2585, %max3A_2585 masked %masked_sort3A_2587 {descending = true} : (vector<16xf32>, vector<16xf32>, vector<16xi1>) -> (vector<16xi1>, vector<16xf32>, vector<16xf32>)
        %rev3A_2591 = arith.constant 15 : i32
        %rev3A_2592 = vector.broadcast %rev3A_2591 : i32 to vector<16xi32>
        %rev3A_2593 = tpu.iota {dimensions = array<i32: 0>} : vector<16xi32>
        %rev3A_2594 = arith.subi %rev3A_2592, %rev3A_2593 : vector<16xi32>
        %rev3A_2595 = tpu.dynamic_gather %masked_sort3A_2589[%rev3A_2594] in [0] : vector<16xf32>, vector<16xi32> -> vector<16xf32>
        %max3A_2596 = arith.maximumf %while3A_2557, %rev3A_2595 : vector<16xf32>
        %min3A_2597 = arith.minimumf %while3A_2557, %rev3A_2595 : vector<16xf32>
        %masked_sort3A_2598 = arith.constant dense<true> : vector<16xi1>
        %masked_sort3A_2599, %masked_sort3A_2600, %masked_sort3A_2601 = tpu.sort %max3A_2596, %max3A_2596 masked %masked_sort3A_2598 {descending = true} : (vector<16xf32>, vector<16xf32>, vector<16xi1>) -> (vector<16xi1>, vector<16xf32>, vector<16xf32>)
        %masked_sort3A_2602 = arith.constant dense<true> : vector<16xi1>
        %masked_sort3A_2603, %masked_sort3A_2604, %masked_sort3A_2605 = tpu.sort %min3A_2597, %min3A_2597 masked %masked_sort3A_2602 {descending = true} : (vector<16xf32>, vector<16xf32>, vector<16xi1>) -> (vector<16xi1>, vector<16xf32>, vector<16xf32>)
        scf.yield %masked_sort3A_2600, %masked_sort3A_2604 : vector<16xf32>, vector<16xf32>
      }
      %reduce_sum3A = arith.constant true
      %reduce_sum3A_2269 = vector.broadcast %reduce_sum3A : i1 to vector<16xi1>
      %reduce_sum3A_2270 = tpu.scan <sum>, %while3A_2253#0 masked %reduce_sum3A_2269 : vector<16xf32>, vector<16xi1> -> vector<16xf32>
      %reduce_sum3A_2271 = vector.extract %reduce_sum3A_2270[15] : f32 from vector<16xf32>
      %lt3A_2272 = arith.constant 4 : i32
      %lt3A_2273 = vector.broadcast %lt3A_2272 : i32 to vector<16xi32>
      %lt3A_2274 = arith.cmpi slt, %iota3A, %lt3A_2273 : vector<16xi32>
      %jit3A_2275 = arith.constant 0.000000e+00 : f32
      %broadcast_in_dim3A_2276 = vector.broadcast %jit3A_2275 : f32 to vector<16xf32>
      %select_n3A_2277 = arith.select %lt3A_2274, %while3A_2253#1, %broadcast_in_dim3A_2276 : vector<16xi1>, vector<16xf32>
      %reduce_sum3A_2278 = arith.constant true
      %reduce_sum3A_2279 = vector.broadcast %reduce_sum3A_2278 : i1 to vector<16xi1>
      %reduce_sum3A_2280 = tpu.scan <sum>, %select_n3A_2277 masked %reduce_sum3A_2279 : vector<16xf32>, vector<16xi1> -> vector<16xf32>
      %reduce_sum3A_2281 = vector.extract %reduce_sum3A_2280[15] : f32 from vector<16xf32>
      %add3A_2282 = arith.addf %reduce_sum3A_2271, %reduce_sum3A_2281 : f32
      %reduce_sum3A_2283 = arith.constant true
      %reduce_sum3A_2284 = vector.broadcast %reduce_sum3A_2283 : i1 to vector<16xi1>
      %reduce_sum3A_2285 = tpu.scan <sum>, %while3A_2268#0 masked %reduce_sum3A_2284 : vector<16xf32>, vector<16xi1> -> vector<16xf32>
      %reduce_sum3A_2286 = vector.extract %reduce_sum3A_2285[15] : f32 from vector<16xf32>
      %lt3A_2287 = arith.constant 4 : i32
      %lt3A_2288 = vector.broadcast %lt3A_2287 : i32 to vector<16xi32>
      %lt3A_2289 = arith.cmpi slt, %iota3A, %lt3A_2288 : vector<16xi32>
      %jit3A_2290 = arith.constant 0.000000e+00 : f32
      %broadcast_in_dim3A_2291 = vector.broadcast %jit3A_2290 : f32 to vector<16xf32>
      %select_n3A_2292 = arith.select %lt3A_2289, %while3A_2268#1, %broadcast_in_dim3A_2291 : vector<16xi1>, vector<16xf32>
      %reduce_sum3A_2293 = arith.constant true
      %reduce_sum3A_2294 = vector.broadcast %reduce_sum3A_2293 : i1 to vector<16xi1>
      %reduce_sum3A_2295 = tpu.scan <sum>, %select_n3A_2292 masked %reduce_sum3A_2294 : vector<16xf32>, vector<16xi1> -> vector<16xf32>
      %reduce_sum3A_2296 = vector.extract %reduce_sum3A_2295[15] : f32 from vector<16xf32>
      %add3A_2297 = arith.addf %reduce_sum3A_2286, %reduce_sum3A_2296 : f32
      %neg3A_2298 = arith.constant 0.000000e+00 : f32
      %neg3A_2299 = arith.subf %neg3A_2298, %add3A_2297 : f32
      %mul3A_2300 = arith.constant 5.000000e-02 : f32
      %mul3A_2301 = arith.mulf %add3A_2282, %mul3A_2300 : f32
      %mul3A_2302 = arith.constant 3.500000e-02 : f32
      %mul3A_2303 = arith.mulf %neg3A_2299, %mul3A_2302 : f32
      %add3A_2304 = arith.addf %mul3A_2301, %mul3A_2303 : f32
      %mul3A_2305 = arith.constant 5.000000e-01 : f32
      %mul3A_2306 = arith.mulf %add3A_2304, %mul3A_2305 : f32
      %add3A_2307 = arith.constant 0 : i32
      %add3A_2308 = arith.addi %mul3A_63, %add3A_2307 : i32
      %eq3A_2309 = vector.broadcast %add3A_2308 : i32 to vector<16xi32>
      %eq3A_2310 = arith.cmpi eq, %iota3A, %eq3A_2309 : vector<16xi32>
      %broadcast_in_dim3A_2311 = vector.broadcast %mul3A_2306 : f32 to vector<16xf32>
      %select_n3A_2312 = arith.select %eq3A_2310, %broadcast_in_dim3A_2311, %broadcast_in_dim3A_2240 : vector<16xi1>, vector<16xf32>
      %add3A_2313 = arith.constant 15 : i32
      %add3A_2314 = arith.addi %scan3A_912#1, %add3A_2313 : i32
      %shift_right_logical3A_2315 = arith.constant 4 : i32
      %shift_right_logical3A_2316 = arith.shrui %add3A_2314, %shift_right_logical3A_2315 : i32
      %while3A_2317 = arith.constant 4 : i32
      %while3A_2318 = arith.subi %shift_right_logical3A_2316, %while3A_2317 : i32
      %while3A_2319 = arith.addi %while3A_2317, %while3A_2318 : i32
      %while3A_2320 = arith.constant 1 : i32
      %while3A_2321 = arith.divsi %while3A_2318, %while3A_2320 : i32
      %while3A_2322 = arith.muli %while3A_2321, %while3A_2320 : i32
      %while3A_2323 = arith.addi %while3A_2317, %while3A_2322 : i32
      %while3A_2324 = arith.constant 1 : i32
      %while3A_2325:2 = scf.for %while3A_2556 = %while3A_2317 to %while3A_2323 step %while3A_2324 iter_args(%while3A_2557 = %masked_sort3A_1467, %while3A_2558 = %masked_sort3A_1471) -> (vector<16xf32>, vector<16xf32>)  : i32 {
        %mul3A_2559 = arith.constant 16 : i32
        %mul3A_2560 = arith.muli %while3A_2556, %mul3A_2559 : i32
        %add3A_2561 = arith.constant 2320 : i32
        %add3A_2562 = arith.addi %add3A_2561, %mul3A_2560 : i32
        %get3A_2563 = arith.index_cast %add3A_2562 : i32 to index
        %get3A_2564 = tpu.vector_load %arg5[%get3A_2563] {strides = array<i32>} : memref<9280xf32, #tpu.memory_space<vmem>>, vector<16xf32>,
        %mul3A_2565 = arith.constant 16 : i32
        %mul3A_2566 = arith.muli %while3A_2556, %mul3A_2565 : i32
        %sub3A_2567 = arith.subi %scan3A_912#1, %mul3A_2566 : i32
        %lt3A_2568 = vector.broadcast %sub3A_2567 : i32 to vector<16xi32>
        %lt3A_2569 = arith.cmpi slt, %iota3A, %lt3A_2568 : vector<16xi32>
        %jit3A_2570 = arith.constant -3.000000e+38 : f32
        %broadcast_in_dim3A_2571 = vector.broadcast %jit3A_2570 : f32 to vector<16xf32>
        %select_n3A_2572 = arith.select %lt3A_2569, %get3A_2564, %broadcast_in_dim3A_2571 : vector<16xi1>, vector<16xf32>
        %masked_sort3A_2573 = arith.constant dense<true> : vector<16xi1>
        %masked_sort3A_2574, %masked_sort3A_2575, %masked_sort3A_2576 = tpu.sort %select_n3A_2572, %select_n3A_2572 masked %masked_sort3A_2573 {descending = true} : (vector<16xf32>, vector<16xf32>, vector<16xi1>) -> (vector<16xi1>, vector<16xf32>, vector<16xf32>)
        %rev3A_2577 = arith.constant 15 : i32
        %rev3A_2578 = vector.broadcast %rev3A_2577 : i32 to vector<16xi32>
        %rev3A_2579 = tpu.iota {dimensions = array<i32: 0>} : vector<16xi32>
        %rev3A_2580 = arith.subi %rev3A_2578, %rev3A_2579 : vector<16xi32>
        %rev3A_2581 = tpu.dynamic_gather %masked_sort3A_2575[%rev3A_2580] in [0] : vector<16xf32>, vector<16xi32> -> vector<16xf32>
        %max3A_2582 = arith.maximumf %while3A_2558, %rev3A_2581 : vector<16xf32>
        %min3A_2583 = arith.minimumf %while3A_2558, %rev3A_2581 : vector<16xf32>
        %masked_sort3A_2584 = arith.constant dense<true> : vector<16xi1>
        %masked_sort3A_2585, %masked_sort3A_2586, %masked_sort3A_2587 = tpu.sort %max3A_2582, %max3A_2582 masked %masked_sort3A_2584 {descending = true} : (vector<16xf32>, vector<16xf32>, vector<16xi1>) -> (vector<16xi1>, vector<16xf32>, vector<16xf32>)
        %rev3A_2588 = arith.constant 15 : i32
        %rev3A_2589 = vector.broadcast %rev3A_2588 : i32 to vector<16xi32>
        %rev3A_2590 = tpu.iota {dimensions = array<i32: 0>} : vector<16xi32>
        %rev3A_2591 = arith.subi %rev3A_2589, %rev3A_2590 : vector<16xi32>
        %rev3A_2592 = tpu.dynamic_gather %masked_sort3A_2586[%rev3A_2591] in [0] : vector<16xf32>, vector<16xi32> -> vector<16xf32>
        %max3A_2593 = arith.maximumf %while3A_2557, %rev3A_2592 : vector<16xf32>
        %min3A_2594 = arith.minimumf %while3A_2557, %rev3A_2592 : vector<16xf32>
        %masked_sort3A_2595 = arith.constant dense<true> : vector<16xi1>
        %masked_sort3A_2596, %masked_sort3A_2597, %masked_sort3A_2598 = tpu.sort %max3A_2593, %max3A_2593 masked %masked_sort3A_2595 {descending = true} : (vector<16xf32>, vector<16xf32>, vector<16xi1>) -> (vector<16xi1>, vector<16xf32>, vector<16xf32>)
        %masked_sort3A_2599 = arith.constant dense<true> : vector<16xi1>
        %masked_sort3A_2600, %masked_sort3A_2601, %masked_sort3A_2602 = tpu.sort %min3A_2594, %min3A_2594 masked %masked_sort3A_2599 {descending = true} : (vector<16xf32>, vector<16xf32>, vector<16xi1>) -> (vector<16xi1>, vector<16xf32>, vector<16xf32>)
        scf.yield %masked_sort3A_2597, %masked_sort3A_2601 : vector<16xf32>, vector<16xf32>
      }
      %while3A_2326 = arith.constant 1 : i32
      %while3A_2327:2 = scf.for %while3A_2556 = %while3A_2323 to %while3A_2319 step %while3A_2326 iter_args(%while3A_2557 = %while3A_2325#0, %while3A_2558 = %while3A_2325#1) -> (vector<16xf32>, vector<16xf32>)  : i32 {
        %mul3A_2559 = arith.constant 16 : i32
        %mul3A_2560 = arith.muli %while3A_2556, %mul3A_2559 : i32
        %add3A_2561 = arith.constant 2320 : i32
        %add3A_2562 = arith.addi %add3A_2561, %mul3A_2560 : i32
        %get3A_2563 = arith.index_cast %add3A_2562 : i32 to index
        %get3A_2564 = tpu.vector_load %arg5[%get3A_2563] {strides = array<i32>} : memref<9280xf32, #tpu.memory_space<vmem>>, vector<16xf32>,
        %mul3A_2565 = arith.constant 16 : i32
        %mul3A_2566 = arith.muli %while3A_2556, %mul3A_2565 : i32
        %sub3A_2567 = arith.subi %scan3A_912#1, %mul3A_2566 : i32
        %lt3A_2568 = vector.broadcast %sub3A_2567 : i32 to vector<16xi32>
        %lt3A_2569 = arith.cmpi slt, %iota3A, %lt3A_2568 : vector<16xi32>
        %jit3A_2570 = arith.constant -3.000000e+38 : f32
        %broadcast_in_dim3A_2571 = vector.broadcast %jit3A_2570 : f32 to vector<16xf32>
        %select_n3A_2572 = arith.select %lt3A_2569, %get3A_2564, %broadcast_in_dim3A_2571 : vector<16xi1>, vector<16xf32>
        %masked_sort3A_2573 = arith.constant dense<true> : vector<16xi1>
        %masked_sort3A_2574, %masked_sort3A_2575, %masked_sort3A_2576 = tpu.sort %select_n3A_2572, %select_n3A_2572 masked %masked_sort3A_2573 {descending = true} : (vector<16xf32>, vector<16xf32>, vector<16xi1>) -> (vector<16xi1>, vector<16xf32>, vector<16xf32>)
        %rev3A_2577 = arith.constant 15 : i32
        %rev3A_2578 = vector.broadcast %rev3A_2577 : i32 to vector<16xi32>
        %rev3A_2579 = tpu.iota {dimensions = array<i32: 0>} : vector<16xi32>
        %rev3A_2580 = arith.subi %rev3A_2578, %rev3A_2579 : vector<16xi32>
        %rev3A_2581 = tpu.dynamic_gather %masked_sort3A_2575[%rev3A_2580] in [0] : vector<16xf32>, vector<16xi32> -> vector<16xf32>
        %max3A_2582 = arith.maximumf %while3A_2558, %rev3A_2581 : vector<16xf32>
        %min3A_2583 = arith.minimumf %while3A_2558, %rev3A_2581 : vector<16xf32>
        %masked_sort3A_2584 = arith.constant dense<true> : vector<16xi1>
        %masked_sort3A_2585, %masked_sort3A_2586, %masked_sort3A_2587 = tpu.sort %max3A_2582, %max3A_2582 masked %masked_sort3A_2584 {descending = true} : (vector<16xf32>, vector<16xf32>, vector<16xi1>) -> (vector<16xi1>, vector<16xf32>, vector<16xf32>)
        %rev3A_2588 = arith.constant 15 : i32
        %rev3A_2589 = vector.broadcast %rev3A_2588 : i32 to vector<16xi32>
        %rev3A_2590 = tpu.iota {dimensions = array<i32: 0>} : vector<16xi32>
        %rev3A_2591 = arith.subi %rev3A_2589, %rev3A_2590 : vector<16xi32>
        %rev3A_2592 = tpu.dynamic_gather %masked_sort3A_2586[%rev3A_2591] in [0] : vector<16xf32>, vector<16xi32> -> vector<16xf32>
        %max3A_2593 = arith.maximumf %while3A_2557, %rev3A_2592 : vector<16xf32>
        %min3A_2594 = arith.minimumf %while3A_2557, %rev3A_2592 : vector<16xf32>
        %masked_sort3A_2595 = arith.constant dense<true> : vector<16xi1>
        %masked_sort3A_2596, %masked_sort3A_2597, %masked_sort3A_2598 = tpu.sort %max3A_2593, %max3A_2593 masked %masked_sort3A_2595 {descending = true} : (vector<16xf32>, vector<16xf32>, vector<16xi1>) -> (vector<16xi1>, vector<16xf32>, vector<16xf32>)
        %masked_sort3A_2599 = arith.constant dense<true> : vector<16xi1>
        %masked_sort3A_2600, %masked_sort3A_2601, %masked_sort3A_2602 = tpu.sort %min3A_2594, %min3A_2594 masked %masked_sort3A_2599 {descending = true} : (vector<16xf32>, vector<16xf32>, vector<16xi1>) -> (vector<16xi1>, vector<16xf32>, vector<16xf32>)
        scf.yield %masked_sort3A_2597, %masked_sort3A_2601 : vector<16xf32>, vector<16xf32>
      }
      %add3A_2328 = arith.constant 15 : i32
      %add3A_2329 = arith.addi %scan3A_912#1, %add3A_2328 : i32
      %shift_right_logical3A_2330 = arith.constant 4 : i32
      %shift_right_logical3A_2331 = arith.shrui %add3A_2329, %shift_right_logical3A_2330 : i32
      %while3A_2332 = arith.constant 4 : i32
      %while3A_2333 = arith.subi %shift_right_logical3A_2331, %while3A_2332 : i32
      %while3A_2334 = arith.addi %while3A_2332, %while3A_2333 : i32
      %while3A_2335 = arith.constant 1 : i32
      %while3A_2336 = arith.divsi %while3A_2333, %while3A_2335 : i32
      %while3A_2337 = arith.muli %while3A_2336, %while3A_2335 : i32
      %while3A_2338 = arith.addi %while3A_2332, %while3A_2337 : i32
      %while3A_2339 = arith.constant 1 : i32
      %while3A_2340:2 = scf.for %while3A_2556 = %while3A_2332 to %while3A_2338 step %while3A_2339 iter_args(%while3A_2557 = %masked_sort3A_2149, %while3A_2558 = %masked_sort3A_2153) -> (vector<16xf32>, vector<16xf32>)  : i32 {
        %mul3A_2559 = arith.constant 16 : i32
        %mul3A_2560 = arith.muli %while3A_2556, %mul3A_2559 : i32
        %add3A_2561 = arith.constant 2320 : i32
        %add3A_2562 = arith.addi %add3A_2561, %mul3A_2560 : i32
        %get3A_2563 = arith.index_cast %add3A_2562 : i32 to index
        %get3A_2564 = tpu.vector_load %arg5[%get3A_2563] {strides = array<i32>} : memref<9280xf32, #tpu.memory_space<vmem>>, vector<16xf32>,
        %neg3A_2565 = arith.constant 0.000000e+00 : f32
        %neg3A_2566 = vector.broadcast %neg3A_2565 : f32 to vector<16xf32>
        %neg3A_2567 = arith.subf %neg3A_2566, %get3A_2564 : vector<16xf32>
        %mul3A_2568 = arith.constant 16 : i32
        %mul3A_2569 = arith.muli %while3A_2556, %mul3A_2568 : i32
        %sub3A_2570 = arith.subi %scan3A_912#1, %mul3A_2569 : i32
        %lt3A_2571 = vector.broadcast %sub3A_2570 : i32 to vector<16xi32>
        %lt3A_2572 = arith.cmpi slt, %iota3A, %lt3A_2571 : vector<16xi32>
        %jit3A_2573 = arith.constant -3.000000e+38 : f32
        %broadcast_in_dim3A_2574 = vector.broadcast %jit3A_2573 : f32 to vector<16xf32>
        %select_n3A_2575 = arith.select %lt3A_2572, %neg3A_2567, %broadcast_in_dim3A_2574 : vector<16xi1>, vector<16xf32>
        %masked_sort3A_2576 = arith.constant dense<true> : vector<16xi1>
        %masked_sort3A_2577, %masked_sort3A_2578, %masked_sort3A_2579 = tpu.sort %select_n3A_2575, %select_n3A_2575 masked %masked_sort3A_2576 {descending = true} : (vector<16xf32>, vector<16xf32>, vector<16xi1>) -> (vector<16xi1>, vector<16xf32>, vector<16xf32>)
        %rev3A_2580 = arith.constant 15 : i32
        %rev3A_2581 = vector.broadcast %rev3A_2580 : i32 to vector<16xi32>
        %rev3A_2582 = tpu.iota {dimensions = array<i32: 0>} : vector<16xi32>
        %rev3A_2583 = arith.subi %rev3A_2581, %rev3A_2582 : vector<16xi32>
        %rev3A_2584 = tpu.dynamic_gather %masked_sort3A_2578[%rev3A_2583] in [0] : vector<16xf32>, vector<16xi32> -> vector<16xf32>
        %max3A_2585 = arith.maximumf %while3A_2558, %rev3A_2584 : vector<16xf32>
        %min3A_2586 = arith.minimumf %while3A_2558, %rev3A_2584 : vector<16xf32>
        %masked_sort3A_2587 = arith.constant dense<true> : vector<16xi1>
        %masked_sort3A_2588, %masked_sort3A_2589, %masked_sort3A_2590 = tpu.sort %max3A_2585, %max3A_2585 masked %masked_sort3A_2587 {descending = true} : (vector<16xf32>, vector<16xf32>, vector<16xi1>) -> (vector<16xi1>, vector<16xf32>, vector<16xf32>)
        %rev3A_2591 = arith.constant 15 : i32
        %rev3A_2592 = vector.broadcast %rev3A_2591 : i32 to vector<16xi32>
        %rev3A_2593 = tpu.iota {dimensions = array<i32: 0>} : vector<16xi32>
        %rev3A_2594 = arith.subi %rev3A_2592, %rev3A_2593 : vector<16xi32>
        %rev3A_2595 = tpu.dynamic_gather %masked_sort3A_2589[%rev3A_2594] in [0] : vector<16xf32>, vector<16xi32> -> vector<16xf32>
        %max3A_2596 = arith.maximumf %while3A_2557, %rev3A_2595 : vector<16xf32>
        %min3A_2597 = arith.minimumf %while3A_2557, %rev3A_2595 : vector<16xf32>
        %masked_sort3A_2598 = arith.constant dense<true> : vector<16xi1>
        %masked_sort3A_2599, %masked_sort3A_2600, %masked_sort3A_2601 = tpu.sort %max3A_2596, %max3A_2596 masked %masked_sort3A_2598 {descending = true} : (vector<16xf32>, vector<16xf32>, vector<16xi1>) -> (vector<16xi1>, vector<16xf32>, vector<16xf32>)
        %masked_sort3A_2602 = arith.constant dense<true> : vector<16xi1>
        %masked_sort3A_2603, %masked_sort3A_2604, %masked_sort3A_2605 = tpu.sort %min3A_2597, %min3A_2597 masked %masked_sort3A_2602 {descending = true} : (vector<16xf32>, vector<16xf32>, vector<16xi1>) -> (vector<16xi1>, vector<16xf32>, vector<16xf32>)
        scf.yield %masked_sort3A_2600, %masked_sort3A_2604 : vector<16xf32>, vector<16xf32>
      }
      %while3A_2341 = arith.constant 1 : i32
      %while3A_2342:2 = scf.for %while3A_2556 = %while3A_2338 to %while3A_2334 step %while3A_2341 iter_args(%while3A_2557 = %while3A_2340#0, %while3A_2558 = %while3A_2340#1) -> (vector<16xf32>, vector<16xf32>)  : i32 {
        %mul3A_2559 = arith.constant 16 : i32
        %mul3A_2560 = arith.muli %while3A_2556, %mul3A_2559 : i32
        %add3A_2561 = arith.constant 2320 : i32
        %add3A_2562 = arith.addi %add3A_2561, %mul3A_2560 : i32
        %get3A_2563 = arith.index_cast %add3A_2562 : i32 to index
        %get3A_2564 = tpu.vector_load %arg5[%get3A_2563] {strides = array<i32>} : memref<9280xf32, #tpu.memory_space<vmem>>, vector<16xf32>,
        %neg3A_2565 = arith.constant 0.000000e+00 : f32
        %neg3A_2566 = vector.broadcast %neg3A_2565 : f32 to vector<16xf32>
        %neg3A_2567 = arith.subf %neg3A_2566, %get3A_2564 : vector<16xf32>
        %mul3A_2568 = arith.constant 16 : i32
        %mul3A_2569 = arith.muli %while3A_2556, %mul3A_2568 : i32
        %sub3A_2570 = arith.subi %scan3A_912#1, %mul3A_2569 : i32
        %lt3A_2571 = vector.broadcast %sub3A_2570 : i32 to vector<16xi32>
        %lt3A_2572 = arith.cmpi slt, %iota3A, %lt3A_2571 : vector<16xi32>
        %jit3A_2573 = arith.constant -3.000000e+38 : f32
        %broadcast_in_dim3A_2574 = vector.broadcast %jit3A_2573 : f32 to vector<16xf32>
        %select_n3A_2575 = arith.select %lt3A_2572, %neg3A_2567, %broadcast_in_dim3A_2574 : vector<16xi1>, vector<16xf32>
        %masked_sort3A_2576 = arith.constant dense<true> : vector<16xi1>
        %masked_sort3A_2577, %masked_sort3A_2578, %masked_sort3A_2579 = tpu.sort %select_n3A_2575, %select_n3A_2575 masked %masked_sort3A_2576 {descending = true} : (vector<16xf32>, vector<16xf32>, vector<16xi1>) -> (vector<16xi1>, vector<16xf32>, vector<16xf32>)
        %rev3A_2580 = arith.constant 15 : i32
        %rev3A_2581 = vector.broadcast %rev3A_2580 : i32 to vector<16xi32>
        %rev3A_2582 = tpu.iota {dimensions = array<i32: 0>} : vector<16xi32>
        %rev3A_2583 = arith.subi %rev3A_2581, %rev3A_2582 : vector<16xi32>
        %rev3A_2584 = tpu.dynamic_gather %masked_sort3A_2578[%rev3A_2583] in [0] : vector<16xf32>, vector<16xi32> -> vector<16xf32>
        %max3A_2585 = arith.maximumf %while3A_2558, %rev3A_2584 : vector<16xf32>
        %min3A_2586 = arith.minimumf %while3A_2558, %rev3A_2584 : vector<16xf32>
        %masked_sort3A_2587 = arith.constant dense<true> : vector<16xi1>
        %masked_sort3A_2588, %masked_sort3A_2589, %masked_sort3A_2590 = tpu.sort %max3A_2585, %max3A_2585 masked %masked_sort3A_2587 {descending = true} : (vector<16xf32>, vector<16xf32>, vector<16xi1>) -> (vector<16xi1>, vector<16xf32>, vector<16xf32>)
        %rev3A_2591 = arith.constant 15 : i32
        %rev3A_2592 = vector.broadcast %rev3A_2591 : i32 to vector<16xi32>
        %rev3A_2593 = tpu.iota {dimensions = array<i32: 0>} : vector<16xi32>
        %rev3A_2594 = arith.subi %rev3A_2592, %rev3A_2593 : vector<16xi32>
        %rev3A_2595 = tpu.dynamic_gather %masked_sort3A_2589[%rev3A_2594] in [0] : vector<16xf32>, vector<16xi32> -> vector<16xf32>
        %max3A_2596 = arith.maximumf %while3A_2557, %rev3A_2595 : vector<16xf32>
        %min3A_2597 = arith.minimumf %while3A_2557, %rev3A_2595 : vector<16xf32>
        %masked_sort3A_2598 = arith.constant dense<true> : vector<16xi1>
        %masked_sort3A_2599, %masked_sort3A_2600, %masked_sort3A_2601 = tpu.sort %max3A_2596, %max3A_2596 masked %masked_sort3A_2598 {descending = true} : (vector<16xf32>, vector<16xf32>, vector<16xi1>) -> (vector<16xi1>, vector<16xf32>, vector<16xf32>)
        %masked_sort3A_2602 = arith.constant dense<true> : vector<16xi1>
        %masked_sort3A_2603, %masked_sort3A_2604, %masked_sort3A_2605 = tpu.sort %min3A_2597, %min3A_2597 masked %masked_sort3A_2602 {descending = true} : (vector<16xf32>, vector<16xf32>, vector<16xi1>) -> (vector<16xi1>, vector<16xf32>, vector<16xf32>)
        scf.yield %masked_sort3A_2600, %masked_sort3A_2604 : vector<16xf32>, vector<16xf32>
      }
      %reduce_sum3A_2343 = arith.constant true
      %reduce_sum3A_2344 = vector.broadcast %reduce_sum3A_2343 : i1 to vector<16xi1>
      %reduce_sum3A_2345 = tpu.scan <sum>, %while3A_2327#0 masked %reduce_sum3A_2344 : vector<16xf32>, vector<16xi1> -> vector<16xf32>
      %reduce_sum3A_2346 = vector.extract %reduce_sum3A_2345[15] : f32 from vector<16xf32>
      %lt3A_2347 = arith.constant 4 : i32
      %lt3A_2348 = vector.broadcast %lt3A_2347 : i32 to vector<16xi32>
      %lt3A_2349 = arith.cmpi slt, %iota3A, %lt3A_2348 : vector<16xi32>
      %jit3A_2350 = arith.constant 0.000000e+00 : f32
      %broadcast_in_dim3A_2351 = vector.broadcast %jit3A_2350 : f32 to vector<16xf32>
      %select_n3A_2352 = arith.select %lt3A_2349, %while3A_2327#1, %broadcast_in_dim3A_2351 : vector<16xi1>, vector<16xf32>
      %reduce_sum3A_2353 = arith.constant true
      %reduce_sum3A_2354 = vector.broadcast %reduce_sum3A_2353 : i1 to vector<16xi1>
      %reduce_sum3A_2355 = tpu.scan <sum>, %select_n3A_2352 masked %reduce_sum3A_2354 : vector<16xf32>, vector<16xi1> -> vector<16xf32>
      %reduce_sum3A_2356 = vector.extract %reduce_sum3A_2355[15] : f32 from vector<16xf32>
      %add3A_2357 = arith.addf %reduce_sum3A_2346, %reduce_sum3A_2356 : f32
      %reduce_sum3A_2358 = arith.constant true
      %reduce_sum3A_2359 = vector.broadcast %reduce_sum3A_2358 : i1 to vector<16xi1>
      %reduce_sum3A_2360 = tpu.scan <sum>, %while3A_2342#0 masked %reduce_sum3A_2359 : vector<16xf32>, vector<16xi1> -> vector<16xf32>
      %reduce_sum3A_2361 = vector.extract %reduce_sum3A_2360[15] : f32 from vector<16xf32>
      %lt3A_2362 = arith.constant 4 : i32
      %lt3A_2363 = vector.broadcast %lt3A_2362 : i32 to vector<16xi32>
      %lt3A_2364 = arith.cmpi slt, %iota3A, %lt3A_2363 : vector<16xi32>
      %jit3A_2365 = arith.constant 0.000000e+00 : f32
      %broadcast_in_dim3A_2366 = vector.broadcast %jit3A_2365 : f32 to vector<16xf32>
      %select_n3A_2367 = arith.select %lt3A_2364, %while3A_2342#1, %broadcast_in_dim3A_2366 : vector<16xi1>, vector<16xf32>
      %reduce_sum3A_2368 = arith.constant true
      %reduce_sum3A_2369 = vector.broadcast %reduce_sum3A_2368 : i1 to vector<16xi1>
      %reduce_sum3A_2370 = tpu.scan <sum>, %select_n3A_2367 masked %reduce_sum3A_2369 : vector<16xf32>, vector<16xi1> -> vector<16xf32>
      %reduce_sum3A_2371 = vector.extract %reduce_sum3A_2370[15] : f32 from vector<16xf32>
      %add3A_2372 = arith.addf %reduce_sum3A_2361, %reduce_sum3A_2371 : f32
      %neg3A_2373 = arith.constant 0.000000e+00 : f32
      %neg3A_2374 = arith.subf %neg3A_2373, %add3A_2372 : f32
      %mul3A_2375 = arith.constant 5.000000e-02 : f32
      %mul3A_2376 = arith.mulf %add3A_2357, %mul3A_2375 : f32
      %mul3A_2377 = arith.constant 3.500000e-02 : f32
      %mul3A_2378 = arith.mulf %neg3A_2374, %mul3A_2377 : f32
      %add3A_2379 = arith.addf %mul3A_2376, %mul3A_2378 : f32
      %mul3A_2380 = arith.constant 5.000000e-01 : f32
      %mul3A_2381 = arith.mulf %add3A_2379, %mul3A_2380 : f32
      %add3A_2382 = arith.constant 1 : i32
      %add3A_2383 = arith.addi %mul3A_63, %add3A_2382 : i32
      %eq3A_2384 = vector.broadcast %add3A_2383 : i32 to vector<16xi32>
      %eq3A_2385 = arith.cmpi eq, %iota3A, %eq3A_2384 : vector<16xi32>
      %broadcast_in_dim3A_2386 = vector.broadcast %mul3A_2381 : f32 to vector<16xf32>
      %select_n3A_2387 = arith.select %eq3A_2385, %broadcast_in_dim3A_2386, %select_n3A_2312 : vector<16xi1>, vector<16xf32>
      %add3A_2388 = arith.constant 15 : i32
      %add3A_2389 = arith.addi %scan3A_912#2, %add3A_2388 : i32
      %shift_right_logical3A_2390 = arith.constant 4 : i32
      %shift_right_logical3A_2391 = arith.shrui %add3A_2389, %shift_right_logical3A_2390 : i32
      %while3A_2392 = arith.constant 4 : i32
      %while3A_2393 = arith.subi %shift_right_logical3A_2391, %while3A_2392 : i32
      %while3A_2394 = arith.addi %while3A_2392, %while3A_2393 : i32
      %while3A_2395 = arith.constant 1 : i32
      %while3A_2396 = arith.divsi %while3A_2393, %while3A_2395 : i32
      %while3A_2397 = arith.muli %while3A_2396, %while3A_2395 : i32
      %while3A_2398 = arith.addi %while3A_2392, %while3A_2397 : i32
      %while3A_2399 = arith.constant 1 : i32
      %while3A_2400:2 = scf.for %while3A_2556 = %while3A_2392 to %while3A_2398 step %while3A_2399 iter_args(%while3A_2557 = %masked_sort3A_1506, %while3A_2558 = %masked_sort3A_1510) -> (vector<16xf32>, vector<16xf32>)  : i32 {
        %mul3A_2559 = arith.constant 16 : i32
        %mul3A_2560 = arith.muli %while3A_2556, %mul3A_2559 : i32
        %add3A_2561 = arith.constant 4640 : i32
        %add3A_2562 = arith.addi %add3A_2561, %mul3A_2560 : i32
        %get3A_2563 = arith.index_cast %add3A_2562 : i32 to index
        %get3A_2564 = tpu.vector_load %arg5[%get3A_2563] {strides = array<i32>} : memref<9280xf32, #tpu.memory_space<vmem>>, vector<16xf32>,
        %mul3A_2565 = arith.constant 16 : i32
        %mul3A_2566 = arith.muli %while3A_2556, %mul3A_2565 : i32
        %sub3A_2567 = arith.subi %scan3A_912#2, %mul3A_2566 : i32
        %lt3A_2568 = vector.broadcast %sub3A_2567 : i32 to vector<16xi32>
        %lt3A_2569 = arith.cmpi slt, %iota3A, %lt3A_2568 : vector<16xi32>
        %jit3A_2570 = arith.constant -3.000000e+38 : f32
        %broadcast_in_dim3A_2571 = vector.broadcast %jit3A_2570 : f32 to vector<16xf32>
        %select_n3A_2572 = arith.select %lt3A_2569, %get3A_2564, %broadcast_in_dim3A_2571 : vector<16xi1>, vector<16xf32>
        %masked_sort3A_2573 = arith.constant dense<true> : vector<16xi1>
        %masked_sort3A_2574, %masked_sort3A_2575, %masked_sort3A_2576 = tpu.sort %select_n3A_2572, %select_n3A_2572 masked %masked_sort3A_2573 {descending = true} : (vector<16xf32>, vector<16xf32>, vector<16xi1>) -> (vector<16xi1>, vector<16xf32>, vector<16xf32>)
        %rev3A_2577 = arith.constant 15 : i32
        %rev3A_2578 = vector.broadcast %rev3A_2577 : i32 to vector<16xi32>
        %rev3A_2579 = tpu.iota {dimensions = array<i32: 0>} : vector<16xi32>
        %rev3A_2580 = arith.subi %rev3A_2578, %rev3A_2579 : vector<16xi32>
        %rev3A_2581 = tpu.dynamic_gather %masked_sort3A_2575[%rev3A_2580] in [0] : vector<16xf32>, vector<16xi32> -> vector<16xf32>
        %max3A_2582 = arith.maximumf %while3A_2558, %rev3A_2581 : vector<16xf32>
        %min3A_2583 = arith.minimumf %while3A_2558, %rev3A_2581 : vector<16xf32>
        %masked_sort3A_2584 = arith.constant dense<true> : vector<16xi1>
        %masked_sort3A_2585, %masked_sort3A_2586, %masked_sort3A_2587 = tpu.sort %max3A_2582, %max3A_2582 masked %masked_sort3A_2584 {descending = true} : (vector<16xf32>, vector<16xf32>, vector<16xi1>) -> (vector<16xi1>, vector<16xf32>, vector<16xf32>)
        %rev3A_2588 = arith.constant 15 : i32
        %rev3A_2589 = vector.broadcast %rev3A_2588 : i32 to vector<16xi32>
        %rev3A_2590 = tpu.iota {dimensions = array<i32: 0>} : vector<16xi32>
        %rev3A_2591 = arith.subi %rev3A_2589, %rev3A_2590 : vector<16xi32>
        %rev3A_2592 = tpu.dynamic_gather %masked_sort3A_2586[%rev3A_2591] in [0] : vector<16xf32>, vector<16xi32> -> vector<16xf32>
        %max3A_2593 = arith.maximumf %while3A_2557, %rev3A_2592 : vector<16xf32>
        %min3A_2594 = arith.minimumf %while3A_2557, %rev3A_2592 : vector<16xf32>
        %masked_sort3A_2595 = arith.constant dense<true> : vector<16xi1>
        %masked_sort3A_2596, %masked_sort3A_2597, %masked_sort3A_2598 = tpu.sort %max3A_2593, %max3A_2593 masked %masked_sort3A_2595 {descending = true} : (vector<16xf32>, vector<16xf32>, vector<16xi1>) -> (vector<16xi1>, vector<16xf32>, vector<16xf32>)
        %masked_sort3A_2599 = arith.constant dense<true> : vector<16xi1>
        %masked_sort3A_2600, %masked_sort3A_2601, %masked_sort3A_2602 = tpu.sort %min3A_2594, %min3A_2594 masked %masked_sort3A_2599 {descending = true} : (vector<16xf32>, vector<16xf32>, vector<16xi1>) -> (vector<16xi1>, vector<16xf32>, vector<16xf32>)
        scf.yield %masked_sort3A_2597, %masked_sort3A_2601 : vector<16xf32>, vector<16xf32>
      }
      %while3A_2401 = arith.constant 1 : i32
      %while3A_2402:2 = scf.for %while3A_2556 = %while3A_2398 to %while3A_2394 step %while3A_2401 iter_args(%while3A_2557 = %while3A_2400#0, %while3A_2558 = %while3A_2400#1) -> (vector<16xf32>, vector<16xf32>)  : i32 {
        %mul3A_2559 = arith.constant 16 : i32
        %mul3A_2560 = arith.muli %while3A_2556, %mul3A_2559 : i32
        %add3A_2561 = arith.constant 4640 : i32
        %add3A_2562 = arith.addi %add3A_2561, %mul3A_2560 : i32
        %get3A_2563 = arith.index_cast %add3A_2562 : i32 to index
        %get3A_2564 = tpu.vector_load %arg5[%get3A_2563] {strides = array<i32>} : memref<9280xf32, #tpu.memory_space<vmem>>, vector<16xf32>,
        %mul3A_2565 = arith.constant 16 : i32
        %mul3A_2566 = arith.muli %while3A_2556, %mul3A_2565 : i32
        %sub3A_2567 = arith.subi %scan3A_912#2, %mul3A_2566 : i32
        %lt3A_2568 = vector.broadcast %sub3A_2567 : i32 to vector<16xi32>
        %lt3A_2569 = arith.cmpi slt, %iota3A, %lt3A_2568 : vector<16xi32>
        %jit3A_2570 = arith.constant -3.000000e+38 : f32
        %broadcast_in_dim3A_2571 = vector.broadcast %jit3A_2570 : f32 to vector<16xf32>
        %select_n3A_2572 = arith.select %lt3A_2569, %get3A_2564, %broadcast_in_dim3A_2571 : vector<16xi1>, vector<16xf32>
        %masked_sort3A_2573 = arith.constant dense<true> : vector<16xi1>
        %masked_sort3A_2574, %masked_sort3A_2575, %masked_sort3A_2576 = tpu.sort %select_n3A_2572, %select_n3A_2572 masked %masked_sort3A_2573 {descending = true} : (vector<16xf32>, vector<16xf32>, vector<16xi1>) -> (vector<16xi1>, vector<16xf32>, vector<16xf32>)
        %rev3A_2577 = arith.constant 15 : i32
        %rev3A_2578 = vector.broadcast %rev3A_2577 : i32 to vector<16xi32>
        %rev3A_2579 = tpu.iota {dimensions = array<i32: 0>} : vector<16xi32>
        %rev3A_2580 = arith.subi %rev3A_2578, %rev3A_2579 : vector<16xi32>
        %rev3A_2581 = tpu.dynamic_gather %masked_sort3A_2575[%rev3A_2580] in [0] : vector<16xf32>, vector<16xi32> -> vector<16xf32>
        %max3A_2582 = arith.maximumf %while3A_2558, %rev3A_2581 : vector<16xf32>
        %min3A_2583 = arith.minimumf %while3A_2558, %rev3A_2581 : vector<16xf32>
        %masked_sort3A_2584 = arith.constant dense<true> : vector<16xi1>
        %masked_sort3A_2585, %masked_sort3A_2586, %masked_sort3A_2587 = tpu.sort %max3A_2582, %max3A_2582 masked %masked_sort3A_2584 {descending = true} : (vector<16xf32>, vector<16xf32>, vector<16xi1>) -> (vector<16xi1>, vector<16xf32>, vector<16xf32>)
        %rev3A_2588 = arith.constant 15 : i32
        %rev3A_2589 = vector.broadcast %rev3A_2588 : i32 to vector<16xi32>
        %rev3A_2590 = tpu.iota {dimensions = array<i32: 0>} : vector<16xi32>
        %rev3A_2591 = arith.subi %rev3A_2589, %rev3A_2590 : vector<16xi32>
        %rev3A_2592 = tpu.dynamic_gather %masked_sort3A_2586[%rev3A_2591] in [0] : vector<16xf32>, vector<16xi32> -> vector<16xf32>
        %max3A_2593 = arith.maximumf %while3A_2557, %rev3A_2592 : vector<16xf32>
        %min3A_2594 = arith.minimumf %while3A_2557, %rev3A_2592 : vector<16xf32>
        %masked_sort3A_2595 = arith.constant dense<true> : vector<16xi1>
        %masked_sort3A_2596, %masked_sort3A_2597, %masked_sort3A_2598 = tpu.sort %max3A_2593, %max3A_2593 masked %masked_sort3A_2595 {descending = true} : (vector<16xf32>, vector<16xf32>, vector<16xi1>) -> (vector<16xi1>, vector<16xf32>, vector<16xf32>)
        %masked_sort3A_2599 = arith.constant dense<true> : vector<16xi1>
        %masked_sort3A_2600, %masked_sort3A_2601, %masked_sort3A_2602 = tpu.sort %min3A_2594, %min3A_2594 masked %masked_sort3A_2599 {descending = true} : (vector<16xf32>, vector<16xf32>, vector<16xi1>) -> (vector<16xi1>, vector<16xf32>, vector<16xf32>)
        scf.yield %masked_sort3A_2597, %masked_sort3A_2601 : vector<16xf32>, vector<16xf32>
      }
      %add3A_2403 = arith.constant 15 : i32
      %add3A_2404 = arith.addi %scan3A_912#2, %add3A_2403 : i32
      %shift_right_logical3A_2405 = arith.constant 4 : i32
      %shift_right_logical3A_2406 = arith.shrui %add3A_2404, %shift_right_logical3A_2405 : i32
      %while3A_2407 = arith.constant 4 : i32
      %while3A_2408 = arith.subi %shift_right_logical3A_2406, %while3A_2407 : i32
      %while3A_2409 = arith.addi %while3A_2407, %while3A_2408 : i32
      %while3A_2410 = arith.constant 1 : i32
      %while3A_2411 = arith.divsi %while3A_2408, %while3A_2410 : i32
      %while3A_2412 = arith.muli %while3A_2411, %while3A_2410 : i32
      %while3A_2413 = arith.addi %while3A_2407, %while3A_2412 : i32
      %while3A_2414 = arith.constant 1 : i32
      %while3A_2415:2 = scf.for %while3A_2556 = %while3A_2407 to %while3A_2413 step %while3A_2414 iter_args(%while3A_2557 = %masked_sort3A_2191, %while3A_2558 = %masked_sort3A_2195) -> (vector<16xf32>, vector<16xf32>)  : i32 {
        %mul3A_2559 = arith.constant 16 : i32
        %mul3A_2560 = arith.muli %while3A_2556, %mul3A_2559 : i32
        %add3A_2561 = arith.constant 4640 : i32
        %add3A_2562 = arith.addi %add3A_2561, %mul3A_2560 : i32
        %get3A_2563 = arith.index_cast %add3A_2562 : i32 to index
        %get3A_2564 = tpu.vector_load %arg5[%get3A_2563] {strides = array<i32>} : memref<9280xf32, #tpu.memory_space<vmem>>, vector<16xf32>,
        %neg3A_2565 = arith.constant 0.000000e+00 : f32
        %neg3A_2566 = vector.broadcast %neg3A_2565 : f32 to vector<16xf32>
        %neg3A_2567 = arith.subf %neg3A_2566, %get3A_2564 : vector<16xf32>
        %mul3A_2568 = arith.constant 16 : i32
        %mul3A_2569 = arith.muli %while3A_2556, %mul3A_2568 : i32
        %sub3A_2570 = arith.subi %scan3A_912#2, %mul3A_2569 : i32
        %lt3A_2571 = vector.broadcast %sub3A_2570 : i32 to vector<16xi32>
        %lt3A_2572 = arith.cmpi slt, %iota3A, %lt3A_2571 : vector<16xi32>
        %jit3A_2573 = arith.constant -3.000000e+38 : f32
        %broadcast_in_dim3A_2574 = vector.broadcast %jit3A_2573 : f32 to vector<16xf32>
        %select_n3A_2575 = arith.select %lt3A_2572, %neg3A_2567, %broadcast_in_dim3A_2574 : vector<16xi1>, vector<16xf32>
        %masked_sort3A_2576 = arith.constant dense<true> : vector<16xi1>
        %masked_sort3A_2577, %masked_sort3A_2578, %masked_sort3A_2579 = tpu.sort %select_n3A_2575, %select_n3A_2575 masked %masked_sort3A_2576 {descending = true} : (vector<16xf32>, vector<16xf32>, vector<16xi1>) -> (vector<16xi1>, vector<16xf32>, vector<16xf32>)
        %rev3A_2580 = arith.constant 15 : i32
        %rev3A_2581 = vector.broadcast %rev3A_2580 : i32 to vector<16xi32>
        %rev3A_2582 = tpu.iota {dimensions = array<i32: 0>} : vector<16xi32>
        %rev3A_2583 = arith.subi %rev3A_2581, %rev3A_2582 : vector<16xi32>
        %rev3A_2584 = tpu.dynamic_gather %masked_sort3A_2578[%rev3A_2583] in [0] : vector<16xf32>, vector<16xi32> -> vector<16xf32>
        %max3A_2585 = arith.maximumf %while3A_2558, %rev3A_2584 : vector<16xf32>
        %min3A_2586 = arith.minimumf %while3A_2558, %rev3A_2584 : vector<16xf32>
        %masked_sort3A_2587 = arith.constant dense<true> : vector<16xi1>
        %masked_sort3A_2588, %masked_sort3A_2589, %masked_sort3A_2590 = tpu.sort %max3A_2585, %max3A_2585 masked %masked_sort3A_2587 {descending = true} : (vector<16xf32>, vector<16xf32>, vector<16xi1>) -> (vector<16xi1>, vector<16xf32>, vector<16xf32>)
        %rev3A_2591 = arith.constant 15 : i32
        %rev3A_2592 = vector.broadcast %rev3A_2591 : i32 to vector<16xi32>
        %rev3A_2593 = tpu.iota {dimensions = array<i32: 0>} : vector<16xi32>
        %rev3A_2594 = arith.subi %rev3A_2592, %rev3A_2593 : vector<16xi32>
        %rev3A_2595 = tpu.dynamic_gather %masked_sort3A_2589[%rev3A_2594] in [0] : vector<16xf32>, vector<16xi32> -> vector<16xf32>
        %max3A_2596 = arith.maximumf %while3A_2557, %rev3A_2595 : vector<16xf32>
        %min3A_2597 = arith.minimumf %while3A_2557, %rev3A_2595 : vector<16xf32>
        %masked_sort3A_2598 = arith.constant dense<true> : vector<16xi1>
        %masked_sort3A_2599, %masked_sort3A_2600, %masked_sort3A_2601 = tpu.sort %max3A_2596, %max3A_2596 masked %masked_sort3A_2598 {descending = true} : (vector<16xf32>, vector<16xf32>, vector<16xi1>) -> (vector<16xi1>, vector<16xf32>, vector<16xf32>)
        %masked_sort3A_2602 = arith.constant dense<true> : vector<16xi1>
        %masked_sort3A_2603, %masked_sort3A_2604, %masked_sort3A_2605 = tpu.sort %min3A_2597, %min3A_2597 masked %masked_sort3A_2602 {descending = true} : (vector<16xf32>, vector<16xf32>, vector<16xi1>) -> (vector<16xi1>, vector<16xf32>, vector<16xf32>)
        scf.yield %masked_sort3A_2600, %masked_sort3A_2604 : vector<16xf32>, vector<16xf32>
      }
      %while3A_2416 = arith.constant 1 : i32
      %while3A_2417:2 = scf.for %while3A_2556 = %while3A_2413 to %while3A_2409 step %while3A_2416 iter_args(%while3A_2557 = %while3A_2415#0, %while3A_2558 = %while3A_2415#1) -> (vector<16xf32>, vector<16xf32>)  : i32 {
        %mul3A_2559 = arith.constant 16 : i32
        %mul3A_2560 = arith.muli %while3A_2556, %mul3A_2559 : i32
        %add3A_2561 = arith.constant 4640 : i32
        %add3A_2562 = arith.addi %add3A_2561, %mul3A_2560 : i32
        %get3A_2563 = arith.index_cast %add3A_2562 : i32 to index
        %get3A_2564 = tpu.vector_load %arg5[%get3A_2563] {strides = array<i32>} : memref<9280xf32, #tpu.memory_space<vmem>>, vector<16xf32>,
        %neg3A_2565 = arith.constant 0.000000e+00 : f32
        %neg3A_2566 = vector.broadcast %neg3A_2565 : f32 to vector<16xf32>
        %neg3A_2567 = arith.subf %neg3A_2566, %get3A_2564 : vector<16xf32>
        %mul3A_2568 = arith.constant 16 : i32
        %mul3A_2569 = arith.muli %while3A_2556, %mul3A_2568 : i32
        %sub3A_2570 = arith.subi %scan3A_912#2, %mul3A_2569 : i32
        %lt3A_2571 = vector.broadcast %sub3A_2570 : i32 to vector<16xi32>
        %lt3A_2572 = arith.cmpi slt, %iota3A, %lt3A_2571 : vector<16xi32>
        %jit3A_2573 = arith.constant -3.000000e+38 : f32
        %broadcast_in_dim3A_2574 = vector.broadcast %jit3A_2573 : f32 to vector<16xf32>
        %select_n3A_2575 = arith.select %lt3A_2572, %neg3A_2567, %broadcast_in_dim3A_2574 : vector<16xi1>, vector<16xf32>
        %masked_sort3A_2576 = arith.constant dense<true> : vector<16xi1>
        %masked_sort3A_2577, %masked_sort3A_2578, %masked_sort3A_2579 = tpu.sort %select_n3A_2575, %select_n3A_2575 masked %masked_sort3A_2576 {descending = true} : (vector<16xf32>, vector<16xf32>, vector<16xi1>) -> (vector<16xi1>, vector<16xf32>, vector<16xf32>)
        %rev3A_2580 = arith.constant 15 : i32
        %rev3A_2581 = vector.broadcast %rev3A_2580 : i32 to vector<16xi32>
        %rev3A_2582 = tpu.iota {dimensions = array<i32: 0>} : vector<16xi32>
        %rev3A_2583 = arith.subi %rev3A_2581, %rev3A_2582 : vector<16xi32>
        %rev3A_2584 = tpu.dynamic_gather %masked_sort3A_2578[%rev3A_2583] in [0] : vector<16xf32>, vector<16xi32> -> vector<16xf32>
        %max3A_2585 = arith.maximumf %while3A_2558, %rev3A_2584 : vector<16xf32>
        %min3A_2586 = arith.minimumf %while3A_2558, %rev3A_2584 : vector<16xf32>
        %masked_sort3A_2587 = arith.constant dense<true> : vector<16xi1>
        %masked_sort3A_2588, %masked_sort3A_2589, %masked_sort3A_2590 = tpu.sort %max3A_2585, %max3A_2585 masked %masked_sort3A_2587 {descending = true} : (vector<16xf32>, vector<16xf32>, vector<16xi1>) -> (vector<16xi1>, vector<16xf32>, vector<16xf32>)
        %rev3A_2591 = arith.constant 15 : i32
        %rev3A_2592 = vector.broadcast %rev3A_2591 : i32 to vector<16xi32>
        %rev3A_2593 = tpu.iota {dimensions = array<i32: 0>} : vector<16xi32>
        %rev3A_2594 = arith.subi %rev3A_2592, %rev3A_2593 : vector<16xi32>
        %rev3A_2595 = tpu.dynamic_gather %masked_sort3A_2589[%rev3A_2594] in [0] : vector<16xf32>, vector<16xi32> -> vector<16xf32>
        %max3A_2596 = arith.maximumf %while3A_2557, %rev3A_2595 : vector<16xf32>
        %min3A_2597 = arith.minimumf %while3A_2557, %rev3A_2595 : vector<16xf32>
        %masked_sort3A_2598 = arith.constant dense<true> : vector<16xi1>
        %masked_sort3A_2599, %masked_sort3A_2600, %masked_sort3A_2601 = tpu.sort %max3A_2596, %max3A_2596 masked %masked_sort3A_2598 {descending = true} : (vector<16xf32>, vector<16xf32>, vector<16xi1>) -> (vector<16xi1>, vector<16xf32>, vector<16xf32>)
        %masked_sort3A_2602 = arith.constant dense<true> : vector<16xi1>
        %masked_sort3A_2603, %masked_sort3A_2604, %masked_sort3A_2605 = tpu.sort %min3A_2597, %min3A_2597 masked %masked_sort3A_2602 {descending = true} : (vector<16xf32>, vector<16xf32>, vector<16xi1>) -> (vector<16xi1>, vector<16xf32>, vector<16xf32>)
        scf.yield %masked_sort3A_2600, %masked_sort3A_2604 : vector<16xf32>, vector<16xf32>
      }
      %reduce_sum3A_2418 = arith.constant true
      %reduce_sum3A_2419 = vector.broadcast %reduce_sum3A_2418 : i1 to vector<16xi1>
      %reduce_sum3A_2420 = tpu.scan <sum>, %while3A_2402#0 masked %reduce_sum3A_2419 : vector<16xf32>, vector<16xi1> -> vector<16xf32>
      %reduce_sum3A_2421 = vector.extract %reduce_sum3A_2420[15] : f32 from vector<16xf32>
      %lt3A_2422 = arith.constant 4 : i32
      %lt3A_2423 = vector.broadcast %lt3A_2422 : i32 to vector<16xi32>
      %lt3A_2424 = arith.cmpi slt, %iota3A, %lt3A_2423 : vector<16xi32>
      %jit3A_2425 = arith.constant 0.000000e+00 : f32
      %broadcast_in_dim3A_2426 = vector.broadcast %jit3A_2425 : f32 to vector<16xf32>
      %select_n3A_2427 = arith.select %lt3A_2424, %while3A_2402#1, %broadcast_in_dim3A_2426 : vector<16xi1>, vector<16xf32>
      %reduce_sum3A_2428 = arith.constant true
      %reduce_sum3A_2429 = vector.broadcast %reduce_sum3A_2428 : i1 to vector<16xi1>
      %reduce_sum3A_2430 = tpu.scan <sum>, %select_n3A_2427 masked %reduce_sum3A_2429 : vector<16xf32>, vector<16xi1> -> vector<16xf32>
      %reduce_sum3A_2431 = vector.extract %reduce_sum3A_2430[15] : f32 from vector<16xf32>
      %add3A_2432 = arith.addf %reduce_sum3A_2421, %reduce_sum3A_2431 : f32
      %reduce_sum3A_2433 = arith.constant true
      %reduce_sum3A_2434 = vector.broadcast %reduce_sum3A_2433 : i1 to vector<16xi1>
      %reduce_sum3A_2435 = tpu.scan <sum>, %while3A_2417#0 masked %reduce_sum3A_2434 : vector<16xf32>, vector<16xi1> -> vector<16xf32>
      %reduce_sum3A_2436 = vector.extract %reduce_sum3A_2435[15] : f32 from vector<16xf32>
      %lt3A_2437 = arith.constant 4 : i32
      %lt3A_2438 = vector.broadcast %lt3A_2437 : i32 to vector<16xi32>
      %lt3A_2439 = arith.cmpi slt, %iota3A, %lt3A_2438 : vector<16xi32>
      %jit3A_2440 = arith.constant 0.000000e+00 : f32
      %broadcast_in_dim3A_2441 = vector.broadcast %jit3A_2440 : f32 to vector<16xf32>
      %select_n3A_2442 = arith.select %lt3A_2439, %while3A_2417#1, %broadcast_in_dim3A_2441 : vector<16xi1>, vector<16xf32>
      %reduce_sum3A_2443 = arith.constant true
      %reduce_sum3A_2444 = vector.broadcast %reduce_sum3A_2443 : i1 to vector<16xi1>
      %reduce_sum3A_2445 = tpu.scan <sum>, %select_n3A_2442 masked %reduce_sum3A_2444 : vector<16xf32>, vector<16xi1> -> vector<16xf32>
      %reduce_sum3A_2446 = vector.extract %reduce_sum3A_2445[15] : f32 from vector<16xf32>
      %add3A_2447 = arith.addf %reduce_sum3A_2436, %reduce_sum3A_2446 : f32
      %neg3A_2448 = arith.constant 0.000000e+00 : f32
      %neg3A_2449 = arith.subf %neg3A_2448, %add3A_2447 : f32
      %mul3A_2450 = arith.constant 5.000000e-02 : f32
      %mul3A_2451 = arith.mulf %add3A_2432, %mul3A_2450 : f32
      %mul3A_2452 = arith.constant 3.500000e-02 : f32
      %mul3A_2453 = arith.mulf %neg3A_2449, %mul3A_2452 : f32
      %add3A_2454 = arith.addf %mul3A_2451, %mul3A_2453 : f32
      %mul3A_2455 = arith.constant 5.000000e-01 : f32
      %mul3A_2456 = arith.mulf %add3A_2454, %mul3A_2455 : f32
      %add3A_2457 = arith.constant 2 : i32
      %add3A_2458 = arith.addi %mul3A_63, %add3A_2457 : i32
      %eq3A_2459 = vector.broadcast %add3A_2458 : i32 to vector<16xi32>
      %eq3A_2460 = arith.cmpi eq, %iota3A, %eq3A_2459 : vector<16xi32>
      %broadcast_in_dim3A_2461 = vector.broadcast %mul3A_2456 : f32 to vector<16xf32>
      %select_n3A_2462 = arith.select %eq3A_2460, %broadcast_in_dim3A_2461, %select_n3A_2387 : vector<16xi1>, vector<16xf32>
      %add3A_2463 = arith.constant 15 : i32
      %add3A_2464 = arith.addi %scan3A_912#3, %add3A_2463 : i32
      %shift_right_logical3A_2465 = arith.constant 4 : i32
      %shift_right_logical3A_2466 = arith.shrui %add3A_2464, %shift_right_logical3A_2465 : i32
      %while3A_2467 = arith.constant 4 : i32
      %while3A_2468 = arith.subi %shift_right_logical3A_2466, %while3A_2467 : i32
      %while3A_2469 = arith.addi %while3A_2467, %while3A_2468 : i32
      %while3A_2470 = arith.constant 1 : i32
      %while3A_2471 = arith.divsi %while3A_2468, %while3A_2470 : i32
      %while3A_2472 = arith.muli %while3A_2471, %while3A_2470 : i32
      %while3A_2473 = arith.addi %while3A_2467, %while3A_2472 : i32
      %while3A_2474 = arith.constant 1 : i32
      %while3A_2475:2 = scf.for %while3A_2556 = %while3A_2467 to %while3A_2473 step %while3A_2474 iter_args(%while3A_2557 = %masked_sort3A_1545, %while3A_2558 = %masked_sort3A_1549) -> (vector<16xf32>, vector<16xf32>)  : i32 {
        %mul3A_2559 = arith.constant 16 : i32
        %mul3A_2560 = arith.muli %while3A_2556, %mul3A_2559 : i32
        %add3A_2561 = arith.constant 6960 : i32
        %add3A_2562 = arith.addi %add3A_2561, %mul3A_2560 : i32
        %get3A_2563 = arith.index_cast %add3A_2562 : i32 to index
        %get3A_2564 = tpu.vector_load %arg5[%get3A_2563] {strides = array<i32>} : memref<9280xf32, #tpu.memory_space<vmem>>, vector<16xf32>,
        %mul3A_2565 = arith.constant 16 : i32
        %mul3A_2566 = arith.muli %while3A_2556, %mul3A_2565 : i32
        %sub3A_2567 = arith.subi %scan3A_912#3, %mul3A_2566 : i32
        %lt3A_2568 = vector.broadcast %sub3A_2567 : i32 to vector<16xi32>
        %lt3A_2569 = arith.cmpi slt, %iota3A, %lt3A_2568 : vector<16xi32>
        %jit3A_2570 = arith.constant -3.000000e+38 : f32
        %broadcast_in_dim3A_2571 = vector.broadcast %jit3A_2570 : f32 to vector<16xf32>
        %select_n3A_2572 = arith.select %lt3A_2569, %get3A_2564, %broadcast_in_dim3A_2571 : vector<16xi1>, vector<16xf32>
        %masked_sort3A_2573 = arith.constant dense<true> : vector<16xi1>
        %masked_sort3A_2574, %masked_sort3A_2575, %masked_sort3A_2576 = tpu.sort %select_n3A_2572, %select_n3A_2572 masked %masked_sort3A_2573 {descending = true} : (vector<16xf32>, vector<16xf32>, vector<16xi1>) -> (vector<16xi1>, vector<16xf32>, vector<16xf32>)
        %rev3A_2577 = arith.constant 15 : i32
        %rev3A_2578 = vector.broadcast %rev3A_2577 : i32 to vector<16xi32>
        %rev3A_2579 = tpu.iota {dimensions = array<i32: 0>} : vector<16xi32>
        %rev3A_2580 = arith.subi %rev3A_2578, %rev3A_2579 : vector<16xi32>
        %rev3A_2581 = tpu.dynamic_gather %masked_sort3A_2575[%rev3A_2580] in [0] : vector<16xf32>, vector<16xi32> -> vector<16xf32>
        %max3A_2582 = arith.maximumf %while3A_2558, %rev3A_2581 : vector<16xf32>
        %min3A_2583 = arith.minimumf %while3A_2558, %rev3A_2581 : vector<16xf32>
        %masked_sort3A_2584 = arith.constant dense<true> : vector<16xi1>
        %masked_sort3A_2585, %masked_sort3A_2586, %masked_sort3A_2587 = tpu.sort %max3A_2582, %max3A_2582 masked %masked_sort3A_2584 {descending = true} : (vector<16xf32>, vector<16xf32>, vector<16xi1>) -> (vector<16xi1>, vector<16xf32>, vector<16xf32>)
        %rev3A_2588 = arith.constant 15 : i32
        %rev3A_2589 = vector.broadcast %rev3A_2588 : i32 to vector<16xi32>
        %rev3A_2590 = tpu.iota {dimensions = array<i32: 0>} : vector<16xi32>
        %rev3A_2591 = arith.subi %rev3A_2589, %rev3A_2590 : vector<16xi32>
        %rev3A_2592 = tpu.dynamic_gather %masked_sort3A_2586[%rev3A_2591] in [0] : vector<16xf32>, vector<16xi32> -> vector<16xf32>
        %max3A_2593 = arith.maximumf %while3A_2557, %rev3A_2592 : vector<16xf32>
        %min3A_2594 = arith.minimumf %while3A_2557, %rev3A_2592 : vector<16xf32>
        %masked_sort3A_2595 = arith.constant dense<true> : vector<16xi1>
        %masked_sort3A_2596, %masked_sort3A_2597, %masked_sort3A_2598 = tpu.sort %max3A_2593, %max3A_2593 masked %masked_sort3A_2595 {descending = true} : (vector<16xf32>, vector<16xf32>, vector<16xi1>) -> (vector<16xi1>, vector<16xf32>, vector<16xf32>)
        %masked_sort3A_2599 = arith.constant dense<true> : vector<16xi1>
        %masked_sort3A_2600, %masked_sort3A_2601, %masked_sort3A_2602 = tpu.sort %min3A_2594, %min3A_2594 masked %masked_sort3A_2599 {descending = true} : (vector<16xf32>, vector<16xf32>, vector<16xi1>) -> (vector<16xi1>, vector<16xf32>, vector<16xf32>)
        scf.yield %masked_sort3A_2597, %masked_sort3A_2601 : vector<16xf32>, vector<16xf32>
      }
      %while3A_2476 = arith.constant 1 : i32
      %while3A_2477:2 = scf.for %while3A_2556 = %while3A_2473 to %while3A_2469 step %while3A_2476 iter_args(%while3A_2557 = %while3A_2475#0, %while3A_2558 = %while3A_2475#1) -> (vector<16xf32>, vector<16xf32>)  : i32 {
        %mul3A_2559 = arith.constant 16 : i32
        %mul3A_2560 = arith.muli %while3A_2556, %mul3A_2559 : i32
        %add3A_2561 = arith.constant 6960 : i32
        %add3A_2562 = arith.addi %add3A_2561, %mul3A_2560 : i32
        %get3A_2563 = arith.index_cast %add3A_2562 : i32 to index
        %get3A_2564 = tpu.vector_load %arg5[%get3A_2563] {strides = array<i32>} : memref<9280xf32, #tpu.memory_space<vmem>>, vector<16xf32>,
        %mul3A_2565 = arith.constant 16 : i32
        %mul3A_2566 = arith.muli %while3A_2556, %mul3A_2565 : i32
        %sub3A_2567 = arith.subi %scan3A_912#3, %mul3A_2566 : i32
        %lt3A_2568 = vector.broadcast %sub3A_2567 : i32 to vector<16xi32>
        %lt3A_2569 = arith.cmpi slt, %iota3A, %lt3A_2568 : vector<16xi32>
        %jit3A_2570 = arith.constant -3.000000e+38 : f32
        %broadcast_in_dim3A_2571 = vector.broadcast %jit3A_2570 : f32 to vector<16xf32>
        %select_n3A_2572 = arith.select %lt3A_2569, %get3A_2564, %broadcast_in_dim3A_2571 : vector<16xi1>, vector<16xf32>
        %masked_sort3A_2573 = arith.constant dense<true> : vector<16xi1>
        %masked_sort3A_2574, %masked_sort3A_2575, %masked_sort3A_2576 = tpu.sort %select_n3A_2572, %select_n3A_2572 masked %masked_sort3A_2573 {descending = true} : (vector<16xf32>, vector<16xf32>, vector<16xi1>) -> (vector<16xi1>, vector<16xf32>, vector<16xf32>)
        %rev3A_2577 = arith.constant 15 : i32
        %rev3A_2578 = vector.broadcast %rev3A_2577 : i32 to vector<16xi32>
        %rev3A_2579 = tpu.iota {dimensions = array<i32: 0>} : vector<16xi32>
        %rev3A_2580 = arith.subi %rev3A_2578, %rev3A_2579 : vector<16xi32>
        %rev3A_2581 = tpu.dynamic_gather %masked_sort3A_2575[%rev3A_2580] in [0] : vector<16xf32>, vector<16xi32> -> vector<16xf32>
        %max3A_2582 = arith.maximumf %while3A_2558, %rev3A_2581 : vector<16xf32>
        %min3A_2583 = arith.minimumf %while3A_2558, %rev3A_2581 : vector<16xf32>
        %masked_sort3A_2584 = arith.constant dense<true> : vector<16xi1>
        %masked_sort3A_2585, %masked_sort3A_2586, %masked_sort3A_2587 = tpu.sort %max3A_2582, %max3A_2582 masked %masked_sort3A_2584 {descending = true} : (vector<16xf32>, vector<16xf32>, vector<16xi1>) -> (vector<16xi1>, vector<16xf32>, vector<16xf32>)
        %rev3A_2588 = arith.constant 15 : i32
        %rev3A_2589 = vector.broadcast %rev3A_2588 : i32 to vector<16xi32>
        %rev3A_2590 = tpu.iota {dimensions = array<i32: 0>} : vector<16xi32>
        %rev3A_2591 = arith.subi %rev3A_2589, %rev3A_2590 : vector<16xi32>
        %rev3A_2592 = tpu.dynamic_gather %masked_sort3A_2586[%rev3A_2591] in [0] : vector<16xf32>, vector<16xi32> -> vector<16xf32>
        %max3A_2593 = arith.maximumf %while3A_2557, %rev3A_2592 : vector<16xf32>
        %min3A_2594 = arith.minimumf %while3A_2557, %rev3A_2592 : vector<16xf32>
        %masked_sort3A_2595 = arith.constant dense<true> : vector<16xi1>
        %masked_sort3A_2596, %masked_sort3A_2597, %masked_sort3A_2598 = tpu.sort %max3A_2593, %max3A_2593 masked %masked_sort3A_2595 {descending = true} : (vector<16xf32>, vector<16xf32>, vector<16xi1>) -> (vector<16xi1>, vector<16xf32>, vector<16xf32>)
        %masked_sort3A_2599 = arith.constant dense<true> : vector<16xi1>
        %masked_sort3A_2600, %masked_sort3A_2601, %masked_sort3A_2602 = tpu.sort %min3A_2594, %min3A_2594 masked %masked_sort3A_2599 {descending = true} : (vector<16xf32>, vector<16xf32>, vector<16xi1>) -> (vector<16xi1>, vector<16xf32>, vector<16xf32>)
        scf.yield %masked_sort3A_2597, %masked_sort3A_2601 : vector<16xf32>, vector<16xf32>
      }
      %add3A_2478 = arith.constant 15 : i32
      %add3A_2479 = arith.addi %scan3A_912#3, %add3A_2478 : i32
      %shift_right_logical3A_2480 = arith.constant 4 : i32
      %shift_right_logical3A_2481 = arith.shrui %add3A_2479, %shift_right_logical3A_2480 : i32
      %while3A_2482 = arith.constant 4 : i32
      %while3A_2483 = arith.subi %shift_right_logical3A_2481, %while3A_2482 : i32
      %while3A_2484 = arith.addi %while3A_2482, %while3A_2483 : i32
      %while3A_2485 = arith.constant 1 : i32
      %while3A_2486 = arith.divsi %while3A_2483, %while3A_2485 : i32
      %while3A_2487 = arith.muli %while3A_2486, %while3A_2485 : i32
      %while3A_2488 = arith.addi %while3A_2482, %while3A_2487 : i32
      %while3A_2489 = arith.constant 1 : i32
      %while3A_2490:2 = scf.for %while3A_2556 = %while3A_2482 to %while3A_2488 step %while3A_2489 iter_args(%while3A_2557 = %masked_sort3A_2233, %while3A_2558 = %masked_sort3A_2237) -> (vector<16xf32>, vector<16xf32>)  : i32 {
        %mul3A_2559 = arith.constant 16 : i32
        %mul3A_2560 = arith.muli %while3A_2556, %mul3A_2559 : i32
        %add3A_2561 = arith.constant 6960 : i32
        %add3A_2562 = arith.addi %add3A_2561, %mul3A_2560 : i32
        %get3A_2563 = arith.index_cast %add3A_2562 : i32 to index
        %get3A_2564 = tpu.vector_load %arg5[%get3A_2563] {strides = array<i32>} : memref<9280xf32, #tpu.memory_space<vmem>>, vector<16xf32>,
        %neg3A_2565 = arith.constant 0.000000e+00 : f32
        %neg3A_2566 = vector.broadcast %neg3A_2565 : f32 to vector<16xf32>
        %neg3A_2567 = arith.subf %neg3A_2566, %get3A_2564 : vector<16xf32>
        %mul3A_2568 = arith.constant 16 : i32
        %mul3A_2569 = arith.muli %while3A_2556, %mul3A_2568 : i32
        %sub3A_2570 = arith.subi %scan3A_912#3, %mul3A_2569 : i32
        %lt3A_2571 = vector.broadcast %sub3A_2570 : i32 to vector<16xi32>
        %lt3A_2572 = arith.cmpi slt, %iota3A, %lt3A_2571 : vector<16xi32>
        %jit3A_2573 = arith.constant -3.000000e+38 : f32
        %broadcast_in_dim3A_2574 = vector.broadcast %jit3A_2573 : f32 to vector<16xf32>
        %select_n3A_2575 = arith.select %lt3A_2572, %neg3A_2567, %broadcast_in_dim3A_2574 : vector<16xi1>, vector<16xf32>
        %masked_sort3A_2576 = arith.constant dense<true> : vector<16xi1>
        %masked_sort3A_2577, %masked_sort3A_2578, %masked_sort3A_2579 = tpu.sort %select_n3A_2575, %select_n3A_2575 masked %masked_sort3A_2576 {descending = true} : (vector<16xf32>, vector<16xf32>, vector<16xi1>) -> (vector<16xi1>, vector<16xf32>, vector<16xf32>)
        %rev3A_2580 = arith.constant 15 : i32
        %rev3A_2581 = vector.broadcast %rev3A_2580 : i32 to vector<16xi32>
        %rev3A_2582 = tpu.iota {dimensions = array<i32: 0>} : vector<16xi32>
        %rev3A_2583 = arith.subi %rev3A_2581, %rev3A_2582 : vector<16xi32>
        %rev3A_2584 = tpu.dynamic_gather %masked_sort3A_2578[%rev3A_2583] in [0] : vector<16xf32>, vector<16xi32> -> vector<16xf32>
        %max3A_2585 = arith.maximumf %while3A_2558, %rev3A_2584 : vector<16xf32>
        %min3A_2586 = arith.minimumf %while3A_2558, %rev3A_2584 : vector<16xf32>
        %masked_sort3A_2587 = arith.constant dense<true> : vector<16xi1>
        %masked_sort3A_2588, %masked_sort3A_2589, %masked_sort3A_2590 = tpu.sort %max3A_2585, %max3A_2585 masked %masked_sort3A_2587 {descending = true} : (vector<16xf32>, vector<16xf32>, vector<16xi1>) -> (vector<16xi1>, vector<16xf32>, vector<16xf32>)
        %rev3A_2591 = arith.constant 15 : i32
        %rev3A_2592 = vector.broadcast %rev3A_2591 : i32 to vector<16xi32>
        %rev3A_2593 = tpu.iota {dimensions = array<i32: 0>} : vector<16xi32>
        %rev3A_2594 = arith.subi %rev3A_2592, %rev3A_2593 : vector<16xi32>
        %rev3A_2595 = tpu.dynamic_gather %masked_sort3A_2589[%rev3A_2594] in [0] : vector<16xf32>, vector<16xi32> -> vector<16xf32>
        %max3A_2596 = arith.maximumf %while3A_2557, %rev3A_2595 : vector<16xf32>
        %min3A_2597 = arith.minimumf %while3A_2557, %rev3A_2595 : vector<16xf32>
        %masked_sort3A_2598 = arith.constant dense<true> : vector<16xi1>
        %masked_sort3A_2599, %masked_sort3A_2600, %masked_sort3A_2601 = tpu.sort %max3A_2596, %max3A_2596 masked %masked_sort3A_2598 {descending = true} : (vector<16xf32>, vector<16xf32>, vector<16xi1>) -> (vector<16xi1>, vector<16xf32>, vector<16xf32>)
        %masked_sort3A_2602 = arith.constant dense<true> : vector<16xi1>
        %masked_sort3A_2603, %masked_sort3A_2604, %masked_sort3A_2605 = tpu.sort %min3A_2597, %min3A_2597 masked %masked_sort3A_2602 {descending = true} : (vector<16xf32>, vector<16xf32>, vector<16xi1>) -> (vector<16xi1>, vector<16xf32>, vector<16xf32>)
        scf.yield %masked_sort3A_2600, %masked_sort3A_2604 : vector<16xf32>, vector<16xf32>
      }
      %while3A_2491 = arith.constant 1 : i32
      %while3A_2492:2 = scf.for %while3A_2556 = %while3A_2488 to %while3A_2484 step %while3A_2491 iter_args(%while3A_2557 = %while3A_2490#0, %while3A_2558 = %while3A_2490#1) -> (vector<16xf32>, vector<16xf32>)  : i32 {
        %mul3A_2559 = arith.constant 16 : i32
        %mul3A_2560 = arith.muli %while3A_2556, %mul3A_2559 : i32
        %add3A_2561 = arith.constant 6960 : i32
        %add3A_2562 = arith.addi %add3A_2561, %mul3A_2560 : i32
        %get3A_2563 = arith.index_cast %add3A_2562 : i32 to index
        %get3A_2564 = tpu.vector_load %arg5[%get3A_2563] {strides = array<i32>} : memref<9280xf32, #tpu.memory_space<vmem>>, vector<16xf32>,
        %neg3A_2565 = arith.constant 0.000000e+00 : f32
        %neg3A_2566 = vector.broadcast %neg3A_2565 : f32 to vector<16xf32>
        %neg3A_2567 = arith.subf %neg3A_2566, %get3A_2564 : vector<16xf32>
        %mul3A_2568 = arith.constant 16 : i32
        %mul3A_2569 = arith.muli %while3A_2556, %mul3A_2568 : i32
        %sub3A_2570 = arith.subi %scan3A_912#3, %mul3A_2569 : i32
        %lt3A_2571 = vector.broadcast %sub3A_2570 : i32 to vector<16xi32>
        %lt3A_2572 = arith.cmpi slt, %iota3A, %lt3A_2571 : vector<16xi32>
        %jit3A_2573 = arith.constant -3.000000e+38 : f32
        %broadcast_in_dim3A_2574 = vector.broadcast %jit3A_2573 : f32 to vector<16xf32>
        %select_n3A_2575 = arith.select %lt3A_2572, %neg3A_2567, %broadcast_in_dim3A_2574 : vector<16xi1>, vector<16xf32>
        %masked_sort3A_2576 = arith.constant dense<true> : vector<16xi1>
        %masked_sort3A_2577, %masked_sort3A_2578, %masked_sort3A_2579 = tpu.sort %select_n3A_2575, %select_n3A_2575 masked %masked_sort3A_2576 {descending = true} : (vector<16xf32>, vector<16xf32>, vector<16xi1>) -> (vector<16xi1>, vector<16xf32>, vector<16xf32>)
        %rev3A_2580 = arith.constant 15 : i32
        %rev3A_2581 = vector.broadcast %rev3A_2580 : i32 to vector<16xi32>
        %rev3A_2582 = tpu.iota {dimensions = array<i32: 0>} : vector<16xi32>
        %rev3A_2583 = arith.subi %rev3A_2581, %rev3A_2582 : vector<16xi32>
        %rev3A_2584 = tpu.dynamic_gather %masked_sort3A_2578[%rev3A_2583] in [0] : vector<16xf32>, vector<16xi32> -> vector<16xf32>
        %max3A_2585 = arith.maximumf %while3A_2558, %rev3A_2584 : vector<16xf32>
        %min3A_2586 = arith.minimumf %while3A_2558, %rev3A_2584 : vector<16xf32>
        %masked_sort3A_2587 = arith.constant dense<true> : vector<16xi1>
        %masked_sort3A_2588, %masked_sort3A_2589, %masked_sort3A_2590 = tpu.sort %max3A_2585, %max3A_2585 masked %masked_sort3A_2587 {descending = true} : (vector<16xf32>, vector<16xf32>, vector<16xi1>) -> (vector<16xi1>, vector<16xf32>, vector<16xf32>)
        %rev3A_2591 = arith.constant 15 : i32
        %rev3A_2592 = vector.broadcast %rev3A_2591 : i32 to vector<16xi32>
        %rev3A_2593 = tpu.iota {dimensions = array<i32: 0>} : vector<16xi32>
        %rev3A_2594 = arith.subi %rev3A_2592, %rev3A_2593 : vector<16xi32>
        %rev3A_2595 = tpu.dynamic_gather %masked_sort3A_2589[%rev3A_2594] in [0] : vector<16xf32>, vector<16xi32> -> vector<16xf32>
        %max3A_2596 = arith.maximumf %while3A_2557, %rev3A_2595 : vector<16xf32>
        %min3A_2597 = arith.minimumf %while3A_2557, %rev3A_2595 : vector<16xf32>
        %masked_sort3A_2598 = arith.constant dense<true> : vector<16xi1>
        %masked_sort3A_2599, %masked_sort3A_2600, %masked_sort3A_2601 = tpu.sort %max3A_2596, %max3A_2596 masked %masked_sort3A_2598 {descending = true} : (vector<16xf32>, vector<16xf32>, vector<16xi1>) -> (vector<16xi1>, vector<16xf32>, vector<16xf32>)
        %masked_sort3A_2602 = arith.constant dense<true> : vector<16xi1>
        %masked_sort3A_2603, %masked_sort3A_2604, %masked_sort3A_2605 = tpu.sort %min3A_2597, %min3A_2597 masked %masked_sort3A_2602 {descending = true} : (vector<16xf32>, vector<16xf32>, vector<16xi1>) -> (vector<16xi1>, vector<16xf32>, vector<16xf32>)
        scf.yield %masked_sort3A_2600, %masked_sort3A_2604 : vector<16xf32>, vector<16xf32>
      }
      %reduce_sum3A_2493 = arith.constant true
      %reduce_sum3A_2494 = vector.broadcast %reduce_sum3A_2493 : i1 to vector<16xi1>
      %reduce_sum3A_2495 = tpu.scan <sum>, %while3A_2477#0 masked %reduce_sum3A_2494 : vector<16xf32>, vector<16xi1> -> vector<16xf32>
      %reduce_sum3A_2496 = vector.extract %reduce_sum3A_2495[15] : f32 from vector<16xf32>
      %lt3A_2497 = arith.constant 4 : i32
      %lt3A_2498 = vector.broadcast %lt3A_2497 : i32 to vector<16xi32>
      %lt3A_2499 = arith.cmpi slt, %iota3A, %lt3A_2498 : vector<16xi32>
      %jit3A_2500 = arith.constant 0.000000e+00 : f32
      %broadcast_in_dim3A_2501 = vector.broadcast %jit3A_2500 : f32 to vector<16xf32>
      %select_n3A_2502 = arith.select %lt3A_2499, %while3A_2477#1, %broadcast_in_dim3A_2501 : vector<16xi1>, vector<16xf32>
      %reduce_sum3A_2503 = arith.constant true
      %reduce_sum3A_2504 = vector.broadcast %reduce_sum3A_2503 : i1 to vector<16xi1>
      %reduce_sum3A_2505 = tpu.scan <sum>, %select_n3A_2502 masked %reduce_sum3A_2504 : vector<16xf32>, vector<16xi1> -> vector<16xf32>
      %reduce_sum3A_2506 = vector.extract %reduce_sum3A_2505[15] : f32 from vector<16xf32>
      %add3A_2507 = arith.addf %reduce_sum3A_2496, %reduce_sum3A_2506 : f32
      %reduce_sum3A_2508 = arith.constant true
      %reduce_sum3A_2509 = vector.broadcast %reduce_sum3A_2508 : i1 to vector<16xi1>
      %reduce_sum3A_2510 = tpu.scan <sum>, %while3A_2492#0 masked %reduce_sum3A_2509 : vector<16xf32>, vector<16xi1> -> vector<16xf32>
      %reduce_sum3A_2511 = vector.extract %reduce_sum3A_2510[15] : f32 from vector<16xf32>
      %lt3A_2512 = arith.constant 4 : i32
      %lt3A_2513 = vector.broadcast %lt3A_2512 : i32 to vector<16xi32>
      %lt3A_2514 = arith.cmpi slt, %iota3A, %lt3A_2513 : vector<16xi32>
      %jit3A_2515 = arith.constant 0.000000e+00 : f32
      %broadcast_in_dim3A_2516 = vector.broadcast %jit3A_2515 : f32 to vector<16xf32>
      %select_n3A_2517 = arith.select %lt3A_2514, %while3A_2492#1, %broadcast_in_dim3A_2516 : vector<16xi1>, vector<16xf32>
      %reduce_sum3A_2518 = arith.constant true
      %reduce_sum3A_2519 = vector.broadcast %reduce_sum3A_2518 : i1 to vector<16xi1>
      %reduce_sum3A_2520 = tpu.scan <sum>, %select_n3A_2517 masked %reduce_sum3A_2519 : vector<16xf32>, vector<16xi1> -> vector<16xf32>
      %reduce_sum3A_2521 = vector.extract %reduce_sum3A_2520[15] : f32 from vector<16xf32>
      %add3A_2522 = arith.addf %reduce_sum3A_2511, %reduce_sum3A_2521 : f32
      %neg3A_2523 = arith.constant 0.000000e+00 : f32
      %neg3A_2524 = arith.subf %neg3A_2523, %add3A_2522 : f32
      %mul3A_2525 = arith.constant 5.000000e-02 : f32
      %mul3A_2526 = arith.mulf %add3A_2507, %mul3A_2525 : f32
      %mul3A_2527 = arith.constant 3.500000e-02 : f32
      %mul3A_2528 = arith.mulf %neg3A_2524, %mul3A_2527 : f32
      %add3A_2529 = arith.addf %mul3A_2526, %mul3A_2528 : f32
      %mul3A_2530 = arith.constant 5.000000e-01 : f32
      %mul3A_2531 = arith.mulf %add3A_2529, %mul3A_2530 : f32
      %add3A_2532 = arith.constant 3 : i32
      %add3A_2533 = arith.addi %mul3A_63, %add3A_2532 : i32
      %eq3A_2534 = vector.broadcast %add3A_2533 : i32 to vector<16xi32>
      %eq3A_2535 = arith.cmpi eq, %iota3A, %eq3A_2534 : vector<16xi32>
      %broadcast_in_dim3A_2536 = vector.broadcast %mul3A_2531 : f32 to vector<16xf32>
      %select_n3A_2537 = arith.select %eq3A_2535, %broadcast_in_dim3A_2536, %select_n3A_2462 : vector<16xi1>, vector<16xf32>
      %add3A_2538 = arith.addf %scan3A_51, %select_n3A_2537 : vector<16xf32>
      %eq3A_2539 = arith.constant 3 : i32
      %eq3A_2540 = arith.cmpi eq, %and3A_61, %eq3A_2539 : i32
      %convert_element_type3A_2541 = arith.extui %eq3A_2540 : i1 to i32
      %cond3A_2542 = arith.constant 0 : i32
      %cond3A_2543 = arith.cmpi ne, %convert_element_type3A_2541, %cond3A_2542 : i32
      scf.if %cond3A_2543 {
        %shift_right_logical3A_2556 = arith.constant 2 : i32
        %shift_right_logical3A_2557 = arith.shrui %scan3A_50, %shift_right_logical3A_2556 : i32
        %shift_left3A = arith.constant 4 : i32
        %shift_left3A_2558 = arith.shli %shift_right_logical3A_2557, %shift_left3A : i32
        %swap3A = arith.index_cast %shift_left3A_2558 : i32 to index
        %swap3A_2559 = tpu.vector_load %arg6[%swap3A] {strides = array<i32>} : memref<384xf32, #tpu.memory_space<vmem>>, vector<16xf32>,
        tpu.vector_store %arg6[%swap3A], %add3A_2538 {strides = array<i32>} : memref<384xf32, #tpu.memory_space<vmem>>, vector<16xf32>,
      } else {
      }
      %eq3A_2544 = arith.constant 3 : i32
      %eq3A_2545 = arith.cmpi eq, %and3A_61, %eq3A_2544 : i32
      %broadcast_in_dim3A_2546 = arith.constant 0.000000e+00 : f32
      %broadcast_in_dim3A_2547 = vector.broadcast %broadcast_in_dim3A_2546 : f32 to vector<16xf32>
      %select_n3A_2548 = arith.select %eq3A_2545, %broadcast_in_dim3A_2547, %add3A_2538 : vector<16xf32>
      %add3A_2549 = arith.constant 2 : i32
      %add3A_2550 = arith.addi %scan3A_50, %add3A_2549 : i32
      %lt3A_2551 = arith.constant 96 : i32
      %lt3A_2552 = arith.cmpi slt, %add3A_2550, %lt3A_2551 : i32
      %convert_element_type3A_2553 = arith.extui %lt3A_2552 : i1 to i32
      %cond3A_2554 = arith.constant 0 : i32
      %cond3A_2555 = arith.cmpi ne, %convert_element_type3A_2553, %cond3A_2554 : i32
      scf.if %cond3A_2555 {
        %eq3A_2556 = arith.constant 0 : i32
        %eq3A_2557 = arith.cmpi eq, %and3A_52, %eq3A_2556 : i32
        %convert_element_type3A_2558 = arith.extui %eq3A_2557 : i1 to i32
        %cond3A_2559 = arith.constant 0 : i32
        %cond3A_2560 = arith.cmpi ne, %convert_element_type3A_2558, %cond3A_2559 : i32
        scf.if %cond3A_2560 {
          %add3A_2566 = arith.constant 2 : i32
          %add3A_2567 = arith.addi %scan3A_50, %add3A_2566 : i32
          %mul3A_2568 = arith.constant 16 : i32
          %mul3A_2569 = arith.muli %add3A_2567, %mul3A_2568 : i32
          %add3A_2570 = arith.addi %mul3A_4, %mul3A_2569 : i32
          %dma_start3A_2571 = arith.constant 0 : i32
          %dma_start3A_2572 = arith.constant 0 : i32
          %dma_start3A_2573 = arith.constant 0 : i32
          %dma_start3A_2574 = arith.constant 0 : i32
          %dma_start3A_2575 = tpu.memref_slice %arg4[%dma_start3A_2571, %dma_start3A_2572, %dma_start3A_2573, %dma_start3A_2574] : memref<2x16x24x24xf32, #tpu.memory_space<vmem>> -> memref<1x16x24x24xf32, #tpu.memory_space<vmem>>
          %dma_start3A_2576 = tpu.memref_squeeze %dma_start3A_2575 : memref<1x16x24x24xf32, #tpu.memory_space<vmem>> -> memref<16x24x24xf32, #tpu.memory_space<vmem>>
          %dma_start3A_2577 = arith.constant 0 : i32
          %dma_start3A_2578 = arith.constant 0 : i32
          %dma_start3A_2579 = tpu.memref_slice %arg2[%add3A_2570, %dma_start3A_2577, %dma_start3A_2578] : memref<49152x24x24xf32, #tpu.memory_space<hbm>> -> memref<16x24x24xf32, #tpu.memory_space<hbm>>
          %dma_start3A_2580 = arith.constant 0 : i32
          %dma_start3A_2581 = arith.constant 0 : i32
          %dma_start3A_2582 = arith.constant 0 : i32
          %dma_start3A_2583 = tpu.memref_slice %arg4[%dma_start3A_2571, %dma_start3A_2580, %dma_start3A_2581, %dma_start3A_2582] : memref<2x16x24x24xf32, #tpu.memory_space<vmem>> -> memref<1x16x24x24xf32, #tpu.memory_space<vmem>>
          %dma_start3A_2584 = tpu.memref_squeeze %dma_start3A_2583 : memref<1x16x24x24xf32, #tpu.memory_space<vmem>> -> memref<16x24x24xf32, #tpu.memory_space<vmem>>
          %dma_start3A_2585 = arith.constant 0 : i32
          %dma_start3A_2586 = arith.constant 0 : i32
          %dma_start3A_2587 = tpu.memref_slice %arg2[%add3A_2570, %dma_start3A_2585, %dma_start3A_2586] : memref<49152x24x24xf32, #tpu.memory_space<hbm>> -> memref<16x24x24xf32, #tpu.memory_space<hbm>>
          tpu.enqueue_dma source(%dma_start3A_2587 : memref<16x24x24xf32, #tpu.memory_space<hbm>>) target(%dma_start3A_2584 : memref<16x24x24xf32, #tpu.memory_space<vmem>>) target_semaphore(%arg7 : memref<!tpu.dma_semaphore, #tpu.memory_space<semaphore_mem>>)
        } else {
        }
        %eq3A_2561 = arith.constant 1 : i32
        %eq3A_2562 = arith.cmpi eq, %and3A_52, %eq3A_2561 : i32
        %convert_element_type3A_2563 = arith.extui %eq3A_2562 : i1 to i32
        %cond3A_2564 = arith.constant 0 : i32
        %cond3A_2565 = arith.cmpi ne, %convert_element_type3A_2563, %cond3A_2564 : i32
        scf.if %cond3A_2565 {
          %add3A_2566 = arith.constant 2 : i32
          %add3A_2567 = arith.addi %scan3A_50, %add3A_2566 : i32
          %mul3A_2568 = arith.constant 16 : i32
          %mul3A_2569 = arith.muli %add3A_2567, %mul3A_2568 : i32
          %add3A_2570 = arith.addi %mul3A_4, %mul3A_2569 : i32
          %dma_start3A_2571 = arith.constant 1 : i32
          %dma_start3A_2572 = arith.constant 0 : i32
          %dma_start3A_2573 = arith.constant 0 : i32
          %dma_start3A_2574 = arith.constant 0 : i32
          %dma_start3A_2575 = tpu.memref_slice %arg4[%dma_start3A_2571, %dma_start3A_2572, %dma_start3A_2573, %dma_start3A_2574] : memref<2x16x24x24xf32, #tpu.memory_space<vmem>> -> memref<1x16x24x24xf32, #tpu.memory_space<vmem>>
          %dma_start3A_2576 = tpu.memref_squeeze %dma_start3A_2575 : memref<1x16x24x24xf32, #tpu.memory_space<vmem>> -> memref<16x24x24xf32, #tpu.memory_space<vmem>>
          %dma_start3A_2577 = arith.constant 0 : i32
          %dma_start3A_2578 = arith.constant 0 : i32
          %dma_start3A_2579 = tpu.memref_slice %arg2[%add3A_2570, %dma_start3A_2577, %dma_start3A_2578] : memref<49152x24x24xf32, #tpu.memory_space<hbm>> -> memref<16x24x24xf32, #tpu.memory_space<hbm>>
          %dma_start3A_2580 = arith.constant 0 : i32
          %dma_start3A_2581 = arith.constant 0 : i32
          %dma_start3A_2582 = arith.constant 0 : i32
          %dma_start3A_2583 = tpu.memref_slice %arg4[%dma_start3A_2571, %dma_start3A_2580, %dma_start3A_2581, %dma_start3A_2582] : memref<2x16x24x24xf32, #tpu.memory_space<vmem>> -> memref<1x16x24x24xf32, #tpu.memory_space<vmem>>
          %dma_start3A_2584 = tpu.memref_squeeze %dma_start3A_2583 : memref<1x16x24x24xf32, #tpu.memory_space<vmem>> -> memref<16x24x24xf32, #tpu.memory_space<vmem>>
          %dma_start3A_2585 = arith.constant 0 : i32
          %dma_start3A_2586 = arith.constant 0 : i32
          %dma_start3A_2587 = tpu.memref_slice %arg2[%add3A_2570, %dma_start3A_2585, %dma_start3A_2586] : memref<49152x24x24xf32, #tpu.memory_space<hbm>> -> memref<16x24x24xf32, #tpu.memory_space<hbm>>
          tpu.enqueue_dma source(%dma_start3A_2587 : memref<16x24x24xf32, #tpu.memory_space<hbm>>) target(%dma_start3A_2584 : memref<16x24x24xf32, #tpu.memory_space<vmem>>) target_semaphore(%arg8 : memref<!tpu.dma_semaphore, #tpu.memory_space<semaphore_mem>>)
        } else {
        }
      } else {
      }
      scf.yield %select_n3A_2548 : vector<16xf32>
    }
    %scan3A_47 = arith.constant 96 : i32
    %mul3A_48 = arith.constant 384 : i32
    %mul3A_49 = arith.muli %add3A, %mul3A_48 : i32
    "tpu.region"() ({
      %run_scoped3A = tpu.sem_alloc : memref<!tpu.dma_semaphore, #tpu.memory_space<semaphore_mem>>
      %dma_start3A_50 = tpu.memref_slice %arg3[%mul3A_49] : memref<12288xf32, #tpu.memory_space<hbm>> -> memref<384xf32, #tpu.memory_space<hbm>>
      %dma_start3A_51 = tpu.memref_slice %arg3[%mul3A_49] : memref<12288xf32, #tpu.memory_space<hbm>> -> memref<384xf32, #tpu.memory_space<hbm>>
      tpu.enqueue_dma source(%arg6 : memref<384xf32, #tpu.memory_space<vmem>>) target(%dma_start3A_51 : memref<384xf32, #tpu.memory_space<hbm>>) target_semaphore(%run_scoped3A : memref<!tpu.dma_semaphore, #tpu.memory_space<semaphore_mem>>)
      %dma_wait3A = tpu.memref_slice %arg3[%mul3A_49] : memref<12288xf32, #tpu.memory_space<hbm>> -> memref<384xf32, #tpu.memory_space<hbm>>
      %dma_wait3A_52 = tpu.memref_slice %arg3[%mul3A_49] : memref<12288xf32, #tpu.memory_space<hbm>> -> memref<384xf32, #tpu.memory_space<hbm>>
      tpu.wait_dma2 semaphore(%run_scoped3A : memref<!tpu.dma_semaphore, #tpu.memory_space<semaphore_mem>>) src(%arg6 : memref<384xf32, #tpu.memory_space<vmem>>) dst(%dma_wait3A_52 : memref<384xf32, #tpu.memory_space<hbm>>)
      tpu.yield
    }) : () -> ()
    return
  }
}

</mosaic_0001>

<sc_bundles>
// kernel: kernel.3.cloned.1.call-start
scs
__scs_entry_jumppad:
0x0: {  	(pc) =	sbr.rel $0x88, $3  }
0x1: {  	(tag) =	ssettag $0x0;
	lr =	simm.s32 $0x1  }
0x2: {  	[smem:$0x3FA0] =	sst lr;
	_ =	strace $0xD0000000  }
0x3: {  	_ = 	snop  }
0x4: {  	_ = 	snop  }
0x5: {  	_ = 	snop  }
0x6: {  	_ = 	snop  }
0x7: {  	_ = 	snop  }
__scs_overlays_trampoline_lowered:
0x8: {  	[smem:$0x3FAF] =	sst s0  }
0x9: {  	[smem:$0x3FB0] =	sst s1  }
0xa: {  	[smem:$0x3FB1] =	sst s2  }
0xb: {  	[smem:$0x3FB2] =	sst s3  }
0xc: {  	[smem:$0x3FB3] =	sst s4  }
0xd: {  	[smem:$0x3FB4] =	sst s5  }
0xe: {  	[smem:$0x3FB5] =	sst s6  }
0xf: {  	[smem:$0x3FB6] =	sst s7  }
0x10: {  	[smem:$0x3FB7] =	sst s8  }
0x11: {  	[smem:$0x3FB8] =	sst s9;
	s0 =	simm.s32 @!p0 $0x0  }
0x12: {  	s1 =	sld [smem:$0x3F9E];
	s0 =	simm.s32 @p0 $0x1  }
0x13: {  	[smem:$0x3FB9] =	sst s0;
	s0 =	simm.s32 @!p1 $0x0  }
0x14: {  	s2 =	sld [smem:$0x3F9D];
	s0 =	simm.s32 @p1 $0x1  }
0x15: {  	[smem:$0x3FBA] =	sst s0;
	s0 =	simm.s32 @!p2 $0x0  }
0x16: {  	s3 =	sld [smem:$0x3FDB];
	s0 =	simm.s32 @p2 $0x1  }
0x17: {  	s4 =	simm.s32 $0x1BF5;
	[smem:$0x3FBC] =	sst s0  }
0x18: {  	s0 =	sld [smem:$0x3F9F];
	_ =	swait.ge [sflag:s4], $0x0  }
0x19: {  	s7 =	sld [smem:$0x3FA0]  }
0x1a: {  	s8 =	sadd.s32 $0xFFFFE003, lr  }
0x1b: {  	s9 =	sadd.s32 $0xFFFFFEF7, lr;
	s5 =	simm.s32 $0xFFFFFFFF;
	p2 =	slt.u32 s8, $0xFFFFF086  }
0x1c: {  	p1 =	slt.u32 s9, $0xF7A;
	s5 =	simm.s32 @!p2 $0x0  }
0x1d: {  	s5 =	simm.s32 @p1 $0x1;
	p0 =	seq.s32 s7, s2  }
0x1e: {  	s7 =	smul.u32 @!p0 $0xF7A, s2;
	p2 =	seq.s32 @!p0 s5, $0x0  }
0x1f: {  	s9 =	smul.u32 $0xF7A, s1;
	s8 =	simm.s32 @!p0 $0x1BF5;
	p2 =	por !p2, p0  }
0x20: {  	[sflag:s8] =	ssyncset.s32 @!p0 $0xFFFFF086;
	s6 =	sadd.s32 @!p0 s3, s7;
	s7 =	simm.s32 @!p0 $0x108  }
0x21: {  	s3 =	sadd.s32 s3, s9;
	s6 =	sadd.s32 @!p0 $0x88, s6;
	s7 =	simm.s32 @p2 $0x1082  }
0x22: {  	[simem:s7], [sflag:s8] =	dma.local @!p0 [hbm:s6], $0xF7A  }
0x23: {  	s9 =	sor.u32 $0xD0000000, s2;
	s6 =	simm.s32 $0x108;
	_ =	swait.ge @!p0 [sflag:s8], $0x0  }
0x24: {  	s3 =	sadd.s32 $0x88, s3;
	s6 =	simm.s32 @!p1 $0x1082;
	[sflag:s4] =	ssyncset.s32 $0xFFFFF086  }
0x25: {  	[simem:s6], [sflag:s4] =	dma.local [hbm:s3], $0xF7A  }
0x26: {  	[smem:$0x3FA0] =	sst s1;
	(tag) =	ssettag s2;
	_ =	strace s9  }
0x27: {  	s1 =	sld [smem:$0x3FB0]  }
0x28: {  	s2 =	sld [smem:$0x3FB1]  }
0x29: {  	s4 =	sld [smem:$0x3FB3]  }
0x2a: {  	p0 =	seq.s32 s5, $0x0;
	s5 =	sld [smem:$0x3FB4]  }
0x2b: {  	s6 =	sld [smem:$0x3FB5]  }
0x2c: {  	s7 =	sld [smem:$0x3FB6]  }
0x2d: {  	s3 =	simm.s32 $0x108;
	s8 =	sld [smem:$0x3FB7]  }
0x2e: {  	s3 =	simm.s32 @!p0 $0x1082;
	s9 =	sld [smem:$0x3FB8]  }
0x2f: {  	lr =	sadd.s32 s0, s3;
	s0 =	sld [smem:$0x3FAF]  }
0x30: {  	s3 =	sld [smem:$0x3FB2]  }
0x31: {  	[smem:$0x3FBB] =	sst s10  }
0x32: {  	s10 =	sld [smem:$0x3FB9];
	_ =	sdelay $0x3  }
0x33: {  	p0 =	seq.s32 s10, $0x1;
	s10 =	sld [smem:$0x3FBB];
	_ =	sdelay $0x3  }
0x34: {  	[smem:$0x3FBB] =	sst s10  }
0x35: {  	s10 =	sld [smem:$0x3FBA];
	_ =	sdelay $0x3  }
0x36: {  	p1 =	seq.s32 s10, $0x1;
	s10 =	sld [smem:$0x3FBB];
	_ =	sdelay $0x3  }
0x37: {  	[smem:$0x3FBB] =	sst s10  }
0x38: {  	s10 =	sld [smem:$0x3FBC]  }
0x39: {  	_ = 	snop;
	(pc) =	sbr.ind lr, $3  }
0x3a: {  	_ = 	snop  }
0x3b: {  	_ = 	snop  }
0x3c: {  	p2 =	seq.s32 s10, $0x1;
	s10 =	sld [smem:$0x3FBB]  }
0x3d: {  	_ =	shalt  }
0x3e: {  	_ =	shalt  }
0x3f: {  	_ =	shalt  }
0x40: {  	_ =	shalt  }
0x41: {  	_ =	shalt  }
0x42: {  	_ =	shalt  }
0x43: {  	_ =	shalt  }
0x44: {  	_ =	shalt  }
0x45: {  	_ =	shalt  }
0x46: {  	_ =	shalt  }
0x47: {  	_ =	shalt  }
0x48: {  	_ =	shalt  }
0x49: {  	_ =	shalt  }
0x4a: {  	_ =	shalt  }
0x4b: {  	_ =	shalt  }
0x4c: {  	_ =	shalt  }
0x4d: {  	_ =	shalt  }
0x4e: {  	_ =	shalt  }
0x4f: {  	_ =	shalt  }
0x50: {  	_ =	shalt  }
0x51: {  	_ =	shalt  }
0x52: {  	_ =	shalt  }
0x53: {  	_ =	shalt  }
0x54: {  	_ =	shalt  }
0x55: {  	_ =	shalt  }
0x56: {  	_ =	shalt  }
0x57: {  	_ =	shalt  }
0x58: {  	_ =	shalt  }
0x59: {  	_ =	shalt  }
0x5a: {  	_ =	shalt  }
0x5b: {  	_ =	shalt  }
0x5c: {  	_ =	shalt  }
0x5d: {  	_ =	shalt  }
0x5e: {  	_ =	shalt  }
0x5f: {  	_ =	shalt  }
0x60: {  	_ =	shalt  }
0x61: {  	_ =	shalt  }
0x62: {  	_ =	shalt  }
0x63: {  	_ =	shalt  }
0x64: {  	_ =	shalt  }
0x65: {  	_ =	shalt  }
0x66: {  	_ =	shalt  }
0x67: {  	_ =	shalt  }
0x68: {  	_ =	shalt  }
0x69: {  	_ =	shalt  }
0x6a: {  	_ =	shalt  }
0x6b: {  	_ =	shalt  }
0x6c: {  	_ =	shalt  }
0x6d: {  	_ =	shalt  }
0x6e: {  	_ =	shalt  }
0x6f: {  	_ =	shalt  }
0x70: {  	_ =	shalt  }
0x71: {  	_ =	shalt  }
0x72: {  	_ =	shalt  }
0x73: {  	_ =	shalt  }
0x74: {  	_ =	shalt  }
0x75: {  	_ =	shalt  }
0x76: {  	_ =	shalt  }
0x77: {  	_ =	shalt  }
0x78: {  	_ =	shalt  }
0x79: {  	_ =	shalt  }
0x7a: {  	_ =	shalt  }
0x7b: {  	_ =	shalt  }
0x7c: {  	_ =	shalt  }
0x7d: {  	_ =	shalt  }
0x7e: {  	_ =	shalt  }
0x7f: {  	_ =	shalt  }
0x80: {  	_ =	shalt  }
0x81: {  	_ =	shalt  }
0x82: {  	_ =	shalt  }
0x83: {  	_ =	shalt  }
0x84: {  	_ =	shalt  }
0x85: {  	_ =	shalt  }
0x86: {  	_ =	shalt  }
0x87: {  	_ =	shalt  }
.Lfunc_end0:
.L_simem_size_0:
called_computation_lowered:
.L_overlay_start_0:
0x88: {  	s2 =	sld [smem:$0x3FD9]  }
0x89: {  	s3 =	sld [smem:$0x3FFE];
	_ =	sdelay $0x1  }
0x8a: {  	s1 =	srdreg.scid  }
0x8b: {  	s0 =	sand.u32 $0x1, s1  }
0x8c: {  	s16 =	sshll.u32 s0, $0xA;
	s2 =	sadd.s32 s3, s2  }
0x8d: {  	s2 =	sadd.s32 s2, s16  }
0x8e: {  	[smem:$0x3FC7] =	sst s2  }
0x8f: {  	_ = 	snop  }
0x90: {  	(tm) =	ssettm $0x1  }
0x91: {  	s17 =	sld [smem:$0x3FFB];
	_ =	sdelay $0x3  }
0x92: {  	_ =	strace s17  }
0x93: {  	s2 =	sld [smem:$0x3FFC];
	_ =	sdelay $0x3  }
0x94: {  	_ =	strace s2  }
0x95: {  	s2 =	sld [smem:$0x3FFD];
	_ =	sdelay $0x3  }
0x96: {  	_ =	strace s2  }
0x97: {  	_ =	strace $0x8FFFFFFF  }
0x98: {  	s18 =	sld [smem:$0x3FDB];
	_ =	sdelay $0x1  }
0x99: {  	s19 =	simm.s32 $_scs_section_size  }
0x9a: {  	s4 =	simm.s32 $_size__tile_overlayer_lowered;
	s5 =	simm.s32 $_tile_overlayer_lowered  }
0x9b: {  	s22 =	simm.s32 $0x1BFF;
	s21 =	sshll.u32 s5, $0x1;
	s2 =	sadd.s32 s19, s18  }
0x9c: {  	s6 =	simm.s32 $0x0;
	s20 =	sshll.u32 s4, $0x1;
	s4 =	sadd.s32 s21, s2  }
0x9d: {  	[timem:s6], [sflag:s22] =	dma.local [hbm:s4], s20  }
0x9e: {  	_ =	swait.ge [sflag:s22], s20  }
0x9f: {  	s3 =	ssub.s32 $0x0, s20;
	[sflag:s22] =	ssyncset.done $0x0  }
0xa0: {  	[sflag:s22] =	ssyncadd.s32 s3;
	_ =	sdelay $0x1  }
0xa1: {  	s23 =	simm.s32 $0x1B8B  }
0xa2: {  	_ =	swait.ge [sflag:s23], $0x1  }
0xa3: {  	[sflag:s23] =	ssyncset.done $0x0  }
0xa4: {  	s25 =	simm.s32 $0x1B8E;
	s24 =	sld [smem:$0x3FFE];
	[sflag:s23] =	ssyncadd.s32 $0xFFFFFFFF  }
0xa5: {  	s26 =	simm.s32 $execute0_lowered;
	[smem:$0x3FD2] =	sst s25  }
0xa6: {  	s4 =	sshll.u32 s26, $0x1;
	_ =	strace $0x80000046;
	[dreg:$0x1] =	wrdreg $0xFFFFFFFF  }
0xa7: {  	s28 =	simm.s32 $_size_execute0_lowered;
	s2 =	sadd.s32 s2, s4;
	[dreg:$0x0] =	wrdreg $0x0  }
0xa8: {  	s4 =	sshll.u32 s28, $0x1;
	[dreg:$0x2] =	wrdreg s2  }
0xa9: {  	[dreg:$0x3] =	wrdreg s4  }
0xaa: {  	[dreg:$0x4] =	wrdreg $0xC0  }
0xab: {  	_ =	task [dreg:s6], $0x5FFFF  }
0xac: {  	[dreg:$0x1] =	wrdreg $0xFFFFFFFF  }
0xad: {  	[dreg:$0x0] =	wrdreg $0x60  }
0xae: {  	[dreg:$0x2] =	wrdreg s24  }
0xaf: {  	[dreg:$0x3] =	wrdreg $0x9  }
0xb0: {  	_ =	task.clear_ibuf [dreg:s6], $0x4FFFF;
	_ =	strace $0x90000046  }
0xb1: {  	s29 =	simm.s32 $0x9;
	_ =	strace $0x80000048  }
0xb2: {  	_ =	swait.ge [sflag:s29], $0x1  }
0xb3: {  	[sflag:s29] =	ssyncadd.s32 $0xFFFFFFFF  }
0xb4: {  	_ =	strace $0x90000048  }
0xb5: {  	_ =	sfence  }
0xb6: {  	s30 =	sld [smem:$0x0];
	_ =	sdelay $0x2  }
0xb7: {  	s31 =	sshll.u32 s1, $0xD;
	s1 =	sshrl.u32 s1, $0x2  }
0xb8: {  	s3 =	sand.u32 $0x4000, s31;
	s1 =	sadd.s32 s1, s30  }
0xb9: {  	s0 =	sor.u32 s3, s0;
	s1 =	sshll.u32 s1, $0x11  }
0xba: {  	s0 =	sor.u32 s1, s0  }
0xbb: {  	s0 =	sadd.s32 $0x8F2B, s0  }
0xbc: {  	[sflag:s0] =	ssyncadd.remote.s32 $0x1  }
0xbd: {  	_ =	sfence.sel $0xFFFF  }
0xbe: {  	[dreg:$0x0] =	wrdreg $0xFFFFFFFF;
	(pc) =	sbr.abs _section_cstart, $3  }
0xbf: {  	[dreg:$0x1] =	wrdreg $0xFFFFFFFF  }
0xc0: {  	_ =	task.clear_ibuf [dreg:s6], $0x2FFFF;
	_ =	strace $0x9FFFFFFF  }
0xc1: {  	(tm) =	ssettm $0x7FFFFFFF  }
tec
execute0_lowered:
.L_overlay_start_1:
0x0: {  	(tag) =	ssettag $0x1  }
0x1: {  	s0 =	srdreg.scid;
	s2 =	stileid.u32  }
0x2: {  	s1 =	rddreg [dreg:$0x0];
	s3 =	simm.s32 $0x0;
	s31 =	simm.s32 $0x0  }
0x3: {  	s0 =	sand.u32 $0x1, s0;
	s2 =	sshll.u32 s2, $0x1;
	[smem:$0x7FF] =	sst s3  }
0x4: {  	s5 =	sadd.s32 $0x400, s1;
	s2 =	sor.u32 s0, s2;
	_ =	strace $0x80000047  }
0x5: {  	s0 =	ssub.s32 $0x2, s0;
	[dreg:$0x2] =	wrdreg s5;
	s4 =	smul.u32 $0x90000, s2  }
0x6: {  	[dreg:$0x8] =	wrdreg s31;
	s26 =	smul.u32 $0x30, s2;
	s28 =	sshrl.u32 s0, $0x1  }
0x7: {  	s2 =	smul.u32 $0x600, s2;
	s0 =	ssub.s32 s0, s28;
	s4 =	sadd.s32 s5, s4  }
.Ltmp0:
0x8: {  	s0 =	smax.u32 s0, $0x1;
	[dreg:$0x3] =	wrdreg s4;
	(pc) =	sbr.rel .LBB2_1-.Ltmp0, $4  }
0x9: {  	v0 =	vlaneseq.u32;
	s30 =	sor.u32 $0x20, s2;
	[dreg:$0x6] =	wrdreg s0  }
0xa: {  	v1 =	vmul.u32 $0xFFFFFFFF, v0;
	s1 =	sadd.s32 s26, s1;
	s29 =	sadd.s32 $0x1800, s4;
	[dreg:$0x7] =	wrdreg s30  }
0xb: {  	vm0 =	vmmov $0xff;
	s1 =	sadd.s32 $0x1200400, s1;
	[dreg:$0x4] =	wrdreg s29  }
0xc: {  	vm2 =	vcmask $0x3F20;
	v2 =	vimm.s32 $0x0;
	v1 =	vadd.s32 $0xF, v1;
	s0 =	simm.s32 $0x0;
	[dreg:$0x5] =	wrdreg s1  }
.LBB2_64:
0xd: {  	s0 =	simm.s32 $0x0  }
0xe: {  	s1 =	rddreg [dreg:$0x5];
	s2 =	simm.s32 $0x1A480;
	s30 =	simm.s32 $0x3  }
0xf: {  	[hbm4b:s1+s0] =	stream.linear.scatter [tilespmem:s2], [sflag:$0x3], $0x180, $0x38;
	[tilespmem:$0x1A600] =	vst v63  }
0x10: {  	_ =	swait.ge [sflag:s30], $0x180  }
0x11: {  	s3 =	rddreg [dreg:$0x8]  }
0x12: {  	s31 =	rddreg [dreg:$0x6];
	s3 =	sadd.s32 $0x1, s3  }
0x13: {  	p0 =	sne.s32 s3, s31  }
.Ltmp1:
0x14: {  	_ = 	snop;
	(pc) =	sbr.rel @!p0 .LBB2_65-.Ltmp1, $3  }
0x15: {  	_ =	sdelay $0x1  }
0x16: {  	[sflag:s30] =	ssyncset.done $0x0  }
0x17: {  	[sflag:s30] =	ssyncadd.s32 $0xFFFFFE80;
	[dreg:$0x8] =	wrdreg s3  }
.LBB2_1:
.Ltmp2:
0x18: {  	s1 =	rddreg [dreg:$0x3];
	(pc) =	sbr.rel .LBB2_2-.Ltmp2, $4  }
0x19: {  	s31 =	rddreg [dreg:$0x4]  }
0x1a: {  	[tilespmem:s0], [sflag:$0x1] =	stream.linear.gather [hbm4b:s1+s0], $0xC000, $0x38;
	[tilespmem:$0x1A600] =	vst v63  }
0x1b: {  	s2 =	simm.s32 $0xC000;
	p0 =	por $0x0, $0x0;
	s9 =	simm.s32 $0x0  }
0x1c: {  	v3 =	vimm.f32 $0.0e+00;
	[tilespmem:s2], [sflag:$0x2] =	stream.linear.gather [hbm4b:s31+s0], $0xC000, $0x38;
	[tilespmem:$0x1A600] =	vst v63  }
.LBB2_58:
0x1d: {  	s8 =	smov.u32 s10;
	v8 =	vmov v6  }
.LBB2_62:
0x1e: {  	s8 =	sadd.s32 @p1 $0xFFFFFFF0, s8  }
0x1f: {  	s10 =	smov.u32 @p1 s8  }
0x20: {  	v9 =	vsub.f32 $0.0e+00, v9;
	v11, _, _ =	vpop @p1 (xrf1);
	v10 =	vmov s10  }
0x21: {  	vm1 =	vgt.s32 v10, v0;
	v10 =	vperm.xlane @p1 v11, v1  }
0x22: {  	v9 =	vnsel vm1, $0xFF61B1E6, v9  }
0x23: {  	(xrf1) =	vsort.dscd.msk.f32 $0xffff, v9, v9;
	v9 =	vmin.f32 @p1 v8, v10  }
0x24: {  	(xrf1) =	vsort.dscd.msk.f32 @p1 $0xffff, v9, v9;
	_ =	sdelay $0xc  }
0x25: {  	v63, _, _ =	vpop (xrf1)  }
0x26: {  	v9 =	vperm.xlane v63, v1;
	v11, _, _ =	vpop @p1 (xrf1)  }
0x27: {  	v8 =	vmax.f32 @p1 v8, v10;
	v7 =	vpsel p1, v11, v7  }
0x28: {  	(xrf1) =	vsort.dscd.msk.f32 @p1 $0xffff, v8, v8;
	v7 =	vmax.f32 v7, v9  }
0x29: {  	(xrf1) =	vsort.dscd.msk.f32 $0xffff, v7, v7;
	_ =	sdelay $0xc  }
0x2a: {  	v7, _, _ =	vpop @p1 (xrf1)  }
0x2b: {  	v8, _, _ =	vpop (xrf1)  }
0x2c: {  	v8 =	vperm.xlane v8, v1  }
0x2d: {  	v6 =	vpsel p1, v7, v6  }
0x2e: {  	v7 =	vmin.f32 v6, v8  }
0x2f: {  	v6 =	vmax.f32 v6, v8;
	(xrf1) =	vsort.dscd.msk.f32 $0xffff, v7, v7  }
0x30: {  	(xrf1) =	vsort.dscd.msk.f32 $0xffff, v6, v6;
	_ =	sdelay $0xc  }
0x31: {  	v7, _, _ =	vpop (xrf1)  }
0x32: {  	v6, _, _ =	vpop (xrf1)  }
.LBB2_63:
0x33: {  	(xrf2) =	vadd.scan.msk.f32 $0xffff, v4;
	v4 =	vnsel vm3, $0x0, v5  }
0x34: {  	(xrf2) =	vadd.scan.msk.f32 $0xffff, v4  }
0x35: {  	v4 =	vnsel vm3, $0x0, v7;
	(xrf2) =	vadd.scan.msk.f32 $0xffff, v6  }
0x36: {  	(xrf2) =	vadd.scan.msk.f32 $0xffff, v4;
	_ =	sdelay $0x6  }
0x37: {  	v4, _, _ =	vpop (xrf2)  }
0x38: {  	v5, _, _ =	vpop (xrf2);
	(v2sf) =	vpush v4, $0xF  }
0x39: {  	v4, _, _ =	vpop (xrf2);
	(v2sf) =	vpush v5, $0xF  }
0x3a: {  	(v2sf) =	vpush v4, $0xF;
	v4, _, _ =	vpop (xrf2)  }
0x3b: {  	(v2sf) =	vpush v4, $0xF;
	_ =	sdelay $0x2  }
0x3c: {  	s8 =	sadd.f32 s17, s14  }
0x3d: {  	s9 =	sadd.f32 s15, s13  }
0x3e: {  	s4 =	sadd.f32 s5, s4  }
0x3f: {  	s2 =	sadd.f32 s3, s2  }
0x40: {  	s6 =	sadd.f32 s7, s6  }
0x41: {  	s0 =	sadd.f32 s1, s0  }
0x42: {  	s8 =	ssub.f32 $0.0e+00, s8  }
0x43: {  	s9 =	smul.f32 $5.000000070e-02, s9;
	s4 =	ssub.f32 $0.0e+00, s4  }
0x44: {  	s2 =	smul.f32 $5.000000070e-02, s2;
	s22 =	ssub.f32 $0.0e+00, s6  }
0x45: {  	s8 =	smul.f32 $3.500000010e-02, s8;
	s19 =	spop (v2sf)  }
0x46: {  	s0 =	smul.f32 $5.000000070e-02, s0;
	s20 =	spop (v2sf)  }
0x47: {  	s8 =	sadd.f32 s8, s9;
	s21 =	spop (v2sf)  }
0x48: {  	s9 =	rddreg [dreg:$0x9];
	s23 =	spop (v2sf)  }
0x49: {  	s4 =	smul.f32 $3.500000010e-02, s4;
	s3 =	sadd.f32 s23, s21  }
0x4a: {  	s1 =	smul.f32 $3.500000010e-02, s22;
	s5 =	sadd.f32 s20, s19  }
0x4b: {  	s8 =	smul.f32 $5.000000000e-01, s8;
	s3 =	ssub.f32 $0.0e+00, s3  }
0x4c: {  	s24 =	sand.u32 $0x3, s9;
	s5 =	smul.f32 $5.000000070e-02, s5  }
0x4d: {  	s2 =	sadd.f32 s4, s2;
	s25 =	sshll.u32 s24, $0x2;
	s3 =	smul.f32 $3.500000010e-02, s3  }
0x4e: {  	s0 =	sadd.f32 s1, s0;
	s26 =	sor.u32 $0x1, s25;
	v4 =	vmov s25  }
0x4f: {  	s28 =	smul.f32 $5.000000000e-01, s2;
	s29 =	sor.u32 $0x2, s25;
	v5 =	vmov s26;
	vm1 =	veq.s32 v4, v0;
	v4 =	vmov s8;
	s3 =	sadd.f32 s3, s5  }
0x50: {  	s0 =	smul.f32 $5.000000000e-01, s0;
	s30 =	sor.u32 $0x3, s25;
	v4 =	vnsel vm1, $0x0, v4;
	vm1 =	veq.s32 v5, v0;
	v5 =	vmov s29  }
0x51: {  	v4 =	vsel vm1, s28, v4;
	vm1 =	veq.s32 v5, v0;
	v5 =	vmov s30;
	s31 =	smul.f32 $5.000000000e-01, s3  }
0x52: {  	s1 =	rddreg [dreg:$0x7];
	p2 =	sgt.u32 s9, $0x5D;
	v4 =	vsel vm1, s0, v4;
	vm1 =	veq.s32 v5, v0  }
0x53: {  	p1 =	sne.s32 s24, $0x3;
	s2 =	rddreg [dreg:$0xa];
	s0 =	sshll.u32 @!p2 s9, $0x4;
	v4 =	vsel vm1, s31, v4  }
0x54: {  	p3 =	sne.s32 @!p2 s2, $0x0;
	s0 =	sadd.s32 @!p2 s1, s0;
	s1 =	sshll.u32 @!p1 s9, $0x2;
	v3 =	vadd.f32 v4, v3  }
0x55: {  	p4 =	por !p3, p2;
	s0 =	smul.u32 @!p2 $0x180, s0;
	s1 =	sand.u32 @!p1 $0x1F0, s1  }
0x56: {  	s2 =	simm.s32 @!p4 $0xC000;
	[tilespmem:s1+$0x1A480] =	vst @!p1 v3;
	s1 =	rddreg [dreg:$0x2]  }
0x57: {  	s0 =	sadd.s32 @!p2 s1, s0;
	s1 =	simm.s32 @!p4 $0x0;
	p2 =	por p3, p2  }
0x58: {  	[tilespmem:s2], [sflag:$0x2] =	stream.linear.gather @!p4 [hbm4b:s0+s1], $0xC000, $0x38;
	[tilespmem:$0x1A600] =	vst v63  }
0x59: {  	s9 =	sadd.s32 $0x1, s9;
	s1 =	simm.s32 @!p2 $0x0  }
0x5a: {  	[tilespmem:s1], [sflag:$0x1] =	stream.linear.gather @!p2 [hbm4b:s0+s1], $0xC000, $0x38;
	[tilespmem:$0x1A600] =	vst v63  }
0x5b: {  	p2 =	sne.s32 s9, $0x60  }
.Ltmp3:
0x5c: {  	_ = 	snop;
	(pc) =	sbr.rel @!p2 .LBB2_64-.Ltmp3, $2  }
0x5d: {  	_ =	sdelay $0x2  }
0x5e: {  	p0 =	por !p0, !p0;
	v3 =	vpsel !p1, $0x0, v3  }
.LBB2_2:
0x5f: {  	s0 =	simm.s32 $0x1  }
0x60: {  	s0 =	simm.s32 @!p0 $0x0  }
0x61: {  	s0 =	smul.u32 $0x30000, s0;
	_ =	sdelay $0x1  }
0x62: {  	s0 =	sshrl.u32 s0, $0x2  }
0x63: {  	s2 =	sand.u32 $0x1, s9;
	s1 =	sor.u32 $0x2408, s0  }
0x64: {  	[dreg:$0xa] =	wrdreg s2;
	p1 =	seq.s32 s2, $0x0;
	s2 =	simm.s32 $0x1;
	v5 =	vmov s1  }
0x65: {  	s2 =	simm.s32 @!p1 $0x2  }
0x66: {  	_ =	swait.ge [sflag:s2], $0xC000  }
0x67: {  	[sflag:s2] =	ssyncset.done $0x0  }
0x68: {  	s31 =	simm.s32 $0xFFFFF400;
	[sflag:s2] =	ssyncadd.s32 $0xFFFF4000  }
0x69: {  	v12 =	vld.idx.msk [tilespmem:v5+s31+$0xFFFFE7F8 ss:$0x1], $0xffff  }
0x6a: {  	v6 =	vld.idx.msk [tilespmem:v5+s31+$0x0 ss:$0x1], $0xffff  }
0x6b: {  	v7 =	vld.idx.msk [tilespmem:v5+s31+$0xC00 ss:$0x1], $0xffff  }
0x6c: {  	v9 =	vld.idx.msk [tilespmem:v5+s31+$0xFFFFE800 ss:$0x1], $0xffff  }
0x6d: {  	v10 =	vld.idx.msk [tilespmem:v5+s31+$0xFFFFF400 ss:$0x1], $0xffff  }
0x6e: {  	v15 =	vld.idx.msk [tilespmem:v5+s31+$0xFFFFFFF8 ss:$0x1], $0xffff  }
0x6f: {  	v17 =	vimm.f32 $-3.000000010e+38;
	v18 =	vld.idx.msk [tilespmem:v5+s31+$0xFFFFF3F8 ss:$0x1], $0xffff  }
0x70: {  	v23 =	vimm.f32 $3.000000010e+38;
	s1 =	simm.s32 $0xFFFFF480;
	v4 =	vld.idx.msk [tilespmem:v5+s31+$0xBF8 ss:$0x1], $0xffff  }
0x71: {  	v8 =	vld.idx.msk [tilespmem:v5+s1+$0xFFFFE7F8 ss:$0x1], $0xffff;
	v13 =	vsel vm0, $0xFF61B1E6, v6;
	v19 =	vsel vm0, $0x7F61B1E6, v6;
	v6 =	vsel vm0, $0xFF61B1E6, v7  }
0x72: {  	v11 =	vld.idx.msk [tilespmem:v5+s1+$0x0 ss:$0x1], $0xffff;
	v14 =	vsel vm0, $0xFF61B1E6, v9;
	v16 =	vsel vm0, $0x7F61B1E6, v9;
	v9 =	vsel vm0, $0x7F61B1E6, v7  }
0x73: {  	v7 =	vld.idx.msk [tilespmem:v5+s1+$0xC00 ss:$0x1], $0xffff;
	v20 =	vmax.f32 v17, v12;
	v24 =	vsel vm0, $0xFF61B1E6, v10;
	v25 =	vsel vm0, $0x7F61B1E6, v10  }
0x74: {  	v10 =	vld.idx.msk [tilespmem:v5+s1+$0xFFFFF400 ss:$0x1], $0xffff;
	v12 =	vmin.f32 v23, v12;
	v26 =	vmax.f32 v17, v18;
	v22 =	vmax.f32 v17, v14  }
0x75: {  	v14 =	vld.idx.msk [tilespmem:v5+s1+$0xFFFFE800 ss:$0x1], $0xffff;
	v21 =	vmax.f32 v20, v15;
	v20 =	vmax.f32 v22, v13;
	v22 =	vmin.f32 v23, v16  }
0x76: {  	v18 =	vmin.f32 v23, v18;
	v13 =	vld.idx.msk [tilespmem:v5+s1+$0xFFFFFFF8 ss:$0x1], $0xffff;
	v16 =	vmin.f32 v12, v15;
	v15 =	vmin.f32 v22, v19  }
0x77: {  	s2 =	simm.s32 $0xFFFFD400;
	v12 =	vld.idx.msk [tilespmem:v5+s1+$0xFFFFF3F8 ss:$0x1], $0xffff;
	v19 =	vmax.f32 v26, v4;
	v22 =	vmax.f32 v17, v24;
	v17 =	vmin.f32 v23, v25  }
.LBB2_3:
0x78: {  	p1 =	sne.s32 s2, $0xFFFFFE00;
	v22 =	vmax.f32 v22, v6;
	v18 =	vmin.f32 v18, v4;
	v4 =	vld.idx.msk [tilespmem:v5+s1+$0xBF8 ss:$0x1], $0xffff;
	s1 =	sshra.s32 s2, $0x2;
	v17 =	vmin.f32 v17, v9  }
0x79: {  	v23 =	vsel vm0, $0xFF61B1E6, v11;
	v24 =	vsel vm0, $0x7F61B1E6, v11;
	v6 =	vsel vm0, $0xFF61B1E6, v7;
	v25 =	vmovc v8;
	v8 =	vld.idx.msk [tilespmem:v5+s1+$0xFFFFE7F8 ss:$0x1], $0xffff  }
0x7a: {  	v9 =	vsel vm0, $0x7F61B1E6, v7;
	v26 =	vsel vm0, $0xFF61B1E6, v14;
	v27 =	vsel vm0, $0x7F61B1E6, v14;
	v11 =	vld.idx.msk [tilespmem:v5+s1+$0x0 ss:$0x1], $0xffff  }
.Ltmp4:
0x7b: {  	v21 =	vmax.f32 v21, v25;
	v20 =	vmax.f32 v20, v26;
	v26 =	vsel vm0, $0xFF61B1E6, v10;
	v7 =	vld.idx.msk [tilespmem:v5+s1+$0xC00 ss:$0x1], $0xffff;
	(pc) =	sbr.rel @p1 .LBB2_3-.Ltmp4, $4  }
0x7c: {  	v28 =	vsel vm0, $0x7F61B1E6, v10;
	v21 =	vmax.f32 v21, v13;
	v20 =	vmax.f32 v20, v23;
	v14 =	vld.idx.msk [tilespmem:v5+s1+$0xFFFFE800 ss:$0x1], $0xffff  }
0x7d: {  	v16 =	vmin.f32 v16, v25;
	v15 =	vmin.f32 v15, v27;
	v19 =	vmax.f32 v19, v12;
	v10 =	vld.idx.msk [tilespmem:v5+s1+$0xFFFFF400 ss:$0x1], $0xffff  }
0x7e: {  	v16 =	vmin.f32 v16, v13;
	v15 =	vmin.f32 v15, v24;
	v19 =	vmax.f32 v19, v4;
	v13 =	vld.idx.msk [tilespmem:v5+s1+$0xFFFFFFF8 ss:$0x1], $0xffff  }
0x7f: {  	s2 =	sadd.s32 $0x200, s2;
	v22 =	vmax.f32 v22, v26;
	v17 =	vmin.f32 v17, v28;
	v18 =	vmin.f32 v18, v12;
	v12 =	vld.idx.msk [tilespmem:v5+s1+$0xFFFFF3F8 ss:$0x1], $0xffff  }
0x80: {  	_ =	sdelay $0x1  }
0x81: {  	v21 =	vmax.f32 v21, v8;
	v23 =	vsel vm0, $0xFF61B1E6, v14  }
0x82: {  	v24 =	vsel vm0, $0xFF61B1E6, v11;
	v20 =	vmax.f32 v20, v23;
	v21 =	vmax.f32 v21, v13  }
0x83: {  	v20 =	vmax.f32 v20, v24;
	(xrf1) =	vsort.dscd.msk.f32 $0xffff, v21, v21  }
0x84: {  	(xrf1) =	vsort.dscd.msk.f32 $0xffff, v20, v20;
	_ =	sdelay $0x9  }
0x85: {  	v20 =	vld.idx.msk [tilespmem:v5+s1+$0xBF8 ss:$0x1], $0xffff;
	_ =	sdelay $0x2  }
0x86: {  	v5 =	vmax.f32 v22, v6;
	v6, _, _ =	vpop (xrf1)  }
0x87: {  	v21 =	vsel vm0, $0xFF61B1E6, v7;
	v19 =	vmax.f32 v19, v12;
	v22 =	vsel vm0, $0xFF61B1E6, v10;
	v23, _, _ =	vpop (xrf1)  }
0x88: {  	v5 =	vmax.f32 v5, v22;
	v19 =	vmax.f32 v19, v20;
	v22 =	vperm.xlane v23, v1  }
0x89: {  	v5 =	vmax.f32 v5, v21;
	(xrf1) =	vsort.dscd.msk.f32 $0xffff, v19, v19  }
0x8a: {  	(xrf1) =	vsort.dscd.msk.f32 $0xffff, v5, v5;
	v5 =	vmax.f32 v6, v22  }
0x8b: {  	v6 =	vmin.f32 v6, v22;
	(xrf1) =	vsort.dscd.msk.f32 $0xffff, v5, v5  }
0x8c: {  	(xrf1) =	vsort.dscd.msk.f32 $0xffff, v6, v6;
	_ =	sdelay $0xa  }
0x8d: {  	v6, _, _ =	vpop (xrf1)  }
0x8e: {  	v19, _, _ =	vpop (xrf1)  }
0x8f: {  	v6 =	vperm.xlane v6, v1;
	v5, _, _ =	vpop (xrf1)  }
0x90: {  	v21, _, _ =	vpop (xrf1)  }
0x91: {  	v6 =	vmax.f32 v21, v6  }
0x92: {  	(xrf1) =	vsort.dscd.msk.f32 $0xffff, v6, v6;
	_ =	sdelay $0xd  }
0x93: {  	v6, _, _ =	vpop (xrf1)  }
0x94: {  	v6 =	vperm.xlane v6, v1;
	_ =	sdelay $0x1  }
0x95: {  	v21 =	vmin.f32 v5, v6  }
0x96: {  	(xrf1) =	vsort.dscd.msk.f32 $0xffff, v21, v21;
	_ =	sdelay $0xc  }
0x97: {  	v8 =	vmin.f32 v16, v8;
	v14 =	vsel vm0, $0x7F61B1E6, v14;
	v16 =	vperm.xlane v19, v1  }
0x98: {  	v11 =	vsel vm0, $0x7F61B1E6, v11;
	v14 =	vmin.f32 v15, v14;
	v8 =	vmin.f32 v8, v13;
	v13, _, _ =	vpop (xrf1)  }
0x99: {  	v11 =	vmin.f32 v14, v11;
	v8 =	vsub.f32 $0.0e+00, v8;
	v13 =	vmax.f32 v13, v16  }
0x9a: {  	v11 =	vsub.f32 $0.0e+00, v11;
	(xrf1) =	vsort.dscd.msk.f32 $0xffff, v13, v13  }
0x9b: {  	(xrf1) =	vsort.dscd.msk.f32 $0xffff, v8, v8  }
0x9c: {  	(xrf1) =	vsort.dscd.msk.f32 $0xffff, v11, v11;
	_ =	sdelay $0x9  }
0x9d: {  	v8 =	vmin.f32 v17, v9;
	v9 =	vsel vm0, $0x7F61B1E6, v10  }
0x9e: {  	v4 =	vmin.f32 v18, v4;
	v8 =	vmin.f32 v8, v9  }
0x9f: {  	v4 =	vmin.f32 v4, v12;
	v10, _, _ =	vpop (xrf1)  }
0xa0: {  	v7 =	vsel vm0, $0x7F61B1E6, v7;
	v4 =	vmin.f32 v4, v20;
	v9, _, _ =	vpop (xrf1)  }
0xa1: {  	v4 =	vsub.f32 $0.0e+00, v4;
	v7 =	vmin.f32 v8, v7;
	v8, _, _ =	vpop (xrf1)  }
0xa2: {  	v7 =	vsub.f32 $0.0e+00, v7;
	v8 =	vperm.xlane v8, v1  }
0xa3: {  	(xrf1) =	vsort.dscd.msk.f32 $0xffff, v4, v4  }
0xa4: {  	(xrf1) =	vsort.dscd.msk.f32 $0xffff, v7, v7;
	v4 =	vmax.f32 v9, v8  }
0xa5: {  	v7 =	vmin.f32 v9, v8;
	(xrf1) =	vsort.dscd.msk.f32 $0xffff, v4, v4  }
0xa6: {  	(xrf1) =	vsort.dscd.msk.f32 $0xffff, v7, v7;
	_ =	sdelay $0xa  }
0xa7: {  	v4, _, _ =	vpop (xrf1)  }
0xa8: {  	v9, _, _ =	vpop (xrf1)  }
0xa9: {  	v4 =	vperm.xlane v4, v1;
	v7, _, _ =	vpop (xrf1)  }
0xaa: {  	v8, _, _ =	vpop (xrf1)  }
0xab: {  	v4 =	vmax.f32 v8, v4  }
0xac: {  	(xrf1) =	vsort.dscd.msk.f32 $0xffff, v4, v4;
	_ =	sdelay $0xd  }
0xad: {  	v4, _, _ =	vpop (xrf1)  }
0xae: {  	v8 =	vperm.xlane v4, v1;
	_ =	sdelay $0x1  }
0xaf: {  	v4 =	vmin.f32 v7, v8  }
0xb0: {  	(xrf1) =	vsort.dscd.msk.f32 $0xffff, v4, v4;
	_ =	sdelay $0xc  }
0xb1: {  	v4 =	vperm.xlane v9, v1  }
0xb2: {  	v9, _, _ =	vpop (xrf1)  }
0xb3: {  	v4 =	vmax.f32 v9, v4  }
0xb4: {  	(xrf1) =	vsort.dscd.msk.f32 $0xffff, v4, v4;
	v4 =	vmov s0;
	_ =	sdelay $0x3  }
0xb5: {  	s31 =	simm.s32 $0x0  }
0xb6: {  	v12 =	vld.idx.msk [tilespmem:v4+s31+$0x3000 ss:$0x1], $0xffff  }
0xb7: {  	v11 =	vld.idx.msk [tilespmem:v4+s31+$0x4808 ss:$0x1], $0xffff  }
0xb8: {  	v14 =	vld.idx.msk [tilespmem:v4+s31+$0x5408 ss:$0x1], $0xffff  }
0xb9: {  	v16 =	vld.idx.msk [tilespmem:v4+s31+$0x3008 ss:$0x1], $0xffff  }
0xba: {  	v17 =	vld.idx.msk [tilespmem:v4+s31+$0x3C08 ss:$0x1], $0xffff  }
0xbb: {  	v19 =	vld.idx.msk [tilespmem:v4+s31+$0x4800 ss:$0x1], $0xffff  }
0xbc: {  	v25 =	vimm.f32 $-3.000000010e+38;
	v24 =	vld.idx.msk [tilespmem:v4+s31+$0x3C00 ss:$0x1], $0xffff  }
0xbd: {  	v29 =	vimm.f32 $3.000000010e+38;
	v10 =	vperm.xlane v10, v1;
	s0 =	simm.s32 $0x80;
	v13 =	vld.idx.msk [tilespmem:v4+s31+$0x5400 ss:$0x1], $0xffff;
	v20 =	vsel vm0, $0xFF61B1E6, v11  }
0xbe: {  	v15 =	vld.idx.msk [tilespmem:v4+s0+$0x3000 ss:$0x1], $0xffff;
	v22 =	vsel vm0, $0x7F61B1E6, v11;
	v11 =	vsel vm0, $0xFF61B1E6, v14;
	v21 =	vsel vm0, $0xFF61B1E6, v16  }
0xbf: {  	v18 =	vld.idx.msk [tilespmem:v4+s0+$0x4808 ss:$0x1], $0xffff;
	v23 =	vsel vm0, $0x7F61B1E6, v16;
	v16 =	vsel vm0, $0x7F61B1E6, v14;
	v26 =	vmax.f32 v25, v12  }
0xc0: {  	v14 =	vld.idx.msk [tilespmem:v4+s0+$0x5408 ss:$0x1], $0xffff;
	v30 =	vsel vm0, $0xFF61B1E6, v17;
	v31 =	vsel vm0, $0x7F61B1E6, v17;
	v12 =	vmin.f32 v29, v12  }
0xc1: {  	v17 =	vld.idx.msk [tilespmem:v4+s0+$0x3C08 ss:$0x1], $0xffff;
	v32 =	vmax.f32 v25, v24;
	v28 =	vmax.f32 v25, v21;
	v27 =	vmax.f32 v26, v19  }
0xc2: {  	v21 =	vld.idx.msk [tilespmem:v4+s0+$0x3008 ss:$0x1], $0xffff;
	v26 =	vmax.f32 v28, v20;
	v28 =	vmin.f32 v29, v23;
	v23 =	vmin.f32 v12, v19  }
0xc3: {  	v20 =	vld.idx.msk [tilespmem:v4+s0+$0x4800 ss:$0x1], $0xffff;
	v12 =	vmax.f32 v32, v13;
	v22 =	vmin.f32 v28, v22;
	v28 =	vmax.f32 v25, v30;
	v9, _, _ =	vpop (xrf1)  }
0xc4: {  	s1 =	simm.s32 $0x400;
	v19 =	vld.idx.msk [tilespmem:v4+s0+$0x3C00 ss:$0x1], $0xffff;
	v25 =	vmin.f32 v29, v24;
	v24 =	vmin.f32 v29, v31;
	v9 =	vperm.xlane v9, v1  }
.LBB2_5:
0xc5: {  	p1 =	sne.s32 s1, $0x2E00;
	v28 =	vmax.f32 v28, v11;
	v25 =	vmin.f32 v25, v13;
	v13 =	vld.idx.msk [tilespmem:v4+s0+$0x5400 ss:$0x1], $0xffff;
	s0 =	sshra.s32 s1, $0x2;
	v24 =	vmin.f32 v24, v16  }
0xc6: {  	v29 =	vsel vm0, $0xFF61B1E6, v18;
	v30 =	vsel vm0, $0x7F61B1E6, v18;
	v11 =	vsel vm0, $0xFF61B1E6, v14;
	v31 =	vmovc v15;
	v15 =	vld.idx.msk [tilespmem:v4+s0+$0x3000 ss:$0x1], $0xffff  }
0xc7: {  	v16 =	vsel vm0, $0x7F61B1E6, v14;
	v32 =	vsel vm0, $0xFF61B1E6, v21;
	v33 =	vsel vm0, $0x7F61B1E6, v21;
	v18 =	vld.idx.msk [tilespmem:v4+s0+$0x4808 ss:$0x1], $0xffff  }
.Ltmp5:
0xc8: {  	v27 =	vmax.f32 v27, v31;
	v26 =	vmax.f32 v26, v32;
	v32 =	vsel vm0, $0xFF61B1E6, v17;
	v14 =	vld.idx.msk [tilespmem:v4+s0+$0x5408 ss:$0x1], $0xffff;
	(pc) =	sbr.rel @p1 .LBB2_5-.Ltmp5, $4  }
0xc9: {  	v34 =	vsel vm0, $0x7F61B1E6, v17;
	v27 =	vmax.f32 v27, v20;
	v26 =	vmax.f32 v26, v29;
	v21 =	vld.idx.msk [tilespmem:v4+s0+$0x3008 ss:$0x1], $0xffff  }
0xca: {  	v23 =	vmin.f32 v23, v31;
	v22 =	vmin.f32 v22, v33;
	v12 =	vmax.f32 v12, v19;
	v17 =	vld.idx.msk [tilespmem:v4+s0+$0x3C08 ss:$0x1], $0xffff  }
0xcb: {  	v23 =	vmin.f32 v23, v20;
	v22 =	vmin.f32 v22, v30;
	v12 =	vmax.f32 v12, v13;
	v20 =	vld.idx.msk [tilespmem:v4+s0+$0x4800 ss:$0x1], $0xffff  }
0xcc: {  	s1 =	sadd.s32 $0x200, s1;
	v28 =	vmax.f32 v28, v32;
	v24 =	vmin.f32 v24, v34;
	v25 =	vmin.f32 v25, v19;
	v19 =	vld.idx.msk [tilespmem:v4+s0+$0x3C00 ss:$0x1], $0xffff  }
0xcd: {  	_ =	sdelay $0x1  }
0xce: {  	v27 =	vmax.f32 v27, v15;
	v29 =	vsel vm0, $0xFF61B1E6, v21  }
0xcf: {  	v30 =	vsel vm0, $0xFF61B1E6, v18;
	v26 =	vmax.f32 v26, v29;
	v27 =	vmax.f32 v27, v20  }
0xd0: {  	v26 =	vmax.f32 v26, v30;
	(xrf1) =	vsort.dscd.msk.f32 $0xffff, v27, v27  }
0xd1: {  	(xrf1) =	vsort.dscd.msk.f32 $0xffff, v26, v26;
	_ =	sdelay $0x9  }
0xd2: {  	v26 =	vld.idx.msk [tilespmem:v4+s0+$0x5400 ss:$0x1], $0xffff;
	_ =	sdelay $0x2  }
0xd3: {  	v11 =	vmax.f32 v28, v11;
	v27, _, _ =	vpop (xrf1)  }
0xd4: {  	v28 =	vsel vm0, $0xFF61B1E6, v14;
	v29 =	vsel vm0, $0xFF61B1E6, v17;
	v12 =	vmax.f32 v12, v19;
	v30, _, _ =	vpop (xrf1)  }
0xd5: {  	v11 =	vmax.f32 v11, v29;
	v12 =	vmax.f32 v12, v26;
	v29 =	vperm.xlane v30, v1  }
0xd6: {  	v11 =	vmax.f32 v11, v28;
	(xrf1) =	vsort.dscd.msk.f32 $0xffff, v12, v12  }
0xd7: {  	(xrf1) =	vsort.dscd.msk.f32 $0xffff, v11, v11;
	v11 =	vmax.f32 v27, v29  }
0xd8: {  	v12 =	vmin.f32 v27, v29;
	(xrf1) =	vsort.dscd.msk.f32 $0xffff, v11, v11  }
0xd9: {  	(xrf1) =	vsort.dscd.msk.f32 $0xffff, v12, v12;
	_ =	sdelay $0xa  }
0xda: {  	v12, _, _ =	vpop (xrf1)  }
0xdb: {  	v27, _, _ =	vpop (xrf1)  }
0xdc: {  	v12 =	vperm.xlane v12, v1;
	v11, _, _ =	vpop (xrf1)  }
0xdd: {  	v28, _, _ =	vpop (xrf1)  }
0xde: {  	v12 =	vmax.f32 v28, v12  }
0xdf: {  	(xrf1) =	vsort.dscd.msk.f32 $0xffff, v12, v12;
	_ =	sdelay $0xd  }
0xe0: {  	v12, _, _ =	vpop (xrf1)  }
0xe1: {  	v12 =	vperm.xlane v12, v1;
	_ =	sdelay $0x1  }
0xe2: {  	v28 =	vmin.f32 v11, v12  }
0xe3: {  	(xrf1) =	vsort.dscd.msk.f32 $0xffff, v28, v28;
	_ =	sdelay $0xc  }
0xe4: {  	v15 =	vmin.f32 v23, v15;
	v21 =	vsel vm0, $0x7F61B1E6, v21;
	v23 =	vperm.xlane v27, v1  }
0xe5: {  	v18 =	vsel vm0, $0x7F61B1E6, v18;
	v21 =	vmin.f32 v22, v21;
	v15 =	vmin.f32 v15, v20;
	v20, _, _ =	vpop (xrf1)  }
0xe6: {  	v18 =	vmin.f32 v21, v18;
	v15 =	vsub.f32 $0.0e+00, v15;
	v20 =	vmax.f32 v20, v23  }
0xe7: {  	v18 =	vsub.f32 $0.0e+00, v18;
	(xrf1) =	vsort.dscd.msk.f32 $0xffff, v20, v20  }
0xe8: {  	(xrf1) =	vsort.dscd.msk.f32 $0xffff, v15, v15  }
0xe9: {  	(xrf1) =	vsort.dscd.msk.f32 $0xffff, v18, v18;
	_ =	sdelay $0x9  }
0xea: {  	v15 =	vmin.f32 v24, v16;
	v16 =	vsel vm0, $0x7F61B1E6, v17  }
0xeb: {  	v13 =	vmin.f32 v25, v13;
	v15 =	vmin.f32 v15, v16  }
0xec: {  	v13 =	vmin.f32 v13, v19;
	v17, _, _ =	vpop (xrf1)  }
0xed: {  	v14 =	vsel vm0, $0x7F61B1E6, v14;
	v13 =	vmin.f32 v13, v26;
	v16, _, _ =	vpop (xrf1)  }
0xee: {  	v13 =	vsub.f32 $0.0e+00, v13;
	v14 =	vmin.f32 v15, v14;
	v15, _, _ =	vpop (xrf1)  }
0xef: {  	v14 =	vsub.f32 $0.0e+00, v14;
	v15 =	vperm.xlane v15, v1  }
0xf0: {  	(xrf1) =	vsort.dscd.msk.f32 $0xffff, v13, v13  }
0xf1: {  	(xrf1) =	vsort.dscd.msk.f32 $0xffff, v14, v14;
	v13 =	vmax.f32 v16, v15  }
0xf2: {  	v14 =	vmin.f32 v16, v15;
	(xrf1) =	vsort.dscd.msk.f32 $0xffff, v13, v13  }
0xf3: {  	(xrf1) =	vsort.dscd.msk.f32 $0xffff, v14, v14;
	_ =	sdelay $0xa  }
0xf4: {  	v14, _, _ =	vpop (xrf1)  }
0xf5: {  	v15, _, _ =	vpop (xrf1)  }
0xf6: {  	v14 =	vperm.xlane v14, v1;
	v13, _, _ =	vpop (xrf1)  }
0xf7: {  	v16, _, _ =	vpop (xrf1)  }
0xf8: {  	v14 =	vmax.f32 v16, v14  }
0xf9: {  	(xrf1) =	vsort.dscd.msk.f32 $0xffff, v14, v14;
	_ =	sdelay $0xd  }
0xfa: {  	v14, _, _ =	vpop (xrf1)  }
0xfb: {  	v14 =	vperm.xlane v14, v1;
	_ =	sdelay $0x1  }
0xfc: {  	v16 =	vmin.f32 v13, v14  }
0xfd: {  	(xrf1) =	vsort.dscd.msk.f32 $0xffff, v16, v16;
	_ =	sdelay $0xc  }
0xfe: {  	v15 =	vperm.xlane v15, v1  }
0xff: {  	v16, _, _ =	vpop (xrf1)  }
0x100: {  	v15 =	vmax.f32 v16, v15  }
0x101: {  	s1 =	simm.s32 $0x0;
	(xrf1) =	vsort.dscd.msk.f32 $0xffff, v15, v15  }
0x102: {  	v25 =	vld.idx.msk [tilespmem:v4+s1+$0x6C08 ss:$0x1], $0xffff  }
0x103: {  	v19 =	vld.idx.msk [tilespmem:v4+s1+$0x6000 ss:$0x1], $0xffff  }
0x104: {  	v30 =	vld.idx.msk [tilespmem:v4+s1+$0x6C00 ss:$0x1], $0xffff  }
0x105: {  	v23 =	vld.idx.msk [tilespmem:v4+s1+$0x6008 ss:$0x1], $0xffff  }
0x106: {  	v20 =	vld.idx.msk [tilespmem:v4+s1+$0x7808 ss:$0x1], $0xffff  }
0x107: {  	v28 =	vld.idx.msk [tilespmem:v4+s1+$0x7800 ss:$0x1], $0xffff  }
0x108: {  	v31 =	vimm.f32 $-3.000000010e+38;
	v22 =	vld.idx.msk [tilespmem:v4+s1+$0x8408 ss:$0x1], $0xffff;
	s0 =	simm.s32 $0x80  }
0x109: {  	v35 =	vimm.f32 $3.000000010e+38;
	v21 =	vld.idx.msk [tilespmem:v4+s0+$0x6000 ss:$0x1], $0xffff;
	v36 =	vsel vm0, $0xFF61B1E6, v25;
	v37 =	vsel vm0, $0x7F61B1E6, v25  }
0x10a: {  	v38 =	vmax.f32 v31, v30;
	v18 =	vld.idx.msk [tilespmem:v4+s1+$0x8400 ss:$0x1], $0xffff;
	v27 =	vsel vm0, $0xFF61B1E6, v23;
	v29 =	vsel vm0, $0x7F61B1E6, v23  }
0x10b: {  	v24 =	vld.idx.msk [tilespmem:v4+s0+$0x7808 ss:$0x1], $0xffff;
	v23 =	vmax.f32 v31, v19;
	v19 =	vmin.f32 v35, v19;
	v26 =	vsel vm0, $0xFF61B1E6, v20  }
0x10c: {  	v34 =	vsel vm0, $0x7F61B1E6, v20;
	v20 =	vld.idx.msk [tilespmem:v4+s0+$0x8408 ss:$0x1], $0xffff;
	v32 =	vmax.f32 v31, v27;
	v33 =	vmax.f32 v23, v28  }
0x10d: {  	v27 =	vld.idx.msk [tilespmem:v4+s0+$0x6008 ss:$0x1], $0xffff;
	v25 =	vmin.f32 v35, v29;
	v29 =	vmin.f32 v19, v28;
	v32 =	vmax.f32 v32, v26  }
0x10e: {  	v23 =	vld.idx.msk [tilespmem:v4+s0+$0x6C08 ss:$0x1], $0xffff;
	v28 =	vmin.f32 v25, v34;
	v34 =	vmax.f32 v31, v36;
	v31 =	vmin.f32 v35, v30  }
0x10f: {  	v26 =	vld.idx.msk [tilespmem:v4+s0+$0x7800 ss:$0x1], $0xffff;
	v30 =	vmin.f32 v35, v37;
	v19 =	vmax.f32 v38, v18;
	v16 =	vperm.xlane v17, v1;
	v15, _, _ =	vpop (xrf1)  }
0x110: {  	s1 =	simm.s32 $0x400;
	v25 =	vld.idx.msk [tilespmem:v4+s0+$0x6C00 ss:$0x1], $0xffff;
	v17 =	vsel vm0, $0xFF61B1E6, v22;
	v22 =	vsel vm0, $0x7F61B1E6, v22;
	v15 =	vperm.xlane v15, v1  }
.LBB2_7:
0x111: {  	p1 =	sne.s32 s1, $0x2E00;
	v34 =	vmax.f32 v34, v17;
	v31 =	vmin.f32 v31, v18;
	v18 =	vld.idx.msk [tilespmem:v4+s0+$0x8400 ss:$0x1], $0xffff;
	s0 =	sshra.s32 s1, $0x2;
	v30 =	vmin.f32 v30, v22  }
0x112: {  	v35 =	vsel vm0, $0xFF61B1E6, v24;
	v36 =	vsel vm0, $0x7F61B1E6, v24;
	v17 =	vsel vm0, $0xFF61B1E6, v20;
	v37 =	vmovc v21;
	v21 =	vld.idx.msk [tilespmem:v4+s0+$0x6000 ss:$0x1], $0xffff  }
0x113: {  	v22 =	vsel vm0, $0x7F61B1E6, v20;
	v38 =	vsel vm0, $0xFF61B1E6, v27;
	v39 =	vsel vm0, $0x7F61B1E6, v27;
	v24 =	vld.idx.msk [tilespmem:v4+s0+$0x7808 ss:$0x1], $0xffff  }
.Ltmp6:
0x114: {  	v33 =	vmax.f32 v33, v37;
	v32 =	vmax.f32 v32, v38;
	v38 =	vsel vm0, $0xFF61B1E6, v23;
	v20 =	vld.idx.msk [tilespmem:v4+s0+$0x8408 ss:$0x1], $0xffff;
	(pc) =	sbr.rel @p1 .LBB2_7-.Ltmp6, $4  }
0x115: {  	v40 =	vsel vm0, $0x7F61B1E6, v23;
	v33 =	vmax.f32 v33, v26;
	v32 =	vmax.f32 v32, v35;
	v27 =	vld.idx.msk [tilespmem:v4+s0+$0x6008 ss:$0x1], $0xffff  }
0x116: {  	v29 =	vmin.f32 v29, v37;
	v28 =	vmin.f32 v28, v39;
	v19 =	vmax.f32 v19, v25;
	v23 =	vld.idx.msk [tilespmem:v4+s0+$0x6C08 ss:$0x1], $0xffff  }
0x117: {  	v29 =	vmin.f32 v29, v26;
	v28 =	vmin.f32 v28, v36;
	v19 =	vmax.f32 v19, v18;
	v26 =	vld.idx.msk [tilespmem:v4+s0+$0x7800 ss:$0x1], $0xffff  }
0x118: {  	s1 =	sadd.s32 $0x200, s1;
	v34 =	vmax.f32 v34, v38;
	v30 =	vmin.f32 v30, v40;
	v31 =	vmin.f32 v31, v25;
	v25 =	vld.idx.msk [tilespmem:v4+s0+$0x6C00 ss:$0x1], $0xffff  }
0x119: {  	_ =	sdelay $0x1  }
0x11a: {  	v33 =	vmax.f32 v33, v21;
	v35 =	vsel vm0, $0xFF61B1E6, v27  }
0x11b: {  	v36 =	vsel vm0, $0xFF61B1E6, v24;
	v32 =	vmax.f32 v32, v35;
	v33 =	vmax.f32 v33, v26  }
0x11c: {  	v32 =	vmax.f32 v32, v36;
	(xrf1) =	vsort.dscd.msk.f32 $0xffff, v33, v33  }
0x11d: {  	(xrf1) =	vsort.dscd.msk.f32 $0xffff, v32, v32;
	_ =	sdelay $0x9  }
0x11e: {  	v53 =	vld.idx.msk [tilespmem:v4+s0+$0x8400 ss:$0x1], $0xffff;
	_ =	sdelay $0x2  }
0x11f: {  	v17 =	vmax.f32 v34, v17;
	v33, _, _ =	vpop (xrf1)  }
0x120: {  	v54 =	vsel vm0, $0xFF61B1E6, v20;
	v55 =	vsel vm0, $0xFF61B1E6, v23;
	v19 =	vmax.f32 v19, v25;
	v56, _, _ =	vpop (xrf1)  }
0x121: {  	v17 =	vmax.f32 v17, v55;
	v19 =	vmax.f32 v19, v53;
	v57 =	vperm.xlane v56, v1  }
0x122: {  	v17 =	vmax.f32 v17, v54;
	(xrf1) =	vsort.dscd.msk.f32 $0xffff, v19, v19  }
0x123: {  	(xrf1) =	vsort.dscd.msk.f32 $0xffff, v17, v17;
	v17 =	vmax.f32 v33, v57  }
0x124: {  	v19 =	vmin.f32 v33, v57;
	(xrf1) =	vsort.dscd.msk.f32 $0xffff, v17, v17  }
0x125: {  	(xrf1) =	vsort.dscd.msk.f32 $0xffff, v19, v19;
	_ =	sdelay $0xa  }
0x126: {  	v19, _, _ =	vpop (xrf1)  }
0x127: {  	v58, _, _ =	vpop (xrf1)  }
0x128: {  	v19 =	vperm.xlane v19, v1;
	v17, _, _ =	vpop (xrf1)  }
0x129: {  	v59, _, _ =	vpop (xrf1)  }
0x12a: {  	v19 =	vmax.f32 v59, v19  }
0x12b: {  	(xrf1) =	vsort.dscd.msk.f32 $0xffff, v19, v19;
	_ =	sdelay $0xd  }
0x12c: {  	v19, _, _ =	vpop (xrf1)  }
0x12d: {  	v19 =	vperm.xlane v19, v1;
	_ =	sdelay $0x1  }
0x12e: {  	v60 =	vmin.f32 v17, v19  }
0x12f: {  	(xrf1) =	vsort.dscd.msk.f32 $0xffff, v60, v60;
	_ =	sdelay $0xc  }
0x130: {  	v21 =	vmin.f32 v29, v21;
	v27 =	vsel vm0, $0x7F61B1E6, v27;
	v29 =	vperm.xlane v58, v1  }
0x131: {  	v24 =	vsel vm0, $0x7F61B1E6, v24;
	v27 =	vmin.f32 v28, v27;
	v21 =	vmin.f32 v21, v26;
	v26, _, _ =	vpop (xrf1)  }
0x132: {  	v24 =	vmin.f32 v27, v24;
	v21 =	vsub.f32 $0.0e+00, v21;
	v26 =	vmax.f32 v26, v29  }
0x133: {  	v24 =	vsub.f32 $0.0e+00, v24;
	(xrf1) =	vsort.dscd.msk.f32 $0xffff, v26, v26  }
0x134: {  	(xrf1) =	vsort.dscd.msk.f32 $0xffff, v21, v21  }
0x135: {  	(xrf1) =	vsort.dscd.msk.f32 $0xffff, v24, v24;
	_ =	sdelay $0x9  }
0x136: {  	v21 =	vmin.f32 v30, v22;
	v22 =	vsel vm0, $0x7F61B1E6, v23  }
0x137: {  	v18 =	vmin.f32 v31, v18;
	v21 =	vmin.f32 v21, v22  }
0x138: {  	v18 =	vmin.f32 v18, v25;
	v23, _, _ =	vpop (xrf1)  }
0x139: {  	v20 =	vsel vm0, $0x7F61B1E6, v20;
	v18 =	vmin.f32 v18, v53;
	v22, _, _ =	vpop (xrf1)  }
0x13a: {  	v18 =	vsub.f32 $0.0e+00, v18;
	v20 =	vmin.f32 v21, v20;
	v21, _, _ =	vpop (xrf1)  }
0x13b: {  	v20 =	vsub.f32 $0.0e+00, v20;
	v21 =	vperm.xlane v21, v1  }
0x13c: {  	(xrf1) =	vsort.dscd.msk.f32 $0xffff, v18, v18  }
0x13d: {  	(xrf1) =	vsort.dscd.msk.f32 $0xffff, v20, v20;
	v18 =	vmax.f32 v22, v21  }
0x13e: {  	v20 =	vmin.f32 v22, v21;
	(xrf1) =	vsort.dscd.msk.f32 $0xffff, v18, v18  }
0x13f: {  	(xrf1) =	vsort.dscd.msk.f32 $0xffff, v20, v20;
	_ =	sdelay $0xa  }
0x140: {  	v18, _, _ =	vpop (xrf1)  }
0x141: {  	v20, _, _ =	vpop (xrf1)  }
0x142: {  	v18 =	vperm.xlane v18, v1;
	v28, _, _ =	vpop (xrf1)  }
0x143: {  	v21, _, _ =	vpop (xrf1)  }
0x144: {  	v18 =	vmax.f32 v21, v18  }
0x145: {  	(xrf1) =	vsort.dscd.msk.f32 $0xffff, v18, v18;
	_ =	sdelay $0xd  }
0x146: {  	v18, _, _ =	vpop (xrf1)  }
0x147: {  	v31 =	vperm.xlane v18, v1;
	_ =	sdelay $0x1  }
0x148: {  	v18 =	vmin.f32 v28, v31  }
0x149: {  	(xrf1) =	vsort.dscd.msk.f32 $0xffff, v18, v18;
	_ =	sdelay $0xc  }
0x14a: {  	v18 =	vperm.xlane v20, v1  }
0x14b: {  	v20, _, _ =	vpop (xrf1)  }
0x14c: {  	v18 =	vmax.f32 v20, v18  }
0x14d: {  	(xrf1) =	vsort.dscd.msk.f32 $0xffff, v18, v18;
	_ =	sdelay $0x4  }
0x14e: {  	s1 =	simm.s32 $0x0  }
0x14f: {  	v61 =	vld.idx.msk [tilespmem:v4+s1+$0x9C00 ss:$0x1], $0xffff  }
0x150: {  	v26 =	vld.idx.msk [tilespmem:v4+s1+$0x9008 ss:$0x1], $0xffff  }
0x151: {  	v25 =	vld.idx.msk [tilespmem:v4+s1+$0x9000 ss:$0x1], $0xffff  }
0x152: {  	v29 =	vld.idx.msk [tilespmem:v4+s1+$0x9C08 ss:$0x1], $0xffff  }
0x153: {  	s0 =	simm.s32 $0x80;
	v30 =	vld.idx.msk [tilespmem:v4+s1+$0xA800 ss:$0x1], $0xffff  }
0x154: {  	v24 =	vld.idx.msk [tilespmem:v4+s0+$0xA808 ss:$0x1], $0xffff  }
0x155: {  	v62 =	vimm.f32 $-3.000000010e+38;
	v27 =	vsel vm0, $0xFF61B1E6, v26;
	v20 =	vld.idx.msk [tilespmem:v4+s1+$0xA808 ss:$0x1], $0xffff  }
0x156: {  	v41 =	vimm.f32 $3.000000010e+38;
	v40 =	vmax.f32 v62, v27;
	v27 =	vld.idx.msk [tilespmem:v4+s0+$0x9008 ss:$0x1], $0xffff  }
0x157: {  	v63 =	vmax.f32 v62, v61;
	v36 =	vmin.f32 v41, v61;
	v38 =	vmax.f32 v62, v25;
	v22 =	vld.idx.msk [tilespmem:v4+s1+$0xB408 ss:$0x1], $0xffff;
	v18, _, _ =	vpop (xrf1)  }
0x158: {  	v25 =	vmin.f32 v41, v25;
	v43 =	vsel vm0, $0x7F61B1E6, v29;
	v32 =	vperm.xlane v18, v1;
	v18 =	vld.idx.msk [tilespmem:v4+s1+$0xB400 ss:$0x1], $0xffff  }
0x159: {  	v42 =	vsel vm0, $0xFF61B1E6, v29;
	v26 =	vsel vm0, $0x7F61B1E6, v26;
	v35 =	vmin.f32 v41, v43;
	v21 =	vld.idx.msk [tilespmem:v4+s0+$0x9000 ss:$0x1], $0xffff  }
0x15a: {  	v33 =	vperm.xlane v23, v1;
	v23 =	vsel vm0, $0xFF61B1E6, v20;
	v37 =	vsel vm0, $0x7F61B1E6, v20;
	v20 =	vld.idx.msk [tilespmem:v4+s0+$0xB408 ss:$0x1], $0xffff  }
0x15b: {  	v39 =	vmax.f32 v38, v30;
	v29 =	vmin.f32 v41, v26;
	v26 =	vld.idx.msk [tilespmem:v4+s0+$0xA800 ss:$0x1], $0xffff;
	v30 =	vmin.f32 v25, v30  }
0x15c: {  	v34 =	vsel vm0, $0xFF61B1E6, v22;
	v22 =	vsel vm0, $0x7F61B1E6, v22;
	v38 =	vmax.f32 v40, v23;
	v23 =	vld.idx.msk [tilespmem:v4+s0+$0x9C08 ss:$0x1], $0xffff  }
0x15d: {  	[dreg:$0x9] =	wrdreg s9;
	v25 =	vld.idx.msk [tilespmem:v4+s0+$0x9C00 ss:$0x1], $0xffff;
	v29 =	vmin.f32 v29, v37;
	v40 =	vmax.f32 v62, v42;
	s1 =	simm.s32 $0x400;
	v37 =	vmax.f32 v63, v18  }
.LBB2_9:
0x15e: {  	p1 =	sne.s32 s1, $0x2E00;
	v40 =	vmax.f32 v40, v34;
	v36 =	vmin.f32 v36, v18;
	v18 =	vld.idx.msk [tilespmem:v4+s0+$0xB400 ss:$0x1], $0xffff;
	s0 =	sshra.s32 s1, $0x2;
	v35 =	vmin.f32 v35, v22  }
0x15f: {  	v41 =	vsel vm0, $0xFF61B1E6, v24;
	v42 =	vsel vm0, $0x7F61B1E6, v24;
	v34 =	vsel vm0, $0xFF61B1E6, v20;
	v43 =	vmovc v21;
	v21 =	vld.idx.msk [tilespmem:v4+s0+$0x9000 ss:$0x1], $0xffff  }
0x160: {  	v22 =	vsel vm0, $0x7F61B1E6, v20;
	v44 =	vsel vm0, $0xFF61B1E6, v27;
	v45 =	vsel vm0, $0x7F61B1E6, v27;
	v24 =	vld.idx.msk [tilespmem:v4+s0+$0xA808 ss:$0x1], $0xffff  }
.Ltmp7:
0x161: {  	v39 =	vmax.f32 v39, v43;
	v38 =	vmax.f32 v38, v44;
	v44 =	vsel vm0, $0xFF61B1E6, v23;
	v20 =	vld.idx.msk [tilespmem:v4+s0+$0xB408 ss:$0x1], $0xffff;
	(pc) =	sbr.rel @p1 .LBB2_9-.Ltmp7, $4  }
0x162: {  	v46 =	vsel vm0, $0x7F61B1E6, v23;
	v39 =	vmax.f32 v39, v26;
	v38 =	vmax.f32 v38, v41;
	v27 =	vld.idx.msk [tilespmem:v4+s0+$0x9008 ss:$0x1], $0xffff  }
0x163: {  	v30 =	vmin.f32 v30, v43;
	v29 =	vmin.f32 v29, v45;
	v37 =	vmax.f32 v37, v25;
	v23 =	vld.idx.msk [tilespmem:v4+s0+$0x9C08 ss:$0x1], $0xffff  }
0x164: {  	v30 =	vmin.f32 v30, v26;
	v29 =	vmin.f32 v29, v42;
	v37 =	vmax.f32 v37, v18;
	v26 =	vld.idx.msk [tilespmem:v4+s0+$0xA800 ss:$0x1], $0xffff  }
0x165: {  	s1 =	sadd.s32 $0x200, s1;
	v40 =	vmax.f32 v40, v44;
	v35 =	vmin.f32 v35, v46;
	v36 =	vmin.f32 v36, v25;
	v25 =	vld.idx.msk [tilespmem:v4+s0+$0x9C00 ss:$0x1], $0xffff  }
0x166: {  	v5 =	vmax.f32 v5, v6  }
0x167: {  	(xrf1) =	vsort.dscd.msk.f32 $0xffff, v5, v5;
	_ =	sdelay $0xd  }
0x168: {  	v5, _, _ =	vpop (xrf1)  }
0x169: {  	v5 =	vmin.f32 v5, v10  }
0x16a: {  	(xrf1) =	vsort.dscd.msk.f32 $0xffff, v5, v5;
	v5 =	vmax.f32 v7, v8  }
0x16b: {  	(xrf1) =	vsort.dscd.msk.f32 $0xffff, v5, v5;
	_ =	sdelay $0xc  }
0x16c: {  	v5, _, _ =	vpop (xrf1)  }
0x16d: {  	v6, _, _ =	vpop (xrf1)  }
0x16e: {  	v6 =	vmin.f32 v6, v9  }
0x16f: {  	(xrf1) =	vsort.dscd.msk.f32 $0xffff, v6, v6;
	v6 =	vmax.f32 v11, v12  }
0x170: {  	(xrf1) =	vsort.dscd.msk.f32 $0xffff, v6, v6;
	_ =	sdelay $0xc  }
0x171: {  	v6, _, _ =	vpop (xrf1)  }
0x172: {  	v7, _, _ =	vpop (xrf1)  }
0x173: {  	v7 =	vmin.f32 v7, v16  }
0x174: {  	(xrf1) =	vsort.dscd.msk.f32 $0xffff, v7, v7;
	v7 =	vmax.f32 v13, v14  }
0x175: {  	(xrf1) =	vsort.dscd.msk.f32 $0xffff, v7, v7;
	_ =	sdelay $0xc  }
0x176: {  	v7, _, _ =	vpop (xrf1)  }
0x177: {  	v8, _, _ =	vpop (xrf1)  }
0x178: {  	v8 =	vmin.f32 v8, v15  }
0x179: {  	(xrf1) =	vsort.dscd.msk.f32 $0xffff, v8, v8;
	v8 =	vmax.f32 v17, v19  }
0x17a: {  	(xrf1) =	vsort.dscd.msk.f32 $0xffff, v8, v8;
	_ =	sdelay $0xc  }
0x17b: {  	v8, _, _ =	vpop (xrf1)  }
0x17c: {  	v9, _, _ =	vpop (xrf1)  }
0x17d: {  	v9 =	vmin.f32 v9, v33  }
0x17e: {  	(xrf1) =	vsort.dscd.msk.f32 $0xffff, v9, v9;
	v9 =	vmax.f32 v28, v31  }
0x17f: {  	(xrf1) =	vsort.dscd.msk.f32 $0xffff, v9, v9;
	_ =	sdelay $0xc  }
0x180: {  	v9, _, _ =	vpop (xrf1)  }
0x181: {  	v10, _, _ =	vpop (xrf1)  }
0x182: {  	v11 =	vsel vm0, $0xFF61B1E6, v27;
	v12 =	vmax.f32 v39, v21;
	v10 =	vmin.f32 v10, v32  }
0x183: {  	v11 =	vmax.f32 v38, v11;
	v12 =	vmax.f32 v12, v26;
	v13 =	vsel vm0, $0xFF61B1E6, v24;
	(xrf1) =	vsort.dscd.msk.f32 $0xffff, v10, v10  }
0x184: {  	v10 =	vmax.f32 v11, v13;
	(xrf1) =	vsort.dscd.msk.f32 $0xffff, v12, v12  }
0x185: {  	(xrf1) =	vsort.dscd.msk.f32 $0xffff, v10, v10;
	_ =	sdelay $0x9  }
0x186: {  	v10 =	vld.idx.msk [tilespmem:v4+s0+$0xB400 ss:$0x1], $0xffff;
	_ =	sdelay $0x1  }
0x187: {  	v11, _, _ =	vpop (xrf1)  }
0x188: {  	v60 =	vmax.f32 v37, v25;
	v13, _, _ =	vpop (xrf1)  }
0x189: {  	v14 =	vsel vm0, $0xFF61B1E6, v20;
	v15 =	vsel vm0, $0xFF61B1E6, v23;
	v12 =	vmax.f32 v40, v34;
	v61, _, _ =	vpop (xrf1)  }
0x18a: {  	v12 =	vmax.f32 v12, v15;
	v16 =	vmax.f32 v60, v10;
	v15 =	vperm.xlane v61, v1  }
0x18b: {  	v12 =	vmax.f32 v12, v14;
	(xrf1) =	vsort.dscd.msk.f32 $0xffff, v16, v16  }
0x18c: {  	(xrf1) =	vsort.dscd.msk.f32 $0xffff, v12, v12;
	v12 =	vmax.f32 v13, v15  }
0x18d: {  	v13 =	vmin.f32 v13, v15;
	(xrf1) =	vsort.dscd.msk.f32 $0xffff, v12, v12  }
0x18e: {  	(xrf1) =	vsort.dscd.msk.f32 $0xffff, v13, v13;
	_ =	sdelay $0xa  }
0x18f: {  	v12, _, _ =	vpop (xrf1)  }
0x190: {  	v13, _, _ =	vpop (xrf1)  }
0x191: {  	v12 =	vperm.xlane v12, v1;
	v14, _, _ =	vpop (xrf1)  }
0x192: {  	v15, _, _ =	vpop (xrf1)  }
0x193: {  	v12 =	vmax.f32 v15, v12  }
0x194: {  	(xrf1) =	vsort.dscd.msk.f32 $0xffff, v12, v12;
	_ =	sdelay $0xd  }
0x195: {  	v12, _, _ =	vpop (xrf1)  }
0x196: {  	v12 =	vperm.xlane v12, v1;
	_ =	sdelay $0x1  }
0x197: {  	v15 =	vmax.f32 v14, v12  }
0x198: {  	v12 =	vmin.f32 v14, v12;
	(xrf1) =	vsort.dscd.msk.f32 $0xffff, v15, v15  }
0x199: {  	(xrf1) =	vsort.dscd.msk.f32 $0xffff, v12, v12;
	_ =	sdelay $0xc  }
0x19a: {  	v13 =	vperm.xlane v13, v1;
	v12, _, _ =	vpop (xrf1)  }
0x19b: {  	v14, _, _ =	vpop (xrf1)  }
0x19c: {  	v13 =	vmax.f32 v14, v13  }
0x19d: {  	(xrf1) =	vsort.dscd.msk.f32 $0xffff, v13, v13;
	_ =	sdelay $0xd  }
0x19e: {  	v13, _, _ =	vpop (xrf1)  }
0x19f: {  	v15 =	vmin.f32 v30, v21;
	v14 =	vsel vm0, $0x7F61B1E6, v27;
	v13 =	vperm.xlane v13, v1  }
0x1a0: {  	v62 =	vsel vm0, $0x7F61B1E6, v24;
	v15 =	vmin.f32 v15, v26;
	v14 =	vmin.f32 v29, v14  }
0x1a1: {  	v14 =	vmin.f32 v14, v62;
	v12 =	vmin.f32 v12, v13;
	v13 =	vsub.f32 $0.0e+00, v15  }
0x1a2: {  	(xrf1) =	vsort.dscd.msk.f32 $0xffff, v12, v12;
	v12 =	vsub.f32 $0.0e+00, v14  }
0x1a3: {  	(xrf1) =	vsort.dscd.msk.f32 $0xffff, v13, v13  }
0x1a4: {  	(xrf1) =	vsort.dscd.msk.f32 $0xffff, v12, v12;
	_ =	sdelay $0x8  }
0x1a5: {  	v12 =	vmin.f32 v36, v18  }
0x1a6: {  	v12 =	vmin.f32 v12, v25  }
0x1a7: {  	v14 =	vsel vm0, $0x7F61B1E6, v23  }
0x1a8: {  	v13 =	vmin.f32 v35, v22;
	v15, _, _ =	vpop (xrf1)  }
0x1a9: {  	v63 =	vsel vm0, $0x7F61B1E6, v20;
	v13 =	vmin.f32 v13, v14;
	v10 =	vmin.f32 v12, v10;
	v12, _, _ =	vpop (xrf1)  }
0x1aa: {  	v13 =	vmin.f32 v13, v63;
	v10 =	vsub.f32 $0.0e+00, v10;
	v14, _, _ =	vpop (xrf1)  }
0x1ab: {  	v13 =	vsub.f32 $0.0e+00, v13;
	v14 =	vperm.xlane v14, v1  }
0x1ac: {  	(xrf1) =	vsort.dscd.msk.f32 $0xffff, v10, v10  }
0x1ad: {  	(xrf1) =	vsort.dscd.msk.f32 $0xffff, v13, v13;
	v10 =	vmax.f32 v12, v14  }
0x1ae: {  	v12 =	vmin.f32 v12, v14;
	(xrf1) =	vsort.dscd.msk.f32 $0xffff, v10, v10  }
0x1af: {  	(xrf1) =	vsort.dscd.msk.f32 $0xffff, v12, v12;
	_ =	sdelay $0xa  }
0x1b0: {  	v10, _, _ =	vpop (xrf1)  }
0x1b1: {  	v12, _, _ =	vpop (xrf1)  }
0x1b2: {  	v10 =	vperm.xlane v10, v1;
	v13, _, _ =	vpop (xrf1)  }
0x1b3: {  	v14, _, _ =	vpop (xrf1)  }
0x1b4: {  	v10 =	vmax.f32 v14, v10  }
0x1b5: {  	(xrf1) =	vsort.dscd.msk.f32 $0xffff, v10, v10;
	_ =	sdelay $0xd  }
0x1b6: {  	v10, _, _ =	vpop (xrf1)  }
0x1b7: {  	v10 =	vperm.xlane v10, v1;
	_ =	sdelay $0x1  }
0x1b8: {  	v14 =	vmax.f32 v13, v10  }
0x1b9: {  	v10 =	vmin.f32 v13, v10;
	(xrf1) =	vsort.dscd.msk.f32 $0xffff, v14, v14  }
0x1ba: {  	(xrf1) =	vsort.dscd.msk.f32 $0xffff, v10, v10;
	_ =	sdelay $0xc  }
0x1bb: {  	v12 =	vperm.xlane v12, v1;
	v10, _, _ =	vpop (xrf1)  }
0x1bc: {  	v13, _, _ =	vpop (xrf1)  }
0x1bd: {  	v12 =	vmax.f32 v13, v12  }
0x1be: {  	(xrf1) =	vsort.dscd.msk.f32 $0xffff, v12, v12;
	_ =	sdelay $0xd  }
0x1bf: {  	v12, _, _ =	vpop (xrf1)  }
0x1c0: {  	v12 =	vperm.xlane v12, v1;
	_ =	sdelay $0x1  }
0x1c1: {  	v10 =	vmin.f32 v10, v12  }
0x1c2: {  	(xrf1) =	vsort.dscd.msk.f32 $0xffff, v10, v10;
	_ =	sdelay $0x6  }
0x1c3: {  	vm1 =	vcmask $0xB10  }
0x1c4: {  	v5 =	vsel vm1, $0xFF61B1E6, v5  }
0x1c5: {  	(xrf0) =	vmax.scan.msk.f32 $0xffff, v5;
	v5 =	vsel vm1, $0xFF61B1E6, v6  }
0x1c6: {  	(xrf0) =	vmax.scan.msk.f32 $0xffff, v5;
	v5 =	vsel vm1, $0xFF61B1E6, v7  }
0x1c7: {  	(xrf0) =	vmax.scan.msk.f32 $0xffff, v5;
	v5 =	vsel vm1, $0xFF61B1E6, v8  }
0x1c8: {  	(xrf0) =	vmax.scan.msk.f32 $0xffff, v5;
	v5 =	vsel vm1, $0xFF61B1E6, v9  }
0x1c9: {  	(xrf0) =	vmax.scan.msk.f32 $0xffff, v5;
	v5 =	vsel vm1, $0xFF61B1E6, v11  }
0x1ca: {  	(xrf0) =	vmax.scan.msk.f32 $0xffff, v5;
	v5 =	vsel vm1, $0xFF61B1E6, v15;
	v6, _, _ =	vpop (xrf1)  }
0x1cb: {  	v7, _, _ =	vpop (xrf0);
	(xrf0) =	vmax.scan.msk.f32 $0xffff, v5;
	v5 =	vsel vm1, $0xFF61B1E6, v6  }
0x1cc: {  	v6, _, _ =	vpop (xrf0);
	(xrf0) =	vmax.scan.msk.f32 $0xffff, v5  }
0x1cd: {  	v8, _, _ =	vpop (xrf0)  }
0x1ce: {  	v5, _, _ =	vpop (xrf0)  }
0x1cf: {  	v9, _, _ =	vpop (xrf0)  }
0x1d0: {  	(v2sf) =	vpush v6, $0xF;
	v10, _, _ =	vpop (xrf0)  }
0x1d1: {  	(v2sf) =	vpush v5, $0xF;
	v11, _, _ =	vpop (xrf0)  }
0x1d2: {  	(v2sf) =	vpush v10, $0xF;
	v5, _, _ =	vpop (xrf0)  }
0x1d3: {  	(v2sf) =	vpush v5, $0xF;
	_ =	sdelay $0xb  }
0x1d4: {  	s29 =	spop (v2sf)  }
0x1d5: {  	s0 =	ssub.f32 $0.0e+00, s29;
	s1 =	spop (v2sf)  }
0x1d6: {  	s1 =	ssub.f32 $0.0e+00, s1;
	s2 =	spop (v2sf)  }
0x1d7: {  	s2 =	ssub.f32 $0.0e+00, s2;
	s3 =	spop (v2sf)  }
0x1d8: {  	v9 =	vbroadcast v9, $0xF;
	v11 =	vbroadcast v11, $0xF;
	s31 =	ssub.f32 $0.0e+00, s3  }
0x1d9: {  	s30 =	simm.s32 $0x0;
	s28 =	simm.s32 $0x0;
	v5 =	vbroadcast v7, $0xF;
	v7 =	vbroadcast v8, $0xF;
	v6 =	vmov s0  }
0x1da: {  	s8 =	simm.s32 $0x0;
	s14 =	simm.s32 $0x0;
	s0 =	simm.s32 $0x0;
	v8 =	vmov s1;
	v10 =	vmov s2;
	v12 =	vmov s31  }
.LBB2_11:
0x1db: {  	s29 =	sshra.s32 s28, $0x2  }
0x1dc: {  	v13 =	vld.idx.msk [tilespmem:v4+s29+$0x0 ss:$0x1], $0xffff;
	_ =	sdelay $0x4  }
0x1dd: {  	vm1 =	vge.f32 v13, v5;
	vm3 =	vle.f32 v13, v6  }
0x1de: {  	vm1 =	vmor vm1, vm3  }
0x1df: {  	v14 =	vsel vm1, $0x1, v2  }
0x1e0: {  	(xrf0) =	vadd.scan.msk.s32 $0xffff, v14;
	_ =	sdelay $0x5  }
0x1e1: {  	v14, _, _ =	vpop (xrf0)  }
0x1e2: {  	(v2sf) =	vpush v14, $0xF;
	_ =	sdelay $0x8  }
0x1e3: {  	v14 =	vld.idx.msk [tilespmem:v4+s29+$0x8 ss:$0x1], $0xffff;
	_ =	sdelay $0x4  }
0x1e4: {  	vm3 =	vge.f32 v14, v5;
	vm4 =	vle.f32 v14, v6  }
0x1e5: {  	vm3 =	vmor vm3, vm4;
	s1 =	spop (v2sf)  }
0x1e6: {  	[tilespmem:s0+$0x18000] =	vst.msk vm1, v13;
	vm3 =	vmand vm3, vm2;
	s2 =	sadd.s32 s0, s1  }
0x1e7: {  	[tilespmem:s2+$0x18000] =	vst.msk vm3, v14  }
0x1e8: {  	v13 =	vld.idx.msk [tilespmem:v4+s29+$0xC00 ss:$0x1], $0xffff;
	_ =	sdelay $0x4  }
0x1e9: {  	vm1 =	vge.f32 v13, v5;
	vm11 =	vle.f32 v13, v6  }
0x1ea: {  	v14 =	vsel vm3, $0x1, v2;
	vm1 =	vmor vm1, vm11  }
0x1eb: {  	(xrf0) =	vadd.scan.msk.s32 $0xffff, v14;
	v14 =	vsel vm1, $0x1, v2  }
0x1ec: {  	(xrf0) =	vadd.scan.msk.s32 $0xffff, v14;
	_ =	sdelay $0x4  }
0x1ed: {  	v14, _, _ =	vpop (xrf0)  }
0x1ee: {  	(v2sf) =	vpush v14, $0xF;
	v14, _, _ =	vpop (xrf0)  }
0x1ef: {  	(v2sf) =	vpush v14, $0xF;
	_ =	sdelay $0x8  }
0x1f0: {  	v14 =	vld.idx.msk [tilespmem:v4+s29+$0xC08 ss:$0x1], $0xffff;
	_ =	sdelay $0x4  }
0x1f1: {  	vm3 =	vge.f32 v14, v5;
	vm12 =	vle.f32 v14, v6;
	s3 =	spop (v2sf)  }
0x1f2: {  	[smem:$0x7F5] =	sst s0;
	vm3 =	vmor vm3, vm12;
	s0 =	sadd.s32 s2, s3;
	s4 =	spop (v2sf)  }
0x1f3: {  	vm3 =	vmand vm3, vm2;
	[tilespmem:s0+$0x18000] =	vst.msk vm1, v13;
	s0 =	sadd.s32 s0, s4  }
0x1f4: {  	[tilespmem:s0+$0x18000] =	vst.msk vm3, v14  }
0x1f5: {  	v13 =	vld.idx.msk [tilespmem:v4+s29+$0x1800 ss:$0x1], $0xffff;
	_ =	sdelay $0x4  }
0x1f6: {  	vm1 =	vge.f32 v13, v5;
	vm13 =	vle.f32 v13, v6  }
0x1f7: {  	v14 =	vsel vm3, $0x1, v2;
	vm1 =	vmor vm1, vm13  }
0x1f8: {  	(xrf0) =	vadd.scan.msk.s32 $0xffff, v14;
	v14 =	vsel vm1, $0x1, v2  }
0x1f9: {  	(xrf0) =	vadd.scan.msk.s32 $0xffff, v14;
	_ =	sdelay $0x4  }
0x1fa: {  	v14, _, _ =	vpop (xrf0)  }
0x1fb: {  	(v2sf) =	vpush v14, $0xF;
	v14, _, _ =	vpop (xrf0)  }
0x1fc: {  	(v2sf) =	vpush v14, $0xF;
	_ =	sdelay $0x8  }
0x1fd: {  	v14 =	vld.idx.msk [tilespmem:v4+s29+$0x1808 ss:$0x1], $0xffff;
	_ =	sdelay $0x4  }
0x1fe: {  	vm3 =	vge.f32 v14, v5;
	vm14 =	vle.f32 v14, v6;
	s5 =	spop (v2sf)  }
0x1ff: {  	vm3 =	vmor vm3, vm14;
	s0 =	sadd.s32 s0, s5;
	s6 =	spop (v2sf)  }
0x200: {  	vm3 =	vmand vm3, vm2;
	[tilespmem:s0+$0x18000] =	vst.msk vm1, v13;
	s0 =	sadd.s32 s0, s6  }
0x201: {  	[tilespmem:s0+$0x18000] =	vst.msk vm3, v14  }
0x202: {  	v13 =	vld.idx.msk [tilespmem:v4+s29+$0x2400 ss:$0x1], $0xffff;
	_ =	sdelay $0x4  }
0x203: {  	vm1 =	vge.f32 v13, v5;
	vm15 =	vle.f32 v13, v6  }
0x204: {  	v14 =	vsel vm3, $0x1, v2;
	vm1 =	vmor vm1, vm15  }
0x205: {  	(xrf0) =	vadd.scan.msk.s32 $0xffff, v14;
	v14 =	vsel vm1, $0x1, v2  }
0x206: {  	(xrf0) =	vadd.scan.msk.s32 $0xffff, v14;
	_ =	sdelay $0x4  }
0x207: {  	v14, _, _ =	vpop (xrf0)  }
0x208: {  	(v2sf) =	vpush v14, $0xF;
	v14, _, _ =	vpop (xrf0)  }
0x209: {  	(v2sf) =	vpush v14, $0xF;
	_ =	sdelay $0x8  }
0x20a: {  	v14 =	vld.idx.msk [tilespmem:v4+s29+$0x2408 ss:$0x1], $0xffff;
	_ =	sdelay $0x4  }
0x20b: {  	vm3 =	vge.f32 v14, v5;
	vm8 =	vle.f32 v14, v6;
	s7 =	spop (v2sf)  }
0x20c: {  	vm3 =	vmor vm3, vm8;
	s0 =	sadd.s32 s0, s7;
	s9 =	spop (v2sf)  }
0x20d: {  	vm3 =	vmand vm3, vm2;
	[tilespmem:s0+$0x18000] =	vst.msk vm1, v13;
	s0 =	sadd.s32 s0, s9  }
0x20e: {  	[tilespmem:s0+$0x18000] =	vst.msk vm3, v14  }
0x20f: {  	v13 =	vld.idx.msk [tilespmem:v4+s29+$0x3000 ss:$0x1], $0xffff;
	_ =	sdelay $0x4  }
0x210: {  	vm1 =	vge.f32 v13, v7;
	vm9 =	vle.f32 v13, v8  }
0x211: {  	v14 =	vsel vm3, $0x1, v2;
	vm1 =	vmor vm1, vm9  }
0x212: {  	(xrf0) =	vadd.scan.msk.s32 $0xffff, v14;
	v14 =	vsel vm1, $0x1, v2  }
0x213: {  	(xrf0) =	vadd.scan.msk.s32 $0xffff, v14;
	_ =	sdelay $0x4  }
0x214: {  	v14, _, _ =	vpop (xrf0)  }
0x215: {  	(v2sf) =	vpush v14, $0xF;
	v14, _, _ =	vpop (xrf0)  }
0x216: {  	(v2sf) =	vpush v14, $0xF;
	_ =	sdelay $0x8  }
0x217: {  	v14 =	vld.idx.msk [tilespmem:v4+s29+$0x3008 ss:$0x1], $0xffff;
	_ =	sdelay $0x4  }
0x218: {  	vm3 =	vge.f32 v14, v7;
	vm10 =	vle.f32 v14, v8;
	s16 =	spop (v2sf)  }
0x219: {  	vm3 =	vmor vm3, vm10;
	s10 =	spop (v2sf)  }
0x21a: {  	[smem:$0x7FD] =	sst s0;
	[tilespmem:s14+$0x18910] =	vst.msk vm1, v13;
	vm3 =	vmand vm3, vm2;
	s0 =	sadd.s32 s14, s10  }
0x21b: {  	[tilespmem:s0+$0x18910] =	vst.msk vm3, v14  }
0x21c: {  	v13 =	vld.idx.msk [tilespmem:v4+s29+$0x3C00 ss:$0x1], $0xffff;
	_ =	sdelay $0x4  }
0x21d: {  	vm1 =	vge.f32 v13, v7;
	vm11 =	vle.f32 v13, v8  }
0x21e: {  	v14 =	vsel vm3, $0x1, v2;
	vm1 =	vmor vm1, vm11  }
0x21f: {  	(xrf0) =	vadd.scan.msk.s32 $0xffff, v14;
	v14 =	vsel vm1, $0x1, v2  }
0x220: {  	(xrf0) =	vadd.scan.msk.s32 $0xffff, v14;
	_ =	sdelay $0x4  }
0x221: {  	v14, _, _ =	vpop (xrf0)  }
0x222: {  	(v2sf) =	vpush v14, $0xF;
	v14, _, _ =	vpop (xrf0)  }
0x223: {  	(v2sf) =	vpush v14, $0xF;
	_ =	sdelay $0x8  }
0x224: {  	v14 =	vld.idx.msk [tilespmem:v4+s29+$0x3C08 ss:$0x1], $0xffff;
	_ =	sdelay $0x4  }
0x225: {  	vm3 =	vge.f32 v14, v7;
	vm12 =	vle.f32 v14, v8;
	s11 =	spop (v2sf)  }
0x226: {  	vm3 =	vmor vm3, vm12;
	s0 =	sadd.s32 s0, s11;
	s19 =	spop (v2sf)  }
0x227: {  	vm3 =	vmand vm3, vm2;
	[tilespmem:s0+$0x18910] =	vst.msk vm1, v13;
	s0 =	sadd.s32 s0, s19  }
0x228: {  	[tilespmem:s0+$0x18910] =	vst.msk vm3, v14  }
0x229: {  	v13 =	vld.idx.msk [tilespmem:v4+s29+$0x4800 ss:$0x1], $0xffff;
	_ =	sdelay $0x4  }
0x22a: {  	vm1 =	vge.f32 v13, v7;
	vm13 =	vle.f32 v13, v8  }
0x22b: {  	v14 =	vsel vm3, $0x1, v2;
	vm1 =	vmor vm1, vm13  }
0x22c: {  	(xrf0) =	vadd.scan.msk.s32 $0xffff, v14;
	v14 =	vsel vm1, $0x1, v2  }
0x22d: {  	(xrf0) =	vadd.scan.msk.s32 $0xffff, v14;
	_ =	sdelay $0x4  }
0x22e: {  	v14, _, _ =	vpop (xrf0)  }
0x22f: {  	(v2sf) =	vpush v14, $0xF;
	v14, _, _ =	vpop (xrf0)  }
0x230: {  	(v2sf) =	vpush v14, $0xF;
	_ =	sdelay $0x8  }
0x231: {  	v14 =	vld.idx.msk [tilespmem:v4+s29+$0x4808 ss:$0x1], $0xffff;
	_ =	sdelay $0x4  }
0x232: {  	vm3 =	vge.f32 v14, v7;
	vm14 =	vle.f32 v14, v8;
	s20 =	spop (v2sf)  }
0x233: {  	vm3 =	vmor vm3, vm14;
	s0 =	sadd.s32 s0, s20;
	s21 =	spop (v2sf)  }
0x234: {  	vm3 =	vmand vm3, vm2;
	[tilespmem:s0+$0x18910] =	vst.msk vm1, v13;
	s0 =	sadd.s32 s0, s21  }
0x235: {  	[tilespmem:s0+$0x18910] =	vst.msk vm3, v14  }
0x236: {  	v13 =	vld.idx.msk [tilespmem:v4+s29+$0x5400 ss:$0x1], $0xffff;
	_ =	sdelay $0x4  }
0x237: {  	vm1 =	vge.f32 v13, v7;
	vm15 =	vle.f32 v13, v8  }
0x238: {  	v14 =	vsel vm3, $0x1, v2;
	vm1 =	vmor vm1, vm15  }
0x239: {  	(xrf0) =	vadd.scan.msk.s32 $0xffff, v14;
	v14 =	vsel vm1, $0x1, v2  }
0x23a: {  	(xrf0) =	vadd.scan.msk.s32 $0xffff, v14;
	_ =	sdelay $0x4  }
0x23b: {  	v14, _, _ =	vpop (xrf0)  }
0x23c: {  	(v2sf) =	vpush v14, $0xF;
	v14, _, _ =	vpop (xrf0)  }
0x23d: {  	(v2sf) =	vpush v14, $0xF;
	_ =	sdelay $0x8  }
0x23e: {  	v14 =	vld.idx.msk [tilespmem:v4+s29+$0x5408 ss:$0x1], $0xffff;
	_ =	sdelay $0x4  }
0x23f: {  	vm3 =	vge.f32 v14, v7;
	vm8 =	vle.f32 v14, v8;
	s22 =	spop (v2sf)  }
0x240: {  	vm3 =	vmor vm3, vm8;
	s0 =	sadd.s32 s0, s22;
	s23 =	spop (v2sf)  }
0x241: {  	[smem:$0x7FB] =	sst s7;
	vm3 =	vmand vm3, vm2;
	[tilespmem:s0+$0x18910] =	vst.msk vm1, v13;
	s7 =	sadd.s32 s0, s23  }
0x242: {  	[tilespmem:s7+$0x18910] =	vst.msk vm3, v14  }
0x243: {  	v13 =	vld.idx.msk [tilespmem:v4+s29+$0x6000 ss:$0x1], $0xffff;
	_ =	sdelay $0x4  }
0x244: {  	vm1 =	vge.f32 v13, v9;
	vm9 =	vle.f32 v13, v10  }
0x245: {  	v14 =	vsel vm3, $0x1, v2;
	vm1 =	vmor vm1, vm9  }
0x246: {  	(xrf0) =	vadd.scan.msk.s32 $0xffff, v14;
	v14 =	vsel vm1, $0x1, v2  }
0x247: {  	(xrf0) =	vadd.scan.msk.s32 $0xffff, v14;
	_ =	sdelay $0x4  }
0x248: {  	v14, _, _ =	vpop (xrf0)  }
0x249: {  	(v2sf) =	vpush v14, $0xF;
	v14, _, _ =	vpop (xrf0)  }
0x24a: {  	(v2sf) =	vpush v14, $0xF;
	_ =	sdelay $0x8  }
0x24b: {  	v14 =	vld.idx.msk [tilespmem:v4+s29+$0x6008 ss:$0x1], $0xffff;
	_ =	sdelay $0x4  }
0x24c: {  	vm3 =	vge.f32 v14, v9;
	vm10 =	vle.f32 v14, v10;
	s24 =	spop (v2sf)  }
0x24d: {  	[smem:$0x7F8] =	sst s4;
	vm3 =	vmor vm3, vm10;
	s4 =	spop (v2sf)  }
0x24e: {  	[tilespmem:s8+$0x19220] =	vst.msk vm1, v13;
	vm3 =	vmand vm3, vm2;
	s12 =	sadd.s32 s8, s4  }
0x24f: {  	[tilespmem:s12+$0x19220] =	vst.msk vm3, v14  }
0x250: {  	v13 =	vld.idx.msk [tilespmem:v4+s29+$0x6C00 ss:$0x1], $0xffff;
	_ =	sdelay $0x4  }
0x251: {  	vm1 =	vge.f32 v13, v9;
	vm11 =	vle.f32 v13, v10  }
0x252: {  	v14 =	vsel vm3, $0x1, v2;
	vm1 =	vmor vm1, vm11  }
0x253: {  	(xrf0) =	vadd.scan.msk.s32 $0xffff, v14;
	v14 =	vsel vm1, $0x1, v2  }
0x254: {  	(xrf0) =	vadd.scan.msk.s32 $0xffff, v14;
	_ =	sdelay $0x4  }
0x255: {  	v14, _, _ =	vpop (xrf0)  }
0x256: {  	(v2sf) =	vpush v14, $0xF;
	v14, _, _ =	vpop (xrf0)  }
0x257: {  	(v2sf) =	vpush v14, $0xF;
	_ =	sdelay $0x8  }
0x258: {  	v14 =	vld.idx.msk [tilespmem:v4+s29+$0x6C08 ss:$0x1], $0xffff;
	_ =	sdelay $0x4  }
0x259: {  	[dreg:$0x19] =	wrdreg s11;
	vm3 =	vge.f32 v14, v9;
	vm12 =	vle.f32 v14, v10;
	s11 =	spop (v2sf)  }
0x25a: {  	vm3 =	vmor vm3, vm12;
	s0 =	sadd.s32 s12, s11;
	s2 =	spop (v2sf)  }
0x25b: {  	vm3 =	vmand vm3, vm2;
	[tilespmem:s0+$0x19220] =	vst.msk vm1, v13;
	s0 =	sadd.s32 s0, s2  }
0x25c: {  	[tilespmem:s0+$0x19220] =	vst.msk vm3, v14  }
0x25d: {  	v13 =	vld.idx.msk [tilespmem:v4+s29+$0x7800 ss:$0x1], $0xffff;
	_ =	sdelay $0x4  }
0x25e: {  	vm1 =	vge.f32 v13, v9;
	vm13 =	vle.f32 v13, v10  }
0x25f: {  	v14 =	vsel vm3, $0x1, v2;
	vm1 =	vmor vm1, vm13  }
0x260: {  	(xrf0) =	vadd.scan.msk.s32 $0xffff, v14;
	v14 =	vsel vm1, $0x1, v2  }
0x261: {  	(xrf0) =	vadd.scan.msk.s32 $0xffff, v14;
	_ =	sdelay $0x4  }
0x262: {  	v14, _, _ =	vpop (xrf0)  }
0x263: {  	(v2sf) =	vpush v14, $0xF;
	v14, _, _ =	vpop (xrf0)  }
0x264: {  	(v2sf) =	vpush v14, $0xF;
	_ =	sdelay $0x8  }
0x265: {  	v14 =	vld.idx.msk [tilespmem:v4+s29+$0x7808 ss:$0x1], $0xffff;
	_ =	sdelay $0x4  }
0x266: {  	vm3 =	vge.f32 v14, v9;
	vm14 =	vle.f32 v14, v10;
	s12 =	spop (v2sf)  }
0x267: {  	[smem:$0x7F7] =	sst s3;
	vm3 =	vmor vm3, vm14;
	s0 =	sadd.s32 s0, s12;
	s3 =	spop (v2sf)  }
0x268: {  	[smem:$0x7FC] =	sst s9;
	vm3 =	vmand vm3, vm2;
	[tilespmem:s0+$0x19220] =	vst.msk vm1, v13;
	s9 =	sadd.s32 s0, s3  }
0x269: {  	[tilespmem:s9+$0x19220] =	vst.msk vm3, v14  }
0x26a: {  	v13 =	vld.idx.msk [tilespmem:v4+s29+$0x8400 ss:$0x1], $0xffff;
	_ =	sdelay $0x4  }
0x26b: {  	vm1 =	vge.f32 v13, v9;
	vm15 =	vle.f32 v13, v10  }
0x26c: {  	v14 =	vsel vm3, $0x1, v2;
	vm1 =	vmor vm1, vm15  }
0x26d: {  	(xrf0) =	vadd.scan.msk.s32 $0xffff, v14;
	v14 =	vsel vm1, $0x1, v2  }
0x26e: {  	(xrf0) =	vadd.scan.msk.s32 $0xffff, v14;
	_ =	sdelay $0x4  }
0x26f: {  	v14, _, _ =	vpop (xrf0)  }
0x270: {  	(v2sf) =	vpush v14, $0xF;
	v14, _, _ =	vpop (xrf0)  }
0x271: {  	(v2sf) =	vpush v14, $0xF;
	_ =	sdelay $0x8  }
0x272: {  	v14 =	vld.idx.msk [tilespmem:v4+s29+$0x8408 ss:$0x1], $0xffff;
	_ =	sdelay $0x4  }
0x273: {  	vm3 =	vge.f32 v14, v9;
	vm8 =	vle.f32 v14, v10;
	s26 =	spop (v2sf)  }
0x274: {  	[dreg:$0x18] =	wrdreg s10;
	vm3 =	vmor vm3, vm8;
	s10 =	sadd.s32 s9, s26;
	s15 =	spop (v2sf)  }
0x275: {  	s25 =	smov.u32 s8;
	vm3 =	vmand vm3, vm2;
	[tilespmem:s10+$0x19220] =	vst.msk vm1, v13;
	s8 =	sadd.s32 s10, s15  }
0x276: {  	[tilespmem:s8+$0x19220] =	vst.msk vm3, v14  }
0x277: {  	v13 =	vld.idx.msk [tilespmem:v4+s29+$0x9000 ss:$0x1], $0xffff;
	_ =	sdelay $0x4  }
0x278: {  	vm1 =	vge.f32 v13, v11;
	vm9 =	vle.f32 v13, v12  }
0x279: {  	v14 =	vsel vm3, $0x1, v2;
	vm1 =	vmor vm1, vm9  }
0x27a: {  	(xrf0) =	vadd.scan.msk.s32 $0xffff, v14;
	v14 =	vsel vm1, $0x1, v2  }
0x27b: {  	(xrf0) =	vadd.scan.msk.s32 $0xffff, v14;
	_ =	sdelay $0x4  }
0x27c: {  	v14, _, _ =	vpop (xrf0)  }
0x27d: {  	(v2sf) =	vpush v14, $0xF;
	v14, _, _ =	vpop (xrf0)  }
0x27e: {  	(v2sf) =	vpush v14, $0xF;
	_ =	sdelay $0x8  }
0x27f: {  	v14 =	vld.idx.msk [tilespmem:v4+s29+$0x9008 ss:$0x1], $0xffff;
	_ =	sdelay $0x4  }
0x280: {  	vm3 =	vge.f32 v14, v11;
	vm10 =	vle.f32 v14, v12;
	s17 =	spop (v2sf)  }
0x281: {  	vm3 =	vmor vm3, vm10;
	s31 =	spop (v2sf)  }
0x282: {  	[smem:$0x7FA] =	sst s6;
	s6 =	smov.u32 s30;
	[tilespmem:s30+$0x19B30] =	vst.msk vm1, v13;
	vm3 =	vmand vm3, vm2;
	s30 =	sadd.s32 s30, s31  }
0x283: {  	[tilespmem:s30+$0x19B30] =	vst.msk vm3, v14  }
0x284: {  	v13 =	vld.idx.msk [tilespmem:v4+s29+$0x9C00 ss:$0x1], $0xffff;
	_ =	sdelay $0x4  }
0x285: {  	vm1 =	vge.f32 v13, v11;
	vm11 =	vle.f32 v13, v12  }
0x286: {  	v14 =	vsel vm3, $0x1, v2;
	vm1 =	vmor vm1, vm11  }
0x287: {  	(xrf0) =	vadd.scan.msk.s32 $0xffff, v14;
	v14 =	vsel vm1, $0x1, v2  }
0x288: {  	(xrf0) =	vadd.scan.msk.s32 $0xffff, v14;
	_ =	sdelay $0x4  }
0x289: {  	v14, _, _ =	vpop (xrf0)  }
0x28a: {  	(v2sf) =	vpush v14, $0xF;
	v14, _, _ =	vpop (xrf0)  }
0x28b: {  	(v2sf) =	vpush v14, $0xF;
	_ =	sdelay $0x8  }
0x28c: {  	v14 =	vld.idx.msk [tilespmem:v4+s29+$0x9C08 ss:$0x1], $0xffff;
	_ =	sdelay $0x4  }
0x28d: {  	[smem:$0x7F6] =	sst s1;
	vm3 =	vge.f32 v14, v11;
	vm12 =	vle.f32 v14, v12;
	s1 =	spop (v2sf)  }
0x28e: {  	vm3 =	vmor vm3, vm12;
	s30 =	sadd.s32 s30, s1;
	s18 =	spop (v2sf)  }
0x28f: {  	vm3 =	vmand vm3, vm2;
	[tilespmem:s30+$0x19B30] =	vst.msk vm1, v13;
	s30 =	sadd.s32 s30, s18  }
0x290: {  	[tilespmem:s30+$0x19B30] =	vst.msk vm3, v14  }
0x291: {  	v13 =	vld.idx.msk [tilespmem:v4+s29+$0xA800 ss:$0x1], $0xffff;
	_ =	sdelay $0x4  }
0x292: {  	vm1 =	vge.f32 v13, v11;
	vm13 =	vle.f32 v13, v12  }
0x293: {  	v14 =	vsel vm3, $0x1, v2;
	vm1 =	vmor vm1, vm13  }
0x294: {  	(xrf0) =	vadd.scan.msk.s32 $0xffff, v14;
	v14 =	vsel vm1, $0x1, v2  }
0x295: {  	(xrf0) =	vadd.scan.msk.s32 $0xffff, v14;
	_ =	sdelay $0x4  }
0x296: {  	v14, _, _ =	vpop (xrf0)  }
0x297: {  	(v2sf) =	vpush v14, $0xF;
	v14, _, _ =	vpop (xrf0)  }
0x298: {  	(v2sf) =	vpush v14, $0xF;
	_ =	sdelay $0x8  }
0x299: {  	v14 =	vld.idx.msk [tilespmem:v4+s29+$0xA808 ss:$0x1], $0xffff;
	_ =	sdelay $0x4  }
0x29a: {  	vm3 =	vge.f32 v14, v11;
	vm14 =	vle.f32 v14, v12;
	s9 =	spop (v2sf)  }
0x29b: {  	vm3 =	vmor vm3, vm14;
	s30 =	sadd.s32 s30, s9;
	s10 =	spop (v2sf)  }
0x29c: {  	vm3 =	vmand vm3, vm2;
	[tilespmem:s30+$0x19B30] =	vst.msk vm1, v13;
	s30 =	sadd.s32 s30, s10  }
0x29d: {  	[tilespmem:s30+$0x19B30] =	vst.msk vm3, v14  }
0x29e: {  	v13 =	vld.idx.msk [tilespmem:v4+s29+$0xB400 ss:$0x1], $0xffff  }
0x29f: {  	v14 =	vld.idx.msk [tilespmem:v4+s29+$0xB408 ss:$0x1], $0xffff;
	_ =	sdelay $0x3  }
0x2a0: {  	vm1 =	vge.f32 v13, v11  }
0x2a1: {  	vm15 =	vle.f32 v13, v12;
	vm5 =	vge.f32 v14, v11;
	vm6 =	vle.f32 v14, v12  }
0x2a2: {  	v15 =	vsel vm3, $0x1, v2;
	vm1 =	vmor vm1, vm15;
	vm3 =	vmor vm5, vm6  }
0x2a3: {  	(xrf0) =	vadd.scan.msk.s32 $0xffff, v15;
	vm3 =	vmand vm3, vm2;
	v15 =	vsel vm1, $0x1, v2  }
0x2a4: {  	(xrf0) =	vadd.scan.msk.s32 $0xffff, v15;
	v15 =	vsel vm3, $0x1, v2  }
0x2a5: {  	(xrf0) =	vadd.scan.msk.s32 $0xffff, v15;
	_ =	sdelay $0x3  }
0x2a6: {  	v15, _, _ =	vpop (xrf0)  }
0x2a7: {  	(v2sf) =	vpush v15, $0xF;
	v16, _, _ =	vpop (xrf0)  }
0x2a8: {  	(v2sf) =	vpush v16, $0xF;
	v15, _, _ =	vpop (xrf0)  }
0x2a9: {  	(v2sf) =	vpush v15, $0xF;
	_ =	sdelay $0x9  }
0x2aa: {  	s13 =	smov.u32 s14;
	s14 =	sld [smem:$0x7FD]  }
0x2ab: {  	p1 =	sne.s32 s28, $0x2E00  }
.Ltmp8:
0x2ac: {  	[smem:$0x7F9] =	sst s5;
	(pc) =	sbr.rel @p1 .LBB2_11-.Ltmp8, $4  }
0x2ad: {  	s5 =	smov.u32 s16;
	s0 =	sadd.s32 s14, s16;
	s16 =	spop (v2sf)  }
0x2ae: {  	s30 =	sadd.s32 s30, s16;
	s29 =	spop (v2sf)  }
0x2af: {  	s14 =	sadd.s32 s7, s24;
	[tilespmem:s30+$0x19B30] =	vst.msk vm1, v13;
	s30 =	sadd.s32 s30, s29;
	s7 =	spop (v2sf)  }
0x2b0: {  	s28 =	sadd.s32 $0x200, s28;
	s8 =	sadd.s32 s8, s17;
	[tilespmem:s30+$0x19B30] =	vst.msk vm3, v14;
	s30 =	sadd.s32 s30, s7  }
0x2b1: {  	v4 =	vld [tilespmem:$0x18000];
	_ =	sdelay $0x2  }
0x2b2: {  	v5 =	vmov s0  }
0x2b3: {  	vm5 =	vgt.s32 v5, v0  }
0x2b4: {  	v5 =	vnsel vm5, $0xFF61B1E6, v4  }
0x2b5: {  	(xrf1) =	vsort.dscd.msk.f32 $0xffff, v5, v5;
	_ =	sdelay $0xd  }
0x2b6: {  	v5, _, _ =	vpop (xrf1)  }
0x2b7: {  	v5 =	vperm.xlane v5, v1;
	_ =	sdelay $0x1  }
0x2b8: {  	v5 =	vmax.f32 v5, $-3.000000010e+38  }
0x2b9: {  	(xrf1) =	vsort.dscd.msk.f32 $0xffff, v5, v5;
	_ =	sdelay $0xd  }
0x2ba: {  	v6 =	vld [tilespmem:$0x18910];
	v5, _, _ =	vpop (xrf1)  }
0x2bb: {  	v5 =	vperm.xlane v5, v1;
	_ =	sdelay $0x1  }
0x2bc: {  	v8 =	vmov s14;
	v7 =	vmax.f32 v5, $-3.000000010e+38  }
0x2bd: {  	vm1 =	vgt.s32 v8, v0;
	v5 =	vmin.f32 v5, $-3.000000010e+38;
	(xrf1) =	vsort.dscd.msk.f32 $0xffff, v7, v7  }
0x2be: {  	(xrf1) =	vsort.dscd.msk.f32 $0xffff, v5, v5;
	v5 =	vnsel vm1, $0xFF61B1E6, v6  }
0x2bf: {  	(xrf1) =	vsort.dscd.msk.f32 $0xffff, v5, v5;
	_ =	sdelay $0x9  }
0x2c0: {  	v7 =	vimm.s32 $0x0  }
0x2c1: {  	v7 =	vsel vm1, $0xFFFFFFFF, v7  }
0x2c2: {  	v5, _, _ =	vpop (xrf1)  }
0x2c3: {  	v8, _, _ =	vpop (xrf1)  }
0x2c4: {  	[tilespmem:$0x1FFE0] =	vst v7;
	v7, _, _ =	vpop (xrf1)  }
0x2c5: {  	v7 =	vperm.xlane v7, v1;
	_ =	sdelay $0x1  }
0x2c6: {  	v7 =	vmax.f32 v7, $-3.000000010e+38  }
0x2c7: {  	(xrf1) =	vsort.dscd.msk.f32 $0xffff, v7, v7;
	_ =	sdelay $0xd  }
0x2c8: {  	v7 =	vld [tilespmem:$0x19220];
	v9, _, _ =	vpop (xrf1)  }
0x2c9: {  	v9 =	vperm.xlane v9, v1;
	_ =	sdelay $0x1  }
0x2ca: {  	v11 =	vmov s8;
	v10 =	vmax.f32 v9, $-3.000000010e+38  }
0x2cb: {  	vm1 =	vgt.s32 v11, v0;
	v9 =	vmin.f32 v9, $-3.000000010e+38;
	(xrf1) =	vsort.dscd.msk.f32 $0xffff, v10, v10  }
0x2cc: {  	(xrf1) =	vsort.dscd.msk.f32 $0xffff, v9, v9;
	v9 =	vnsel vm1, $0xFF61B1E6, v7  }
0x2cd: {  	(xrf1) =	vsort.dscd.msk.f32 $0xffff, v9, v9;
	_ =	sdelay $0x9  }
0x2ce: {  	v10 =	vimm.s32 $0x0  }
0x2cf: {  	v10 =	vsel vm1, $0xFFFFFFFF, v10  }
0x2d0: {  	v9, _, _ =	vpop (xrf1)  }
0x2d1: {  	v12, _, _ =	vpop (xrf1)  }
0x2d2: {  	[tilespmem:$0x1FFF0] =	vst v10;
	v10, _, _ =	vpop (xrf1)  }
0x2d3: {  	v10 =	vperm.xlane v10, v1;
	_ =	sdelay $0x1  }
0x2d4: {  	v10 =	vmax.f32 v10, $-3.000000010e+38  }
0x2d5: {  	(xrf1) =	vsort.dscd.msk.f32 $0xffff, v10, v10;
	_ =	sdelay $0xd  }
0x2d6: {  	v10 =	vld [tilespmem:$0x19B30];
	v11, _, _ =	vpop (xrf1)  }
0x2d7: {  	v11 =	vperm.xlane v11, v1;
	_ =	sdelay $0x1  }
0x2d8: {  	v14 =	vmov s30;
	v13 =	vmax.f32 v11, $-3.000000010e+38  }
0x2d9: {  	vm6 =	vgt.s32 v14, v0;
	v11 =	vmin.f32 v11, $-3.000000010e+38;
	(xrf1) =	vsort.dscd.msk.f32 $0xffff, v13, v13  }
0x2da: {  	(xrf1) =	vsort.dscd.msk.f32 $0xffff, v11, v11;
	v11 =	vnsel vm6, $0xFF61B1E6, v10  }
0x2db: {  	(xrf1) =	vsort.dscd.msk.f32 $0xffff, v11, v11;
	_ =	sdelay $0xb  }
0x2dc: {  	v13, _, _ =	vpop (xrf1)  }
0x2dd: {  	v16, _, _ =	vpop (xrf1)  }
0x2de: {  	v11, _, _ =	vpop (xrf1)  }
0x2df: {  	v11 =	vperm.xlane v11, v1;
	_ =	sdelay $0x1  }
0x2e0: {  	v11 =	vmax.f32 v11, $-3.000000010e+38  }
0x2e1: {  	(xrf1) =	vsort.dscd.msk.f32 $0xffff, v11, v11;
	_ =	sdelay $0xd  }
0x2e2: {  	v11 =	vld [tilespmem:$0x18010];
	v14, _, _ =	vpop (xrf1)  }
0x2e3: {  	v14 =	vperm.xlane v14, v1  }
0x2e4: {  	s28 =	sadd.s32 $0xFFFFFFF0, s0  }
0x2e5: {  	v17 =	vmov s28;
	v15 =	vmax.f32 v14, $-3.000000010e+38  }
0x2e6: {  	vm7 =	vgt.s32 v17, v0;
	v14 =	vmin.f32 v14, $-3.000000010e+38;
	(xrf1) =	vsort.dscd.msk.f32 $0xffff, v15, v15  }
0x2e7: {  	(xrf1) =	vsort.dscd.msk.f32 $0xffff, v14, v14;
	v14 =	vnsel vm7, $0xFF61B1E6, v11  }
0x2e8: {  	(xrf1) =	vsort.dscd.msk.f32 $0xffff, v14, v14;
	_ =	sdelay $0xb  }
0x2e9: {  	v17, _, _ =	vpop (xrf1)  }
0x2ea: {  	v19, _, _ =	vpop (xrf1)  }
0x2eb: {  	v14, _, _ =	vpop (xrf1)  }
0x2ec: {  	v14 =	vperm.xlane v14, v1;
	_ =	sdelay $0x1  }
0x2ed: {  	v8 =	vmax.f32 v8, v14  }
0x2ee: {  	(xrf1) =	vsort.dscd.msk.f32 $0xffff, v8, v8;
	_ =	sdelay $0xd  }
0x2ef: {  	v14 =	vld [tilespmem:$0x18920];
	v8, _, _ =	vpop (xrf1)  }
0x2f0: {  	v8 =	vperm.xlane v8, v1  }
0x2f1: {  	[dreg:$0x1e] =	wrdreg s23;
	s23 =	smov.u32 s13;
	s13 =	sadd.s32 $0xFFFFFFF0, s14  }
0x2f2: {  	v18 =	vmov s13;
	v15 =	vmax.f32 v5, v8  }
0x2f3: {  	vm8 =	vgt.s32 v18, v0;
	v5 =	vmin.f32 v5, v8;
	(xrf1) =	vsort.dscd.msk.f32 $0xffff, v15, v15  }
0x2f4: {  	(xrf1) =	vsort.dscd.msk.f32 $0xffff, v5, v5;
	v5 =	vnsel vm8, $0xFF61B1E6, v14  }
0x2f5: {  	(xrf1) =	vsort.dscd.msk.f32 $0xffff, v5, v5;
	_ =	sdelay $0xb  }
0x2f6: {  	v5, _, _ =	vpop (xrf1)  }
0x2f7: {  	v8, _, _ =	vpop (xrf1)  }
0x2f8: {  	v15, _, _ =	vpop (xrf1)  }
0x2f9: {  	v15 =	vperm.xlane v15, v1;
	_ =	sdelay $0x1  }
0x2fa: {  	v12 =	vmax.f32 v12, v15  }
0x2fb: {  	(xrf1) =	vsort.dscd.msk.f32 $0xffff, v12, v12;
	_ =	sdelay $0xd  }
0x2fc: {  	v15 =	vld [tilespmem:$0x19230];
	v12, _, _ =	vpop (xrf1)  }
0x2fd: {  	v12 =	vperm.xlane v12, v1  }
0x2fe: {  	[dreg:$0x16] =	wrdreg s15;
	s15 =	sadd.s32 $0xFFFFFFF0, s8  }
0x2ff: {  	v20 =	vmov s15;
	v18 =	vmax.f32 v9, v12  }
0x300: {  	vm9 =	vgt.s32 v20, v0;
	v9 =	vmin.f32 v9, v12;
	(xrf1) =	vsort.dscd.msk.f32 $0xffff, v18, v18  }
0x301: {  	(xrf1) =	vsort.dscd.msk.f32 $0xffff, v9, v9;
	v9 =	vnsel vm9, $0xFF61B1E6, v15  }
0x302: {  	(xrf1) =	vsort.dscd.msk.f32 $0xffff, v9, v9;
	_ =	sdelay $0xb  }
0x303: {  	v9, _, _ =	vpop (xrf1)  }
0x304: {  	v12, _, _ =	vpop (xrf1)  }
0x305: {  	v18, _, _ =	vpop (xrf1)  }
0x306: {  	v18 =	vperm.xlane v18, v1;
	_ =	sdelay $0x1  }
0x307: {  	v16 =	vmax.f32 v16, v18  }
0x308: {  	(xrf1) =	vsort.dscd.msk.f32 $0xffff, v16, v16;
	_ =	sdelay $0xd  }
0x309: {  	v18 =	vld [tilespmem:$0x19B40];
	v16, _, _ =	vpop (xrf1)  }
0x30a: {  	v16 =	vperm.xlane v16, v1  }
0x30b: {  	[dreg:$0xe] =	wrdreg s16;
	s16 =	sadd.s32 $0xFFFFFFF0, s30  }
0x30c: {  	v21 =	vmov s16;
	v20 =	vmax.f32 v13, v16  }
0x30d: {  	vm10 =	vgt.s32 v21, v0;
	v13 =	vmin.f32 v13, v16;
	(xrf1) =	vsort.dscd.msk.f32 $0xffff, v20, v20  }
0x30e: {  	(xrf1) =	vsort.dscd.msk.f32 $0xffff, v13, v13;
	v13 =	vnsel vm10, $0xFF61B1E6, v18  }
0x30f: {  	(xrf1) =	vsort.dscd.msk.f32 $0xffff, v13, v13;
	_ =	sdelay $0xb  }
0x310: {  	v13, _, _ =	vpop (xrf1)  }
0x311: {  	v16, _, _ =	vpop (xrf1)  }
0x312: {  	v20, _, _ =	vpop (xrf1)  }
0x313: {  	v20 =	vperm.xlane v20, v1;
	_ =	sdelay $0x1  }
0x314: {  	v19 =	vmax.f32 v19, v20  }
0x315: {  	(xrf1) =	vsort.dscd.msk.f32 $0xffff, v19, v19;
	_ =	sdelay $0xd  }
0x316: {  	v19 =	vld [tilespmem:$0x18020];
	v20, _, _ =	vpop (xrf1)  }
0x317: {  	v20 =	vperm.xlane v20, v1  }
0x318: {  	[dreg:$0x17] =	wrdreg s17;
	s17 =	sadd.s32 $0xFFFFFFE0, s0  }
0x319: {  	v22 =	vmov s17;
	v56 =	vmax.f32 v17, v20  }
0x31a: {  	vm11 =	vgt.s32 v22, v0;
	v17 =	vmin.f32 v17, v20;
	(xrf1) =	vsort.dscd.msk.f32 $0xffff, v56, v56  }
0x31b: {  	(xrf1) =	vsort.dscd.msk.f32 $0xffff, v17, v17;
	v17 =	vnsel vm11, $0xFF61B1E6, v19  }
0x31c: {  	(xrf1) =	vsort.dscd.msk.f32 $0xffff, v17, v17;
	_ =	sdelay $0xb  }
0x31d: {  	v17, _, _ =	vpop (xrf1)  }
0x31e: {  	v23, _, _ =	vpop (xrf1)  }
0x31f: {  	v20, _, _ =	vpop (xrf1)  }
0x320: {  	v20 =	vperm.xlane v20, v1;
	_ =	sdelay $0x1  }
0x321: {  	v8 =	vmax.f32 v8, v20  }
0x322: {  	(xrf1) =	vsort.dscd.msk.f32 $0xffff, v8, v8;
	_ =	sdelay $0xd  }
0x323: {  	v20 =	vld [tilespmem:$0x18930];
	v8, _, _ =	vpop (xrf1)  }
0x324: {  	v8 =	vperm.xlane v8, v1  }
0x325: {  	[dreg:$0xc] =	wrdreg s18;
	s18 =	sadd.s32 $0xFFFFFFE0, s14  }
0x326: {  	v58 =	vmov s18;
	v57 =	vmax.f32 v5, v8  }
0x327: {  	vm12 =	vgt.s32 v58, v0;
	v5 =	vmin.f32 v5, v8;
	(xrf1) =	vsort.dscd.msk.f32 $0xffff, v57, v57  }
0x328: {  	(xrf1) =	vsort.dscd.msk.f32 $0xffff, v5, v5;
	v5 =	vnsel vm12, $0xFF61B1E6, v20  }
0x329: {  	(xrf1) =	vsort.dscd.msk.f32 $0xffff, v5, v5;
	_ =	sdelay $0xb  }
0x32a: {  	v5, _, _ =	vpop (xrf1)  }
0x32b: {  	v8, _, _ =	vpop (xrf1)  }
0x32c: {  	v59, _, _ =	vpop (xrf1)  }
0x32d: {  	v21 =	vperm.xlane v59, v1;
	_ =	sdelay $0x1  }
0x32e: {  	v12 =	vmax.f32 v12, v21  }
0x32f: {  	(xrf1) =	vsort.dscd.msk.f32 $0xffff, v12, v12;
	_ =	sdelay $0xd  }
0x330: {  	v60 =	vld [tilespmem:$0x19240];
	v12, _, _ =	vpop (xrf1)  }
0x331: {  	v12 =	vperm.xlane v12, v1  }
0x332: {  	[dreg:$0x1a] =	wrdreg s19;
	s19 =	sadd.s32 $0xFFFFFFE0, s8  }
0x333: {  	v24 =	vmov s19;
	v61 =	vmax.f32 v9, v12  }
0x334: {  	vm13 =	vgt.s32 v24, v0;
	v9 =	vmin.f32 v9, v12;
	(xrf1) =	vsort.dscd.msk.f32 $0xffff, v61, v61  }
0x335: {  	(xrf1) =	vsort.dscd.msk.f32 $0xffff, v9, v9;
	v9 =	vnsel vm13, $0xFF61B1E6, v60  }
0x336: {  	(xrf1) =	vsort.dscd.msk.f32 $0xffff, v9, v9;
	_ =	sdelay $0xb  }
0x337: {  	v9, _, _ =	vpop (xrf1)  }
0x338: {  	v12, _, _ =	vpop (xrf1)  }
0x339: {  	v62, _, _ =	vpop (xrf1)  }
0x33a: {  	v22 =	vperm.xlane v62, v1;
	_ =	sdelay $0x1  }
0x33b: {  	v16 =	vmax.f32 v16, v22  }
0x33c: {  	(xrf1) =	vsort.dscd.msk.f32 $0xffff, v16, v16;
	_ =	sdelay $0xd  }
0x33d: {  	v63 =	vld [tilespmem:$0x19B50];
	v16, _, _ =	vpop (xrf1)  }
0x33e: {  	v16 =	vperm.xlane v16, v1  }
0x33f: {  	[dreg:$0x1b] =	wrdreg s20;
	s20 =	sadd.s32 $0xFFFFFFE0, s30  }
0x340: {  	v25 =	vmov s20;
	v33 =	vmax.f32 v13, v16  }
0x341: {  	vm14 =	vgt.s32 v25, v0;
	v13 =	vmin.f32 v13, v16;
	(xrf1) =	vsort.dscd.msk.f32 $0xffff, v33, v33  }
0x342: {  	(xrf1) =	vsort.dscd.msk.f32 $0xffff, v13, v13;
	v13 =	vnsel vm14, $0xFF61B1E6, v63  }
0x343: {  	(xrf1) =	vsort.dscd.msk.f32 $0xffff, v13, v13;
	_ =	sdelay $0xb  }
0x344: {  	v27, _, _ =	vpop (xrf1)  }
0x345: {  	v26, _, _ =	vpop (xrf1)  }
0x346: {  	v13, _, _ =	vpop (xrf1)  }
0x347: {  	v13 =	vperm.xlane v13, v1;
	_ =	sdelay $0x1  }
0x348: {  	v13 =	vmax.f32 v23, v13  }
0x349: {  	(xrf1) =	vsort.dscd.msk.f32 $0xffff, v13, v13;
	_ =	sdelay $0xd  }
0x34a: {  	v34 =	vld [tilespmem:$0x18030];
	v13, _, _ =	vpop (xrf1)  }
0x34b: {  	v13 =	vperm.xlane v13, v1  }
0x34c: {  	[dreg:$0x1c] =	wrdreg s21;
	s21 =	sadd.s32 $0xFFFFFFD0, s0  }
0x34d: {  	v35 =	vmov s21;
	v16 =	vmax.f32 v17, v13  }
0x34e: {  	vm15 =	vgt.s32 v35, v0;
	v13 =	vmin.f32 v17, v13;
	(xrf1) =	vsort.dscd.msk.f32 $0xffff, v16, v16  }
0x34f: {  	(xrf1) =	vsort.dscd.msk.f32 $0xffff, v13, v13;
	v13 =	vnsel vm15, $0xFF61B1E6, v34  }
0x350: {  	(xrf1) =	vsort.dscd.msk.f32 $0xffff, v13, v13;
	_ =	sdelay $0xb  }
0x351: {  	v28, _, _ =	vpop (xrf1)  }
0x352: {  	v29, _, _ =	vpop (xrf1)  }
0x353: {  	v13, _, _ =	vpop (xrf1)  }
0x354: {  	v13 =	vperm.xlane v13, v1;
	_ =	sdelay $0x1  }
0x355: {  	v8 =	vmax.f32 v8, v13  }
0x356: {  	(xrf1) =	vsort.dscd.msk.f32 $0xffff, v8, v8;
	_ =	sdelay $0xd  }
0x357: {  	v36 =	vld [tilespmem:$0x18940];
	v8, _, _ =	vpop (xrf1)  }
0x358: {  	v8 =	vperm.xlane v8, v1  }
0x359: {  	[dreg:$0x1d] =	wrdreg s22;
	s22 =	sadd.s32 $0xFFFFFFD0, s14  }
0x35a: {  	v16 =	vmov s22;
	v13 =	vmax.f32 v5, v8  }
0x35b: {  	vm4 =	vgt.s32 v16, v0;
	v5 =	vmin.f32 v5, v8;
	(xrf1) =	vsort.dscd.msk.f32 $0xffff, v13, v13  }
0x35c: {  	(xrf1) =	vsort.dscd.msk.f32 $0xffff, v5, v5;
	v5 =	vnsel vm4, $0xFF61B1E6, v36  }
0x35d: {  	(xrf1) =	vsort.dscd.msk.f32 $0xffff, v5, v5;
	_ =	sdelay $0xb  }
0x35e: {  	v16, _, _ =	vpop (xrf1)  }
0x35f: {  	v17, _, _ =	vpop (xrf1)  }
0x360: {  	v5, _, _ =	vpop (xrf1)  }
0x361: {  	v5 =	vperm.xlane v5, v1;
	_ =	sdelay $0x1  }
0x362: {  	v5 =	vmax.f32 v12, v5  }
0x363: {  	(xrf1) =	vsort.dscd.msk.f32 $0xffff, v5, v5;
	_ =	sdelay $0xd  }
0x364: {  	v37 =	vld [tilespmem:$0x19250];
	v5, _, _ =	vpop (xrf1)  }
0x365: {  	v5 =	vperm.xlane v5, v1  }
0x366: {  	[dreg:$0x1f] =	wrdreg s24;
	s24 =	sadd.s32 $0xFFFFFFD0, s8  }
0x367: {  	v12 =	vmov s24;
	v8 =	vmax.f32 v9, v5  }
0x368: {  	vm3 =	vgt.s32 v12, v0;
	v5 =	vmin.f32 v9, v5;
	(xrf1) =	vsort.dscd.msk.f32 $0xffff, v8, v8  }
0x369: {  	(xrf1) =	vsort.dscd.msk.f32 $0xffff, v5, v5;
	v5 =	vnsel vm3, $0xFF61B1E6, v37  }
0x36a: {  	(xrf1) =	vsort.dscd.msk.f32 $0xffff, v5, v5;
	_ =	sdelay $0xb  }
0x36b: {  	v12, _, _ =	vpop (xrf1)  }
0x36c: {  	v13, _, _ =	vpop (xrf1)  }
0x36d: {  	v5, _, _ =	vpop (xrf1)  }
0x36e: {  	v5 =	vperm.xlane v5, v1;
	_ =	sdelay $0x1  }
0x36f: {  	v5 =	vmax.f32 v26, v5  }
0x370: {  	(xrf1) =	vsort.dscd.msk.f32 $0xffff, v5, v5;
	_ =	sdelay $0xd  }
0x371: {  	v38 =	vld [tilespmem:$0x19B60];
	v5, _, _ =	vpop (xrf1)  }
0x372: {  	v5 =	vperm.xlane v5, v1  }
0x373: {  	[dreg:$0x15] =	wrdreg s26;
	s26 =	sadd.s32 $0xFFFFFFD0, s30  }
0x374: {  	v9 =	vmov s26;
	v8 =	vmax.f32 v27, v5  }
0x375: {  	vm1 =	vgt.s32 v9, v0;
	v5 =	vmin.f32 v27, v5;
	(xrf1) =	vsort.dscd.msk.f32 $0xffff, v8, v8  }
0x376: {  	(xrf1) =	vsort.dscd.msk.f32 $0xffff, v5, v5;
	v5 =	vnsel vm1, $0xFF61B1E6, v38  }
0x377: {  	(xrf1) =	vsort.dscd.msk.f32 $0xffff, v5, v5;
	_ =	sdelay $0xb  }
0x378: {  	v8, _, _ =	vpop (xrf1)  }
0x379: {  	v9, _, _ =	vpop (xrf1)  }
0x37a: {  	v5, _, _ =	vpop (xrf1)  }
0x37b: {  	v5 =	vperm.xlane v5, v1;
	_ =	sdelay $0x1  }
0x37c: {  	v5 =	vmax.f32 v29, v5  }
0x37d: {  	(xrf1) =	vsort.dscd.msk.f32 $0xffff, v5, v5;
	_ =	sdelay $0xd  }
0x37e: {  	v5, _, _ =	vpop (xrf1)  }
0x37f: {  	v5 =	vperm.xlane v5, v1;
	_ =	sdelay $0x1  }
0x380: {  	v4 =	vsub.f32 $0.0e+00, v4;
	v39 =	vmax.f32 v28, v5  }
0x381: {  	v5 =	vmin.f32 v28, v5;
	(xrf1) =	vsort.dscd.msk.f32 $0xffff, v39, v39  }
0x382: {  	v4 =	vnsel vm5, $0xFF61B1E6, v4;
	(xrf1) =	vsort.dscd.msk.f32 $0xffff, v5, v5  }
0x383: {  	(xrf1) =	vsort.dscd.msk.f32 $0xffff, v4, v4;
	_ =	sdelay $0xb  }
0x384: {  	v4, _, _ =	vpop (xrf1)  }
0x385: {  	v5, _, _ =	vpop (xrf1)  }
0x386: {  	v40, _, _ =	vpop (xrf1)  }
0x387: {  	v27 =	vperm.xlane v40, v1;
	_ =	sdelay $0x1  }
0x388: {  	v27 =	vmax.f32 v27, $-3.000000010e+38  }
0x389: {  	(xrf1) =	vsort.dscd.msk.f32 $0xffff, v27, v27;
	_ =	sdelay $0xc  }
0x38a: {  	v42 =	vld [tilespmem:$0x1FFE0]  }
0x38b: {  	v27, _, _ =	vpop (xrf1)  }
0x38c: {  	v27 =	vperm.xlane v27, v1;
	_ =	sdelay $0x1  }
0x38d: {  	v6 =	vsub.f32 $0.0e+00, v6;
	v41 =	vmax.f32 v27, $-3.000000010e+38  }
0x38e: {  	vm5 =	vnez.u8 v42;
	v27 =	vmin.f32 v27, $-3.000000010e+38;
	(xrf1) =	vsort.dscd.msk.f32 $0xffff, v41, v41  }
0x38f: {  	v6 =	vnsel vm5, $0xFF61B1E6, v6;
	(xrf1) =	vsort.dscd.msk.f32 $0xffff, v27, v27  }
0x390: {  	(xrf1) =	vsort.dscd.msk.f32 $0xffff, v6, v6;
	_ =	sdelay $0xb  }
0x391: {  	v6, _, _ =	vpop (xrf1)  }
0x392: {  	v43, _, _ =	vpop (xrf1)  }
0x393: {  	v44, _, _ =	vpop (xrf1)  }
0x394: {  	v28 =	vperm.xlane v44, v1;
	_ =	sdelay $0x1  }
0x395: {  	v28 =	vmax.f32 v28, $-3.000000010e+38  }
0x396: {  	(xrf1) =	vsort.dscd.msk.f32 $0xffff, v28, v28;
	_ =	sdelay $0xc  }
0x397: {  	v46 =	vld [tilespmem:$0x1FFF0]  }
0x398: {  	v28, _, _ =	vpop (xrf1)  }
0x399: {  	v28 =	vperm.xlane v28, v1;
	_ =	sdelay $0x1  }
0x39a: {  	v7 =	vsub.f32 $0.0e+00, v7;
	v45 =	vmax.f32 v28, $-3.000000010e+38  }
0x39b: {  	vm5 =	vnez.u8 v46;
	v28 =	vmin.f32 v28, $-3.000000010e+38;
	(xrf1) =	vsort.dscd.msk.f32 $0xffff, v45, v45  }
0x39c: {  	v7 =	vnsel vm5, $0xFF61B1E6, v7;
	(xrf1) =	vsort.dscd.msk.f32 $0xffff, v28, v28  }
0x39d: {  	(xrf1) =	vsort.dscd.msk.f32 $0xffff, v7, v7;
	_ =	sdelay $0xb  }
0x39e: {  	v7, _, _ =	vpop (xrf1)  }
0x39f: {  	v47, _, _ =	vpop (xrf1)  }
0x3a0: {  	v48, _, _ =	vpop (xrf1)  }
0x3a1: {  	v29 =	vperm.xlane v48, v1;
	_ =	sdelay $0x1  }
0x3a2: {  	v29 =	vmax.f32 v29, $-3.000000010e+38  }
0x3a3: {  	(xrf1) =	vsort.dscd.msk.f32 $0xffff, v29, v29;
	_ =	sdelay $0xd  }
0x3a4: {  	v29, _, _ =	vpop (xrf1)  }
0x3a5: {  	v29 =	vperm.xlane v29, v1;
	_ =	sdelay $0x1  }
0x3a6: {  	v10 =	vsub.f32 $0.0e+00, v10;
	v30 =	vmax.f32 v29, $-3.000000010e+38  }
0x3a7: {  	v29 =	vmin.f32 v29, $-3.000000010e+38;
	(xrf1) =	vsort.dscd.msk.f32 $0xffff, v30, v30  }
0x3a8: {  	v10 =	vnsel vm6, $0xFF61B1E6, v10;
	(xrf1) =	vsort.dscd.msk.f32 $0xffff, v29, v29  }
0x3a9: {  	(xrf1) =	vsort.dscd.msk.f32 $0xffff, v10, v10;
	_ =	sdelay $0xb  }
0x3aa: {  	v10, _, _ =	vpop (xrf1)  }
0x3ab: {  	v29, _, _ =	vpop (xrf1)  }
0x3ac: {  	v49, _, _ =	vpop (xrf1)  }
0x3ad: {  	v30 =	vperm.xlane v49, v1;
	_ =	sdelay $0x1  }
0x3ae: {  	v30 =	vmax.f32 v30, $-3.000000010e+38  }
0x3af: {  	(xrf1) =	vsort.dscd.msk.f32 $0xffff, v30, v30;
	_ =	sdelay $0xd  }
0x3b0: {  	v30, _, _ =	vpop (xrf1)  }
0x3b1: {  	v30 =	vperm.xlane v30, v1;
	_ =	sdelay $0x1  }
0x3b2: {  	v11 =	vsub.f32 $0.0e+00, v11;
	v31 =	vmax.f32 v30, $-3.000000010e+38  }
0x3b3: {  	v30 =	vmin.f32 v30, $-3.000000010e+38;
	(xrf1) =	vsort.dscd.msk.f32 $0xffff, v31, v31  }
0x3b4: {  	v11 =	vnsel vm7, $0xFF61B1E6, v11;
	(xrf1) =	vsort.dscd.msk.f32 $0xffff, v30, v30  }
0x3b5: {  	(xrf1) =	vsort.dscd.msk.f32 $0xffff, v11, v11;
	_ =	sdelay $0xb  }
0x3b6: {  	v11, _, _ =	vpop (xrf1)  }
0x3b7: {  	v30, _, _ =	vpop (xrf1)  }
0x3b8: {  	v50, _, _ =	vpop (xrf1)  }
0x3b9: {  	v31 =	vperm.xlane v50, v1;
	_ =	sdelay $0x1  }
0x3ba: {  	v27 =	vmax.f32 v43, v31  }
0x3bb: {  	(xrf1) =	vsort.dscd.msk.f32 $0xffff, v27, v27;
	_ =	sdelay $0xd  }
0x3bc: {  	v27, _, _ =	vpop (xrf1)  }
0x3bd: {  	v27 =	vperm.xlane v27, v1;
	_ =	sdelay $0x1  }
0x3be: {  	v14 =	vsub.f32 $0.0e+00, v14;
	v51 =	vmax.f32 v6, v27  }
0x3bf: {  	v6 =	vmin.f32 v6, v27;
	(xrf1) =	vsort.dscd.msk.f32 $0xffff, v51, v51  }
0x3c0: {  	(xrf1) =	vsort.dscd.msk.f32 $0xffff, v6, v6;
	v6 =	vnsel vm8, $0xFF61B1E6, v14  }
0x3c1: {  	(xrf1) =	vsort.dscd.msk.f32 $0xffff, v6, v6;
	_ =	sdelay $0xb  }
0x3c2: {  	v6, _, _ =	vpop (xrf1)  }
0x3c3: {  	v14, _, _ =	vpop (xrf1)  }
0x3c4: {  	v52, _, _ =	vpop (xrf1)  }
0x3c5: {  	v27 =	vperm.xlane v52, v1;
	_ =	sdelay $0x1  }
0x3c6: {  	v27 =	vmax.f32 v47, v27  }
0x3c7: {  	(xrf1) =	vsort.dscd.msk.f32 $0xffff, v27, v27;
	_ =	sdelay $0xd  }
0x3c8: {  	v27, _, _ =	vpop (xrf1)  }
0x3c9: {  	v27 =	vperm.xlane v27, v1;
	_ =	sdelay $0x1  }
0x3ca: {  	v15 =	vsub.f32 $0.0e+00, v15;
	v53 =	vmax.f32 v7, v27  }
0x3cb: {  	v7 =	vmin.f32 v7, v27;
	(xrf1) =	vsort.dscd.msk.f32 $0xffff, v53, v53  }
0x3cc: {  	(xrf1) =	vsort.dscd.msk.f32 $0xffff, v7, v7;
	v7 =	vnsel vm9, $0xFF61B1E6, v15  }
0x3cd: {  	(xrf1) =	vsort.dscd.msk.f32 $0xffff, v7, v7;
	_ =	sdelay $0xb  }
0x3ce: {  	v7, _, _ =	vpop (xrf1)  }
0x3cf: {  	v15, _, _ =	vpop (xrf1)  }
0x3d0: {  	v54, _, _ =	vpop (xrf1)  }
0x3d1: {  	v27 =	vperm.xlane v54, v1;
	_ =	sdelay $0x1  }
0x3d2: {  	v27 =	vmax.f32 v29, v27  }
0x3d3: {  	(xrf1) =	vsort.dscd.msk.f32 $0xffff, v27, v27;
	_ =	sdelay $0xd  }
0x3d4: {  	v27, _, _ =	vpop (xrf1)  }
0x3d5: {  	v27 =	vperm.xlane v27, v1;
	_ =	sdelay $0x1  }
0x3d6: {  	v18 =	vsub.f32 $0.0e+00, v18;
	v55 =	vmax.f32 v10, v27  }
0x3d7: {  	v10 =	vmin.f32 v10, v27;
	(xrf1) =	vsort.dscd.msk.f32 $0xffff, v55, v55  }
0x3d8: {  	(xrf1) =	vsort.dscd.msk.f32 $0xffff, v10, v10;
	v10 =	vnsel vm10, $0xFF61B1E6, v18  }
0x3d9: {  	(xrf1) =	vsort.dscd.msk.f32 $0xffff, v10, v10;
	_ =	sdelay $0xb  }
0x3da: {  	v10, _, _ =	vpop (xrf1)  }
0x3db: {  	v18, _, _ =	vpop (xrf1)  }
0x3dc: {  	v56, _, _ =	vpop (xrf1)  }
0x3dd: {  	v27 =	vperm.xlane v56, v1;
	_ =	sdelay $0x1  }
0x3de: {  	v27 =	vmax.f32 v30, v27  }
0x3df: {  	(xrf1) =	vsort.dscd.msk.f32 $0xffff, v27, v27;
	_ =	sdelay $0xd  }
0x3e0: {  	v27, _, _ =	vpop (xrf1)  }
0x3e1: {  	v27 =	vperm.xlane v27, v1;
	_ =	sdelay $0x1  }
0x3e2: {  	v19 =	vsub.f32 $0.0e+00, v19;
	v57 =	vmax.f32 v11, v27  }
0x3e3: {  	v11 =	vmin.f32 v11, v27;
	(xrf1) =	vsort.dscd.msk.f32 $0xffff, v57, v57  }
0x3e4: {  	(xrf1) =	vsort.dscd.msk.f32 $0xffff, v11, v11;
	v11 =	vnsel vm11, $0xFF61B1E6, v19  }
0x3e5: {  	(xrf1) =	vsort.dscd.msk.f32 $0xffff, v11, v11;
	_ =	sdelay $0xb  }
0x3e6: {  	v11, _, _ =	vpop (xrf1)  }
0x3e7: {  	v19, _, _ =	vpop (xrf1)  }
0x3e8: {  	v58, _, _ =	vpop (xrf1)  }
0x3e9: {  	v27 =	vperm.xlane v58, v1;
	_ =	sdelay $0x1  }
0x3ea: {  	v14 =	vmax.f32 v14, v27  }
0x3eb: {  	(xrf1) =	vsort.dscd.msk.f32 $0xffff, v14, v14;
	_ =	sdelay $0xd  }
0x3ec: {  	v14, _, _ =	vpop (xrf1)  }
0x3ed: {  	v14 =	vperm.xlane v14, v1;
	_ =	sdelay $0x1  }
0x3ee: {  	v20 =	vsub.f32 $0.0e+00, v20;
	v59 =	vmax.f32 v6, v14  }
0x3ef: {  	v6 =	vmin.f32 v6, v14;
	(xrf1) =	vsort.dscd.msk.f32 $0xffff, v59, v59  }
0x3f0: {  	(xrf1) =	vsort.dscd.msk.f32 $0xffff, v6, v6;
	v6 =	vnsel vm12, $0xFF61B1E6, v20  }
0x3f1: {  	(xrf1) =	vsort.dscd.msk.f32 $0xffff, v6, v6;
	_ =	sdelay $0xb  }
0x3f2: {  	v6, _, _ =	vpop (xrf1)  }
0x3f3: {  	v14, _, _ =	vpop (xrf1)  }
0x3f4: {  	v20, _, _ =	vpop (xrf1)  }
0x3f5: {  	v20 =	vperm.xlane v20, v1;
	_ =	sdelay $0x1  }
0x3f6: {  	v15 =	vmax.f32 v15, v20  }
0x3f7: {  	(xrf1) =	vsort.dscd.msk.f32 $0xffff, v15, v15;
	_ =	sdelay $0xd  }
0x3f8: {  	v15, _, _ =	vpop (xrf1)  }
0x3f9: {  	v15 =	vperm.xlane v15, v1;
	_ =	sdelay $0x1  }
0x3fa: {  	v21 =	vsub.f32 $0.0e+00, v60;
	v20 =	vmax.f32 v7, v15  }
0x3fb: {  	v7 =	vmin.f32 v7, v15;
	(xrf1) =	vsort.dscd.msk.f32 $0xffff, v20, v20  }
0x3fc: {  	(xrf1) =	vsort.dscd.msk.f32 $0xffff, v7, v7;
	v7 =	vnsel vm13, $0xFF61B1E6, v21  }
0x3fd: {  	(xrf1) =	vsort.dscd.msk.f32 $0xffff, v7, v7;
	_ =	sdelay $0xb  }
0x3fe: {  	v7, _, _ =	vpop (xrf1)  }
0x3ff: {  	v15, _, _ =	vpop (xrf1)  }
0x400: {  	v20, _, _ =	vpop (xrf1)  }
0x401: {  	v20 =	vperm.xlane v20, v1;
	_ =	sdelay $0x1  }
0x402: {  	v18 =	vmax.f32 v18, v20  }
0x403: {  	(xrf1) =	vsort.dscd.msk.f32 $0xffff, v18, v18;
	_ =	sdelay $0xd  }
0x404: {  	v18, _, _ =	vpop (xrf1)  }
0x405: {  	v18 =	vperm.xlane v18, v1;
	_ =	sdelay $0x1  }
0x406: {  	v60 =	vsub.f32 $0.0e+00, v63;
	v20 =	vmax.f32 v10, v18  }
0x407: {  	v10 =	vmin.f32 v10, v18;
	(xrf1) =	vsort.dscd.msk.f32 $0xffff, v20, v20  }
0x408: {  	(xrf1) =	vsort.dscd.msk.f32 $0xffff, v10, v10;
	v10 =	vnsel vm14, $0xFF61B1E6, v60  }
0x409: {  	(xrf1) =	vsort.dscd.msk.f32 $0xffff, v10, v10;
	_ =	sdelay $0xb  }
0x40a: {  	v10, _, _ =	vpop (xrf1)  }
0x40b: {  	v20, _, _ =	vpop (xrf1)  }
0x40c: {  	v18, _, _ =	vpop (xrf1)  }
0x40d: {  	v18 =	vperm.xlane v18, v1;
	_ =	sdelay $0x1  }
0x40e: {  	v18 =	vmax.f32 v19, v18  }
0x40f: {  	(xrf1) =	vsort.dscd.msk.f32 $0xffff, v18, v18;
	_ =	sdelay $0xd  }
0x410: {  	v18, _, _ =	vpop (xrf1)  }
0x411: {  	v18 =	vperm.xlane v18, v1;
	_ =	sdelay $0x1  }
0x412: {  	v61 =	vsub.f32 $0.0e+00, v34;
	v19 =	vmax.f32 v11, v18  }
0x413: {  	v11 =	vmin.f32 v11, v18;
	(xrf1) =	vsort.dscd.msk.f32 $0xffff, v19, v19  }
0x414: {  	(xrf1) =	vsort.dscd.msk.f32 $0xffff, v11, v11;
	v11 =	vnsel vm15, $0xFF61B1E6, v61  }
0x415: {  	(xrf1) =	vsort.dscd.msk.f32 $0xffff, v11, v11;
	_ =	sdelay $0xb  }
0x416: {  	v62, _, _ =	vpop (xrf1)  }
0x417: {  	v63, _, _ =	vpop (xrf1)  }
0x418: {  	v11, _, _ =	vpop (xrf1)  }
0x419: {  	v11 =	vperm.xlane v11, v1;
	_ =	sdelay $0x1  }
0x41a: {  	v11 =	vmax.f32 v14, v11  }
0x41b: {  	(xrf1) =	vsort.dscd.msk.f32 $0xffff, v11, v11;
	_ =	sdelay $0xd  }
0x41c: {  	v11, _, _ =	vpop (xrf1)  }
0x41d: {  	v11 =	vperm.xlane v11, v1;
	_ =	sdelay $0x1  }
0x41e: {  	v18 =	vsub.f32 $0.0e+00, v36;
	v14 =	vmax.f32 v6, v11  }
0x41f: {  	v6 =	vmin.f32 v6, v11;
	(xrf1) =	vsort.dscd.msk.f32 $0xffff, v14, v14  }
0x420: {  	(xrf1) =	vsort.dscd.msk.f32 $0xffff, v6, v6;
	v6 =	vnsel vm4, $0xFF61B1E6, v18  }
0x421: {  	(xrf1) =	vsort.dscd.msk.f32 $0xffff, v6, v6;
	_ =	sdelay $0xb  }
0x422: {  	v18, _, _ =	vpop (xrf1)  }
0x423: {  	v19, _, _ =	vpop (xrf1)  }
0x424: {  	v6, _, _ =	vpop (xrf1)  }
0x425: {  	v6 =	vperm.xlane v6, v1;
	_ =	sdelay $0x1  }
0x426: {  	v6 =	vmax.f32 v15, v6  }
0x427: {  	(xrf1) =	vsort.dscd.msk.f32 $0xffff, v6, v6;
	_ =	sdelay $0xd  }
0x428: {  	v6, _, _ =	vpop (xrf1)  }
0x429: {  	v6 =	vperm.xlane v6, v1;
	_ =	sdelay $0x1  }
0x42a: {  	v14 =	vsub.f32 $0.0e+00, v37;
	v11 =	vmax.f32 v7, v6  }
0x42b: {  	v6 =	vmin.f32 v7, v6;
	(xrf1) =	vsort.dscd.msk.f32 $0xffff, v11, v11  }
0x42c: {  	(xrf1) =	vsort.dscd.msk.f32 $0xffff, v6, v6;
	v6 =	vnsel vm3, $0xFF61B1E6, v14  }
0x42d: {  	(xrf1) =	vsort.dscd.msk.f32 $0xffff, v6, v6;
	_ =	sdelay $0xb  }
0x42e: {  	v14, _, _ =	vpop (xrf1)  }
0x42f: {  	v15, _, _ =	vpop (xrf1)  }
0x430: {  	v6, _, _ =	vpop (xrf1)  }
0x431: {  	v6 =	vperm.xlane v6, v1;
	_ =	sdelay $0x1  }
0x432: {  	v6 =	vmax.f32 v20, v6  }
0x433: {  	(xrf1) =	vsort.dscd.msk.f32 $0xffff, v6, v6;
	_ =	sdelay $0xd  }
0x434: {  	v6, _, _ =	vpop (xrf1)  }
0x435: {  	v6 =	vperm.xlane v6, v1;
	_ =	sdelay $0x1  }
0x436: {  	v11 =	vsub.f32 $0.0e+00, v38;
	v7 =	vmax.f32 v10, v6  }
0x437: {  	v6 =	vmin.f32 v10, v6;
	(xrf1) =	vsort.dscd.msk.f32 $0xffff, v7, v7  }
0x438: {  	(xrf1) =	vsort.dscd.msk.f32 $0xffff, v6, v6;
	v6 =	vnsel vm1, $0xFF61B1E6, v11  }
0x439: {  	(xrf1) =	vsort.dscd.msk.f32 $0xffff, v6, v6;
	_ =	sdelay $0xb  }
0x43a: {  	v10, _, _ =	vpop (xrf1)  }
0x43b: {  	v11, _, _ =	vpop (xrf1)  }
0x43c: {  	v6, _, _ =	vpop (xrf1)  }
0x43d: {  	v6 =	vperm.xlane v6, v1;
	_ =	sdelay $0x1  }
0x43e: {  	v6 =	vmax.f32 v63, v6  }
0x43f: {  	(xrf1) =	vsort.dscd.msk.f32 $0xffff, v6, v6;
	_ =	sdelay $0xd  }
0x440: {  	v6, _, _ =	vpop (xrf1)  }
0x441: {  	v6 =	vperm.xlane v6, v1;
	_ =	sdelay $0x1  }
0x442: {  	v7 =	vmax.f32 v62, v6  }
0x443: {  	v6 =	vmin.f32 v62, v6;
	(xrf1) =	vsort.dscd.msk.f32 $0xffff, v7, v7  }
0x444: {  	(xrf1) =	vsort.dscd.msk.f32 $0xffff, v6, v6;
	_ =	sdelay $0x5  }
0x445: {  	[smem:$0x7F4] =	sst s5  }
0x446: {  	[dreg:$0x14] =	wrdreg s3  }
0x447: {  	[dreg:$0x13] =	wrdreg s12;
	s13 =	sadd.s32 $0xF, s0  }
0x448: {  	[dreg:$0x12] =	wrdreg s2;
	p1 =	slt.u32 s13, $0x50  }
.Ltmp9:
0x449: {  	[dreg:$0x11] =	wrdreg s11;
	(pc) =	sbr.rel @p1 .LBB2_13-.Ltmp9, $4  }
0x44a: {  	[dreg:$0x10] =	wrdreg s4  }
0x44b: {  	[dreg:$0xf] =	wrdreg s7  }
0x44c: {  	[dreg:$0xd] =	wrdreg s10;
	v6, _, _ =	vpop (xrf1)  }
0x44d: {  	[dreg:$0xb] =	wrdreg s1;
	v7, _, _ =	vpop (xrf1)  }
0x44e: {  	s0 =	sld [smem:$0x7F6]  }
0x44f: {  	s1 =	sld [smem:$0x7F7]  }
0x450: {  	s18 =	sld [smem:$0x7F8]  }
0x451: {  	s19 =	sld [smem:$0x7F9]  }
0x452: {  	s20 =	sld [smem:$0x7FA]  }
0x453: {  	s21 =	sld [smem:$0x7FB];
	s15 =	sadd.s32 s1, s0  }
0x454: {  	s22 =	sld [smem:$0x7FC];
	s15 =	sadd.s32 s18, s15  }
0x455: {  	s24 =	sld [smem:$0x7F4];
	s15 =	sadd.s32 s19, s15  }
0x456: {  	s26 =	sld [smem:$0x7F5];
	s15 =	sadd.s32 s20, s15  }
0x457: {  	s10 =	rddreg [dreg:$0x14];
	s15 =	sadd.s32 s21, s15  }
0x458: {  	s13 =	sshrl.u32 s13, $0x4;
	s2 =	rddreg [dreg:$0x1a];
	s15 =	sadd.s32 s22, s15  }
0x459: {  	s3 =	rddreg [dreg:$0x1b];
	s13 =	smax.u32 s13, $0x5;
	s15 =	sadd.s32 s24, s15  }
0x45a: {  	s7 =	rddreg [dreg:$0x1c];
	s17 =	sadd.s32 s26, s15;
	s15 =	sadd.s32 $0xFFFFFFFC, s13  }
0x45b: {  	s11 =	rddreg [dreg:$0x1d];
	p2 =	seq.s32 s15, $0x1  }
.Ltmp10:
0x45c: {  	s12 =	rddreg [dreg:$0x1e];
	(pc) =	sbr.rel @p2 .LBB2_15-.Ltmp10, $4  }
0x45d: {  	s5 =	smov.u32 s23;
	s23 =	rddreg [dreg:$0x1f]  }
0x45e: {  	s28 =	simm.s32 $0x18040;
	s0 =	rddreg [dreg:$0x18]  }
0x45f: {  	s16 =	smov.u32 s6;
	p1 =	por $0x0, $0x0;
	s1 =	rddreg [dreg:$0x19]  }
0x460: {  	v21 =	vld [tilespmem:s28+$0x0];
	s22 =	smov.u32 s25;
	s18 =	sadd.s32 $0xFFFFFFC0, s17;
	s13 =	sadd.s32 $0xFFFFFFFF, s15  }
0x461: {  	_ =	sdelay $0x1  }
0x462: {  	v20 =	vmov s18  }
0x463: {  	vm1 =	vgt.s32 v20, v0  }
0x464: {  	v20 =	vnsel vm1, $0xFF61B1E6, v21  }
0x465: {  	(xrf1) =	vsort.dscd.msk.f32 $0xffff, v20, v20;
	_ =	sdelay $0xd  }
0x466: {  	v20, _, _ =	vpop (xrf1)  }
0x467: {  	v20 =	vperm.xlane v20, v1;
	_ =	sdelay $0x1  }
0x468: {  	v20 =	vmax.f32 v17, v20  }
0x469: {  	(xrf1) =	vsort.dscd.msk.f32 $0xffff, v20, v20;
	_ =	sdelay $0x4  }
0x46a: {  	p2 =	seq.s32 s13, $0x1  }
.Ltmp11:
0x46b: {  	_ = 	snop;
	(pc) =	sbr.rel @p2 .LBB2_17-.Ltmp11, $3  }
0x46c: {  	_ =	sdelay $0x1  }
0x46d: {  	s20 =	simm.s32 $0x18050;
	s21 =	sadd.s32 $0xFFFFFFFF, s13;
	s24 =	rddreg [dreg:$0x16]  }
0x46e: {  	p1 =	por $0x1, $0x1;
	s19 =	smov.u32 s18;
	s25 =	rddreg [dreg:$0x17];
	v21 =	vld [tilespmem:s20+$0x0];
	v20 =	vmov v16  }
.LBB2_18:
0x46f: {  	p2 =	seq.s32 s21, $0x1  }
0x470: {  	s19 =	sadd.s32 $0xFFFFFFF0, s19  }
0x471: {  	v23 =	vmov s19  }
0x472: {  	vm1 =	vgt.s32 v23, v0;
	v22, _, _ =	vpop (xrf1)  }
0x473: {  	v21 =	vnsel vm1, $0xFF61B1E6, v21;
	v22 =	vperm.xlane v22, v1  }
0x474: {  	(xrf1) =	vsort.dscd.msk.f32 $0xffff, v21, v21  }
0x475: {  	v21 =	vmax.f32 v20, v22;
	v20 =	vmin.f32 v20, v22  }
0x476: {  	(xrf1) =	vsort.dscd.msk.f32 $0xffff, v20, v20  }
0x477: {  	(xrf1) =	vsort.dscd.msk.f32 $0xffff, v21, v21;
	_ =	sdelay $0xa  }
0x478: {  	v20, _, _ =	vpop (xrf1)  }
0x479: {  	v22 =	vperm.xlane v20, v1  }
0x47a: {  	v21, _, _ =	vpop (xrf1)  }
0x47b: {  	v21 =	vmax.f32 v21, v22;
	v20, _, _ =	vpop (xrf1)  }
0x47c: {  	(xrf1) =	vsort.dscd.msk.f32 $0xffff, v21, v21;
	_ =	sdelay $0x5  }
.Ltmp12:
0x47d: {  	(pc) =	sbr.rel @!p2 .LBB2_18-.Ltmp12, $3  }
0x47e: {  	_ =	sdelay $0x1  }
0x47f: {  	s20 =	sadd.s32 $0x10, s20  }
0x480: {  	s21 =	sadd.s32 $0xFFFFFFFF, s21;
	v21 =	vld [tilespmem:s20+$0x0]  }
.LBB2_19:
0x481: {  	_ = 	snop  }
0x482: {  	s19 =	sadd.s32 @p1 $0xFFFFFFF0, s19  }
0x483: {  	s18 =	smov.u32 @p1 s19  }
0x484: {  	v22 =	vmov s18;
	v23, _, _ =	vpop @p1 (xrf1)  }
0x485: {  	vm1 =	vgt.s32 v22, v0;
	v22 =	vperm.xlane @p1 v23, v1  }
0x486: {  	v21 =	vnsel vm1, $0xFF61B1E6, v21  }
0x487: {  	(xrf1) =	vsort.dscd.msk.f32 $0xffff, v21, v21;
	v21 =	vmin.f32 @p1 v20, v22  }
0x488: {  	(xrf1) =	vsort.dscd.msk.f32 @p1 $0xffff, v21, v21;
	_ =	sdelay $0xc  }
0x489: {  	v21, _, _ =	vpop (xrf1)  }
0x48a: {  	v21 =	vperm.xlane v21, v1;
	v23, _, _ =	vpop @p1 (xrf1)  }
0x48b: {  	v20 =	vmax.f32 @p1 v20, v22;
	v17 =	vpsel p1, v23, v17  }
0x48c: {  	(xrf1) =	vsort.dscd.msk.f32 @p1 $0xffff, v20, v20;
	v17 =	vmax.f32 v17, v21  }
0x48d: {  	(xrf1) =	vsort.dscd.msk.f32 $0xffff, v17, v17;
	_ =	sdelay $0xc  }
0x48e: {  	v17, _, _ =	vpop @p1 (xrf1)  }
0x48f: {  	v20, _, _ =	vpop (xrf1)  }
0x490: {  	v20 =	vperm.xlane v20, v1  }
0x491: {  	v16 =	vpsel p1, v17, v16  }
0x492: {  	v17 =	vmin.f32 v16, v20  }
0x493: {  	v16 =	vmax.f32 v16, v20;
	(xrf1) =	vsort.dscd.msk.f32 $0xffff, v17, v17  }
0x494: {  	(xrf1) =	vsort.dscd.msk.f32 $0xffff, v16, v16;
	_ =	sdelay $0x8  }
0x495: {  	p2 =	sne.s32 s15, $0x1  }
.Ltmp13:
0x496: {  	_ = 	snop;
	(pc) =	sbr.rel @!p2 .LBB2_20-.Ltmp13, $3  }
0x497: {  	_ =	sdelay $0x1  }
0x498: {  	s20 =	rddreg [dreg:$0xf];
	s28 =	simm.s32 $0x18040;
	v17, _, _ =	vpop (xrf1)  }
0x499: {  	s21 =	rddreg [dreg:$0x15];
	s17 =	sadd.s32 $0xFFFFFFC0, s17;
	v21 =	vld [tilespmem:s28+$0x0];
	p1 =	por $0x0, $0x0;
	v16, _, _ =	vpop (xrf1)  }
0x49a: {  	_ =	sdelay $0x3  }
0x49b: {  	v20 =	vsub.f32 $0.0e+00, v21;
	v21 =	vmov s17  }
0x49c: {  	vm1 =	vgt.s32 v21, v0  }
0x49d: {  	v20 =	vnsel vm1, $0xFF61B1E6, v20  }
0x49e: {  	(xrf1) =	vsort.dscd.msk.f32 $0xffff, v20, v20;
	_ =	sdelay $0xd  }
0x49f: {  	v20, _, _ =	vpop (xrf1)  }
0x4a0: {  	v20 =	vperm.xlane v20, v1;
	_ =	sdelay $0x1  }
0x4a1: {  	v20 =	vmax.f32 v19, v20  }
0x4a2: {  	(xrf1) =	vsort.dscd.msk.f32 $0xffff, v20, v20;
	_ =	sdelay $0x2  }
0x4a3: {  	p2 =	sne.s32 s13, $0x1  }
.Ltmp14:
0x4a4: {  	_ = 	snop;
	(pc) =	sbr.rel @!p2 .LBB2_22-.Ltmp14, $3  }
0x4a5: {  	_ =	sdelay $0x1  }
0x4a6: {  	s15 =	simm.s32 $0x18050  }
0x4a7: {  	s18 =	sadd.s32 $0xFFFFFFFF, s13;
	p1 =	por $0x1, $0x1;
	s13 =	smov.u32 s17;
	v21 =	vld [tilespmem:s15+$0x0];
	v20 =	vmov v18  }
.LBB2_23:
0x4a8: {  	p2 =	sne.s32 s18, $0x1;
	_ =	sdelay $0x2  }
0x4a9: {  	s13 =	sadd.s32 $0xFFFFFFF0, s13  }
0x4aa: {  	v23 =	vmov s13;
	v21 =	vsub.f32 $0.0e+00, v21  }
0x4ab: {  	vm1 =	vgt.s32 v23, v0;
	v22, _, _ =	vpop (xrf1)  }
0x4ac: {  	v21 =	vnsel vm1, $0xFF61B1E6, v21;
	v22 =	vperm.xlane v22, v1  }
0x4ad: {  	(xrf1) =	vsort.dscd.msk.f32 $0xffff, v21, v21  }
0x4ae: {  	v21 =	vmax.f32 v20, v22;
	v20 =	vmin.f32 v20, v22  }
0x4af: {  	(xrf1) =	vsort.dscd.msk.f32 $0xffff, v20, v20  }
0x4b0: {  	(xrf1) =	vsort.dscd.msk.f32 $0xffff, v21, v21;
	_ =	sdelay $0xa  }
0x4b1: {  	v20, _, _ =	vpop (xrf1)  }
0x4b2: {  	v22 =	vperm.xlane v20, v1  }
0x4b3: {  	v21, _, _ =	vpop (xrf1)  }
0x4b4: {  	v21 =	vmax.f32 v21, v22;
	v20, _, _ =	vpop (xrf1)  }
0x4b5: {  	(xrf1) =	vsort.dscd.msk.f32 $0xffff, v21, v21;
	_ =	sdelay $0x3  }
.Ltmp15:
0x4b6: {  	(pc) =	sbr.rel @p2 .LBB2_23-.Ltmp15, $3  }
0x4b7: {  	_ =	sdelay $0x1  }
0x4b8: {  	s15 =	sadd.s32 $0x10, s15  }
0x4b9: {  	s18 =	sadd.s32 $0xFFFFFFFF, s18;
	v21 =	vld [tilespmem:s15+$0x0]  }
.LBB2_24:
0x4ba: {  	_ =	sdelay $0x2  }
0x4bb: {  	s13 =	sadd.s32 @p1 $0xFFFFFFF0, s13  }
0x4bc: {  	s17 =	smov.u32 @p1 s13  }
0x4bd: {  	v22 =	vmov s17;
	v21 =	vsub.f32 $0.0e+00, v21;
	v23, _, _ =	vpop @p1 (xrf1)  }
0x4be: {  	vm1 =	vgt.s32 v22, v0;
	v22 =	vperm.xlane @p1 v23, v1  }
0x4bf: {  	v21 =	vnsel vm1, $0xFF61B1E6, v21  }
0x4c0: {  	(xrf1) =	vsort.dscd.msk.f32 $0xffff, v21, v21;
	v21 =	vmin.f32 @p1 v20, v22  }
0x4c1: {  	(xrf1) =	vsort.dscd.msk.f32 @p1 $0xffff, v21, v21;
	_ =	sdelay $0xc  }
0x4c2: {  	v63, _, _ =	vpop (xrf1)  }
0x4c3: {  	v21 =	vperm.xlane v63, v1;
	v23, _, _ =	vpop @p1 (xrf1)  }
0x4c4: {  	v20 =	vmax.f32 @p1 v20, v22;
	v19 =	vpsel p1, v23, v19  }
0x4c5: {  	(xrf1) =	vsort.dscd.msk.f32 @p1 $0xffff, v20, v20;
	v19 =	vmax.f32 v19, v21  }
0x4c6: {  	(xrf1) =	vsort.dscd.msk.f32 $0xffff, v19, v19;
	_ =	sdelay $0xc  }
0x4c7: {  	v19, _, _ =	vpop @p1 (xrf1)  }
0x4c8: {  	v20, _, _ =	vpop (xrf1)  }
0x4c9: {  	v20 =	vperm.xlane v20, v1  }
0x4ca: {  	v18 =	vpsel p1, v19, v18  }
0x4cb: {  	v19 =	vmin.f32 v18, v20  }
0x4cc: {  	v18 =	vmax.f32 v18, v20;
	(xrf1) =	vsort.dscd.msk.f32 $0xffff, v19, v19  }
0x4cd: {  	(xrf1) =	vsort.dscd.msk.f32 $0xffff, v18, v18;
	_ =	sdelay $0x9  }
.Ltmp16:
0x4ce: {  	_ = 	snop;
	(pc) =	sbr.rel .LBB2_25-.Ltmp16, $3  }
0x4cf: {  	_ =	sdelay $0x1  }
0x4d0: {  	v19, _, _ =	vpop (xrf1)  }
0x4d1: {  	v18, _, _ =	vpop (xrf1)  }
.LBB2_13:
0x4d2: {  	s20 =	rddreg [dreg:$0xf]  }
0x4d3: {  	s10 =	rddreg [dreg:$0x14]  }
0x4d4: {  	s21 =	rddreg [dreg:$0x15]  }
0x4d5: {  	s24 =	rddreg [dreg:$0x16]  }
0x4d6: {  	s22 =	smov.u32 s25;
	s25 =	rddreg [dreg:$0x17]  }
0x4d7: {  	s0 =	rddreg [dreg:$0x18]  }
0x4d8: {  	s1 =	rddreg [dreg:$0x19]  }
0x4d9: {  	s2 =	rddreg [dreg:$0x1a]  }
0x4da: {  	s3 =	rddreg [dreg:$0x1b]  }
0x4db: {  	s7 =	rddreg [dreg:$0x1c]  }
0x4dc: {  	s11 =	rddreg [dreg:$0x1d]  }
0x4dd: {  	s12 =	rddreg [dreg:$0x1e]  }
0x4de: {  	s16 =	smov.u32 s6;
	s5 =	smov.u32 s23;
	s23 =	rddreg [dreg:$0x1f]  }
.LBB2_25:
0x4df: {  	vm3 =	vmmov $0xf  }
0x4e0: {  	(xrf2) =	vadd.scan.msk.f32 $0xffff, v16;
	v16 =	vnsel vm3, $0x0, v17  }
0x4e1: {  	(xrf2) =	vadd.scan.msk.f32 $0xffff, v16  }
0x4e2: {  	v16 =	vnsel vm3, $0x0, v19;
	(xrf2) =	vadd.scan.msk.f32 $0xffff, v18  }
0x4e3: {  	(xrf2) =	vadd.scan.msk.f32 $0xffff, v16;
	_ =	sdelay $0x6  }
0x4e4: {  	v16, _, _ =	vpop (xrf2)  }
0x4e5: {  	(v2sf) =	vpush v16, $0xF;
	v17, _, _ =	vpop (xrf2)  }
0x4e6: {  	v16, _, _ =	vpop (xrf2);
	(v2sf) =	vpush v17, $0xF  }
0x4e7: {  	(v2sf) =	vpush v16, $0xF;
	v16, _, _ =	vpop (xrf2)  }
0x4e8: {  	(v2sf) =	vpush v16, $0xF;
	_ =	sdelay $0x8  }
0x4e9: {  	s18 =	sadd.s32 $0xF, s14  }
0x4ea: {  	p1 =	slt.u32 s18, $0x50  }
.Ltmp17:
0x4eb: {  	_ = 	snop;
	(pc) =	sbr.rel @p1 .LBB2_26-.Ltmp17, $4  }
0x4ec: {  	s13 =	spop (v2sf)  }
0x4ed: {  	s15 =	spop (v2sf)  }
0x4ee: {  	s14 =	spop (v2sf)  }
0x4ef: {  	s17 =	spop (v2sf)  }
0x4f0: {  	s6 =	sadd.s32 s1, s0  }
0x4f1: {  	s26 =	sshrl.u32 s18, $0x4;
	s4 =	sadd.s32 s2, s6  }
0x4f2: {  	s4 =	sadd.s32 s3, s4;
	s3 =	smax.u32 s26, $0x5  }
0x4f3: {  	s3 =	sadd.s32 $0xFFFFFFFC, s3  }
0x4f4: {  	s19 =	sadd.s32 s7, s4;
	p2 =	seq.s32 s3, $0x1  }
.Ltmp18:
0x4f5: {  	s2 =	sadd.s32 s11, s19;
	(pc) =	sbr.rel @p2 .LBB2_28-.Ltmp18, $4  }
0x4f6: {  	s28 =	simm.s32 $0x18950;
	s2 =	sadd.s32 s12, s2  }
0x4f7: {  	p1 =	por $0x0, $0x0;
	s18 =	rddreg [dreg:$0xe];
	s2 =	sadd.s32 s23, s2  }
0x4f8: {  	s11 =	smov.u32 s9;
	s12 =	rddreg [dreg:$0xd];
	s4 =	sadd.s32 s5, s2  }
0x4f9: {  	v17 =	vld [tilespmem:s28+$0x0];
	s23 =	smov.u32 s8;
	s2 =	sadd.s32 $0xFFFFFFFF, s3;
	s5 =	sadd.s32 $0xFFFFFFC0, s4  }
0x4fa: {  	_ =	sdelay $0x1  }
0x4fb: {  	v16 =	vmov s5  }
0x4fc: {  	vm1 =	vgt.s32 v16, v0  }
0x4fd: {  	v16 =	vnsel vm1, $0xFF61B1E6, v17  }
0x4fe: {  	(xrf1) =	vsort.dscd.msk.f32 $0xffff, v16, v16;
	_ =	sdelay $0xd  }
0x4ff: {  	v16, _, _ =	vpop (xrf1)  }
0x500: {  	v16 =	vperm.xlane v16, v1;
	_ =	sdelay $0x1  }
0x501: {  	v16 =	vmax.f32 v13, v16  }
0x502: {  	(xrf1) =	vsort.dscd.msk.f32 $0xffff, v16, v16;
	_ =	sdelay $0x4  }
0x503: {  	p2 =	seq.s32 s2, $0x1  }
.Ltmp19:
0x504: {  	_ = 	snop;
	(pc) =	sbr.rel @p2 .LBB2_30-.Ltmp19, $4  }
0x505: {  	_ = 	snop  }
0x506: {  	s0 =	rddreg [dreg:$0x10]  }
0x507: {  	s7 =	simm.s32 $0x18960;
	s8 =	sadd.s32 $0xFFFFFFFF, s2;
	s1 =	rddreg [dreg:$0x11]  }
0x508: {  	p1 =	por $0x1, $0x1;
	s6 =	smov.u32 s5;
	s9 =	rddreg [dreg:$0x12];
	v17 =	vld [tilespmem:s7+$0x0];
	v16 =	vmov v12  }
.LBB2_31:
0x509: {  	p2 =	seq.s32 s8, $0x1  }
0x50a: {  	s6 =	sadd.s32 $0xFFFFFFF0, s6  }
0x50b: {  	v19 =	vmov s6  }
0x50c: {  	vm1 =	vgt.s32 v19, v0;
	v18, _, _ =	vpop (xrf1)  }
0x50d: {  	v17 =	vnsel vm1, $0xFF61B1E6, v17;
	v18 =	vperm.xlane v18, v1  }
0x50e: {  	(xrf1) =	vsort.dscd.msk.f32 $0xffff, v17, v17  }
0x50f: {  	v17 =	vmax.f32 v16, v18;
	v16 =	vmin.f32 v16, v18  }
0x510: {  	(xrf1) =	vsort.dscd.msk.f32 $0xffff, v16, v16  }
0x511: {  	(xrf1) =	vsort.dscd.msk.f32 $0xffff, v17, v17;
	_ =	sdelay $0xa  }
0x512: {  	v16, _, _ =	vpop (xrf1)  }
0x513: {  	v18 =	vperm.xlane v16, v1  }
0x514: {  	v17, _, _ =	vpop (xrf1)  }
0x515: {  	v17 =	vmax.f32 v17, v18;
	v16, _, _ =	vpop (xrf1)  }
0x516: {  	(xrf1) =	vsort.dscd.msk.f32 $0xffff, v17, v17;
	_ =	sdelay $0x5  }
.Ltmp20:
0x517: {  	(pc) =	sbr.rel @!p2 .LBB2_31-.Ltmp20, $3  }
0x518: {  	_ =	sdelay $0x1  }
0x519: {  	s7 =	sadd.s32 $0x10, s7  }
0x51a: {  	s8 =	sadd.s32 $0xFFFFFFFF, s8;
	v17 =	vld [tilespmem:s7+$0x0]  }
.LBB2_32:
0x51b: {  	_ = 	snop  }
0x51c: {  	s6 =	sadd.s32 @p1 $0xFFFFFFF0, s6  }
0x51d: {  	s5 =	smov.u32 @p1 s6  }
0x51e: {  	v18 =	vmov s5;
	v19, _, _ =	vpop @p1 (xrf1)  }
0x51f: {  	vm1 =	vgt.s32 v18, v0;
	v18 =	vperm.xlane @p1 v19, v1  }
0x520: {  	v17 =	vnsel vm1, $0xFF61B1E6, v17  }
0x521: {  	(xrf1) =	vsort.dscd.msk.f32 $0xffff, v17, v17;
	v17 =	vmin.f32 @p1 v16, v18  }
0x522: {  	(xrf1) =	vsort.dscd.msk.f32 @p1 $0xffff, v17, v17;
	_ =	sdelay $0xc  }
0x523: {  	v17, _, _ =	vpop (xrf1)  }
0x524: {  	v17 =	vperm.xlane v17, v1;
	v19, _, _ =	vpop @p1 (xrf1)  }
0x525: {  	v16 =	vmax.f32 @p1 v16, v18;
	v13 =	vpsel p1, v19, v13  }
0x526: {  	(xrf1) =	vsort.dscd.msk.f32 @p1 $0xffff, v16, v16;
	v13 =	vmax.f32 v13, v17  }
0x527: {  	(xrf1) =	vsort.dscd.msk.f32 $0xffff, v13, v13;
	_ =	sdelay $0xc  }
0x528: {  	v13, _, _ =	vpop @p1 (xrf1)  }
0x529: {  	v16, _, _ =	vpop (xrf1)  }
0x52a: {  	v16 =	vperm.xlane v16, v1  }
0x52b: {  	v12 =	vpsel p1, v13, v12  }
0x52c: {  	v13 =	vmin.f32 v12, v16  }
0x52d: {  	v12 =	vmax.f32 v12, v16;
	(xrf1) =	vsort.dscd.msk.f32 $0xffff, v13, v13  }
0x52e: {  	(xrf1) =	vsort.dscd.msk.f32 $0xffff, v12, v12;
	_ =	sdelay $0x8  }
0x52f: {  	p2 =	sne.s32 s3, $0x1  }
.Ltmp21:
0x530: {  	_ = 	snop;
	(pc) =	sbr.rel @!p2 .LBB2_33-.Ltmp21, $3  }
0x531: {  	_ =	sdelay $0x1  }
0x532: {  	s28 =	simm.s32 $0x18950;
	v13, _, _ =	vpop (xrf1)  }
0x533: {  	s8 =	rddreg [dreg:$0x13];
	s4 =	sadd.s32 $0xFFFFFFC0, s4;
	v17 =	vld [tilespmem:s28+$0x0];
	p1 =	por $0x0, $0x0;
	v12, _, _ =	vpop (xrf1)  }
0x534: {  	_ =	sdelay $0x3  }
0x535: {  	v16 =	vsub.f32 $0.0e+00, v17;
	v17 =	vmov s4  }
0x536: {  	vm1 =	vgt.s32 v17, v0  }
0x537: {  	v16 =	vnsel vm1, $0xFF61B1E6, v16  }
0x538: {  	(xrf1) =	vsort.dscd.msk.f32 $0xffff, v16, v16;
	_ =	sdelay $0xd  }
0x539: {  	v16, _, _ =	vpop (xrf1)  }
0x53a: {  	v16 =	vperm.xlane v16, v1;
	_ =	sdelay $0x1  }
0x53b: {  	v16 =	vmax.f32 v15, v16  }
0x53c: {  	(xrf1) =	vsort.dscd.msk.f32 $0xffff, v16, v16;
	_ =	sdelay $0x2  }
0x53d: {  	p2 =	sne.s32 s2, $0x1  }
.Ltmp22:
0x53e: {  	_ = 	snop;
	(pc) =	sbr.rel @!p2 .LBB2_35-.Ltmp22, $3  }
0x53f: {  	_ =	sdelay $0x1  }
0x540: {  	s3 =	simm.s32 $0x18960  }
0x541: {  	s5 =	sadd.s32 $0xFFFFFFFF, s2;
	p1 =	por $0x1, $0x1;
	s2 =	smov.u32 s4;
	v17 =	vld [tilespmem:s3+$0x0];
	v16 =	vmov v14  }
.LBB2_36:
0x542: {  	p2 =	sne.s32 s5, $0x1;
	_ =	sdelay $0x2  }
0x543: {  	s2 =	sadd.s32 $0xFFFFFFF0, s2  }
0x544: {  	v19 =	vmov s2;
	v17 =	vsub.f32 $0.0e+00, v17  }
0x545: {  	vm1 =	vgt.s32 v19, v0;
	v18, _, _ =	vpop (xrf1)  }
0x546: {  	v17 =	vnsel vm1, $0xFF61B1E6, v17;
	v18 =	vperm.xlane v18, v1  }
0x547: {  	(xrf1) =	vsort.dscd.msk.f32 $0xffff, v17, v17  }
0x548: {  	v17 =	vmax.f32 v16, v18;
	v16 =	vmin.f32 v16, v18  }
0x549: {  	(xrf1) =	vsort.dscd.msk.f32 $0xffff, v16, v16  }
0x54a: {  	(xrf1) =	vsort.dscd.msk.f32 $0xffff, v17, v17;
	_ =	sdelay $0xa  }
0x54b: {  	v16, _, _ =	vpop (xrf1)  }
0x54c: {  	v18 =	vperm.xlane v16, v1  }
0x54d: {  	v17, _, _ =	vpop (xrf1)  }
0x54e: {  	v17 =	vmax.f32 v17, v18;
	v16, _, _ =	vpop (xrf1)  }
0x54f: {  	(xrf1) =	vsort.dscd.msk.f32 $0xffff, v17, v17;
	_ =	sdelay $0x3  }
.Ltmp23:
0x550: {  	(pc) =	sbr.rel @p2 .LBB2_36-.Ltmp23, $3  }
0x551: {  	_ =	sdelay $0x1  }
0x552: {  	s3 =	sadd.s32 $0x10, s3  }
0x553: {  	s5 =	sadd.s32 $0xFFFFFFFF, s5;
	v17 =	vld [tilespmem:s3+$0x0]  }
.LBB2_37:
0x554: {  	_ =	sdelay $0x2  }
0x555: {  	s2 =	sadd.s32 @p1 $0xFFFFFFF0, s2  }
0x556: {  	s4 =	smov.u32 @p1 s2  }
0x557: {  	v18 =	vmov s4;
	v17 =	vsub.f32 $0.0e+00, v17;
	v19, _, _ =	vpop @p1 (xrf1)  }
0x558: {  	vm1 =	vgt.s32 v18, v0;
	v18 =	vperm.xlane @p1 v19, v1  }
0x559: {  	v17 =	vnsel vm1, $0xFF61B1E6, v17  }
0x55a: {  	(xrf1) =	vsort.dscd.msk.f32 $0xffff, v17, v17;
	v17 =	vmin.f32 @p1 v16, v18  }
0x55b: {  	(xrf1) =	vsort.dscd.msk.f32 @p1 $0xffff, v17, v17;
	_ =	sdelay $0xc  }
0x55c: {  	v17, _, _ =	vpop (xrf1)  }
0x55d: {  	v17 =	vperm.xlane v17, v1;
	v19, _, _ =	vpop @p1 (xrf1)  }
0x55e: {  	v16 =	vmax.f32 @p1 v16, v18;
	v15 =	vpsel p1, v19, v15  }
0x55f: {  	(xrf1) =	vsort.dscd.msk.f32 @p1 $0xffff, v16, v16;
	v15 =	vmax.f32 v15, v17  }
0x560: {  	(xrf1) =	vsort.dscd.msk.f32 $0xffff, v15, v15;
	_ =	sdelay $0xc  }
0x561: {  	v15, _, _ =	vpop @p1 (xrf1)  }
0x562: {  	v16, _, _ =	vpop (xrf1)  }
0x563: {  	v16 =	vperm.xlane v16, v1  }
0x564: {  	v14 =	vpsel p1, v15, v14  }
0x565: {  	v15 =	vmin.f32 v14, v16  }
0x566: {  	v14 =	vmax.f32 v14, v16;
	(xrf1) =	vsort.dscd.msk.f32 $0xffff, v15, v15  }
0x567: {  	(xrf1) =	vsort.dscd.msk.f32 $0xffff, v14, v14;
	_ =	sdelay $0x9  }
.Ltmp24:
0x568: {  	_ = 	snop;
	(pc) =	sbr.rel .LBB2_38-.Ltmp24, $3  }
0x569: {  	_ =	sdelay $0x1  }
0x56a: {  	v15, _, _ =	vpop (xrf1)  }
0x56b: {  	v14, _, _ =	vpop (xrf1)  }
.LBB2_26:
0x56c: {  	s12 =	rddreg [dreg:$0xd]  }
0x56d: {  	s18 =	rddreg [dreg:$0xe]  }
0x56e: {  	s0 =	rddreg [dreg:$0x10]  }
0x56f: {  	s1 =	rddreg [dreg:$0x11]  }
0x570: {  	s11 =	smov.u32 s9;
	s9 =	rddreg [dreg:$0x12]  }
0x571: {  	s23 =	smov.u32 s8;
	s8 =	rddreg [dreg:$0x13]  }
.LBB2_38:
0x572: {  	(xrf2) =	vadd.scan.msk.f32 $0xffff, v12;
	v58 =	vnsel vm3, $0x0, v13  }
0x573: {  	(xrf2) =	vadd.scan.msk.f32 $0xffff, v58  }
0x574: {  	v59 =	vnsel vm3, $0x0, v15;
	(xrf2) =	vadd.scan.msk.f32 $0xffff, v14  }
0x575: {  	(xrf2) =	vadd.scan.msk.f32 $0xffff, v59;
	_ =	sdelay $0x6  }
0x576: {  	v60, _, _ =	vpop (xrf2)  }
0x577: {  	v61, _, _ =	vpop (xrf2);
	(v2sf) =	vpush v60, $0xF  }
0x578: {  	v62, _, _ =	vpop (xrf2);
	(v2sf) =	vpush v61, $0xF  }
0x579: {  	(v2sf) =	vpush v62, $0xF;
	v63, _, _ =	vpop (xrf2)  }
0x57a: {  	(v2sf) =	vpush v63, $0xF;
	_ =	sdelay $0x8  }
0x57b: {  	s6 =	sadd.s32 $0xF, s23  }
0x57c: {  	p1 =	slt.u32 s6, $0x50  }
.Ltmp25:
0x57d: {  	_ = 	snop;
	(pc) =	sbr.rel @p1 .LBB2_39-.Ltmp25, $4  }
0x57e: {  	s2 =	spop (v2sf)  }
0x57f: {  	s3 =	spop (v2sf)  }
0x580: {  	s4 =	spop (v2sf)  }
0x581: {  	s5 =	spop (v2sf)  }
0x582: {  	s7 =	sadd.s32 s1, s0;
	s26 =	sshrl.u32 s6, $0x4  }
0x583: {  	s7 =	sadd.s32 s9, s7;
	s1 =	smax.u32 s26, $0x5  }
0x584: {  	s7 =	sadd.s32 s8, s7;
	s1 =	sadd.s32 $0xFFFFFFFC, s1  }
0x585: {  	s19 =	sadd.s32 s10, s7;
	p2 =	seq.s32 s1, $0x1  }
.Ltmp26:
0x586: {  	s23 =	sadd.s32 s21, s19;
	(pc) =	sbr.rel @p2 .LBB2_41-.Ltmp26, $4  }
0x587: {  	s0 =	sadd.s32 s24, s23  }
0x588: {  	s0 =	sadd.s32 s25, s0  }
0x589: {  	s28 =	simm.s32 $0x19260;
	s6 =	sadd.s32 s22, s0  }
0x58a: {  	p1 =	por $0x0, $0x0;
	v13 =	vld [tilespmem:s28+$0x0];
	s0 =	sadd.s32 $0xFFFFFFFF, s1;
	s7 =	sadd.s32 $0xFFFFFFC0, s6  }
0x58b: {  	_ =	sdelay $0x1  }
0x58c: {  	v12 =	vmov s7  }
0x58d: {  	vm1 =	vgt.s32 v12, v0  }
0x58e: {  	v12 =	vnsel vm1, $0xFF61B1E6, v13  }
0x58f: {  	(xrf1) =	vsort.dscd.msk.f32 $0xffff, v12, v12;
	_ =	sdelay $0xd  }
0x590: {  	v12, _, _ =	vpop (xrf1)  }
0x591: {  	v12 =	vperm.xlane v12, v1;
	_ =	sdelay $0x1  }
0x592: {  	v12 =	vmax.f32 v9, v12  }
0x593: {  	(xrf1) =	vsort.dscd.msk.f32 $0xffff, v12, v12;
	_ =	sdelay $0x4  }
0x594: {  	p2 =	seq.s32 s0, $0x1  }
.Ltmp27:
0x595: {  	_ = 	snop;
	(pc) =	sbr.rel @p2 .LBB2_43-.Ltmp27, $3  }
0x596: {  	_ =	sdelay $0x1  }
0x597: {  	s9 =	simm.s32 $0x19270  }
0x598: {  	s10 =	sadd.s32 $0xFFFFFFFF, s0;
	p1 =	por $0x1, $0x1;
	s8 =	smov.u32 s7;
	v13 =	vld [tilespmem:s9+$0x0];
	v12 =	vmov v8  }
.LBB2_44:
0x599: {  	p2 =	seq.s32 s10, $0x1  }
0x59a: {  	s8 =	sadd.s32 $0xFFFFFFF0, s8  }
0x59b: {  	v15 =	vmov s8  }
0x59c: {  	vm1 =	vgt.s32 v15, v0;
	v14, _, _ =	vpop (xrf1)  }
0x59d: {  	v13 =	vnsel vm1, $0xFF61B1E6, v13;
	v14 =	vperm.xlane v14, v1  }
0x59e: {  	(xrf1) =	vsort.dscd.msk.f32 $0xffff, v13, v13  }
0x59f: {  	v13 =	vmax.f32 v12, v14;
	v12 =	vmin.f32 v12, v14  }
0x5a0: {  	(xrf1) =	vsort.dscd.msk.f32 $0xffff, v12, v12  }
0x5a1: {  	(xrf1) =	vsort.dscd.msk.f32 $0xffff, v13, v13;
	_ =	sdelay $0xa  }
0x5a2: {  	v12, _, _ =	vpop (xrf1)  }
0x5a3: {  	v14 =	vperm.xlane v12, v1  }
0x5a4: {  	v13, _, _ =	vpop (xrf1)  }
0x5a5: {  	v13 =	vmax.f32 v13, v14;
	v12, _, _ =	vpop (xrf1)  }
0x5a6: {  	(xrf1) =	vsort.dscd.msk.f32 $0xffff, v13, v13;
	_ =	sdelay $0x5  }
.Ltmp28:
0x5a7: {  	(pc) =	sbr.rel @!p2 .LBB2_44-.Ltmp28, $3  }
0x5a8: {  	_ =	sdelay $0x1  }
0x5a9: {  	s9 =	sadd.s32 $0x10, s9  }
0x5aa: {  	s10 =	sadd.s32 $0xFFFFFFFF, s10;
	v13 =	vld [tilespmem:s9+$0x0]  }
.LBB2_45:
0x5ab: {  	_ = 	snop  }
0x5ac: {  	s8 =	sadd.s32 @p1 $0xFFFFFFF0, s8  }
0x5ad: {  	s7 =	smov.u32 @p1 s8  }
0x5ae: {  	v14 =	vmov s7;
	v15, _, _ =	vpop @p1 (xrf1)  }
0x5af: {  	vm1 =	vgt.s32 v14, v0;
	v14 =	vperm.xlane @p1 v15, v1  }
0x5b0: {  	v13 =	vnsel vm1, $0xFF61B1E6, v13  }
0x5b1: {  	(xrf1) =	vsort.dscd.msk.f32 $0xffff, v13, v13;
	v13 =	vmin.f32 @p1 v12, v14  }
0x5b2: {  	(xrf1) =	vsort.dscd.msk.f32 @p1 $0xffff, v13, v13;
	_ =	sdelay $0xc  }
0x5b3: {  	v13, _, _ =	vpop (xrf1)  }
0x5b4: {  	v13 =	vperm.xlane v13, v1;
	v15, _, _ =	vpop @p1 (xrf1)  }
0x5b5: {  	v12 =	vmax.f32 @p1 v12, v14;
	v9 =	vpsel p1, v15, v9  }
0x5b6: {  	(xrf1) =	vsort.dscd.msk.f32 @p1 $0xffff, v12, v12;
	v9 =	vmax.f32 v9, v13  }
0x5b7: {  	(xrf1) =	vsort.dscd.msk.f32 $0xffff, v9, v9;
	_ =	sdelay $0xc  }
0x5b8: {  	v9, _, _ =	vpop @p1 (xrf1)  }
0x5b9: {  	v12, _, _ =	vpop (xrf1)  }
0x5ba: {  	v12 =	vperm.xlane v12, v1  }
0x5bb: {  	v8 =	vpsel p1, v9, v8  }
0x5bc: {  	v9 =	vmin.f32 v8, v12  }
0x5bd: {  	v8 =	vmax.f32 v8, v12;
	(xrf1) =	vsort.dscd.msk.f32 $0xffff, v9, v9  }
0x5be: {  	(xrf1) =	vsort.dscd.msk.f32 $0xffff, v8, v8;
	_ =	sdelay $0x8  }
0x5bf: {  	p2 =	sne.s32 s1, $0x1  }
.Ltmp29:
0x5c0: {  	_ = 	snop;
	(pc) =	sbr.rel @!p2 .LBB2_46-.Ltmp29, $3  }
0x5c1: {  	_ =	sdelay $0x1  }
0x5c2: {  	s9 =	rddreg [dreg:$0xb];
	s28 =	simm.s32 $0x19260;
	v9, _, _ =	vpop (xrf1)  }
0x5c3: {  	s10 =	rddreg [dreg:$0xc];
	s6 =	sadd.s32 $0xFFFFFFC0, s6;
	v13 =	vld [tilespmem:s28+$0x0];
	p1 =	por $0x0, $0x0;
	v8, _, _ =	vpop (xrf1)  }
0x5c4: {  	_ =	sdelay $0x3  }
0x5c5: {  	v12 =	vsub.f32 $0.0e+00, v13;
	v13 =	vmov s6  }
0x5c6: {  	vm1 =	vgt.s32 v13, v0  }
0x5c7: {  	v12 =	vnsel vm1, $0xFF61B1E6, v12  }
0x5c8: {  	(xrf1) =	vsort.dscd.msk.f32 $0xffff, v12, v12;
	_ =	sdelay $0xd  }
0x5c9: {  	v12, _, _ =	vpop (xrf1)  }
0x5ca: {  	v12 =	vperm.xlane v12, v1;
	_ =	sdelay $0x1  }
0x5cb: {  	v12 =	vmax.f32 v11, v12  }
0x5cc: {  	(xrf1) =	vsort.dscd.msk.f32 $0xffff, v12, v12;
	_ =	sdelay $0x2  }
0x5cd: {  	p2 =	sne.s32 s0, $0x1  }
.Ltmp30:
0x5ce: {  	_ = 	snop;
	(pc) =	sbr.rel @!p2 .LBB2_48-.Ltmp30, $3  }
0x5cf: {  	_ =	sdelay $0x1  }
0x5d0: {  	s1 =	simm.s32 $0x19270  }
0x5d1: {  	s7 =	sadd.s32 $0xFFFFFFFF, s0;
	p1 =	por $0x1, $0x1;
	s0 =	smov.u32 s6;
	v13 =	vld [tilespmem:s1+$0x0];
	v12 =	vmov v10  }
.LBB2_49:
0x5d2: {  	p2 =	sne.s32 s7, $0x1;
	_ =	sdelay $0x2  }
0x5d3: {  	s0 =	sadd.s32 $0xFFFFFFF0, s0  }
0x5d4: {  	v15 =	vmov s0;
	v13 =	vsub.f32 $0.0e+00, v13  }
0x5d5: {  	vm1 =	vgt.s32 v15, v0;
	v14, _, _ =	vpop (xrf1)  }
0x5d6: {  	v13 =	vnsel vm1, $0xFF61B1E6, v13;
	v14 =	vperm.xlane v14, v1  }
0x5d7: {  	(xrf1) =	vsort.dscd.msk.f32 $0xffff, v13, v13  }
0x5d8: {  	v13 =	vmax.f32 v12, v14;
	v12 =	vmin.f32 v12, v14  }
0x5d9: {  	(xrf1) =	vsort.dscd.msk.f32 $0xffff, v12, v12  }
0x5da: {  	(xrf1) =	vsort.dscd.msk.f32 $0xffff, v13, v13;
	_ =	sdelay $0xa  }
0x5db: {  	v12, _, _ =	vpop (xrf1)  }
0x5dc: {  	v14 =	vperm.xlane v12, v1  }
0x5dd: {  	v13, _, _ =	vpop (xrf1)  }
0x5de: {  	v13 =	vmax.f32 v13, v14;
	v12, _, _ =	vpop (xrf1)  }
0x5df: {  	(xrf1) =	vsort.dscd.msk.f32 $0xffff, v13, v13;
	_ =	sdelay $0x3  }
.Ltmp31:
0x5e0: {  	(pc) =	sbr.rel @p2 .LBB2_49-.Ltmp31, $3  }
0x5e1: {  	_ =	sdelay $0x1  }
0x5e2: {  	s1 =	sadd.s32 $0x10, s1  }
0x5e3: {  	s7 =	sadd.s32 $0xFFFFFFFF, s7;
	v13 =	vld [tilespmem:s1+$0x0]  }
.LBB2_50:
0x5e4: {  	_ =	sdelay $0x2  }
0x5e5: {  	s0 =	sadd.s32 @p1 $0xFFFFFFF0, s0  }
0x5e6: {  	s6 =	smov.u32 @p1 s0  }
0x5e7: {  	v14 =	vmov s6;
	v13 =	vsub.f32 $0.0e+00, v13;
	v15, _, _ =	vpop @p1 (xrf1)  }
0x5e8: {  	vm1 =	vgt.s32 v14, v0;
	v14 =	vperm.xlane @p1 v15, v1  }
0x5e9: {  	v13 =	vnsel vm1, $0xFF61B1E6, v13  }
0x5ea: {  	(xrf1) =	vsort.dscd.msk.f32 $0xffff, v13, v13;
	v13 =	vmin.f32 @p1 v12, v14  }
0x5eb: {  	(xrf1) =	vsort.dscd.msk.f32 @p1 $0xffff, v13, v13;
	_ =	sdelay $0xc  }
0x5ec: {  	v62, _, _ =	vpop (xrf1)  }
0x5ed: {  	v13 =	vperm.xlane v62, v1;
	v15, _, _ =	vpop @p1 (xrf1)  }
0x5ee: {  	v12 =	vmax.f32 @p1 v12, v14;
	v11 =	vpsel p1, v15, v11  }
0x5ef: {  	(xrf1) =	vsort.dscd.msk.f32 @p1 $0xffff, v12, v12;
	v11 =	vmax.f32 v11, v13  }
0x5f0: {  	(xrf1) =	vsort.dscd.msk.f32 $0xffff, v11, v11;
	_ =	sdelay $0xc  }
0x5f1: {  	v11, _, _ =	vpop @p1 (xrf1)  }
0x5f2: {  	v63, _, _ =	vpop (xrf1)  }
0x5f3: {  	v12 =	vperm.xlane v63, v1  }
0x5f4: {  	v10 =	vpsel p1, v11, v10  }
0x5f5: {  	v11 =	vmin.f32 v10, v12  }
0x5f6: {  	v10 =	vmax.f32 v10, v12;
	(xrf1) =	vsort.dscd.msk.f32 $0xffff, v11, v11  }
0x5f7: {  	(xrf1) =	vsort.dscd.msk.f32 $0xffff, v10, v10;
	_ =	sdelay $0x9  }
.Ltmp32:
0x5f8: {  	_ = 	snop;
	(pc) =	sbr.rel .LBB2_51-.Ltmp32, $3  }
0x5f9: {  	_ =	sdelay $0x1  }
0x5fa: {  	v11, _, _ =	vpop (xrf1)  }
0x5fb: {  	v10, _, _ =	vpop (xrf1)  }
.LBB2_39:
0x5fc: {  	s9 =	rddreg [dreg:$0xb]  }
0x5fd: {  	s10 =	rddreg [dreg:$0xc]  }
.LBB2_51:
0x5fe: {  	(xrf2) =	vadd.scan.msk.f32 $0xffff, v8;
	v8 =	vnsel vm3, $0x0, v9  }
0x5ff: {  	(xrf2) =	vadd.scan.msk.f32 $0xffff, v8  }
0x600: {  	v8 =	vnsel vm3, $0x0, v11;
	(xrf2) =	vadd.scan.msk.f32 $0xffff, v10  }
0x601: {  	(xrf2) =	vadd.scan.msk.f32 $0xffff, v8;
	_ =	sdelay $0x6  }
0x602: {  	v8, _, _ =	vpop (xrf2)  }
0x603: {  	v63, _, _ =	vpop (xrf2);
	(v2sf) =	vpush v8, $0xF  }
0x604: {  	v8, _, _ =	vpop (xrf2);
	(v2sf) =	vpush v63, $0xF  }
0x605: {  	(v2sf) =	vpush v8, $0xF;
	v8, _, _ =	vpop (xrf2)  }
0x606: {  	(v2sf) =	vpush v8, $0xF;
	_ =	sdelay $0x8  }
0x607: {  	s8 =	sadd.s32 $0xF, s30  }
0x608: {  	p1 =	slt.u32 s8, $0x50  }
.Ltmp33:
0x609: {  	_ = 	snop;
	(pc) =	sbr.rel @p1 .LBB2_63-.Ltmp33, $4  }
0x60a: {  	s0 =	spop (v2sf)  }
0x60b: {  	s1 =	spop (v2sf)  }
0x60c: {  	s6 =	spop (v2sf)  }
0x60d: {  	s7 =	spop (v2sf)  }
0x60e: {  	s9 =	sadd.s32 s9, s31  }
0x60f: {  	s9 =	sadd.s32 s10, s9  }
0x610: {  	s9 =	sadd.s32 s11, s9  }
0x611: {  	s9 =	sadd.s32 s12, s9  }
0x612: {  	s9 =	sadd.s32 s18, s9  }
0x613: {  	s8 =	sshrl.u32 s8, $0x4;
	s9 =	sadd.s32 s29, s9  }
0x614: {  	s8 =	smax.u32 s8, $0x5;
	s9 =	sadd.s32 s20, s9  }
0x615: {  	s10 =	sadd.s32 s16, s9;
	s9 =	sadd.s32 $0xFFFFFFFC, s8  }
0x616: {  	p2 =	seq.s32 s9, $0x1  }
.Ltmp34:
0x617: {  	_ = 	snop;
	(pc) =	sbr.rel @p2 .LBB2_53-.Ltmp34, $3  }
0x618: {  	_ =	sdelay $0x1  }
0x619: {  	s31 =	simm.s32 $0x19B70  }
0x61a: {  	p1 =	por $0x0, $0x0;
	v9 =	vld [tilespmem:s31+$0x0];
	s11 =	sadd.s32 $0xFFFFFFC0, s10;
	s8 =	sadd.s32 $0xFFFFFFFF, s9  }
0x61b: {  	_ =	sdelay $0x1  }
0x61c: {  	v8 =	vmov s11  }
0x61d: {  	vm1 =	vgt.s32 v8, v0  }
0x61e: {  	v8 =	vnsel vm1, $0xFF61B1E6, v9  }
0x61f: {  	(xrf1) =	vsort.dscd.msk.f32 $0xffff, v8, v8;
	_ =	sdelay $0xd  }
0x620: {  	v8, _, _ =	vpop (xrf1)  }
0x621: {  	v8 =	vperm.xlane v8, v1;
	_ =	sdelay $0x1  }
0x622: {  	v8 =	vmax.f32 v5, v8  }
0x623: {  	(xrf1) =	vsort.dscd.msk.f32 $0xffff, v8, v8;
	_ =	sdelay $0x4  }
0x624: {  	p2 =	seq.s32 s8, $0x1  }
.Ltmp35:
0x625: {  	_ = 	snop;
	(pc) =	sbr.rel @p2 .LBB2_55-.Ltmp35, $3  }
0x626: {  	_ =	sdelay $0x1  }
0x627: {  	s16 =	simm.s32 $0x19B80  }
0x628: {  	s18 =	sadd.s32 $0xFFFFFFFF, s8;
	p1 =	por $0x1, $0x1;
	s12 =	smov.u32 s11;
	v9 =	vld [tilespmem:s16+$0x0];
	v8 =	vmov v4  }
.LBB2_56:
0x629: {  	p2 =	seq.s32 s18, $0x1  }
0x62a: {  	s12 =	sadd.s32 $0xFFFFFFF0, s12  }
0x62b: {  	v11 =	vmov s12  }
0x62c: {  	vm1 =	vgt.s32 v11, v0;
	v10, _, _ =	vpop (xrf1)  }
0x62d: {  	v9 =	vnsel vm1, $0xFF61B1E6, v9;
	v10 =	vperm.xlane v10, v1  }
0x62e: {  	(xrf1) =	vsort.dscd.msk.f32 $0xffff, v9, v9  }
0x62f: {  	v9 =	vmax.f32 v8, v10;
	v8 =	vmin.f32 v8, v10  }
0x630: {  	(xrf1) =	vsort.dscd.msk.f32 $0xffff, v8, v8  }
0x631: {  	(xrf1) =	vsort.dscd.msk.f32 $0xffff, v9, v9;
	_ =	sdelay $0xa  }
0x632: {  	v8, _, _ =	vpop (xrf1)  }
0x633: {  	v10 =	vperm.xlane v8, v1  }
0x634: {  	v9, _, _ =	vpop (xrf1)  }
0x635: {  	v9 =	vmax.f32 v9, v10;
	v8, _, _ =	vpop (xrf1)  }
0x636: {  	(xrf1) =	vsort.dscd.msk.f32 $0xffff, v9, v9;
	_ =	sdelay $0x5  }
.Ltmp36:
0x637: {  	(pc) =	sbr.rel @!p2 .LBB2_56-.Ltmp36, $3  }
0x638: {  	_ =	sdelay $0x1  }
0x639: {  	s16 =	sadd.s32 $0x10, s16  }
0x63a: {  	s18 =	sadd.s32 $0xFFFFFFFF, s18;
	v9 =	vld [tilespmem:s16+$0x0]  }
.LBB2_57:
0x63b: {  	_ = 	snop  }
0x63c: {  	s12 =	sadd.s32 @p1 $0xFFFFFFF0, s12  }
0x63d: {  	s11 =	smov.u32 @p1 s12  }
0x63e: {  	v10 =	vmov s11;
	v11, _, _ =	vpop @p1 (xrf1)  }
0x63f: {  	vm1 =	vgt.s32 v10, v0;
	v10 =	vperm.xlane @p1 v11, v1  }
0x640: {  	v9 =	vnsel vm1, $0xFF61B1E6, v9  }
0x641: {  	(xrf1) =	vsort.dscd.msk.f32 $0xffff, v9, v9;
	v9 =	vmin.f32 @p1 v8, v10  }
0x642: {  	(xrf1) =	vsort.dscd.msk.f32 @p1 $0xffff, v9, v9;
	_ =	sdelay $0xc  }
0x643: {  	v9, _, _ =	vpop (xrf1)  }
0x644: {  	v9 =	vperm.xlane v9, v1;
	v11, _, _ =	vpop @p1 (xrf1)  }
0x645: {  	v8 =	vmax.f32 @p1 v8, v10;
	v5 =	vpsel p1, v11, v5  }
0x646: {  	(xrf1) =	vsort.dscd.msk.f32 @p1 $0xffff, v8, v8;
	v5 =	vmax.f32 v5, v9  }
0x647: {  	(xrf1) =	vsort.dscd.msk.f32 $0xffff, v5, v5;
	_ =	sdelay $0xc  }
0x648: {  	v5, _, _ =	vpop @p1 (xrf1)  }
0x649: {  	v8, _, _ =	vpop (xrf1)  }
0x64a: {  	v8 =	vperm.xlane v8, v1  }
0x64b: {  	v4 =	vpsel p1, v5, v4  }
0x64c: {  	v5 =	vmin.f32 v4, v8  }
0x64d: {  	v4 =	vmax.f32 v4, v8;
	(xrf1) =	vsort.dscd.msk.f32 $0xffff, v5, v5  }
0x64e: {  	(xrf1) =	vsort.dscd.msk.f32 $0xffff, v4, v4;
	_ =	sdelay $0x8  }
0x64f: {  	p2 =	sne.s32 s9, $0x1  }
.Ltmp37:
0x650: {  	_ = 	snop;
	(pc) =	sbr.rel @!p2 .LBB2_58-.Ltmp37, $4  }
0x651: {  	s31 =	simm.s32 $0x19B70  }
0x652: {  	v9 =	vld [tilespmem:s31+$0x0]  }
0x653: {  	v5, _, _ =	vpop (xrf1)  }
0x654: {  	s10 =	sadd.s32 $0xFFFFFFC0, s10;
	p1 =	por $0x0, $0x0;
	v4, _, _ =	vpop (xrf1)  }
0x655: {  	_ =	sdelay $0x1  }
0x656: {  	v8 =	vsub.f32 $0.0e+00, v9;
	v9 =	vmov s10  }
0x657: {  	vm1 =	vgt.s32 v9, v0  }
0x658: {  	v8 =	vnsel vm1, $0xFF61B1E6, v8  }
0x659: {  	(xrf1) =	vsort.dscd.msk.f32 $0xffff, v8, v8;
	_ =	sdelay $0xd  }
0x65a: {  	v8, _, _ =	vpop (xrf1)  }
0x65b: {  	v8 =	vperm.xlane v8, v1;
	_ =	sdelay $0x1  }
0x65c: {  	v8 =	vmax.f32 v7, v8  }
0x65d: {  	(xrf1) =	vsort.dscd.msk.f32 $0xffff, v8, v8;
	_ =	sdelay $0x5  }
0x65e: {  	p2 =	sne.s32 s8, $0x1  }
.Ltmp38:
0x65f: {  	_ = 	snop;
	(pc) =	sbr.rel @!p2 .LBB2_60-.Ltmp38, $3  }
0x660: {  	s9 =	simm.s32 $0x19B80  }
0x661: {  	v9 =	vld [tilespmem:s9+$0x0];
	_ =	sdelay $0x1  }
0x662: {  	s11 =	sadd.s32 $0xFFFFFFFF, s8;
	p1 =	por $0x1, $0x1;
	s8 =	smov.u32 s10;
	v8 =	vmov v6  }
.LBB2_61:
0x663: {  	p2 =	sne.s32 s11, $0x1;
	_ =	sdelay $0x2  }
0x664: {  	s8 =	sadd.s32 $0xFFFFFFF0, s8  }
0x665: {  	v9 =	vsub.f32 $0.0e+00, v9;
	v11 =	vmov s8  }
0x666: {  	vm1 =	vgt.s32 v11, v0;
	v10, _, _ =	vpop (xrf1)  }
0x667: {  	v9 =	vnsel vm1, $0xFF61B1E6, v9;
	v10 =	vperm.xlane v10, v1  }
0x668: {  	(xrf1) =	vsort.dscd.msk.f32 $0xffff, v9, v9  }
0x669: {  	v9 =	vmax.f32 v8, v10;
	v8 =	vmin.f32 v8, v10  }
0x66a: {  	(xrf1) =	vsort.dscd.msk.f32 $0xffff, v8, v8  }
0x66b: {  	(xrf1) =	vsort.dscd.msk.f32 $0xffff, v9, v9;
	_ =	sdelay $0xa  }
0x66c: {  	v8, _, _ =	vpop (xrf1)  }
0x66d: {  	v10 =	vperm.xlane v8, v1  }
0x66e: {  	v9, _, _ =	vpop (xrf1)  }
0x66f: {  	v9 =	vmax.f32 v9, v10;
	v8, _, _ =	vpop (xrf1)  }
0x670: {  	(xrf1) =	vsort.dscd.msk.f32 $0xffff, v9, v9;
	_ =	sdelay $0x3  }
.Ltmp39:
0x671: {  	(pc) =	sbr.rel @p2 .LBB2_61-.Ltmp39, $3  }
0x672: {  	_ =	sdelay $0x1  }
0x673: {  	s9 =	sadd.s32 $0x10, s9  }
0x674: {  	s11 =	sadd.s32 $0xFFFFFFFF, s11;
	v9 =	vld [tilespmem:s9+$0x0]  }
.Ltmp40:
0x675: {  	_ = 	snop;
	(pc) =	sbr.rel .LBB2_62-.Ltmp40, $1  }
0x676: {  	_ =	sdelay $0x3  }
.LBB2_15:
.Ltmp41:
0x677: {  	(pc) =	sbr.rel .LBB2_19-.Ltmp41, $3  }
0x678: {  	_ =	sdelay $0x1  }
0x679: {  	s24 =	rddreg [dreg:$0x16]  }
0x67a: {  	s19 =	smov.u32 s18;
	v20 =	vmov v16;
	s25 =	rddreg [dreg:$0x17]  }
.LBB2_20:
.Ltmp42:
0x67b: {  	(pc) =	sbr.rel .LBB2_24-.Ltmp42, $2  }
0x67c: {  	_ =	sdelay $0x2  }
0x67d: {  	s13 =	smov.u32 s17;
	v20 =	vmov v18  }
.LBB2_28:
.Ltmp43:
0x67e: {  	(pc) =	sbr.rel .LBB2_32-.Ltmp43, $4  }
0x67f: {  	_ = 	snop  }
0x680: {  	s0 =	rddreg [dreg:$0x10]  }
0x681: {  	s1 =	rddreg [dreg:$0x11]  }
0x682: {  	s6 =	smov.u32 s5;
	v16 =	vmov v12;
	s9 =	rddreg [dreg:$0x12]  }
.LBB2_33:
.Ltmp44:
0x683: {  	(pc) =	sbr.rel .LBB2_37-.Ltmp44, $2  }
0x684: {  	_ =	sdelay $0x2  }
0x685: {  	s2 =	smov.u32 s4;
	v16 =	vmov v14  }
.LBB2_41:
.Ltmp45:
0x686: {  	(pc) =	sbr.rel .LBB2_45-.Ltmp45, $2  }
0x687: {  	_ =	sdelay $0x2  }
0x688: {  	s8 =	smov.u32 s7;
	v12 =	vmov v8  }
.LBB2_46:
.Ltmp46:
0x689: {  	(pc) =	sbr.rel .LBB2_50-.Ltmp46, $2  }
0x68a: {  	_ =	sdelay $0x2  }
0x68b: {  	s0 =	smov.u32 s6;
	v12 =	vmov v10  }
.LBB2_53:
.Ltmp47:
0x68c: {  	(pc) =	sbr.rel .LBB2_57-.Ltmp47, $2  }
0x68d: {  	_ =	sdelay $0x2  }
0x68e: {  	s12 =	smov.u32 s11;
	v8 =	vmov v4  }
.LBB2_17:
.Ltmp48:
0x68f: {  	(pc) =	sbr.rel .LBB2_19-.Ltmp48, $2  }
0x690: {  	_ =	sdelay $0x2  }
0x691: {  	s19 =	smov.u32 s18;
	v20 =	vmov v16  }
.LBB2_22:
.Ltmp49:
0x692: {  	(pc) =	sbr.rel .LBB2_24-.Ltmp49, $2  }
0x693: {  	_ =	sdelay $0x2  }
0x694: {  	s13 =	smov.u32 s17;
	v20 =	vmov v18  }
.LBB2_30:
.Ltmp50:
0x695: {  	(pc) =	sbr.rel .LBB2_32-.Ltmp50, $2  }
0x696: {  	_ =	sdelay $0x2  }
0x697: {  	s6 =	smov.u32 s5;
	v16 =	vmov v12  }
.LBB2_35:
.Ltmp51:
0x698: {  	(pc) =	sbr.rel .LBB2_37-.Ltmp51, $2  }
0x699: {  	_ =	sdelay $0x2  }
0x69a: {  	s2 =	smov.u32 s4;
	v16 =	vmov v14  }
.LBB2_43:
.Ltmp52:
0x69b: {  	(pc) =	sbr.rel .LBB2_45-.Ltmp52, $2  }
0x69c: {  	_ =	sdelay $0x2  }
0x69d: {  	s8 =	smov.u32 s7;
	v12 =	vmov v8  }
.LBB2_48:
.Ltmp53:
0x69e: {  	(pc) =	sbr.rel .LBB2_50-.Ltmp53, $2  }
0x69f: {  	_ =	sdelay $0x2  }
0x6a0: {  	s0 =	smov.u32 s6;
	v12 =	vmov v10  }
.LBB2_55:
.Ltmp54:
0x6a1: {  	(pc) =	sbr.rel .LBB2_57-.Ltmp54, $2  }
0x6a2: {  	_ =	sdelay $0x2  }
0x6a3: {  	s12 =	smov.u32 s11;
	v8 =	vmov v4  }
.LBB2_60:
.Ltmp55:
0x6a4: {  	(pc) =	sbr.rel .LBB2_62-.Ltmp55, $2  }
0x6a5: {  	_ =	sdelay $0x2  }
0x6a6: {  	s8 =	smov.u32 s10;
	v8 =	vmov v6  }
.LBB2_65:
0x6a7: {  	_ =	sfence.sel $0x180000  }
0x6a8: {  	[bflag:$0x0] =	sbarrier.arrive $0xFFFF  }
0x6a9: {  	_ =	strace $0x90000047  }
0x6aa: {  	s0 =	stileid.u32;
	[bflag:$0x2] =	sbarrier.arrive $0xFFFF  }
0x6ab: {  	p0 =	sne.s32 s0, $0x0;
	s0 =	rddreg [dreg:$0x1]  }
0x6ac: {  	s0 =	sadd.s32 @!p0 $0x100000, s0  }
0x6ad: {  	[sflag:s0] =	ssyncadd.tile.s32 @!p0 $0x1;
	_ =	shalt  }
.Lfunc_end2:
_tile_overlayer_lowered:
.L_overlay_start_2:
0x6ae: {  	(tag) =	ssettag $0x2  }
0x6af: {  	s0 =	rddreg [dreg:$0x0];
	s2 =	stileid.u32  }
0x6b0: {  	s1 =	rddreg [dreg:$0x1];
	p0 =	sne.s32 s2, $0x0  }
0x6b1: {  	s3 =	rddreg [dreg:$0x2];
	[bflag:$0x3] =	sbarrier.arrive $0xFFFF;
	s2 =	simm.s32 @!p0 $0x1C03  }
0x6b2: {  	[timem:s3], [sflag:s2] =	dma.local @!p0 [hbm:s0], s1  }
0x6b3: {  	s0 =	simm.s32 @!p0 $0x3  }
0x6b4: {  	_ =	swait.ge @!p0 [sflag:s0], s1  }
0x6b5: {  	s1 =	ssub.s32 @!p0 $0x0, s1;
	[sflag:s0] =	ssyncset.done @!p0 $0x0  }
0x6b6: {  	[sflag:s0] =	ssyncadd.s32 @!p0 s1  }
0x6b7: {  	[bflag:$0x3] =	sbarrier.arrive $0xFFFF  }
0x6b8: {  	_ =	shalt  }

</sc_bundles>
